<compile_context>
chip_gen: v7x
topology: tpu7x:2x2x1
jax: 0.10.2.dev20260603
libtpu: 0.0.44.dev20260713+nightly
codegen_flags: <defaults>
</compile_context>

<pallas_src>
import functools

import jax
import jax.numpy as jnp
from jax import lax
from jax.experimental import pallas as pl
from jax.experimental.pallas import tpu as pltpu
from jax.experimental.pallas import tpu_sc as plsc

N_NODES = 10000
D_FEAT = 256
N_GRAPHS = 64
NB = 1024
N_BLOCKS = (N_NODES + NB - 1) // NB
BATCH_PAD = 10240
GB = 96
KMAX = N_NODES // 2 + 1
IDX_CAP = 5168


def _tc_body(x_ref, bat_ref, w_ref, keys_ref, xs_ref, counts_ref, starts_ref):
    xb = x_ref[...]
    w2 = w_ref[...]
    inv_norm = lax.rsqrt(jnp.sum(w2 * w2))
    s = jnp.dot(xb, w2, preferred_element_type=jnp.float32) * inv_norm
    gate = jnp.tanh(s)
    xsf = xb * gate
    au = lax.bitcast_convert_type(xsf[:, :D_FEAT // 2], jnp.int32)
    bu = lax.bitcast_convert_type(xsf[:, D_FEAT // 2:], jnp.int32)
    au = au + 0x7FFF + (lax.shift_right_logical(au, 16) & 1)
    bu = bu + 0x7FFF + (lax.shift_right_logical(bu, 16) & 1)
    xs_ref[...] = (lax.shift_right_logical(au, 16)
                   | (bu & jnp.int32(-65536)))
    b = lax.bitcast_convert_type(s, jnp.int32)
    m = lax.shift_right_arithmetic(b, 31)
    keys_ref[...] = (b ^ (m | jnp.int32(-2147483648))).reshape(NB)
    @pl.when(pl.program_id(0) == 0)
    def _meta():
        bat = bat_ref[...].reshape(1, N_NODES)
        gid = lax.broadcasted_iota(jnp.int32, (N_GRAPHS, N_NODES), 0)
        oh = (bat == gid).astype(jnp.float32)
        cf = jnp.sum(oh, axis=1, keepdims=True)
        counts_ref[...] = cf.astype(jnp.int32).reshape(N_GRAPHS)
        r = lax.broadcasted_iota(jnp.int32, (N_GRAPHS, N_GRAPHS), 0)
        c = lax.broadcasted_iota(jnp.int32, (N_GRAPHS, N_GRAPHS), 1)
        tri = (r > c).astype(jnp.float32)
        starts_ref[...] = jnp.dot(
            tri, cf,
            preferred_element_type=jnp.float32).astype(jnp.int32).reshape(N_GRAPHS)


_tc_call = pl.pallas_call(
    _tc_body,
    grid=(N_BLOCKS,),
    in_specs=[
        pl.BlockSpec((NB, D_FEAT), lambda i: (i, 0)),
        pl.BlockSpec((N_NODES,), lambda i: (0,)),
        pl.BlockSpec((D_FEAT, 1), lambda i: (0, 0)),
    ],
    out_specs=[
        pl.BlockSpec((NB,), lambda i: (i,)),
        pl.BlockSpec((NB, D_FEAT // 2), lambda i: (i, 0)),
        pl.BlockSpec((N_GRAPHS,), lambda i: (0,)),
        pl.BlockSpec((N_GRAPHS,), lambda i: (0,)),
    ],
    out_shape=[
        jax.ShapeDtypeStruct((N_NODES,), jnp.int32),
        jax.ShapeDtypeStruct((N_NODES, D_FEAT // 2), jnp.int32),
        jax.ShapeDtypeStruct((N_GRAPHS,), jnp.int32),
        jax.ShapeDtypeStruct((N_GRAPHS,), jnp.int32),
    ],
)


def _iota16():
    return lax.broadcasted_iota(jnp.int32, (16,), 0)


def _sload(ref, i):
    return ref[pl.ds(i, 16)][0]


def _sc_body(keys_hbm, counts_hbm, starts_hbm, xs_hbm, out_hbm,
             keys_v, cnts_v, strt_v, idx_v, rowbuf0_v, rowbuf1_v, accbuf_v,
             sem0, sem1):
    cid = lax.axis_index("c")
    sid = lax.axis_index("s")
    wid = sid * 2 + cid
    pltpu.sync_copy(keys_hbm, keys_v.at[pl.ds(0, N_NODES)])
    pltpu.sync_copy(counts_hbm, cnts_v.at[pl.ds(0, N_GRAPHS)])
    pltpu.sync_copy(starts_hbm, strt_v.at[pl.ds(0, N_GRAPHS)])

    rowbufs = (rowbuf0_v, rowbuf1_v)
    sems = (sem0, sem1)
    ks = []
    nbs = []

    for gi in range(2):
        g = wid * 2 + gi
        n = _sload(cnts_v, g)
        st = _sload(strt_v, g)
        k = (n + 1) // 2
        nch = (n + 15) // 16
        ibase = gi * IDX_CAP

        def _count(thr, strict):
            def ch(c, acc):
                kv = plsc.bitcast(keys_v[pl.ds(st + c * 16, 16)], jnp.uint32)
                valid = _iota16() < (n - c * 16)
                if strict:
                    hit = kv > thr
                else:
                    hit = kv >= thr
                return acc + jnp.where(valid & hit, 1, 0)
            acc = lax.fori_loop(0, nch, ch, jnp.zeros((16,), jnp.int32))
            return jnp.sum(acc)

        def bb(bpos, T):
            bit = lax.shift_right_logical(jnp.uint32(0x80000000),
                                          bpos.astype(jnp.uint32))
            cand = T | bit
            cnt = _count(jnp.broadcast_to(cand, (16,)), strict=False)
            return jnp.where(cnt >= k, cand, T)

        T = lax.fori_loop(0, 32, bb, jnp.uint32(0))
        Tv = jnp.broadcast_to(T, (16,))
        G = _count(Tv, strict=True)
        R = k - G

        def sel_ch(c, carry):
            cnt_sel, ctie = carry
            off = st + c * 16
            kv = plsc.bitcast(keys_v[pl.ds(off, 16)], jnp.uint32)
            valid = _iota16() < (n - c * 16)
            gt = valid & (kv > Tv)
            tie = valid & (kv == Tv)
            tcum = plsc.cumsum(jnp.where(tie, 1, 0))
            sel = gt | (tie & ((tcum + ctie) <= R))
            vals = off + _iota16()
            plsc.store_compressed(idx_v.at[pl.ds(ibase + cnt_sel, 16)],
                                  vals, mask=sel)
            return (cnt_sel + jnp.sum(jnp.where(sel, 1, 0)),
                    ctie + jnp.sum(jnp.where(tie, 1, 0)))

        lax.fori_loop(0, nch, sel_ch, (jnp.int32(0), jnp.int32(0)))

        base = (k // 16) * 16
        for j in range(GB // 16 + 1):
            off = ibase + base + 16 * j
            pos = base + 16 * j + _iota16()
            spread = (g * 311 + pos * 7) % N_NODES
            cur = idx_v[pl.ds(off, 16)]
            idx_v[pl.ds(off, 16)] = jnp.where(pos >= k, spread, cur)

        ks.append(k)
        nbs.append((k + GB - 1) // GB)

    def _slice(gi, b):
        return xs_hbm.at[idx_v.at[pl.ds(gi * IDX_CAP + b * GB, GB)]]

    cps = [pltpu.async_copy(_slice(gi, 0), rowbufs[gi], sems[gi])
           for gi in range(2)]

    for gi in range(2):
        g = wid * 2 + gi
        k = ks[gi]
        nb = nbs[gi]
        rowbuf_v = rowbufs[gi]

        def _acc_batch(b, acc, k=k, rowbuf_v=rowbuf_v):
            rem = jnp.minimum(GB, k - b * GB)

            def rr(r, a):
                new = [None] * 16
                for t in range(8):
                    u = rowbuf_v[r, pl.ds(t * 16, 16)]
                    flo = plsc.bitcast(u << 16, jnp.float32)
                    fhi = plsc.bitcast(u & jnp.int32(-65536), jnp.float32)
                    new[t] = a[t] + flo
                    new[8 + t] = a[8 + t] + fhi
                return tuple(new)
            return lax.fori_loop(0, rem, rr, acc)

        acc = tuple(jnp.zeros((16,), jnp.float32) for _ in range(16))
        cps[gi].wait()
        acc = _acc_batch(0, acc)

        def gb_body(b, acc, gi=gi, rowbuf_v=rowbuf_v):
            pltpu.async_copy(_slice(gi, b), rowbuf_v, sems[gi]).wait()
            return _acc_batch(b, acc)

        acc = lax.fori_loop(1, nb, gb_body, acc)

        invk = 1.0 / jnp.broadcast_to(
            jnp.maximum(k, 1).astype(jnp.float32), (16,))
        for t in range(8):
            accbuf_v[pl.ds(16 * t, 16)] = acc[t] * invk
            accbuf_v[pl.ds(128 + 16 * t, 16)] = acc[8 + t] * invk
        pltpu.sync_copy(accbuf_v, out_hbm.at[g])


_sc_call = functools.partial(
    pl.kernel,
    out_type=jax.ShapeDtypeStruct((N_GRAPHS, D_FEAT), jnp.float32),
    mesh=plsc.VectorSubcoreMesh(core_axis_name="c", subcore_axis_name="s",
                                num_cores=2, num_subcores=16),
    compiler_params=pltpu.CompilerParams(needs_layout_passes=False),
    scratch_types=[
        pltpu.VMEM((N_NODES + 16,), jnp.int32),
        pltpu.VMEM((N_GRAPHS + 16,), jnp.int32),
        pltpu.VMEM((N_GRAPHS + 16,), jnp.int32),
        pltpu.VMEM((2 * IDX_CAP,), jnp.int32),
        pltpu.VMEM((GB, D_FEAT // 2), jnp.int32),
        pltpu.VMEM((GB, D_FEAT // 2), jnp.int32),
        pltpu.VMEM((D_FEAT,), jnp.float32),
        pltpu.SemaphoreType.DMA,
        pltpu.SemaphoreType.DMA,
    ],
)(_sc_body)


def kernel(x, edge_index, batch, w):
    del edge_index
    keys, xs32, counts, starts = _tc_call(x, batch, w.reshape(D_FEAT, 1))
    return _sc_call(keys, counts, starts, xs32)

# --- scband reference (transcript-rebuilt; emitter-appended) ---
"""Pipeline reference for scband-top-kpool-16372415332892 (READ-ONLY COPY).

The authoritative reference and input builder live on the scoring server;
editing this copy changes nothing except your own understanding.
"""

import jax, jax.numpy as jnp
import numpy as np

N_NODES = 10000
N_EDGES = 160000
D_FEAT = 256
N_GRAPHS = 64
RATIO = 0.5


def setup_inputs(seed: int = 0) -> dict:
    key = jax.random.key(seed)
    k1, k2, k3, k4 = jax.random.split(key, 4)
    x = jax.random.normal(k1, (N_NODES, D_FEAT), dtype=jnp.float32)
    edge_index = jax.random.randint(k2, (2, N_EDGES), 0, N_NODES, dtype=jnp.int32)
    batch = jnp.sort(jax.random.randint(k3, (N_NODES,), 0, N_GRAPHS, dtype=jnp.int32))
    # learned projection vector of TopKPooling (PyG stores weight of shape [1, in_channels])
    w = jax.random.normal(k4, (D_FEAT,), dtype=jnp.float32) / jnp.sqrt(D_FEAT)
    return {"x": x, "edge_index": edge_index, "batch": batch, "w": w}


def reference(x, edge_index, batch, w):
    # --- TopKPooling.select: score = (x @ w) / ||w||, tanh gate, per-graph top ceil(ratio*n) ---
    N = x.shape[0]
    score = (x @ w) / jnp.linalg.norm(w)
    counts = jnp.bincount(batch, length=N_GRAPHS)
    starts = jnp.concatenate([jnp.zeros((1,), counts.dtype), jnp.cumsum(counts)[:-1]])
    # sort nodes by (batch asc, score desc); rank within each graph segment
    order = jnp.lexsort((-score, batch))
    sorted_batch = batch[order]
    rank = jnp.arange(N) - starts[sorted_batch]
    k_per_graph = jnp.ceil(RATIO * counts.astype(jnp.float32)).astype(counts.dtype)
    mask_sorted = rank < k_per_graph[sorted_batch]
    mask = jnp.zeros((N,), bool).at[order].set(mask_sorted)
    # gate selected nodes: x[perm] * tanh(score[perm])
    gate = jnp.tanh(score)
    x_gated = x * gate[:, None] * mask[:, None].astype(x.dtype)
    # --- global_mean_pool over surviving nodes per graph ---
    sums = jax.ops.segment_sum(x_gated, batch, num_segments=N_GRAPHS)
    cnt = jax.ops.segment_sum(mask.astype(x.dtype), batch, num_segments=N_GRAPHS)
    out = sums / jnp.maximum(cnt, 1.0)[:, None]
    return out

if __name__ == "__main__":
    import jax
    _d = setup_inputs()
    print(jax.jit(kernel)(*tuple(_d.values())))

</pallas_src>

<mosaic_0001>
#map = affine_map<(d0, d1) -> (0)>
#map1 = affine_map<(d0, d1) -> (0, 0)>
module attributes {stable_mosaic.version = 14 : i64} {
  func.func @_sc_body(%arg0: i32, %arg1: i32, %arg2: memref<10000xi32, #tpu.memory_space<hbm>>, %arg3: memref<64xi32, #tpu.memory_space<hbm>>, %arg4: memref<64xi32, #tpu.memory_space<hbm>>, %arg5: memref<10000x128xi32, #tpu.memory_space<hbm>>, %arg6: memref<64x256xf32, #tpu.memory_space<hbm>>, %arg7: memref<10016xi32, #tpu.memory_space<vmem>>, %arg8: memref<80xi32, #tpu.memory_space<vmem>>, %arg9: memref<80xi32, #tpu.memory_space<vmem>>, %arg10: memref<10336xi32, #tpu.memory_space<vmem>>, %arg11: memref<96x128xi32, #tpu.memory_space<vmem>>, %arg12: memref<96x128xi32, #tpu.memory_space<vmem>>, %arg13: memref<256xf32, #tpu.memory_space<vmem>>, %arg14: memref<!tpu.dma_semaphore, #tpu.memory_space<semaphore_mem>>, %arg15: memref<!tpu.dma_semaphore, #tpu.memory_space<semaphore_mem>>) attributes {dimension_semantics = [#tpu.dimension_semantics<core_parallel>, #tpu.dimension_semantics<subcore_parallel>], iteration_bounds = array<i64: 2, 16>, scalar_prefetch = 0 : i64, scratch_operands = 9 : i64, tpu.core_type = #tpu.core_type<sc_vector_subcore>, window_params = [{transform_indices = #map}, {transform_indices = #map}, {transform_indices = #map}, {transform_indices = #map1}, {transform_indices = #map1}]} {
    %mul3A = arith.constant 2 : i32
    %mul3A_0 = arith.muli %arg1, %mul3A : i32
    %add3A = arith.addi %mul3A_0, %arg0 : i32
    "tpu.region"() ({
      %run_scoped3A = tpu.sem_alloc : memref<!tpu.dma_semaphore, #tpu.memory_space<semaphore_mem>>
      %dma_start3A_1174 = arith.constant 0 : i32
      %dma_start3A_1175 = tpu.memref_slice %arg7[%dma_start3A_1174] : memref<10016xi32, #tpu.memory_space<vmem>> -> memref<10000xi32, #tpu.memory_space<vmem>>
      %dma_start3A_1176 = arith.constant 0 : i32
      %dma_start3A_1177 = tpu.memref_slice %arg7[%dma_start3A_1176] : memref<10016xi32, #tpu.memory_space<vmem>> -> memref<10000xi32, #tpu.memory_space<vmem>>
      tpu.enqueue_dma source(%arg2 : memref<10000xi32, #tpu.memory_space<hbm>>) target(%dma_start3A_1177 : memref<10000xi32, #tpu.memory_space<vmem>>) target_semaphore(%run_scoped3A : memref<!tpu.dma_semaphore, #tpu.memory_space<semaphore_mem>>)
      %dma_wait3A_1178 = arith.constant 0 : i32
      %dma_wait3A_1179 = tpu.memref_slice %arg7[%dma_wait3A_1178] : memref<10016xi32, #tpu.memory_space<vmem>> -> memref<10000xi32, #tpu.memory_space<vmem>>
      %dma_wait3A_1180 = arith.constant 0 : i32
      %dma_wait3A_1181 = tpu.memref_slice %arg7[%dma_wait3A_1180] : memref<10016xi32, #tpu.memory_space<vmem>> -> memref<10000xi32, #tpu.memory_space<vmem>>
      tpu.wait_dma2 semaphore(%run_scoped3A : memref<!tpu.dma_semaphore, #tpu.memory_space<semaphore_mem>>) src(%arg2 : memref<10000xi32, #tpu.memory_space<hbm>>) dst(%dma_wait3A_1181 : memref<10000xi32, #tpu.memory_space<vmem>>)
      tpu.yield
    }) : () -> ()
    "tpu.region"() ({
      %run_scoped3A = tpu.sem_alloc : memref<!tpu.dma_semaphore, #tpu.memory_space<semaphore_mem>>
      %dma_start3A_1174 = arith.constant 0 : i32
      %dma_start3A_1175 = tpu.memref_slice %arg8[%dma_start3A_1174] : memref<80xi32, #tpu.memory_space<vmem>> -> memref<64xi32, #tpu.memory_space<vmem>>
      %dma_start3A_1176 = arith.constant 0 : i32
      %dma_start3A_1177 = tpu.memref_slice %arg8[%dma_start3A_1176] : memref<80xi32, #tpu.memory_space<vmem>> -> memref<64xi32, #tpu.memory_space<vmem>>
      tpu.enqueue_dma source(%arg3 : memref<64xi32, #tpu.memory_space<hbm>>) target(%dma_start3A_1177 : memref<64xi32, #tpu.memory_space<vmem>>) target_semaphore(%run_scoped3A : memref<!tpu.dma_semaphore, #tpu.memory_space<semaphore_mem>>)
      %dma_wait3A_1178 = arith.constant 0 : i32
      %dma_wait3A_1179 = tpu.memref_slice %arg8[%dma_wait3A_1178] : memref<80xi32, #tpu.memory_space<vmem>> -> memref<64xi32, #tpu.memory_space<vmem>>
      %dma_wait3A_1180 = arith.constant 0 : i32
      %dma_wait3A_1181 = tpu.memref_slice %arg8[%dma_wait3A_1180] : memref<80xi32, #tpu.memory_space<vmem>> -> memref<64xi32, #tpu.memory_space<vmem>>
      tpu.wait_dma2 semaphore(%run_scoped3A : memref<!tpu.dma_semaphore, #tpu.memory_space<semaphore_mem>>) src(%arg3 : memref<64xi32, #tpu.memory_space<hbm>>) dst(%dma_wait3A_1181 : memref<64xi32, #tpu.memory_space<vmem>>)
      tpu.yield
    }) : () -> ()
    "tpu.region"() ({
      %run_scoped3A = tpu.sem_alloc : memref<!tpu.dma_semaphore, #tpu.memory_space<semaphore_mem>>
      %dma_start3A_1174 = arith.constant 0 : i32
      %dma_start3A_1175 = tpu.memref_slice %arg9[%dma_start3A_1174] : memref<80xi32, #tpu.memory_space<vmem>> -> memref<64xi32, #tpu.memory_space<vmem>>
      %dma_start3A_1176 = arith.constant 0 : i32
      %dma_start3A_1177 = tpu.memref_slice %arg9[%dma_start3A_1176] : memref<80xi32, #tpu.memory_space<vmem>> -> memref<64xi32, #tpu.memory_space<vmem>>
      tpu.enqueue_dma source(%arg4 : memref<64xi32, #tpu.memory_space<hbm>>) target(%dma_start3A_1177 : memref<64xi32, #tpu.memory_space<vmem>>) target_semaphore(%run_scoped3A : memref<!tpu.dma_semaphore, #tpu.memory_space<semaphore_mem>>)
      %dma_wait3A_1178 = arith.constant 0 : i32
      %dma_wait3A_1179 = tpu.memref_slice %arg9[%dma_wait3A_1178] : memref<80xi32, #tpu.memory_space<vmem>> -> memref<64xi32, #tpu.memory_space<vmem>>
      %dma_wait3A_1180 = arith.constant 0 : i32
      %dma_wait3A_1181 = tpu.memref_slice %arg9[%dma_wait3A_1180] : memref<80xi32, #tpu.memory_space<vmem>> -> memref<64xi32, #tpu.memory_space<vmem>>
      tpu.wait_dma2 semaphore(%run_scoped3A : memref<!tpu.dma_semaphore, #tpu.memory_space<semaphore_mem>>) src(%arg4 : memref<64xi32, #tpu.memory_space<hbm>>) dst(%dma_wait3A_1181 : memref<64xi32, #tpu.memory_space<vmem>>)
      tpu.yield
    }) : () -> ()
    %mul3A_1 = arith.constant 2 : i32
    %mul3A_2 = arith.muli %add3A, %mul3A_1 : i32
    %add3A_3 = arith.constant 0 : i32
    %add3A_4 = arith.addi %mul3A_2, %add3A_3 : i32
    %get3A = arith.index_cast %add3A_4 : i32 to index
    %get3A_5 = tpu.vector_load %arg8[%get3A] {strides = array<i32>} : memref<80xi32, #tpu.memory_space<vmem>>, vector<16xi32>,
    %slice3A = vector.extract_strided_slice %get3A_5 {offsets = [0], sizes = [1], strides = [1]} : vector<16xi32> to vector<1xi32>
    %squeeze3A = vector.extract %slice3A[0] : i32 from vector<1xi32>
    %get3A_6 = arith.index_cast %add3A_4 : i32 to index
    %get3A_7 = tpu.vector_load %arg9[%get3A_6] {strides = array<i32>} : memref<80xi32, #tpu.memory_space<vmem>>, vector<16xi32>,
    %slice3A_8 = vector.extract_strided_slice %get3A_7 {offsets = [0], sizes = [1], strides = [1]} : vector<16xi32> to vector<1xi32>
    %squeeze3A_9 = vector.extract %slice3A_8[0] : i32 from vector<1xi32>
    %add3A_10 = arith.constant 1 : i32
    %add3A_11 = arith.addi %squeeze3A, %add3A_10 : i32
    %jit3A = arith.constant 2 : i32
    %div3A = arith.divsi %add3A_11, %jit3A : i32
    %sign3A = arith.constant 0 : i32
    %sign3A_12 = arith.cmpi sgt, %add3A_11, %sign3A : i32
    %sign3A_13 = arith.extui %sign3A_12 : i1 to i32
    %sign3A_14 = arith.constant 0 : i32
    %sign3A_15 = arith.cmpi slt, %add3A_11, %sign3A_14 : i32
    %sign3A_16 = arith.extui %sign3A_15 : i1 to i32
    %sign3A_17 = arith.subi %sign3A_13, %sign3A_16 : i32
    %sign3A_18 = arith.constant 0 : i32
    %sign3A_19 = arith.cmpi sgt, %jit3A, %sign3A_18 : i32
    %sign3A_20 = arith.extui %sign3A_19 : i1 to i32
    %sign3A_21 = arith.constant 0 : i32
    %sign3A_22 = arith.cmpi slt, %jit3A, %sign3A_21 : i32
    %sign3A_23 = arith.extui %sign3A_22 : i1 to i32
    %sign3A_24 = arith.subi %sign3A_20, %sign3A_23 : i32
    %ne3A = arith.cmpi ne, %sign3A_17, %sign3A_24 : i32
    %rem3A = arith.remsi %add3A_11, %jit3A : i32
    %ne3A_25 = arith.constant 0 : i32
    %ne3A_26 = arith.cmpi ne, %rem3A, %ne3A_25 : i32
    %and3A = arith.andi %ne3A, %ne3A_26 : i1
    %sub3A = arith.constant 1 : i32
    %sub3A_27 = arith.subi %div3A, %sub3A : i32
    %select_n3A = arith.select %and3A, %sub3A_27, %div3A : i32
    %add3A_28 = arith.constant 15 : i32
    %add3A_29 = arith.addi %squeeze3A, %add3A_28 : i32
    %jit3A_30 = arith.constant 16 : i32
    %div3A_31 = arith.divsi %add3A_29, %jit3A_30 : i32
    %sign3A_32 = arith.constant 0 : i32
    %sign3A_33 = arith.cmpi sgt, %add3A_29, %sign3A_32 : i32
    %sign3A_34 = arith.extui %sign3A_33 : i1 to i32
    %sign3A_35 = arith.constant 0 : i32
    %sign3A_36 = arith.cmpi slt, %add3A_29, %sign3A_35 : i32
    %sign3A_37 = arith.extui %sign3A_36 : i1 to i32
    %sign3A_38 = arith.subi %sign3A_34, %sign3A_37 : i32
    %sign3A_39 = arith.constant 0 : i32
    %sign3A_40 = arith.cmpi sgt, %jit3A_30, %sign3A_39 : i32
    %sign3A_41 = arith.extui %sign3A_40 : i1 to i32
    %sign3A_42 = arith.constant 0 : i32
    %sign3A_43 = arith.cmpi slt, %jit3A_30, %sign3A_42 : i32
    %sign3A_44 = arith.extui %sign3A_43 : i1 to i32
    %sign3A_45 = arith.subi %sign3A_41, %sign3A_44 : i32
    %ne3A_46 = arith.cmpi ne, %sign3A_38, %sign3A_45 : i32
    %rem3A_47 = arith.remsi %add3A_29, %jit3A_30 : i32
    %ne3A_48 = arith.constant 0 : i32
    %ne3A_49 = arith.cmpi ne, %rem3A_47, %ne3A_48 : i32
    %and3A_50 = arith.andi %ne3A_46, %ne3A_49 : i1
    %sub3A_51 = arith.constant 1 : i32
    %sub3A_52 = arith.subi %div3A_31, %sub3A_51 : i32
    %select_n3A_53 = arith.select %and3A_50, %sub3A_52, %div3A_31 : i32
    %scan3A = arith.constant 0 : i32
    %scan3A_54 = arith.constant 0 : i32
    %scan3A_55 = arith.constant 32 : i32
    %scan3A_56 = arith.addi %scan3A_54, %scan3A_55 : i32
    %scan3A_57 = arith.constant 1 : i32
    %scan3A_58 = scf.for %scan3A_1174 = %scan3A_54 to %scan3A_56 step %scan3A_57 iter_args(%scan3A_1175 = %scan3A) -> (i32)  : i32 {
      %shift_right_logical3A = arith.constant -2147483648 : i32
      %shift_right_logical3A_1176 = arith.shrui %shift_right_logical3A, %scan3A_1174 : i32
      %or3A = arith.ori %scan3A_1175, %shift_right_logical3A_1176 : i32
      %broadcast_in_dim3A_1177 = vector.broadcast %or3A : i32 to vector<16xi32>
      %broadcast_in_dim3A_1178 = arith.constant 0 : i32
      %broadcast_in_dim3A_1179 = vector.broadcast %broadcast_in_dim3A_1178 : i32 to vector<16xi32>
      %while3A_1180 = arith.constant 0 : i32
      %while3A_1181 = arith.subi %select_n3A_53, %while3A_1180 : i32
      %while3A_1182 = arith.addi %while3A_1180, %while3A_1181 : i32
      %while3A_1183 = arith.constant 1 : i32
      %while3A_1184 = arith.divsi %while3A_1181, %while3A_1183 : i32
      %while3A_1185 = arith.muli %while3A_1184, %while3A_1183 : i32
      %while3A_1186 = arith.addi %while3A_1180, %while3A_1185 : i32
      %while3A_1187 = arith.constant 1 : i32
      %while3A_1188 = scf.for %while3A_1197 = %while3A_1180 to %while3A_1186 step %while3A_1187 iter_args(%while3A_1198 = %broadcast_in_dim3A_1179) -> (vector<16xi32>)  : i32 {
        %mul3A_1199 = arith.constant 16 : i32
        %mul3A_1200 = arith.muli %while3A_1197, %mul3A_1199 : i32
        %add3A_1201 = arith.addi %squeeze3A_9, %mul3A_1200 : i32
        %get3A_1202 = arith.index_cast %add3A_1201 : i32 to index
        %get3A_1203 = tpu.vector_load %arg7[%get3A_1202] {strides = array<i32>} : memref<10016xi32, #tpu.memory_space<vmem>>, vector<16xi32>,
        %bitcast3A = vector.bitcast %get3A_1203 : vector<16xi32> to vector<16xi32>
        %iota3A_1204 = tpu.iota {dimensions = array<i32: 0>} : vector<16xi32>
        %mul3A_1205 = arith.constant 16 : i32
        %mul3A_1206 = arith.muli %while3A_1197, %mul3A_1205 : i32
        %sub3A_1207 = arith.subi %squeeze3A, %mul3A_1206 : i32
        %lt3A_1208 = vector.broadcast %sub3A_1207 : i32 to vector<16xi32>
        %lt3A_1209 = arith.cmpi slt, %iota3A_1204, %lt3A_1208 : vector<16xi32>
        %ge3A_1210 = arith.cmpi uge, %bitcast3A, %broadcast_in_dim3A_1177 : vector<16xi32>
        %and3A_1211 = arith.andi %lt3A_1209, %ge3A_1210 : vector<16xi1>
        %jit3A_1212 = arith.constant 1 : i32
        %jit3A_1213 = arith.constant 0 : i32
        %broadcast_in_dim3A_1214 = vector.broadcast %jit3A_1212 : i32 to vector<16xi32>
        %broadcast_in_dim3A_1215 = vector.broadcast %jit3A_1213 : i32 to vector<16xi32>
        %select_n3A_1216 = arith.select %and3A_1211, %broadcast_in_dim3A_1214, %broadcast_in_dim3A_1215 : vector<16xi1>, vector<16xi32>
        %add3A_1217 = arith.addi %while3A_1198, %select_n3A_1216 : vector<16xi32>
        scf.yield %add3A_1217 : vector<16xi32>
      }
      %while3A_1189 = arith.constant 1 : i32
      %while3A_1190 = scf.for %while3A_1197 = %while3A_1186 to %while3A_1182 step %while3A_1189 iter_args(%while3A_1198 = %while3A_1188) -> (vector<16xi32>)  : i32 {
        %mul3A_1199 = arith.constant 16 : i32
        %mul3A_1200 = arith.muli %while3A_1197, %mul3A_1199 : i32
        %add3A_1201 = arith.addi %squeeze3A_9, %mul3A_1200 : i32
        %get3A_1202 = arith.index_cast %add3A_1201 : i32 to index
        %get3A_1203 = tpu.vector_load %arg7[%get3A_1202] {strides = array<i32>} : memref<10016xi32, #tpu.memory_space<vmem>>, vector<16xi32>,
        %bitcast3A = vector.bitcast %get3A_1203 : vector<16xi32> to vector<16xi32>
        %iota3A_1204 = tpu.iota {dimensions = array<i32: 0>} : vector<16xi32>
        %mul3A_1205 = arith.constant 16 : i32
        %mul3A_1206 = arith.muli %while3A_1197, %mul3A_1205 : i32
        %sub3A_1207 = arith.subi %squeeze3A, %mul3A_1206 : i32
        %lt3A_1208 = vector.broadcast %sub3A_1207 : i32 to vector<16xi32>
        %lt3A_1209 = arith.cmpi slt, %iota3A_1204, %lt3A_1208 : vector<16xi32>
        %ge3A_1210 = arith.cmpi uge, %bitcast3A, %broadcast_in_dim3A_1177 : vector<16xi32>
        %and3A_1211 = arith.andi %lt3A_1209, %ge3A_1210 : vector<16xi1>
        %jit3A_1212 = arith.constant 1 : i32
        %jit3A_1213 = arith.constant 0 : i32
        %broadcast_in_dim3A_1214 = vector.broadcast %jit3A_1212 : i32 to vector<16xi32>
        %broadcast_in_dim3A_1215 = vector.broadcast %jit3A_1213 : i32 to vector<16xi32>
        %select_n3A_1216 = arith.select %and3A_1211, %broadcast_in_dim3A_1214, %broadcast_in_dim3A_1215 : vector<16xi1>, vector<16xi32>
        %add3A_1217 = arith.addi %while3A_1198, %select_n3A_1216 : vector<16xi32>
        scf.yield %add3A_1217 : vector<16xi32>
      }
      %reduce_sum3A_1191 = arith.constant true
      %reduce_sum3A_1192 = vector.broadcast %reduce_sum3A_1191 : i1 to vector<16xi1>
      %reduce_sum3A_1193 = tpu.scan <sum>, %while3A_1190 masked %reduce_sum3A_1192 : vector<16xi32>, vector<16xi1> -> vector<16xi32>
      %reduce_sum3A_1194 = vector.extract %reduce_sum3A_1193[15] : i32 from vector<16xi32>
      %ge3A_1195 = arith.cmpi sge, %reduce_sum3A_1194, %select_n3A : i32
      %select_n3A_1196 = arith.select %ge3A_1195, %or3A, %scan3A_1175 : i32
      scf.yield %select_n3A_1196 : i32
    }
    %scan3A_59 = arith.constant 32 : i32
    %broadcast_in_dim3A = vector.broadcast %scan3A_58 : i32 to vector<16xi32>
    %broadcast_in_dim3A_60 = arith.constant 0 : i32
    %broadcast_in_dim3A_61 = vector.broadcast %broadcast_in_dim3A_60 : i32 to vector<16xi32>
    %while3A = arith.constant 0 : i32
    %while3A_62 = arith.subi %select_n3A_53, %while3A : i32
    %while3A_63 = arith.addi %while3A, %while3A_62 : i32
    %while3A_64 = arith.constant 1 : i32
    %while3A_65 = arith.divsi %while3A_62, %while3A_64 : i32
    %while3A_66 = arith.muli %while3A_65, %while3A_64 : i32
    %while3A_67 = arith.addi %while3A, %while3A_66 : i32
    %while3A_68 = arith.constant 1 : i32
    %while3A_69 = scf.for %while3A_1174 = %while3A to %while3A_67 step %while3A_68 iter_args(%while3A_1175 = %broadcast_in_dim3A_61) -> (vector<16xi32>)  : i32 {
      %mul3A_1176 = arith.constant 16 : i32
      %mul3A_1177 = arith.muli %while3A_1174, %mul3A_1176 : i32
      %add3A_1178 = arith.addi %squeeze3A_9, %mul3A_1177 : i32
      %get3A_1179 = arith.index_cast %add3A_1178 : i32 to index
      %get3A_1180 = tpu.vector_load %arg7[%get3A_1179] {strides = array<i32>} : memref<10016xi32, #tpu.memory_space<vmem>>, vector<16xi32>,
      %bitcast3A = vector.bitcast %get3A_1180 : vector<16xi32> to vector<16xi32>
      %iota3A_1181 = tpu.iota {dimensions = array<i32: 0>} : vector<16xi32>
      %mul3A_1182 = arith.constant 16 : i32
      %mul3A_1183 = arith.muli %while3A_1174, %mul3A_1182 : i32
      %sub3A_1184 = arith.subi %squeeze3A, %mul3A_1183 : i32
      %lt3A_1185 = vector.broadcast %sub3A_1184 : i32 to vector<16xi32>
      %lt3A_1186 = arith.cmpi slt, %iota3A_1181, %lt3A_1185 : vector<16xi32>
      %gt3A = arith.cmpi ugt, %bitcast3A, %broadcast_in_dim3A : vector<16xi32>
      %and3A_1187 = arith.andi %lt3A_1186, %gt3A : vector<16xi1>
      %jit3A_1188 = arith.constant 1 : i32
      %jit3A_1189 = arith.constant 0 : i32
      %broadcast_in_dim3A_1190 = vector.broadcast %jit3A_1188 : i32 to vector<16xi32>
      %broadcast_in_dim3A_1191 = vector.broadcast %jit3A_1189 : i32 to vector<16xi32>
      %select_n3A_1192 = arith.select %and3A_1187, %broadcast_in_dim3A_1190, %broadcast_in_dim3A_1191 : vector<16xi1>, vector<16xi32>
      %add3A_1193 = arith.addi %while3A_1175, %select_n3A_1192 : vector<16xi32>
      scf.yield %add3A_1193 : vector<16xi32>
    }
    %while3A_70 = arith.constant 1 : i32
    %while3A_71 = scf.for %while3A_1174 = %while3A_67 to %while3A_63 step %while3A_70 iter_args(%while3A_1175 = %while3A_69) -> (vector<16xi32>)  : i32 {
      %mul3A_1176 = arith.constant 16 : i32
      %mul3A_1177 = arith.muli %while3A_1174, %mul3A_1176 : i32
      %add3A_1178 = arith.addi %squeeze3A_9, %mul3A_1177 : i32
      %get3A_1179 = arith.index_cast %add3A_1178 : i32 to index
      %get3A_1180 = tpu.vector_load %arg7[%get3A_1179] {strides = array<i32>} : memref<10016xi32, #tpu.memory_space<vmem>>, vector<16xi32>,
      %bitcast3A = vector.bitcast %get3A_1180 : vector<16xi32> to vector<16xi32>
      %iota3A_1181 = tpu.iota {dimensions = array<i32: 0>} : vector<16xi32>
      %mul3A_1182 = arith.constant 16 : i32
      %mul3A_1183 = arith.muli %while3A_1174, %mul3A_1182 : i32
      %sub3A_1184 = arith.subi %squeeze3A, %mul3A_1183 : i32
      %lt3A_1185 = vector.broadcast %sub3A_1184 : i32 to vector<16xi32>
      %lt3A_1186 = arith.cmpi slt, %iota3A_1181, %lt3A_1185 : vector<16xi32>
      %gt3A = arith.cmpi ugt, %bitcast3A, %broadcast_in_dim3A : vector<16xi32>
      %and3A_1187 = arith.andi %lt3A_1186, %gt3A : vector<16xi1>
      %jit3A_1188 = arith.constant 1 : i32
      %jit3A_1189 = arith.constant 0 : i32
      %broadcast_in_dim3A_1190 = vector.broadcast %jit3A_1188 : i32 to vector<16xi32>
      %broadcast_in_dim3A_1191 = vector.broadcast %jit3A_1189 : i32 to vector<16xi32>
      %select_n3A_1192 = arith.select %and3A_1187, %broadcast_in_dim3A_1190, %broadcast_in_dim3A_1191 : vector<16xi1>, vector<16xi32>
      %add3A_1193 = arith.addi %while3A_1175, %select_n3A_1192 : vector<16xi32>
      scf.yield %add3A_1193 : vector<16xi32>
    }
    %reduce_sum3A = arith.constant true
    %reduce_sum3A_72 = vector.broadcast %reduce_sum3A : i1 to vector<16xi1>
    %reduce_sum3A_73 = tpu.scan <sum>, %while3A_71 masked %reduce_sum3A_72 : vector<16xi32>, vector<16xi1> -> vector<16xi32>
    %reduce_sum3A_74 = vector.extract %reduce_sum3A_73[15] : i32 from vector<16xi32>
    %sub3A_75 = arith.subi %select_n3A, %reduce_sum3A_74 : i32
    %while3A_76 = arith.constant 0 : i32
    %while3A_77 = arith.constant 0 : i32
    %while3A_78 = arith.constant 0 : i32
    %while3A_79 = arith.subi %select_n3A_53, %while3A_76 : i32
    %while3A_80 = arith.addi %while3A_76, %while3A_79 : i32
    %while3A_81 = arith.constant 1 : i32
    %while3A_82 = arith.divsi %while3A_79, %while3A_81 : i32
    %while3A_83 = arith.muli %while3A_82, %while3A_81 : i32
    %while3A_84 = arith.addi %while3A_76, %while3A_83 : i32
    %while3A_85 = arith.constant 1 : i32
    %while3A_86:2 = scf.for %while3A_1174 = %while3A_76 to %while3A_84 step %while3A_85 iter_args(%while3A_1175 = %while3A_77, %while3A_1176 = %while3A_78) -> (i32, i32)  : i32 {
      %mul3A_1177 = arith.constant 16 : i32
      %mul3A_1178 = arith.muli %while3A_1174, %mul3A_1177 : i32
      %add3A_1179 = arith.addi %squeeze3A_9, %mul3A_1178 : i32
      %get3A_1180 = arith.index_cast %add3A_1179 : i32 to index
      %get3A_1181 = tpu.vector_load %arg7[%get3A_1180] {strides = array<i32>} : memref<10016xi32, #tpu.memory_space<vmem>>, vector<16xi32>,
      %bitcast3A = vector.bitcast %get3A_1181 : vector<16xi32> to vector<16xi32>
      %iota3A_1182 = tpu.iota {dimensions = array<i32: 0>} : vector<16xi32>
      %mul3A_1183 = arith.constant 16 : i32
      %mul3A_1184 = arith.muli %while3A_1174, %mul3A_1183 : i32
      %sub3A_1185 = arith.subi %squeeze3A, %mul3A_1184 : i32
      %lt3A_1186 = vector.broadcast %sub3A_1185 : i32 to vector<16xi32>
      %lt3A_1187 = arith.cmpi slt, %iota3A_1182, %lt3A_1186 : vector<16xi32>
      %gt3A = arith.cmpi ugt, %bitcast3A, %broadcast_in_dim3A : vector<16xi32>
      %and3A_1188 = arith.andi %lt3A_1187, %gt3A : vector<16xi1>
      %eq3A_1189 = arith.cmpi eq, %bitcast3A, %broadcast_in_dim3A : vector<16xi32>
      %and3A_1190 = arith.andi %lt3A_1187, %eq3A_1189 : vector<16xi1>
      %jit3A_1191 = arith.constant 1 : i32
      %jit3A_1192 = arith.constant 0 : i32
      %broadcast_in_dim3A_1193 = vector.broadcast %jit3A_1191 : i32 to vector<16xi32>
      %broadcast_in_dim3A_1194 = vector.broadcast %jit3A_1192 : i32 to vector<16xi32>
      %select_n3A_1195 = arith.select %and3A_1190, %broadcast_in_dim3A_1193, %broadcast_in_dim3A_1194 : vector<16xi1>, vector<16xi32>
      %broadcast_in_dim3A_1196 = arith.constant true
      %broadcast_in_dim3A_1197 = vector.broadcast %broadcast_in_dim3A_1196 : i1 to vector<16xi1>
      %masked_cumsum3A = tpu.scan <sum>, %select_n3A_1195 masked %broadcast_in_dim3A_1197 : vector<16xi32>, vector<16xi1> -> vector<16xi32>
      %add3A_1198 = vector.broadcast %while3A_1176 : i32 to vector<16xi32>
      %add3A_1199 = arith.addi %masked_cumsum3A, %add3A_1198 : vector<16xi32>
      %le3A = vector.broadcast %sub3A_75 : i32 to vector<16xi32>
      %le3A_1200 = arith.cmpi sle, %add3A_1199, %le3A : vector<16xi32>
      %and3A_1201 = arith.andi %and3A_1190, %le3A_1200 : vector<16xi1>
      %or3A = arith.ori %and3A_1188, %and3A_1201 : vector<16xi1>
      %iota3A_1202 = tpu.iota {dimensions = array<i32: 0>} : vector<16xi32>
      %add3A_1203 = vector.broadcast %add3A_1179 : i32 to vector<16xi32>
      %add3A_1204 = arith.addi %add3A_1203, %iota3A_1202 : vector<16xi32>
      %add3A_1205 = arith.constant 0 : i32
      %add3A_1206 = arith.addi %add3A_1205, %while3A_1175 : i32
      %swap3A_1207 = arith.index_cast %add3A_1206 : i32 to index
      %swap3A_1208 = tpu.vector_load %arg10[%swap3A_1207] masked %or3A {strides = array<i32>} : memref<10336xi32, #tpu.memory_space<vmem>>, vector<16xi32>, vector<16xi1>
      tpu.vector_store %arg10[%swap3A_1207], %add3A_1204 masked %or3A {strides = array<i32>} : memref<10336xi32, #tpu.memory_space<vmem>>, vector<16xi32>, vector<16xi1>
      %jit3A_1209 = arith.constant 1 : i32
      %jit3A_1210 = arith.constant 0 : i32
      %broadcast_in_dim3A_1211 = vector.broadcast %jit3A_1209 : i32 to vector<16xi32>
      %broadcast_in_dim3A_1212 = vector.broadcast %jit3A_1210 : i32 to vector<16xi32>
      %select_n3A_1213 = arith.select %or3A, %broadcast_in_dim3A_1211, %broadcast_in_dim3A_1212 : vector<16xi1>, vector<16xi32>
      %reduce_sum3A_1214 = arith.constant true
      %reduce_sum3A_1215 = vector.broadcast %reduce_sum3A_1214 : i1 to vector<16xi1>
      %reduce_sum3A_1216 = tpu.scan <sum>, %select_n3A_1213 masked %reduce_sum3A_1215 : vector<16xi32>, vector<16xi1> -> vector<16xi32>
      %reduce_sum3A_1217 = vector.extract %reduce_sum3A_1216[15] : i32 from vector<16xi32>
      %add3A_1218 = arith.addi %while3A_1175, %reduce_sum3A_1217 : i32
      %jit3A_1219 = arith.constant 1 : i32
      %jit3A_1220 = arith.constant 0 : i32
      %broadcast_in_dim3A_1221 = vector.broadcast %jit3A_1219 : i32 to vector<16xi32>
      %broadcast_in_dim3A_1222 = vector.broadcast %jit3A_1220 : i32 to vector<16xi32>
      %select_n3A_1223 = arith.select %and3A_1190, %broadcast_in_dim3A_1221, %broadcast_in_dim3A_1222 : vector<16xi1>, vector<16xi32>
      %reduce_sum3A_1224 = arith.constant true
      %reduce_sum3A_1225 = vector.broadcast %reduce_sum3A_1224 : i1 to vector<16xi1>
      %reduce_sum3A_1226 = tpu.scan <sum>, %select_n3A_1223 masked %reduce_sum3A_1225 : vector<16xi32>, vector<16xi1> -> vector<16xi32>
      %reduce_sum3A_1227 = vector.extract %reduce_sum3A_1226[15] : i32 from vector<16xi32>
      %add3A_1228 = arith.addi %while3A_1176, %reduce_sum3A_1227 : i32
      scf.yield %add3A_1218, %add3A_1228 : i32, i32
    }
    %while3A_87 = arith.constant 1 : i32
    %while3A_88:2 = scf.for %while3A_1174 = %while3A_84 to %while3A_80 step %while3A_87 iter_args(%while3A_1175 = %while3A_86#0, %while3A_1176 = %while3A_86#1) -> (i32, i32)  : i32 {
      %mul3A_1177 = arith.constant 16 : i32
      %mul3A_1178 = arith.muli %while3A_1174, %mul3A_1177 : i32
      %add3A_1179 = arith.addi %squeeze3A_9, %mul3A_1178 : i32
      %get3A_1180 = arith.index_cast %add3A_1179 : i32 to index
      %get3A_1181 = tpu.vector_load %arg7[%get3A_1180] {strides = array<i32>} : memref<10016xi32, #tpu.memory_space<vmem>>, vector<16xi32>,
      %bitcast3A = vector.bitcast %get3A_1181 : vector<16xi32> to vector<16xi32>
      %iota3A_1182 = tpu.iota {dimensions = array<i32: 0>} : vector<16xi32>
      %mul3A_1183 = arith.constant 16 : i32
      %mul3A_1184 = arith.muli %while3A_1174, %mul3A_1183 : i32
      %sub3A_1185 = arith.subi %squeeze3A, %mul3A_1184 : i32
      %lt3A_1186 = vector.broadcast %sub3A_1185 : i32 to vector<16xi32>
      %lt3A_1187 = arith.cmpi slt, %iota3A_1182, %lt3A_1186 : vector<16xi32>
      %gt3A = arith.cmpi ugt, %bitcast3A, %broadcast_in_dim3A : vector<16xi32>
      %and3A_1188 = arith.andi %lt3A_1187, %gt3A : vector<16xi1>
      %eq3A_1189 = arith.cmpi eq, %bitcast3A, %broadcast_in_dim3A : vector<16xi32>
      %and3A_1190 = arith.andi %lt3A_1187, %eq3A_1189 : vector<16xi1>
      %jit3A_1191 = arith.constant 1 : i32
      %jit3A_1192 = arith.constant 0 : i32
      %broadcast_in_dim3A_1193 = vector.broadcast %jit3A_1191 : i32 to vector<16xi32>
      %broadcast_in_dim3A_1194 = vector.broadcast %jit3A_1192 : i32 to vector<16xi32>
      %select_n3A_1195 = arith.select %and3A_1190, %broadcast_in_dim3A_1193, %broadcast_in_dim3A_1194 : vector<16xi1>, vector<16xi32>
      %broadcast_in_dim3A_1196 = arith.constant true
      %broadcast_in_dim3A_1197 = vector.broadcast %broadcast_in_dim3A_1196 : i1 to vector<16xi1>
      %masked_cumsum3A = tpu.scan <sum>, %select_n3A_1195 masked %broadcast_in_dim3A_1197 : vector<16xi32>, vector<16xi1> -> vector<16xi32>
      %add3A_1198 = vector.broadcast %while3A_1176 : i32 to vector<16xi32>
      %add3A_1199 = arith.addi %masked_cumsum3A, %add3A_1198 : vector<16xi32>
      %le3A = vector.broadcast %sub3A_75 : i32 to vector<16xi32>
      %le3A_1200 = arith.cmpi sle, %add3A_1199, %le3A : vector<16xi32>
      %and3A_1201 = arith.andi %and3A_1190, %le3A_1200 : vector<16xi1>
      %or3A = arith.ori %and3A_1188, %and3A_1201 : vector<16xi1>
      %iota3A_1202 = tpu.iota {dimensions = array<i32: 0>} : vector<16xi32>
      %add3A_1203 = vector.broadcast %add3A_1179 : i32 to vector<16xi32>
      %add3A_1204 = arith.addi %add3A_1203, %iota3A_1202 : vector<16xi32>
      %add3A_1205 = arith.constant 0 : i32
      %add3A_1206 = arith.addi %add3A_1205, %while3A_1175 : i32
      %swap3A_1207 = arith.index_cast %add3A_1206 : i32 to index
      %swap3A_1208 = tpu.vector_load %arg10[%swap3A_1207] masked %or3A {strides = array<i32>} : memref<10336xi32, #tpu.memory_space<vmem>>, vector<16xi32>, vector<16xi1>
      tpu.vector_store %arg10[%swap3A_1207], %add3A_1204 masked %or3A {strides = array<i32>} : memref<10336xi32, #tpu.memory_space<vmem>>, vector<16xi32>, vector<16xi1>
      %jit3A_1209 = arith.constant 1 : i32
      %jit3A_1210 = arith.constant 0 : i32
      %broadcast_in_dim3A_1211 = vector.broadcast %jit3A_1209 : i32 to vector<16xi32>
      %broadcast_in_dim3A_1212 = vector.broadcast %jit3A_1210 : i32 to vector<16xi32>
      %select_n3A_1213 = arith.select %or3A, %broadcast_in_dim3A_1211, %broadcast_in_dim3A_1212 : vector<16xi1>, vector<16xi32>
      %reduce_sum3A_1214 = arith.constant true
      %reduce_sum3A_1215 = vector.broadcast %reduce_sum3A_1214 : i1 to vector<16xi1>
      %reduce_sum3A_1216 = tpu.scan <sum>, %select_n3A_1213 masked %reduce_sum3A_1215 : vector<16xi32>, vector<16xi1> -> vector<16xi32>
      %reduce_sum3A_1217 = vector.extract %reduce_sum3A_1216[15] : i32 from vector<16xi32>
      %add3A_1218 = arith.addi %while3A_1175, %reduce_sum3A_1217 : i32
      %jit3A_1219 = arith.constant 1 : i32
      %jit3A_1220 = arith.constant 0 : i32
      %broadcast_in_dim3A_1221 = vector.broadcast %jit3A_1219 : i32 to vector<16xi32>
      %broadcast_in_dim3A_1222 = vector.broadcast %jit3A_1220 : i32 to vector<16xi32>
      %select_n3A_1223 = arith.select %and3A_1190, %broadcast_in_dim3A_1221, %broadcast_in_dim3A_1222 : vector<16xi1>, vector<16xi32>
      %reduce_sum3A_1224 = arith.constant true
      %reduce_sum3A_1225 = vector.broadcast %reduce_sum3A_1224 : i1 to vector<16xi1>
      %reduce_sum3A_1226 = tpu.scan <sum>, %select_n3A_1223 masked %reduce_sum3A_1225 : vector<16xi32>, vector<16xi1> -> vector<16xi32>
      %reduce_sum3A_1227 = vector.extract %reduce_sum3A_1226[15] : i32 from vector<16xi32>
      %add3A_1228 = arith.addi %while3A_1176, %reduce_sum3A_1227 : i32
      scf.yield %add3A_1218, %add3A_1228 : i32, i32
    }
    %jit3A_89 = arith.constant 16 : i32
    %div3A_90 = arith.divsi %select_n3A, %jit3A_89 : i32
    %sign3A_91 = arith.constant 0 : i32
    %sign3A_92 = arith.cmpi sgt, %select_n3A, %sign3A_91 : i32
    %sign3A_93 = arith.extui %sign3A_92 : i1 to i32
    %sign3A_94 = arith.constant 0 : i32
    %sign3A_95 = arith.cmpi slt, %select_n3A, %sign3A_94 : i32
    %sign3A_96 = arith.extui %sign3A_95 : i1 to i32
    %sign3A_97 = arith.subi %sign3A_93, %sign3A_96 : i32
    %sign3A_98 = arith.constant 0 : i32
    %sign3A_99 = arith.cmpi sgt, %jit3A_89, %sign3A_98 : i32
    %sign3A_100 = arith.extui %sign3A_99 : i1 to i32
    %sign3A_101 = arith.constant 0 : i32
    %sign3A_102 = arith.cmpi slt, %jit3A_89, %sign3A_101 : i32
    %sign3A_103 = arith.extui %sign3A_102 : i1 to i32
    %sign3A_104 = arith.subi %sign3A_100, %sign3A_103 : i32
    %ne3A_105 = arith.cmpi ne, %sign3A_97, %sign3A_104 : i32
    %rem3A_106 = arith.remsi %select_n3A, %jit3A_89 : i32
    %ne3A_107 = arith.constant 0 : i32
    %ne3A_108 = arith.cmpi ne, %rem3A_106, %ne3A_107 : i32
    %and3A_109 = arith.andi %ne3A_105, %ne3A_108 : i1
    %sub3A_110 = arith.constant 1 : i32
    %sub3A_111 = arith.subi %div3A_90, %sub3A_110 : i32
    %select_n3A_112 = arith.select %and3A_109, %sub3A_111, %div3A_90 : i32
    %mul3A_113 = arith.constant 16 : i32
    %mul3A_114 = arith.muli %select_n3A_112, %mul3A_113 : i32
    %add3A_115 = arith.constant 0 : i32
    %add3A_116 = arith.addi %add3A_115, %mul3A_114 : i32
    %add3A_117 = arith.constant 0 : i32
    %add3A_118 = arith.addi %add3A_116, %add3A_117 : i32
    %add3A_119 = arith.constant 0 : i32
    %add3A_120 = arith.addi %mul3A_114, %add3A_119 : i32
    %iota3A = tpu.iota {dimensions = array<i32: 0>} : vector<16xi32>
    %add3A_121 = vector.broadcast %add3A_120 : i32 to vector<16xi32>
    %add3A_122 = arith.addi %add3A_121, %iota3A : vector<16xi32>
    %mul3A_123 = arith.constant 311 : i32
    %mul3A_124 = arith.muli %add3A_4, %mul3A_123 : i32
    %mul3A_125 = arith.constant 7 : i32
    %mul3A_126 = vector.broadcast %mul3A_125 : i32 to vector<16xi32>
    %mul3A_127 = arith.muli %add3A_122, %mul3A_126 : vector<16xi32>
    %add3A_128 = vector.broadcast %mul3A_124 : i32 to vector<16xi32>
    %add3A_129 = arith.addi %add3A_128, %mul3A_127 : vector<16xi32>
    %jit3A_130 = arith.constant 10000 : i32
    %eq3A = arith.constant 0 : i32
    %eq3A_131 = arith.cmpi eq, %jit3A_130, %eq3A : i32
    %jit3A_132 = arith.constant 1 : i32
    %select_n3A_133 = arith.select %eq3A_131, %jit3A_132, %jit3A_130 : i32
    %rem3A_134 = vector.broadcast %select_n3A_133 : i32 to vector<16xi32>
    %rem3A_135 = arith.remsi %add3A_129, %rem3A_134 : vector<16xi32>
    %ne3A_136 = arith.constant 0 : i32
    %ne3A_137 = vector.broadcast %ne3A_136 : i32 to vector<16xi32>
    %ne3A_138 = arith.cmpi ne, %rem3A_135, %ne3A_137 : vector<16xi32>
    %lt3A = arith.constant 0 : i32
    %lt3A_139 = vector.broadcast %lt3A : i32 to vector<16xi32>
    %lt3A_140 = arith.cmpi slt, %rem3A_135, %lt3A_139 : vector<16xi32>
    %lt3A_141 = arith.constant 0 : i32
    %lt3A_142 = arith.cmpi slt, %select_n3A_133, %lt3A_141 : i32
    %ne3A_143 = vector.broadcast %lt3A_142 : i1 to vector<16xi1>
    %ne3A_144 = vector.broadcast %ne3A_143 : vector<16xi1> to vector<16xi1>
    %ne3A_145 = arith.xori %lt3A_140, %ne3A_144 : vector<16xi1>
    %and3A_146 = arith.andi %ne3A_145, %ne3A_138 : vector<16xi1>
    %add3A_147 = vector.broadcast %select_n3A_133 : i32 to vector<16xi32>
    %add3A_148 = arith.addi %rem3A_135, %add3A_147 : vector<16xi32>
    %select_n3A_149 = arith.select %and3A_146, %add3A_148, %rem3A_135 : vector<16xi1>, vector<16xi32>
    %get3A_150 = arith.index_cast %add3A_118 : i32 to index
    %get3A_151 = tpu.vector_load %arg10[%get3A_150] {strides = array<i32>} : memref<10336xi32, #tpu.memory_space<vmem>>, vector<16xi32>,
    %ge3A = vector.broadcast %select_n3A : i32 to vector<16xi32>
    %ge3A_152 = arith.cmpi sge, %add3A_122, %ge3A : vector<16xi32>
    %select_n3A_153 = arith.select %ge3A_152, %select_n3A_149, %get3A_151 : vector<16xi1>, vector<16xi32>
    %swap3A = arith.index_cast %add3A_118 : i32 to index
    %swap3A_154 = tpu.vector_load %arg10[%swap3A] {strides = array<i32>} : memref<10336xi32, #tpu.memory_space<vmem>>, vector<16xi32>,
    tpu.vector_store %arg10[%swap3A], %select_n3A_153 {strides = array<i32>} : memref<10336xi32, #tpu.memory_space<vmem>>, vector<16xi32>,
    %add3A_155 = arith.constant 0 : i32
    %add3A_156 = arith.addi %add3A_155, %mul3A_114 : i32
    %add3A_157 = arith.constant 16 : i32
    %add3A_158 = arith.addi %add3A_156, %add3A_157 : i32
    %add3A_159 = arith.constant 16 : i32
    %add3A_160 = arith.addi %mul3A_114, %add3A_159 : i32
    %iota3A_161 = tpu.iota {dimensions = array<i32: 0>} : vector<16xi32>
    %add3A_162 = vector.broadcast %add3A_160 : i32 to vector<16xi32>
    %add3A_163 = arith.addi %add3A_162, %iota3A_161 : vector<16xi32>
    %mul3A_164 = arith.constant 311 : i32
    %mul3A_165 = arith.muli %add3A_4, %mul3A_164 : i32
    %mul3A_166 = arith.constant 7 : i32
    %mul3A_167 = vector.broadcast %mul3A_166 : i32 to vector<16xi32>
    %mul3A_168 = arith.muli %add3A_163, %mul3A_167 : vector<16xi32>
    %add3A_169 = vector.broadcast %mul3A_165 : i32 to vector<16xi32>
    %add3A_170 = arith.addi %add3A_169, %mul3A_168 : vector<16xi32>
    %jit3A_171 = arith.constant 10000 : i32
    %eq3A_172 = arith.constant 0 : i32
    %eq3A_173 = arith.cmpi eq, %jit3A_171, %eq3A_172 : i32
    %jit3A_174 = arith.constant 1 : i32
    %select_n3A_175 = arith.select %eq3A_173, %jit3A_174, %jit3A_171 : i32
    %rem3A_176 = vector.broadcast %select_n3A_175 : i32 to vector<16xi32>
    %rem3A_177 = arith.remsi %add3A_170, %rem3A_176 : vector<16xi32>
    %ne3A_178 = arith.constant 0 : i32
    %ne3A_179 = vector.broadcast %ne3A_178 : i32 to vector<16xi32>
    %ne3A_180 = arith.cmpi ne, %rem3A_177, %ne3A_179 : vector<16xi32>
    %lt3A_181 = arith.constant 0 : i32
    %lt3A_182 = vector.broadcast %lt3A_181 : i32 to vector<16xi32>
    %lt3A_183 = arith.cmpi slt, %rem3A_177, %lt3A_182 : vector<16xi32>
    %lt3A_184 = arith.constant 0 : i32
    %lt3A_185 = arith.cmpi slt, %select_n3A_175, %lt3A_184 : i32
    %ne3A_186 = vector.broadcast %lt3A_185 : i1 to vector<16xi1>
    %ne3A_187 = vector.broadcast %ne3A_186 : vector<16xi1> to vector<16xi1>
    %ne3A_188 = arith.xori %lt3A_183, %ne3A_187 : vector<16xi1>
    %and3A_189 = arith.andi %ne3A_188, %ne3A_180 : vector<16xi1>
    %add3A_190 = vector.broadcast %select_n3A_175 : i32 to vector<16xi32>
    %add3A_191 = arith.addi %rem3A_177, %add3A_190 : vector<16xi32>
    %select_n3A_192 = arith.select %and3A_189, %add3A_191, %rem3A_177 : vector<16xi1>, vector<16xi32>
    %get3A_193 = arith.index_cast %add3A_158 : i32 to index
    %get3A_194 = tpu.vector_load %arg10[%get3A_193] {strides = array<i32>} : memref<10336xi32, #tpu.memory_space<vmem>>, vector<16xi32>,
    %ge3A_195 = vector.broadcast %select_n3A : i32 to vector<16xi32>
    %ge3A_196 = arith.cmpi sge, %add3A_163, %ge3A_195 : vector<16xi32>
    %select_n3A_197 = arith.select %ge3A_196, %select_n3A_192, %get3A_194 : vector<16xi1>, vector<16xi32>
    %swap3A_198 = arith.index_cast %add3A_158 : i32 to index
    %swap3A_199 = tpu.vector_load %arg10[%swap3A_198] {strides = array<i32>} : memref<10336xi32, #tpu.memory_space<vmem>>, vector<16xi32>,
    tpu.vector_store %arg10[%swap3A_198], %select_n3A_197 {strides = array<i32>} : memref<10336xi32, #tpu.memory_space<vmem>>, vector<16xi32>,
    %add3A_200 = arith.constant 0 : i32
    %add3A_201 = arith.addi %add3A_200, %mul3A_114 : i32
    %add3A_202 = arith.constant 32 : i32
    %add3A_203 = arith.addi %add3A_201, %add3A_202 : i32
    %add3A_204 = arith.constant 32 : i32
    %add3A_205 = arith.addi %mul3A_114, %add3A_204 : i32
    %iota3A_206 = tpu.iota {dimensions = array<i32: 0>} : vector<16xi32>
    %add3A_207 = vector.broadcast %add3A_205 : i32 to vector<16xi32>
    %add3A_208 = arith.addi %add3A_207, %iota3A_206 : vector<16xi32>
    %mul3A_209 = arith.constant 311 : i32
    %mul3A_210 = arith.muli %add3A_4, %mul3A_209 : i32
    %mul3A_211 = arith.constant 7 : i32
    %mul3A_212 = vector.broadcast %mul3A_211 : i32 to vector<16xi32>
    %mul3A_213 = arith.muli %add3A_208, %mul3A_212 : vector<16xi32>
    %add3A_214 = vector.broadcast %mul3A_210 : i32 to vector<16xi32>
    %add3A_215 = arith.addi %add3A_214, %mul3A_213 : vector<16xi32>
    %jit3A_216 = arith.constant 10000 : i32
    %eq3A_217 = arith.constant 0 : i32
    %eq3A_218 = arith.cmpi eq, %jit3A_216, %eq3A_217 : i32
    %jit3A_219 = arith.constant 1 : i32
    %select_n3A_220 = arith.select %eq3A_218, %jit3A_219, %jit3A_216 : i32
    %rem3A_221 = vector.broadcast %select_n3A_220 : i32 to vector<16xi32>
    %rem3A_222 = arith.remsi %add3A_215, %rem3A_221 : vector<16xi32>
    %ne3A_223 = arith.constant 0 : i32
    %ne3A_224 = vector.broadcast %ne3A_223 : i32 to vector<16xi32>
    %ne3A_225 = arith.cmpi ne, %rem3A_222, %ne3A_224 : vector<16xi32>
    %lt3A_226 = arith.constant 0 : i32
    %lt3A_227 = vector.broadcast %lt3A_226 : i32 to vector<16xi32>
    %lt3A_228 = arith.cmpi slt, %rem3A_222, %lt3A_227 : vector<16xi32>
    %lt3A_229 = arith.constant 0 : i32
    %lt3A_230 = arith.cmpi slt, %select_n3A_220, %lt3A_229 : i32
    %ne3A_231 = vector.broadcast %lt3A_230 : i1 to vector<16xi1>
    %ne3A_232 = vector.broadcast %ne3A_231 : vector<16xi1> to vector<16xi1>
    %ne3A_233 = arith.xori %lt3A_228, %ne3A_232 : vector<16xi1>
    %and3A_234 = arith.andi %ne3A_233, %ne3A_225 : vector<16xi1>
    %add3A_235 = vector.broadcast %select_n3A_220 : i32 to vector<16xi32>
    %add3A_236 = arith.addi %rem3A_222, %add3A_235 : vector<16xi32>
    %select_n3A_237 = arith.select %and3A_234, %add3A_236, %rem3A_222 : vector<16xi1>, vector<16xi32>
    %get3A_238 = arith.index_cast %add3A_203 : i32 to index
    %get3A_239 = tpu.vector_load %arg10[%get3A_238] {strides = array<i32>} : memref<10336xi32, #tpu.memory_space<vmem>>, vector<16xi32>,
    %ge3A_240 = vector.broadcast %select_n3A : i32 to vector<16xi32>
    %ge3A_241 = arith.cmpi sge, %add3A_208, %ge3A_240 : vector<16xi32>
    %select_n3A_242 = arith.select %ge3A_241, %select_n3A_237, %get3A_239 : vector<16xi1>, vector<16xi32>
    %swap3A_243 = arith.index_cast %add3A_203 : i32 to index
    %swap3A_244 = tpu.vector_load %arg10[%swap3A_243] {strides = array<i32>} : memref<10336xi32, #tpu.memory_space<vmem>>, vector<16xi32>,
    tpu.vector_store %arg10[%swap3A_243], %select_n3A_242 {strides = array<i32>} : memref<10336xi32, #tpu.memory_space<vmem>>, vector<16xi32>,
    %add3A_245 = arith.constant 0 : i32
    %add3A_246 = arith.addi %add3A_245, %mul3A_114 : i32
    %add3A_247 = arith.constant 48 : i32
    %add3A_248 = arith.addi %add3A_246, %add3A_247 : i32
    %add3A_249 = arith.constant 48 : i32
    %add3A_250 = arith.addi %mul3A_114, %add3A_249 : i32
    %iota3A_251 = tpu.iota {dimensions = array<i32: 0>} : vector<16xi32>
    %add3A_252 = vector.broadcast %add3A_250 : i32 to vector<16xi32>
    %add3A_253 = arith.addi %add3A_252, %iota3A_251 : vector<16xi32>
    %mul3A_254 = arith.constant 311 : i32
    %mul3A_255 = arith.muli %add3A_4, %mul3A_254 : i32
    %mul3A_256 = arith.constant 7 : i32
    %mul3A_257 = vector.broadcast %mul3A_256 : i32 to vector<16xi32>
    %mul3A_258 = arith.muli %add3A_253, %mul3A_257 : vector<16xi32>
    %add3A_259 = vector.broadcast %mul3A_255 : i32 to vector<16xi32>
    %add3A_260 = arith.addi %add3A_259, %mul3A_258 : vector<16xi32>
    %jit3A_261 = arith.constant 10000 : i32
    %eq3A_262 = arith.constant 0 : i32
    %eq3A_263 = arith.cmpi eq, %jit3A_261, %eq3A_262 : i32
    %jit3A_264 = arith.constant 1 : i32
    %select_n3A_265 = arith.select %eq3A_263, %jit3A_264, %jit3A_261 : i32
    %rem3A_266 = vector.broadcast %select_n3A_265 : i32 to vector<16xi32>
    %rem3A_267 = arith.remsi %add3A_260, %rem3A_266 : vector<16xi32>
    %ne3A_268 = arith.constant 0 : i32
    %ne3A_269 = vector.broadcast %ne3A_268 : i32 to vector<16xi32>
    %ne3A_270 = arith.cmpi ne, %rem3A_267, %ne3A_269 : vector<16xi32>
    %lt3A_271 = arith.constant 0 : i32
    %lt3A_272 = vector.broadcast %lt3A_271 : i32 to vector<16xi32>
    %lt3A_273 = arith.cmpi slt, %rem3A_267, %lt3A_272 : vector<16xi32>
    %lt3A_274 = arith.constant 0 : i32
    %lt3A_275 = arith.cmpi slt, %select_n3A_265, %lt3A_274 : i32
    %ne3A_276 = vector.broadcast %lt3A_275 : i1 to vector<16xi1>
    %ne3A_277 = vector.broadcast %ne3A_276 : vector<16xi1> to vector<16xi1>
    %ne3A_278 = arith.xori %lt3A_273, %ne3A_277 : vector<16xi1>
    %and3A_279 = arith.andi %ne3A_278, %ne3A_270 : vector<16xi1>
    %add3A_280 = vector.broadcast %select_n3A_265 : i32 to vector<16xi32>
    %add3A_281 = arith.addi %rem3A_267, %add3A_280 : vector<16xi32>
    %select_n3A_282 = arith.select %and3A_279, %add3A_281, %rem3A_267 : vector<16xi1>, vector<16xi32>
    %get3A_283 = arith.index_cast %add3A_248 : i32 to index
    %get3A_284 = tpu.vector_load %arg10[%get3A_283] {strides = array<i32>} : memref<10336xi32, #tpu.memory_space<vmem>>, vector<16xi32>,
    %ge3A_285 = vector.broadcast %select_n3A : i32 to vector<16xi32>
    %ge3A_286 = arith.cmpi sge, %add3A_253, %ge3A_285 : vector<16xi32>
    %select_n3A_287 = arith.select %ge3A_286, %select_n3A_282, %get3A_284 : vector<16xi1>, vector<16xi32>
    %swap3A_288 = arith.index_cast %add3A_248 : i32 to index
    %swap3A_289 = tpu.vector_load %arg10[%swap3A_288] {strides = array<i32>} : memref<10336xi32, #tpu.memory_space<vmem>>, vector<16xi32>,
    tpu.vector_store %arg10[%swap3A_288], %select_n3A_287 {strides = array<i32>} : memref<10336xi32, #tpu.memory_space<vmem>>, vector<16xi32>,
    %add3A_290 = arith.constant 0 : i32
    %add3A_291 = arith.addi %add3A_290, %mul3A_114 : i32
    %add3A_292 = arith.constant 64 : i32
    %add3A_293 = arith.addi %add3A_291, %add3A_292 : i32
    %add3A_294 = arith.constant 64 : i32
    %add3A_295 = arith.addi %mul3A_114, %add3A_294 : i32
    %iota3A_296 = tpu.iota {dimensions = array<i32: 0>} : vector<16xi32>
    %add3A_297 = vector.broadcast %add3A_295 : i32 to vector<16xi32>
    %add3A_298 = arith.addi %add3A_297, %iota3A_296 : vector<16xi32>
    %mul3A_299 = arith.constant 311 : i32
    %mul3A_300 = arith.muli %add3A_4, %mul3A_299 : i32
    %mul3A_301 = arith.constant 7 : i32
    %mul3A_302 = vector.broadcast %mul3A_301 : i32 to vector<16xi32>
    %mul3A_303 = arith.muli %add3A_298, %mul3A_302 : vector<16xi32>
    %add3A_304 = vector.broadcast %mul3A_300 : i32 to vector<16xi32>
    %add3A_305 = arith.addi %add3A_304, %mul3A_303 : vector<16xi32>
    %jit3A_306 = arith.constant 10000 : i32
    %eq3A_307 = arith.constant 0 : i32
    %eq3A_308 = arith.cmpi eq, %jit3A_306, %eq3A_307 : i32
    %jit3A_309 = arith.constant 1 : i32
    %select_n3A_310 = arith.select %eq3A_308, %jit3A_309, %jit3A_306 : i32
    %rem3A_311 = vector.broadcast %select_n3A_310 : i32 to vector<16xi32>
    %rem3A_312 = arith.remsi %add3A_305, %rem3A_311 : vector<16xi32>
    %ne3A_313 = arith.constant 0 : i32
    %ne3A_314 = vector.broadcast %ne3A_313 : i32 to vector<16xi32>
    %ne3A_315 = arith.cmpi ne, %rem3A_312, %ne3A_314 : vector<16xi32>
    %lt3A_316 = arith.constant 0 : i32
    %lt3A_317 = vector.broadcast %lt3A_316 : i32 to vector<16xi32>
    %lt3A_318 = arith.cmpi slt, %rem3A_312, %lt3A_317 : vector<16xi32>
    %lt3A_319 = arith.constant 0 : i32
    %lt3A_320 = arith.cmpi slt, %select_n3A_310, %lt3A_319 : i32
    %ne3A_321 = vector.broadcast %lt3A_320 : i1 to vector<16xi1>
    %ne3A_322 = vector.broadcast %ne3A_321 : vector<16xi1> to vector<16xi1>
    %ne3A_323 = arith.xori %lt3A_318, %ne3A_322 : vector<16xi1>
    %and3A_324 = arith.andi %ne3A_323, %ne3A_315 : vector<16xi1>
    %add3A_325 = vector.broadcast %select_n3A_310 : i32 to vector<16xi32>
    %add3A_326 = arith.addi %rem3A_312, %add3A_325 : vector<16xi32>
    %select_n3A_327 = arith.select %and3A_324, %add3A_326, %rem3A_312 : vector<16xi1>, vector<16xi32>
    %get3A_328 = arith.index_cast %add3A_293 : i32 to index
    %get3A_329 = tpu.vector_load %arg10[%get3A_328] {strides = array<i32>} : memref<10336xi32, #tpu.memory_space<vmem>>, vector<16xi32>,
    %ge3A_330 = vector.broadcast %select_n3A : i32 to vector<16xi32>
    %ge3A_331 = arith.cmpi sge, %add3A_298, %ge3A_330 : vector<16xi32>
    %select_n3A_332 = arith.select %ge3A_331, %select_n3A_327, %get3A_329 : vector<16xi1>, vector<16xi32>
    %swap3A_333 = arith.index_cast %add3A_293 : i32 to index
    %swap3A_334 = tpu.vector_load %arg10[%swap3A_333] {strides = array<i32>} : memref<10336xi32, #tpu.memory_space<vmem>>, vector<16xi32>,
    tpu.vector_store %arg10[%swap3A_333], %select_n3A_332 {strides = array<i32>} : memref<10336xi32, #tpu.memory_space<vmem>>, vector<16xi32>,
    %add3A_335 = arith.constant 0 : i32
    %add3A_336 = arith.addi %add3A_335, %mul3A_114 : i32
    %add3A_337 = arith.constant 80 : i32
    %add3A_338 = arith.addi %add3A_336, %add3A_337 : i32
    %add3A_339 = arith.constant 80 : i32
    %add3A_340 = arith.addi %mul3A_114, %add3A_339 : i32
    %iota3A_341 = tpu.iota {dimensions = array<i32: 0>} : vector<16xi32>
    %add3A_342 = vector.broadcast %add3A_340 : i32 to vector<16xi32>
    %add3A_343 = arith.addi %add3A_342, %iota3A_341 : vector<16xi32>
    %mul3A_344 = arith.constant 311 : i32
    %mul3A_345 = arith.muli %add3A_4, %mul3A_344 : i32
    %mul3A_346 = arith.constant 7 : i32
    %mul3A_347 = vector.broadcast %mul3A_346 : i32 to vector<16xi32>
    %mul3A_348 = arith.muli %add3A_343, %mul3A_347 : vector<16xi32>
    %add3A_349 = vector.broadcast %mul3A_345 : i32 to vector<16xi32>
    %add3A_350 = arith.addi %add3A_349, %mul3A_348 : vector<16xi32>
    %jit3A_351 = arith.constant 10000 : i32
    %eq3A_352 = arith.constant 0 : i32
    %eq3A_353 = arith.cmpi eq, %jit3A_351, %eq3A_352 : i32
    %jit3A_354 = arith.constant 1 : i32
    %select_n3A_355 = arith.select %eq3A_353, %jit3A_354, %jit3A_351 : i32
    %rem3A_356 = vector.broadcast %select_n3A_355 : i32 to vector<16xi32>
    %rem3A_357 = arith.remsi %add3A_350, %rem3A_356 : vector<16xi32>
    %ne3A_358 = arith.constant 0 : i32
    %ne3A_359 = vector.broadcast %ne3A_358 : i32 to vector<16xi32>
    %ne3A_360 = arith.cmpi ne, %rem3A_357, %ne3A_359 : vector<16xi32>
    %lt3A_361 = arith.constant 0 : i32
    %lt3A_362 = vector.broadcast %lt3A_361 : i32 to vector<16xi32>
    %lt3A_363 = arith.cmpi slt, %rem3A_357, %lt3A_362 : vector<16xi32>
    %lt3A_364 = arith.constant 0 : i32
    %lt3A_365 = arith.cmpi slt, %select_n3A_355, %lt3A_364 : i32
    %ne3A_366 = vector.broadcast %lt3A_365 : i1 to vector<16xi1>
    %ne3A_367 = vector.broadcast %ne3A_366 : vector<16xi1> to vector<16xi1>
    %ne3A_368 = arith.xori %lt3A_363, %ne3A_367 : vector<16xi1>
    %and3A_369 = arith.andi %ne3A_368, %ne3A_360 : vector<16xi1>
    %add3A_370 = vector.broadcast %select_n3A_355 : i32 to vector<16xi32>
    %add3A_371 = arith.addi %rem3A_357, %add3A_370 : vector<16xi32>
    %select_n3A_372 = arith.select %and3A_369, %add3A_371, %rem3A_357 : vector<16xi1>, vector<16xi32>
    %get3A_373 = arith.index_cast %add3A_338 : i32 to index
    %get3A_374 = tpu.vector_load %arg10[%get3A_373] {strides = array<i32>} : memref<10336xi32, #tpu.memory_space<vmem>>, vector<16xi32>,
    %ge3A_375 = vector.broadcast %select_n3A : i32 to vector<16xi32>
    %ge3A_376 = arith.cmpi sge, %add3A_343, %ge3A_375 : vector<16xi32>
    %select_n3A_377 = arith.select %ge3A_376, %select_n3A_372, %get3A_374 : vector<16xi1>, vector<16xi32>
    %swap3A_378 = arith.index_cast %add3A_338 : i32 to index
    %swap3A_379 = tpu.vector_load %arg10[%swap3A_378] {strides = array<i32>} : memref<10336xi32, #tpu.memory_space<vmem>>, vector<16xi32>,
    tpu.vector_store %arg10[%swap3A_378], %select_n3A_377 {strides = array<i32>} : memref<10336xi32, #tpu.memory_space<vmem>>, vector<16xi32>,
    %add3A_380 = arith.constant 0 : i32
    %add3A_381 = arith.addi %add3A_380, %mul3A_114 : i32
    %add3A_382 = arith.constant 96 : i32
    %add3A_383 = arith.addi %add3A_381, %add3A_382 : i32
    %add3A_384 = arith.constant 96 : i32
    %add3A_385 = arith.addi %mul3A_114, %add3A_384 : i32
    %iota3A_386 = tpu.iota {dimensions = array<i32: 0>} : vector<16xi32>
    %add3A_387 = vector.broadcast %add3A_385 : i32 to vector<16xi32>
    %add3A_388 = arith.addi %add3A_387, %iota3A_386 : vector<16xi32>
    %mul3A_389 = arith.constant 311 : i32
    %mul3A_390 = arith.muli %add3A_4, %mul3A_389 : i32
    %mul3A_391 = arith.constant 7 : i32
    %mul3A_392 = vector.broadcast %mul3A_391 : i32 to vector<16xi32>
    %mul3A_393 = arith.muli %add3A_388, %mul3A_392 : vector<16xi32>
    %add3A_394 = vector.broadcast %mul3A_390 : i32 to vector<16xi32>
    %add3A_395 = arith.addi %add3A_394, %mul3A_393 : vector<16xi32>
    %jit3A_396 = arith.constant 10000 : i32
    %eq3A_397 = arith.constant 0 : i32
    %eq3A_398 = arith.cmpi eq, %jit3A_396, %eq3A_397 : i32
    %jit3A_399 = arith.constant 1 : i32
    %select_n3A_400 = arith.select %eq3A_398, %jit3A_399, %jit3A_396 : i32
    %rem3A_401 = vector.broadcast %select_n3A_400 : i32 to vector<16xi32>
    %rem3A_402 = arith.remsi %add3A_395, %rem3A_401 : vector<16xi32>
    %ne3A_403 = arith.constant 0 : i32
    %ne3A_404 = vector.broadcast %ne3A_403 : i32 to vector<16xi32>
    %ne3A_405 = arith.cmpi ne, %rem3A_402, %ne3A_404 : vector<16xi32>
    %lt3A_406 = arith.constant 0 : i32
    %lt3A_407 = vector.broadcast %lt3A_406 : i32 to vector<16xi32>
    %lt3A_408 = arith.cmpi slt, %rem3A_402, %lt3A_407 : vector<16xi32>
    %lt3A_409 = arith.constant 0 : i32
    %lt3A_410 = arith.cmpi slt, %select_n3A_400, %lt3A_409 : i32
    %ne3A_411 = vector.broadcast %lt3A_410 : i1 to vector<16xi1>
    %ne3A_412 = vector.broadcast %ne3A_411 : vector<16xi1> to vector<16xi1>
    %ne3A_413 = arith.xori %lt3A_408, %ne3A_412 : vector<16xi1>
    %and3A_414 = arith.andi %ne3A_413, %ne3A_405 : vector<16xi1>
    %add3A_415 = vector.broadcast %select_n3A_400 : i32 to vector<16xi32>
    %add3A_416 = arith.addi %rem3A_402, %add3A_415 : vector<16xi32>
    %select_n3A_417 = arith.select %and3A_414, %add3A_416, %rem3A_402 : vector<16xi1>, vector<16xi32>
    %get3A_418 = arith.index_cast %add3A_383 : i32 to index
    %get3A_419 = tpu.vector_load %arg10[%get3A_418] {strides = array<i32>} : memref<10336xi32, #tpu.memory_space<vmem>>, vector<16xi32>,
    %ge3A_420 = vector.broadcast %select_n3A : i32 to vector<16xi32>
    %ge3A_421 = arith.cmpi sge, %add3A_388, %ge3A_420 : vector<16xi32>
    %select_n3A_422 = arith.select %ge3A_421, %select_n3A_417, %get3A_419 : vector<16xi1>, vector<16xi32>
    %swap3A_423 = arith.index_cast %add3A_383 : i32 to index
    %swap3A_424 = tpu.vector_load %arg10[%swap3A_423] {strides = array<i32>} : memref<10336xi32, #tpu.memory_space<vmem>>, vector<16xi32>,
    tpu.vector_store %arg10[%swap3A_423], %select_n3A_422 {strides = array<i32>} : memref<10336xi32, #tpu.memory_space<vmem>>, vector<16xi32>,
    %add3A_425 = arith.constant 96 : i32
    %add3A_426 = arith.addi %select_n3A, %add3A_425 : i32
    %sub3A_427 = arith.constant 1 : i32
    %sub3A_428 = arith.subi %add3A_426, %sub3A_427 : i32
    %jit3A_429 = arith.constant 96 : i32
    %div3A_430 = arith.divsi %sub3A_428, %jit3A_429 : i32
    %sign3A_431 = arith.constant 0 : i32
    %sign3A_432 = arith.cmpi sgt, %sub3A_428, %sign3A_431 : i32
    %sign3A_433 = arith.extui %sign3A_432 : i1 to i32
    %sign3A_434 = arith.constant 0 : i32
    %sign3A_435 = arith.cmpi slt, %sub3A_428, %sign3A_434 : i32
    %sign3A_436 = arith.extui %sign3A_435 : i1 to i32
    %sign3A_437 = arith.subi %sign3A_433, %sign3A_436 : i32
    %sign3A_438 = arith.constant 0 : i32
    %sign3A_439 = arith.cmpi sgt, %jit3A_429, %sign3A_438 : i32
    %sign3A_440 = arith.extui %sign3A_439 : i1 to i32
    %sign3A_441 = arith.constant 0 : i32
    %sign3A_442 = arith.cmpi slt, %jit3A_429, %sign3A_441 : i32
    %sign3A_443 = arith.extui %sign3A_442 : i1 to i32
    %sign3A_444 = arith.subi %sign3A_440, %sign3A_443 : i32
    %ne3A_445 = arith.cmpi ne, %sign3A_437, %sign3A_444 : i32
    %rem3A_446 = arith.remsi %sub3A_428, %jit3A_429 : i32
    %ne3A_447 = arith.constant 0 : i32
    %ne3A_448 = arith.cmpi ne, %rem3A_446, %ne3A_447 : i32
    %and3A_449 = arith.andi %ne3A_445, %ne3A_448 : i1
    %sub3A_450 = arith.constant 1 : i32
    %sub3A_451 = arith.subi %div3A_430, %sub3A_450 : i32
    %select_n3A_452 = arith.select %and3A_449, %sub3A_451, %div3A_430 : i32
    %mul3A_453 = arith.constant 2 : i32
    %mul3A_454 = arith.muli %add3A, %mul3A_453 : i32
    %add3A_455 = arith.constant 1 : i32
    %add3A_456 = arith.addi %mul3A_454, %add3A_455 : i32
    %get3A_457 = arith.index_cast %add3A_456 : i32 to index
    %get3A_458 = tpu.vector_load %arg8[%get3A_457] {strides = array<i32>} : memref<80xi32, #tpu.memory_space<vmem>>, vector<16xi32>,
    %slice3A_459 = vector.extract_strided_slice %get3A_458 {offsets = [0], sizes = [1], strides = [1]} : vector<16xi32> to vector<1xi32>
    %squeeze3A_460 = vector.extract %slice3A_459[0] : i32 from vector<1xi32>
    %get3A_461 = arith.index_cast %add3A_456 : i32 to index
    %get3A_462 = tpu.vector_load %arg9[%get3A_461] {strides = array<i32>} : memref<80xi32, #tpu.memory_space<vmem>>, vector<16xi32>,
    %slice3A_463 = vector.extract_strided_slice %get3A_462 {offsets = [0], sizes = [1], strides = [1]} : vector<16xi32> to vector<1xi32>
    %squeeze3A_464 = vector.extract %slice3A_463[0] : i32 from vector<1xi32>
    %add3A_465 = arith.constant 1 : i32
    %add3A_466 = arith.addi %squeeze3A_460, %add3A_465 : i32
    %jit3A_467 = arith.constant 2 : i32
    %div3A_468 = arith.divsi %add3A_466, %jit3A_467 : i32
    %sign3A_469 = arith.constant 0 : i32
    %sign3A_470 = arith.cmpi sgt, %add3A_466, %sign3A_469 : i32
    %sign3A_471 = arith.extui %sign3A_470 : i1 to i32
    %sign3A_472 = arith.constant 0 : i32
    %sign3A_473 = arith.cmpi slt, %add3A_466, %sign3A_472 : i32
    %sign3A_474 = arith.extui %sign3A_473 : i1 to i32
    %sign3A_475 = arith.subi %sign3A_471, %sign3A_474 : i32
    %sign3A_476 = arith.constant 0 : i32
    %sign3A_477 = arith.cmpi sgt, %jit3A_467, %sign3A_476 : i32
    %sign3A_478 = arith.extui %sign3A_477 : i1 to i32
    %sign3A_479 = arith.constant 0 : i32
    %sign3A_480 = arith.cmpi slt, %jit3A_467, %sign3A_479 : i32
    %sign3A_481 = arith.extui %sign3A_480 : i1 to i32
    %sign3A_482 = arith.subi %sign3A_478, %sign3A_481 : i32
    %ne3A_483 = arith.cmpi ne, %sign3A_475, %sign3A_482 : i32
    %rem3A_484 = arith.remsi %add3A_466, %jit3A_467 : i32
    %ne3A_485 = arith.constant 0 : i32
    %ne3A_486 = arith.cmpi ne, %rem3A_484, %ne3A_485 : i32
    %and3A_487 = arith.andi %ne3A_483, %ne3A_486 : i1
    %sub3A_488 = arith.constant 1 : i32
    %sub3A_489 = arith.subi %div3A_468, %sub3A_488 : i32
    %select_n3A_490 = arith.select %and3A_487, %sub3A_489, %div3A_468 : i32
    %add3A_491 = arith.constant 15 : i32
    %add3A_492 = arith.addi %squeeze3A_460, %add3A_491 : i32
    %jit3A_493 = arith.constant 16 : i32
    %div3A_494 = arith.divsi %add3A_492, %jit3A_493 : i32
    %sign3A_495 = arith.constant 0 : i32
    %sign3A_496 = arith.cmpi sgt, %add3A_492, %sign3A_495 : i32
    %sign3A_497 = arith.extui %sign3A_496 : i1 to i32
    %sign3A_498 = arith.constant 0 : i32
    %sign3A_499 = arith.cmpi slt, %add3A_492, %sign3A_498 : i32
    %sign3A_500 = arith.extui %sign3A_499 : i1 to i32
    %sign3A_501 = arith.subi %sign3A_497, %sign3A_500 : i32
    %sign3A_502 = arith.constant 0 : i32
    %sign3A_503 = arith.cmpi sgt, %jit3A_493, %sign3A_502 : i32
    %sign3A_504 = arith.extui %sign3A_503 : i1 to i32
    %sign3A_505 = arith.constant 0 : i32
    %sign3A_506 = arith.cmpi slt, %jit3A_493, %sign3A_505 : i32
    %sign3A_507 = arith.extui %sign3A_506 : i1 to i32
    %sign3A_508 = arith.subi %sign3A_504, %sign3A_507 : i32
    %ne3A_509 = arith.cmpi ne, %sign3A_501, %sign3A_508 : i32
    %rem3A_510 = arith.remsi %add3A_492, %jit3A_493 : i32
    %ne3A_511 = arith.constant 0 : i32
    %ne3A_512 = arith.cmpi ne, %rem3A_510, %ne3A_511 : i32
    %and3A_513 = arith.andi %ne3A_509, %ne3A_512 : i1
    %sub3A_514 = arith.constant 1 : i32
    %sub3A_515 = arith.subi %div3A_494, %sub3A_514 : i32
    %select_n3A_516 = arith.select %and3A_513, %sub3A_515, %div3A_494 : i32
    %scan3A_517 = arith.constant 0 : i32
    %scan3A_518 = arith.constant 0 : i32
    %scan3A_519 = arith.constant 32 : i32
    %scan3A_520 = arith.addi %scan3A_518, %scan3A_519 : i32
    %scan3A_521 = arith.constant 1 : i32
    %scan3A_522 = scf.for %scan3A_1174 = %scan3A_518 to %scan3A_520 step %scan3A_521 iter_args(%scan3A_1175 = %scan3A_517) -> (i32)  : i32 {
      %shift_right_logical3A = arith.constant -2147483648 : i32
      %shift_right_logical3A_1176 = arith.shrui %shift_right_logical3A, %scan3A_1174 : i32
      %or3A = arith.ori %scan3A_1175, %shift_right_logical3A_1176 : i32
      %broadcast_in_dim3A_1177 = vector.broadcast %or3A : i32 to vector<16xi32>
      %broadcast_in_dim3A_1178 = arith.constant 0 : i32
      %broadcast_in_dim3A_1179 = vector.broadcast %broadcast_in_dim3A_1178 : i32 to vector<16xi32>
      %while3A_1180 = arith.constant 0 : i32
      %while3A_1181 = arith.subi %select_n3A_516, %while3A_1180 : i32
      %while3A_1182 = arith.addi %while3A_1180, %while3A_1181 : i32
      %while3A_1183 = arith.constant 1 : i32
      %while3A_1184 = arith.divsi %while3A_1181, %while3A_1183 : i32
      %while3A_1185 = arith.muli %while3A_1184, %while3A_1183 : i32
      %while3A_1186 = arith.addi %while3A_1180, %while3A_1185 : i32
      %while3A_1187 = arith.constant 1 : i32
      %while3A_1188 = scf.for %while3A_1197 = %while3A_1180 to %while3A_1186 step %while3A_1187 iter_args(%while3A_1198 = %broadcast_in_dim3A_1179) -> (vector<16xi32>)  : i32 {
        %mul3A_1199 = arith.constant 16 : i32
        %mul3A_1200 = arith.muli %while3A_1197, %mul3A_1199 : i32
        %add3A_1201 = arith.addi %squeeze3A_464, %mul3A_1200 : i32
        %get3A_1202 = arith.index_cast %add3A_1201 : i32 to index
        %get3A_1203 = tpu.vector_load %arg7[%get3A_1202] {strides = array<i32>} : memref<10016xi32, #tpu.memory_space<vmem>>, vector<16xi32>,
        %bitcast3A = vector.bitcast %get3A_1203 : vector<16xi32> to vector<16xi32>
        %iota3A_1204 = tpu.iota {dimensions = array<i32: 0>} : vector<16xi32>
        %mul3A_1205 = arith.constant 16 : i32
        %mul3A_1206 = arith.muli %while3A_1197, %mul3A_1205 : i32
        %sub3A_1207 = arith.subi %squeeze3A_460, %mul3A_1206 : i32
        %lt3A_1208 = vector.broadcast %sub3A_1207 : i32 to vector<16xi32>
        %lt3A_1209 = arith.cmpi slt, %iota3A_1204, %lt3A_1208 : vector<16xi32>
        %ge3A_1210 = arith.cmpi uge, %bitcast3A, %broadcast_in_dim3A_1177 : vector<16xi32>
        %and3A_1211 = arith.andi %lt3A_1209, %ge3A_1210 : vector<16xi1>
        %jit3A_1212 = arith.constant 1 : i32
        %jit3A_1213 = arith.constant 0 : i32
        %broadcast_in_dim3A_1214 = vector.broadcast %jit3A_1212 : i32 to vector<16xi32>
        %broadcast_in_dim3A_1215 = vector.broadcast %jit3A_1213 : i32 to vector<16xi32>
        %select_n3A_1216 = arith.select %and3A_1211, %broadcast_in_dim3A_1214, %broadcast_in_dim3A_1215 : vector<16xi1>, vector<16xi32>
        %add3A_1217 = arith.addi %while3A_1198, %select_n3A_1216 : vector<16xi32>
        scf.yield %add3A_1217 : vector<16xi32>
      }
      %while3A_1189 = arith.constant 1 : i32
      %while3A_1190 = scf.for %while3A_1197 = %while3A_1186 to %while3A_1182 step %while3A_1189 iter_args(%while3A_1198 = %while3A_1188) -> (vector<16xi32>)  : i32 {
        %mul3A_1199 = arith.constant 16 : i32
        %mul3A_1200 = arith.muli %while3A_1197, %mul3A_1199 : i32
        %add3A_1201 = arith.addi %squeeze3A_464, %mul3A_1200 : i32
        %get3A_1202 = arith.index_cast %add3A_1201 : i32 to index
        %get3A_1203 = tpu.vector_load %arg7[%get3A_1202] {strides = array<i32>} : memref<10016xi32, #tpu.memory_space<vmem>>, vector<16xi32>,
        %bitcast3A = vector.bitcast %get3A_1203 : vector<16xi32> to vector<16xi32>
        %iota3A_1204 = tpu.iota {dimensions = array<i32: 0>} : vector<16xi32>
        %mul3A_1205 = arith.constant 16 : i32
        %mul3A_1206 = arith.muli %while3A_1197, %mul3A_1205 : i32
        %sub3A_1207 = arith.subi %squeeze3A_460, %mul3A_1206 : i32
        %lt3A_1208 = vector.broadcast %sub3A_1207 : i32 to vector<16xi32>
        %lt3A_1209 = arith.cmpi slt, %iota3A_1204, %lt3A_1208 : vector<16xi32>
        %ge3A_1210 = arith.cmpi uge, %bitcast3A, %broadcast_in_dim3A_1177 : vector<16xi32>
        %and3A_1211 = arith.andi %lt3A_1209, %ge3A_1210 : vector<16xi1>
        %jit3A_1212 = arith.constant 1 : i32
        %jit3A_1213 = arith.constant 0 : i32
        %broadcast_in_dim3A_1214 = vector.broadcast %jit3A_1212 : i32 to vector<16xi32>
        %broadcast_in_dim3A_1215 = vector.broadcast %jit3A_1213 : i32 to vector<16xi32>
        %select_n3A_1216 = arith.select %and3A_1211, %broadcast_in_dim3A_1214, %broadcast_in_dim3A_1215 : vector<16xi1>, vector<16xi32>
        %add3A_1217 = arith.addi %while3A_1198, %select_n3A_1216 : vector<16xi32>
        scf.yield %add3A_1217 : vector<16xi32>
      }
      %reduce_sum3A_1191 = arith.constant true
      %reduce_sum3A_1192 = vector.broadcast %reduce_sum3A_1191 : i1 to vector<16xi1>
      %reduce_sum3A_1193 = tpu.scan <sum>, %while3A_1190 masked %reduce_sum3A_1192 : vector<16xi32>, vector<16xi1> -> vector<16xi32>
      %reduce_sum3A_1194 = vector.extract %reduce_sum3A_1193[15] : i32 from vector<16xi32>
      %ge3A_1195 = arith.cmpi sge, %reduce_sum3A_1194, %select_n3A_490 : i32
      %select_n3A_1196 = arith.select %ge3A_1195, %or3A, %scan3A_1175 : i32
      scf.yield %select_n3A_1196 : i32
    }
    %scan3A_523 = arith.constant 32 : i32
    %broadcast_in_dim3A_524 = vector.broadcast %scan3A_522 : i32 to vector<16xi32>
    %broadcast_in_dim3A_525 = arith.constant 0 : i32
    %broadcast_in_dim3A_526 = vector.broadcast %broadcast_in_dim3A_525 : i32 to vector<16xi32>
    %while3A_527 = arith.constant 0 : i32
    %while3A_528 = arith.subi %select_n3A_516, %while3A_527 : i32
    %while3A_529 = arith.addi %while3A_527, %while3A_528 : i32
    %while3A_530 = arith.constant 1 : i32
    %while3A_531 = arith.divsi %while3A_528, %while3A_530 : i32
    %while3A_532 = arith.muli %while3A_531, %while3A_530 : i32
    %while3A_533 = arith.addi %while3A_527, %while3A_532 : i32
    %while3A_534 = arith.constant 1 : i32
    %while3A_535 = scf.for %while3A_1174 = %while3A_527 to %while3A_533 step %while3A_534 iter_args(%while3A_1175 = %broadcast_in_dim3A_526) -> (vector<16xi32>)  : i32 {
      %mul3A_1176 = arith.constant 16 : i32
      %mul3A_1177 = arith.muli %while3A_1174, %mul3A_1176 : i32
      %add3A_1178 = arith.addi %squeeze3A_464, %mul3A_1177 : i32
      %get3A_1179 = arith.index_cast %add3A_1178 : i32 to index
      %get3A_1180 = tpu.vector_load %arg7[%get3A_1179] {strides = array<i32>} : memref<10016xi32, #tpu.memory_space<vmem>>, vector<16xi32>,
      %bitcast3A = vector.bitcast %get3A_1180 : vector<16xi32> to vector<16xi32>
      %iota3A_1181 = tpu.iota {dimensions = array<i32: 0>} : vector<16xi32>
      %mul3A_1182 = arith.constant 16 : i32
      %mul3A_1183 = arith.muli %while3A_1174, %mul3A_1182 : i32
      %sub3A_1184 = arith.subi %squeeze3A_460, %mul3A_1183 : i32
      %lt3A_1185 = vector.broadcast %sub3A_1184 : i32 to vector<16xi32>
      %lt3A_1186 = arith.cmpi slt, %iota3A_1181, %lt3A_1185 : vector<16xi32>
      %gt3A = arith.cmpi ugt, %bitcast3A, %broadcast_in_dim3A_524 : vector<16xi32>
      %and3A_1187 = arith.andi %lt3A_1186, %gt3A : vector<16xi1>
      %jit3A_1188 = arith.constant 1 : i32
      %jit3A_1189 = arith.constant 0 : i32
      %broadcast_in_dim3A_1190 = vector.broadcast %jit3A_1188 : i32 to vector<16xi32>
      %broadcast_in_dim3A_1191 = vector.broadcast %jit3A_1189 : i32 to vector<16xi32>
      %select_n3A_1192 = arith.select %and3A_1187, %broadcast_in_dim3A_1190, %broadcast_in_dim3A_1191 : vector<16xi1>, vector<16xi32>
      %add3A_1193 = arith.addi %while3A_1175, %select_n3A_1192 : vector<16xi32>
      scf.yield %add3A_1193 : vector<16xi32>
    }
    %while3A_536 = arith.constant 1 : i32
    %while3A_537 = scf.for %while3A_1174 = %while3A_533 to %while3A_529 step %while3A_536 iter_args(%while3A_1175 = %while3A_535) -> (vector<16xi32>)  : i32 {
      %mul3A_1176 = arith.constant 16 : i32
      %mul3A_1177 = arith.muli %while3A_1174, %mul3A_1176 : i32
      %add3A_1178 = arith.addi %squeeze3A_464, %mul3A_1177 : i32
      %get3A_1179 = arith.index_cast %add3A_1178 : i32 to index
      %get3A_1180 = tpu.vector_load %arg7[%get3A_1179] {strides = array<i32>} : memref<10016xi32, #tpu.memory_space<vmem>>, vector<16xi32>,
      %bitcast3A = vector.bitcast %get3A_1180 : vector<16xi32> to vector<16xi32>
      %iota3A_1181 = tpu.iota {dimensions = array<i32: 0>} : vector<16xi32>
      %mul3A_1182 = arith.constant 16 : i32
      %mul3A_1183 = arith.muli %while3A_1174, %mul3A_1182 : i32
      %sub3A_1184 = arith.subi %squeeze3A_460, %mul3A_1183 : i32
      %lt3A_1185 = vector.broadcast %sub3A_1184 : i32 to vector<16xi32>
      %lt3A_1186 = arith.cmpi slt, %iota3A_1181, %lt3A_1185 : vector<16xi32>
      %gt3A = arith.cmpi ugt, %bitcast3A, %broadcast_in_dim3A_524 : vector<16xi32>
      %and3A_1187 = arith.andi %lt3A_1186, %gt3A : vector<16xi1>
      %jit3A_1188 = arith.constant 1 : i32
      %jit3A_1189 = arith.constant 0 : i32
      %broadcast_in_dim3A_1190 = vector.broadcast %jit3A_1188 : i32 to vector<16xi32>
      %broadcast_in_dim3A_1191 = vector.broadcast %jit3A_1189 : i32 to vector<16xi32>
      %select_n3A_1192 = arith.select %and3A_1187, %broadcast_in_dim3A_1190, %broadcast_in_dim3A_1191 : vector<16xi1>, vector<16xi32>
      %add3A_1193 = arith.addi %while3A_1175, %select_n3A_1192 : vector<16xi32>
      scf.yield %add3A_1193 : vector<16xi32>
    }
    %reduce_sum3A_538 = arith.constant true
    %reduce_sum3A_539 = vector.broadcast %reduce_sum3A_538 : i1 to vector<16xi1>
    %reduce_sum3A_540 = tpu.scan <sum>, %while3A_537 masked %reduce_sum3A_539 : vector<16xi32>, vector<16xi1> -> vector<16xi32>
    %reduce_sum3A_541 = vector.extract %reduce_sum3A_540[15] : i32 from vector<16xi32>
    %sub3A_542 = arith.subi %select_n3A_490, %reduce_sum3A_541 : i32
    %while3A_543 = arith.constant 0 : i32
    %while3A_544 = arith.constant 0 : i32
    %while3A_545 = arith.constant 0 : i32
    %while3A_546 = arith.subi %select_n3A_516, %while3A_543 : i32
    %while3A_547 = arith.addi %while3A_543, %while3A_546 : i32
    %while3A_548 = arith.constant 1 : i32
    %while3A_549 = arith.divsi %while3A_546, %while3A_548 : i32
    %while3A_550 = arith.muli %while3A_549, %while3A_548 : i32
    %while3A_551 = arith.addi %while3A_543, %while3A_550 : i32
    %while3A_552 = arith.constant 1 : i32
    %while3A_553:2 = scf.for %while3A_1174 = %while3A_543 to %while3A_551 step %while3A_552 iter_args(%while3A_1175 = %while3A_544, %while3A_1176 = %while3A_545) -> (i32, i32)  : i32 {
      %mul3A_1177 = arith.constant 16 : i32
      %mul3A_1178 = arith.muli %while3A_1174, %mul3A_1177 : i32
      %add3A_1179 = arith.addi %squeeze3A_464, %mul3A_1178 : i32
      %get3A_1180 = arith.index_cast %add3A_1179 : i32 to index
      %get3A_1181 = tpu.vector_load %arg7[%get3A_1180] {strides = array<i32>} : memref<10016xi32, #tpu.memory_space<vmem>>, vector<16xi32>,
      %bitcast3A = vector.bitcast %get3A_1181 : vector<16xi32> to vector<16xi32>
      %iota3A_1182 = tpu.iota {dimensions = array<i32: 0>} : vector<16xi32>
      %mul3A_1183 = arith.constant 16 : i32
      %mul3A_1184 = arith.muli %while3A_1174, %mul3A_1183 : i32
      %sub3A_1185 = arith.subi %squeeze3A_460, %mul3A_1184 : i32
      %lt3A_1186 = vector.broadcast %sub3A_1185 : i32 to vector<16xi32>
      %lt3A_1187 = arith.cmpi slt, %iota3A_1182, %lt3A_1186 : vector<16xi32>
      %gt3A = arith.cmpi ugt, %bitcast3A, %broadcast_in_dim3A_524 : vector<16xi32>
      %and3A_1188 = arith.andi %lt3A_1187, %gt3A : vector<16xi1>
      %eq3A_1189 = arith.cmpi eq, %bitcast3A, %broadcast_in_dim3A_524 : vector<16xi32>
      %and3A_1190 = arith.andi %lt3A_1187, %eq3A_1189 : vector<16xi1>
      %jit3A_1191 = arith.constant 1 : i32
      %jit3A_1192 = arith.constant 0 : i32
      %broadcast_in_dim3A_1193 = vector.broadcast %jit3A_1191 : i32 to vector<16xi32>
      %broadcast_in_dim3A_1194 = vector.broadcast %jit3A_1192 : i32 to vector<16xi32>
      %select_n3A_1195 = arith.select %and3A_1190, %broadcast_in_dim3A_1193, %broadcast_in_dim3A_1194 : vector<16xi1>, vector<16xi32>
      %broadcast_in_dim3A_1196 = arith.constant true
      %broadcast_in_dim3A_1197 = vector.broadcast %broadcast_in_dim3A_1196 : i1 to vector<16xi1>
      %masked_cumsum3A = tpu.scan <sum>, %select_n3A_1195 masked %broadcast_in_dim3A_1197 : vector<16xi32>, vector<16xi1> -> vector<16xi32>
      %add3A_1198 = vector.broadcast %while3A_1176 : i32 to vector<16xi32>
      %add3A_1199 = arith.addi %masked_cumsum3A, %add3A_1198 : vector<16xi32>
      %le3A = vector.broadcast %sub3A_542 : i32 to vector<16xi32>
      %le3A_1200 = arith.cmpi sle, %add3A_1199, %le3A : vector<16xi32>
      %and3A_1201 = arith.andi %and3A_1190, %le3A_1200 : vector<16xi1>
      %or3A = arith.ori %and3A_1188, %and3A_1201 : vector<16xi1>
      %iota3A_1202 = tpu.iota {dimensions = array<i32: 0>} : vector<16xi32>
      %add3A_1203 = vector.broadcast %add3A_1179 : i32 to vector<16xi32>
      %add3A_1204 = arith.addi %add3A_1203, %iota3A_1202 : vector<16xi32>
      %add3A_1205 = arith.constant 5168 : i32
      %add3A_1206 = arith.addi %add3A_1205, %while3A_1175 : i32
      %swap3A_1207 = arith.index_cast %add3A_1206 : i32 to index
      %swap3A_1208 = tpu.vector_load %arg10[%swap3A_1207] masked %or3A {strides = array<i32>} : memref<10336xi32, #tpu.memory_space<vmem>>, vector<16xi32>, vector<16xi1>
      tpu.vector_store %arg10[%swap3A_1207], %add3A_1204 masked %or3A {strides = array<i32>} : memref<10336xi32, #tpu.memory_space<vmem>>, vector<16xi32>, vector<16xi1>
      %jit3A_1209 = arith.constant 1 : i32
      %jit3A_1210 = arith.constant 0 : i32
      %broadcast_in_dim3A_1211 = vector.broadcast %jit3A_1209 : i32 to vector<16xi32>
      %broadcast_in_dim3A_1212 = vector.broadcast %jit3A_1210 : i32 to vector<16xi32>
      %select_n3A_1213 = arith.select %or3A, %broadcast_in_dim3A_1211, %broadcast_in_dim3A_1212 : vector<16xi1>, vector<16xi32>
      %reduce_sum3A_1214 = arith.constant true
      %reduce_sum3A_1215 = vector.broadcast %reduce_sum3A_1214 : i1 to vector<16xi1>
      %reduce_sum3A_1216 = tpu.scan <sum>, %select_n3A_1213 masked %reduce_sum3A_1215 : vector<16xi32>, vector<16xi1> -> vector<16xi32>
      %reduce_sum3A_1217 = vector.extract %reduce_sum3A_1216[15] : i32 from vector<16xi32>
      %add3A_1218 = arith.addi %while3A_1175, %reduce_sum3A_1217 : i32
      %jit3A_1219 = arith.constant 1 : i32
      %jit3A_1220 = arith.constant 0 : i32
      %broadcast_in_dim3A_1221 = vector.broadcast %jit3A_1219 : i32 to vector<16xi32>
      %broadcast_in_dim3A_1222 = vector.broadcast %jit3A_1220 : i32 to vector<16xi32>
      %select_n3A_1223 = arith.select %and3A_1190, %broadcast_in_dim3A_1221, %broadcast_in_dim3A_1222 : vector<16xi1>, vector<16xi32>
      %reduce_sum3A_1224 = arith.constant true
      %reduce_sum3A_1225 = vector.broadcast %reduce_sum3A_1224 : i1 to vector<16xi1>
      %reduce_sum3A_1226 = tpu.scan <sum>, %select_n3A_1223 masked %reduce_sum3A_1225 : vector<16xi32>, vector<16xi1> -> vector<16xi32>
      %reduce_sum3A_1227 = vector.extract %reduce_sum3A_1226[15] : i32 from vector<16xi32>
      %add3A_1228 = arith.addi %while3A_1176, %reduce_sum3A_1227 : i32
      scf.yield %add3A_1218, %add3A_1228 : i32, i32
    }
    %while3A_554 = arith.constant 1 : i32
    %while3A_555:2 = scf.for %while3A_1174 = %while3A_551 to %while3A_547 step %while3A_554 iter_args(%while3A_1175 = %while3A_553#0, %while3A_1176 = %while3A_553#1) -> (i32, i32)  : i32 {
      %mul3A_1177 = arith.constant 16 : i32
      %mul3A_1178 = arith.muli %while3A_1174, %mul3A_1177 : i32
      %add3A_1179 = arith.addi %squeeze3A_464, %mul3A_1178 : i32
      %get3A_1180 = arith.index_cast %add3A_1179 : i32 to index
      %get3A_1181 = tpu.vector_load %arg7[%get3A_1180] {strides = array<i32>} : memref<10016xi32, #tpu.memory_space<vmem>>, vector<16xi32>,
      %bitcast3A = vector.bitcast %get3A_1181 : vector<16xi32> to vector<16xi32>
      %iota3A_1182 = tpu.iota {dimensions = array<i32: 0>} : vector<16xi32>
      %mul3A_1183 = arith.constant 16 : i32
      %mul3A_1184 = arith.muli %while3A_1174, %mul3A_1183 : i32
      %sub3A_1185 = arith.subi %squeeze3A_460, %mul3A_1184 : i32
      %lt3A_1186 = vector.broadcast %sub3A_1185 : i32 to vector<16xi32>
      %lt3A_1187 = arith.cmpi slt, %iota3A_1182, %lt3A_1186 : vector<16xi32>
      %gt3A = arith.cmpi ugt, %bitcast3A, %broadcast_in_dim3A_524 : vector<16xi32>
      %and3A_1188 = arith.andi %lt3A_1187, %gt3A : vector<16xi1>
      %eq3A_1189 = arith.cmpi eq, %bitcast3A, %broadcast_in_dim3A_524 : vector<16xi32>
      %and3A_1190 = arith.andi %lt3A_1187, %eq3A_1189 : vector<16xi1>
      %jit3A_1191 = arith.constant 1 : i32
      %jit3A_1192 = arith.constant 0 : i32
      %broadcast_in_dim3A_1193 = vector.broadcast %jit3A_1191 : i32 to vector<16xi32>
      %broadcast_in_dim3A_1194 = vector.broadcast %jit3A_1192 : i32 to vector<16xi32>
      %select_n3A_1195 = arith.select %and3A_1190, %broadcast_in_dim3A_1193, %broadcast_in_dim3A_1194 : vector<16xi1>, vector<16xi32>
      %broadcast_in_dim3A_1196 = arith.constant true
      %broadcast_in_dim3A_1197 = vector.broadcast %broadcast_in_dim3A_1196 : i1 to vector<16xi1>
      %masked_cumsum3A = tpu.scan <sum>, %select_n3A_1195 masked %broadcast_in_dim3A_1197 : vector<16xi32>, vector<16xi1> -> vector<16xi32>
      %add3A_1198 = vector.broadcast %while3A_1176 : i32 to vector<16xi32>
      %add3A_1199 = arith.addi %masked_cumsum3A, %add3A_1198 : vector<16xi32>
      %le3A = vector.broadcast %sub3A_542 : i32 to vector<16xi32>
      %le3A_1200 = arith.cmpi sle, %add3A_1199, %le3A : vector<16xi32>
      %and3A_1201 = arith.andi %and3A_1190, %le3A_1200 : vector<16xi1>
      %or3A = arith.ori %and3A_1188, %and3A_1201 : vector<16xi1>
      %iota3A_1202 = tpu.iota {dimensions = array<i32: 0>} : vector<16xi32>
      %add3A_1203 = vector.broadcast %add3A_1179 : i32 to vector<16xi32>
      %add3A_1204 = arith.addi %add3A_1203, %iota3A_1202 : vector<16xi32>
      %add3A_1205 = arith.constant 5168 : i32
      %add3A_1206 = arith.addi %add3A_1205, %while3A_1175 : i32
      %swap3A_1207 = arith.index_cast %add3A_1206 : i32 to index
      %swap3A_1208 = tpu.vector_load %arg10[%swap3A_1207] masked %or3A {strides = array<i32>} : memref<10336xi32, #tpu.memory_space<vmem>>, vector<16xi32>, vector<16xi1>
      tpu.vector_store %arg10[%swap3A_1207], %add3A_1204 masked %or3A {strides = array<i32>} : memref<10336xi32, #tpu.memory_space<vmem>>, vector<16xi32>, vector<16xi1>
      %jit3A_1209 = arith.constant 1 : i32
      %jit3A_1210 = arith.constant 0 : i32
      %broadcast_in_dim3A_1211 = vector.broadcast %jit3A_1209 : i32 to vector<16xi32>
      %broadcast_in_dim3A_1212 = vector.broadcast %jit3A_1210 : i32 to vector<16xi32>
      %select_n3A_1213 = arith.select %or3A, %broadcast_in_dim3A_1211, %broadcast_in_dim3A_1212 : vector<16xi1>, vector<16xi32>
      %reduce_sum3A_1214 = arith.constant true
      %reduce_sum3A_1215 = vector.broadcast %reduce_sum3A_1214 : i1 to vector<16xi1>
      %reduce_sum3A_1216 = tpu.scan <sum>, %select_n3A_1213 masked %reduce_sum3A_1215 : vector<16xi32>, vector<16xi1> -> vector<16xi32>
      %reduce_sum3A_1217 = vector.extract %reduce_sum3A_1216[15] : i32 from vector<16xi32>
      %add3A_1218 = arith.addi %while3A_1175, %reduce_sum3A_1217 : i32
      %jit3A_1219 = arith.constant 1 : i32
      %jit3A_1220 = arith.constant 0 : i32
      %broadcast_in_dim3A_1221 = vector.broadcast %jit3A_1219 : i32 to vector<16xi32>
      %broadcast_in_dim3A_1222 = vector.broadcast %jit3A_1220 : i32 to vector<16xi32>
      %select_n3A_1223 = arith.select %and3A_1190, %broadcast_in_dim3A_1221, %broadcast_in_dim3A_1222 : vector<16xi1>, vector<16xi32>
      %reduce_sum3A_1224 = arith.constant true
      %reduce_sum3A_1225 = vector.broadcast %reduce_sum3A_1224 : i1 to vector<16xi1>
      %reduce_sum3A_1226 = tpu.scan <sum>, %select_n3A_1223 masked %reduce_sum3A_1225 : vector<16xi32>, vector<16xi1> -> vector<16xi32>
      %reduce_sum3A_1227 = vector.extract %reduce_sum3A_1226[15] : i32 from vector<16xi32>
      %add3A_1228 = arith.addi %while3A_1176, %reduce_sum3A_1227 : i32
      scf.yield %add3A_1218, %add3A_1228 : i32, i32
    }
    %jit3A_556 = arith.constant 16 : i32
    %div3A_557 = arith.divsi %select_n3A_490, %jit3A_556 : i32
    %sign3A_558 = arith.constant 0 : i32
    %sign3A_559 = arith.cmpi sgt, %select_n3A_490, %sign3A_558 : i32
    %sign3A_560 = arith.extui %sign3A_559 : i1 to i32
    %sign3A_561 = arith.constant 0 : i32
    %sign3A_562 = arith.cmpi slt, %select_n3A_490, %sign3A_561 : i32
    %sign3A_563 = arith.extui %sign3A_562 : i1 to i32
    %sign3A_564 = arith.subi %sign3A_560, %sign3A_563 : i32
    %sign3A_565 = arith.constant 0 : i32
    %sign3A_566 = arith.cmpi sgt, %jit3A_556, %sign3A_565 : i32
    %sign3A_567 = arith.extui %sign3A_566 : i1 to i32
    %sign3A_568 = arith.constant 0 : i32
    %sign3A_569 = arith.cmpi slt, %jit3A_556, %sign3A_568 : i32
    %sign3A_570 = arith.extui %sign3A_569 : i1 to i32
    %sign3A_571 = arith.subi %sign3A_567, %sign3A_570 : i32
    %ne3A_572 = arith.cmpi ne, %sign3A_564, %sign3A_571 : i32
    %rem3A_573 = arith.remsi %select_n3A_490, %jit3A_556 : i32
    %ne3A_574 = arith.constant 0 : i32
    %ne3A_575 = arith.cmpi ne, %rem3A_573, %ne3A_574 : i32
    %and3A_576 = arith.andi %ne3A_572, %ne3A_575 : i1
    %sub3A_577 = arith.constant 1 : i32
    %sub3A_578 = arith.subi %div3A_557, %sub3A_577 : i32
    %select_n3A_579 = arith.select %and3A_576, %sub3A_578, %div3A_557 : i32
    %mul3A_580 = arith.constant 16 : i32
    %mul3A_581 = arith.muli %select_n3A_579, %mul3A_580 : i32
    %add3A_582 = arith.constant 5168 : i32
    %add3A_583 = arith.addi %add3A_582, %mul3A_581 : i32
    %add3A_584 = arith.constant 0 : i32
    %add3A_585 = arith.addi %add3A_583, %add3A_584 : i32
    %add3A_586 = arith.constant 0 : i32
    %add3A_587 = arith.addi %mul3A_581, %add3A_586 : i32
    %iota3A_588 = tpu.iota {dimensions = array<i32: 0>} : vector<16xi32>
    %add3A_589 = vector.broadcast %add3A_587 : i32 to vector<16xi32>
    %add3A_590 = arith.addi %add3A_589, %iota3A_588 : vector<16xi32>
    %mul3A_591 = arith.constant 311 : i32
    %mul3A_592 = arith.muli %add3A_456, %mul3A_591 : i32
    %mul3A_593 = arith.constant 7 : i32
    %mul3A_594 = vector.broadcast %mul3A_593 : i32 to vector<16xi32>
    %mul3A_595 = arith.muli %add3A_590, %mul3A_594 : vector<16xi32>
    %add3A_596 = vector.broadcast %mul3A_592 : i32 to vector<16xi32>
    %add3A_597 = arith.addi %add3A_596, %mul3A_595 : vector<16xi32>
    %jit3A_598 = arith.constant 10000 : i32
    %eq3A_599 = arith.constant 0 : i32
    %eq3A_600 = arith.cmpi eq, %jit3A_598, %eq3A_599 : i32
    %jit3A_601 = arith.constant 1 : i32
    %select_n3A_602 = arith.select %eq3A_600, %jit3A_601, %jit3A_598 : i32
    %rem3A_603 = vector.broadcast %select_n3A_602 : i32 to vector<16xi32>
    %rem3A_604 = arith.remsi %add3A_597, %rem3A_603 : vector<16xi32>
    %ne3A_605 = arith.constant 0 : i32
    %ne3A_606 = vector.broadcast %ne3A_605 : i32 to vector<16xi32>
    %ne3A_607 = arith.cmpi ne, %rem3A_604, %ne3A_606 : vector<16xi32>
    %lt3A_608 = arith.constant 0 : i32
    %lt3A_609 = vector.broadcast %lt3A_608 : i32 to vector<16xi32>
    %lt3A_610 = arith.cmpi slt, %rem3A_604, %lt3A_609 : vector<16xi32>
    %lt3A_611 = arith.constant 0 : i32
    %lt3A_612 = arith.cmpi slt, %select_n3A_602, %lt3A_611 : i32
    %ne3A_613 = vector.broadcast %lt3A_612 : i1 to vector<16xi1>
    %ne3A_614 = vector.broadcast %ne3A_613 : vector<16xi1> to vector<16xi1>
    %ne3A_615 = arith.xori %lt3A_610, %ne3A_614 : vector<16xi1>
    %and3A_616 = arith.andi %ne3A_615, %ne3A_607 : vector<16xi1>
    %add3A_617 = vector.broadcast %select_n3A_602 : i32 to vector<16xi32>
    %add3A_618 = arith.addi %rem3A_604, %add3A_617 : vector<16xi32>
    %select_n3A_619 = arith.select %and3A_616, %add3A_618, %rem3A_604 : vector<16xi1>, vector<16xi32>
    %get3A_620 = arith.index_cast %add3A_585 : i32 to index
    %get3A_621 = tpu.vector_load %arg10[%get3A_620] {strides = array<i32>} : memref<10336xi32, #tpu.memory_space<vmem>>, vector<16xi32>,
    %ge3A_622 = vector.broadcast %select_n3A_490 : i32 to vector<16xi32>
    %ge3A_623 = arith.cmpi sge, %add3A_590, %ge3A_622 : vector<16xi32>
    %select_n3A_624 = arith.select %ge3A_623, %select_n3A_619, %get3A_621 : vector<16xi1>, vector<16xi32>
    %swap3A_625 = arith.index_cast %add3A_585 : i32 to index
    %swap3A_626 = tpu.vector_load %arg10[%swap3A_625] {strides = array<i32>} : memref<10336xi32, #tpu.memory_space<vmem>>, vector<16xi32>,
    tpu.vector_store %arg10[%swap3A_625], %select_n3A_624 {strides = array<i32>} : memref<10336xi32, #tpu.memory_space<vmem>>, vector<16xi32>,
    %add3A_627 = arith.constant 5168 : i32
    %add3A_628 = arith.addi %add3A_627, %mul3A_581 : i32
    %add3A_629 = arith.constant 16 : i32
    %add3A_630 = arith.addi %add3A_628, %add3A_629 : i32
    %add3A_631 = arith.constant 16 : i32
    %add3A_632 = arith.addi %mul3A_581, %add3A_631 : i32
    %iota3A_633 = tpu.iota {dimensions = array<i32: 0>} : vector<16xi32>
    %add3A_634 = vector.broadcast %add3A_632 : i32 to vector<16xi32>
    %add3A_635 = arith.addi %add3A_634, %iota3A_633 : vector<16xi32>
    %mul3A_636 = arith.constant 311 : i32
    %mul3A_637 = arith.muli %add3A_456, %mul3A_636 : i32
    %mul3A_638 = arith.constant 7 : i32
    %mul3A_639 = vector.broadcast %mul3A_638 : i32 to vector<16xi32>
    %mul3A_640 = arith.muli %add3A_635, %mul3A_639 : vector<16xi32>
    %add3A_641 = vector.broadcast %mul3A_637 : i32 to vector<16xi32>
    %add3A_642 = arith.addi %add3A_641, %mul3A_640 : vector<16xi32>
    %jit3A_643 = arith.constant 10000 : i32
    %eq3A_644 = arith.constant 0 : i32
    %eq3A_645 = arith.cmpi eq, %jit3A_643, %eq3A_644 : i32
    %jit3A_646 = arith.constant 1 : i32
    %select_n3A_647 = arith.select %eq3A_645, %jit3A_646, %jit3A_643 : i32
    %rem3A_648 = vector.broadcast %select_n3A_647 : i32 to vector<16xi32>
    %rem3A_649 = arith.remsi %add3A_642, %rem3A_648 : vector<16xi32>
    %ne3A_650 = arith.constant 0 : i32
    %ne3A_651 = vector.broadcast %ne3A_650 : i32 to vector<16xi32>
    %ne3A_652 = arith.cmpi ne, %rem3A_649, %ne3A_651 : vector<16xi32>
    %lt3A_653 = arith.constant 0 : i32
    %lt3A_654 = vector.broadcast %lt3A_653 : i32 to vector<16xi32>
    %lt3A_655 = arith.cmpi slt, %rem3A_649, %lt3A_654 : vector<16xi32>
    %lt3A_656 = arith.constant 0 : i32
    %lt3A_657 = arith.cmpi slt, %select_n3A_647, %lt3A_656 : i32
    %ne3A_658 = vector.broadcast %lt3A_657 : i1 to vector<16xi1>
    %ne3A_659 = vector.broadcast %ne3A_658 : vector<16xi1> to vector<16xi1>
    %ne3A_660 = arith.xori %lt3A_655, %ne3A_659 : vector<16xi1>
    %and3A_661 = arith.andi %ne3A_660, %ne3A_652 : vector<16xi1>
    %add3A_662 = vector.broadcast %select_n3A_647 : i32 to vector<16xi32>
    %add3A_663 = arith.addi %rem3A_649, %add3A_662 : vector<16xi32>
    %select_n3A_664 = arith.select %and3A_661, %add3A_663, %rem3A_649 : vector<16xi1>, vector<16xi32>
    %get3A_665 = arith.index_cast %add3A_630 : i32 to index
    %get3A_666 = tpu.vector_load %arg10[%get3A_665] {strides = array<i32>} : memref<10336xi32, #tpu.memory_space<vmem>>, vector<16xi32>,
    %ge3A_667 = vector.broadcast %select_n3A_490 : i32 to vector<16xi32>
    %ge3A_668 = arith.cmpi sge, %add3A_635, %ge3A_667 : vector<16xi32>
    %select_n3A_669 = arith.select %ge3A_668, %select_n3A_664, %get3A_666 : vector<16xi1>, vector<16xi32>
    %swap3A_670 = arith.index_cast %add3A_630 : i32 to index
    %swap3A_671 = tpu.vector_load %arg10[%swap3A_670] {strides = array<i32>} : memref<10336xi32, #tpu.memory_space<vmem>>, vector<16xi32>,
    tpu.vector_store %arg10[%swap3A_670], %select_n3A_669 {strides = array<i32>} : memref<10336xi32, #tpu.memory_space<vmem>>, vector<16xi32>,
    %add3A_672 = arith.constant 5168 : i32
    %add3A_673 = arith.addi %add3A_672, %mul3A_581 : i32
    %add3A_674 = arith.constant 32 : i32
    %add3A_675 = arith.addi %add3A_673, %add3A_674 : i32
    %add3A_676 = arith.constant 32 : i32
    %add3A_677 = arith.addi %mul3A_581, %add3A_676 : i32
    %iota3A_678 = tpu.iota {dimensions = array<i32: 0>} : vector<16xi32>
    %add3A_679 = vector.broadcast %add3A_677 : i32 to vector<16xi32>
    %add3A_680 = arith.addi %add3A_679, %iota3A_678 : vector<16xi32>
    %mul3A_681 = arith.constant 311 : i32
    %mul3A_682 = arith.muli %add3A_456, %mul3A_681 : i32
    %mul3A_683 = arith.constant 7 : i32
    %mul3A_684 = vector.broadcast %mul3A_683 : i32 to vector<16xi32>
    %mul3A_685 = arith.muli %add3A_680, %mul3A_684 : vector<16xi32>
    %add3A_686 = vector.broadcast %mul3A_682 : i32 to vector<16xi32>
    %add3A_687 = arith.addi %add3A_686, %mul3A_685 : vector<16xi32>
    %jit3A_688 = arith.constant 10000 : i32
    %eq3A_689 = arith.constant 0 : i32
    %eq3A_690 = arith.cmpi eq, %jit3A_688, %eq3A_689 : i32
    %jit3A_691 = arith.constant 1 : i32
    %select_n3A_692 = arith.select %eq3A_690, %jit3A_691, %jit3A_688 : i32
    %rem3A_693 = vector.broadcast %select_n3A_692 : i32 to vector<16xi32>
    %rem3A_694 = arith.remsi %add3A_687, %rem3A_693 : vector<16xi32>
    %ne3A_695 = arith.constant 0 : i32
    %ne3A_696 = vector.broadcast %ne3A_695 : i32 to vector<16xi32>
    %ne3A_697 = arith.cmpi ne, %rem3A_694, %ne3A_696 : vector<16xi32>
    %lt3A_698 = arith.constant 0 : i32
    %lt3A_699 = vector.broadcast %lt3A_698 : i32 to vector<16xi32>
    %lt3A_700 = arith.cmpi slt, %rem3A_694, %lt3A_699 : vector<16xi32>
    %lt3A_701 = arith.constant 0 : i32
    %lt3A_702 = arith.cmpi slt, %select_n3A_692, %lt3A_701 : i32
    %ne3A_703 = vector.broadcast %lt3A_702 : i1 to vector<16xi1>
    %ne3A_704 = vector.broadcast %ne3A_703 : vector<16xi1> to vector<16xi1>
    %ne3A_705 = arith.xori %lt3A_700, %ne3A_704 : vector<16xi1>
    %and3A_706 = arith.andi %ne3A_705, %ne3A_697 : vector<16xi1>
    %add3A_707 = vector.broadcast %select_n3A_692 : i32 to vector<16xi32>
    %add3A_708 = arith.addi %rem3A_694, %add3A_707 : vector<16xi32>
    %select_n3A_709 = arith.select %and3A_706, %add3A_708, %rem3A_694 : vector<16xi1>, vector<16xi32>
    %get3A_710 = arith.index_cast %add3A_675 : i32 to index
    %get3A_711 = tpu.vector_load %arg10[%get3A_710] {strides = array<i32>} : memref<10336xi32, #tpu.memory_space<vmem>>, vector<16xi32>,
    %ge3A_712 = vector.broadcast %select_n3A_490 : i32 to vector<16xi32>
    %ge3A_713 = arith.cmpi sge, %add3A_680, %ge3A_712 : vector<16xi32>
    %select_n3A_714 = arith.select %ge3A_713, %select_n3A_709, %get3A_711 : vector<16xi1>, vector<16xi32>
    %swap3A_715 = arith.index_cast %add3A_675 : i32 to index
    %swap3A_716 = tpu.vector_load %arg10[%swap3A_715] {strides = array<i32>} : memref<10336xi32, #tpu.memory_space<vmem>>, vector<16xi32>,
    tpu.vector_store %arg10[%swap3A_715], %select_n3A_714 {strides = array<i32>} : memref<10336xi32, #tpu.memory_space<vmem>>, vector<16xi32>,
    %add3A_717 = arith.constant 5168 : i32
    %add3A_718 = arith.addi %add3A_717, %mul3A_581 : i32
    %add3A_719 = arith.constant 48 : i32
    %add3A_720 = arith.addi %add3A_718, %add3A_719 : i32
    %add3A_721 = arith.constant 48 : i32
    %add3A_722 = arith.addi %mul3A_581, %add3A_721 : i32
    %iota3A_723 = tpu.iota {dimensions = array<i32: 0>} : vector<16xi32>
    %add3A_724 = vector.broadcast %add3A_722 : i32 to vector<16xi32>
    %add3A_725 = arith.addi %add3A_724, %iota3A_723 : vector<16xi32>
    %mul3A_726 = arith.constant 311 : i32
    %mul3A_727 = arith.muli %add3A_456, %mul3A_726 : i32
    %mul3A_728 = arith.constant 7 : i32
    %mul3A_729 = vector.broadcast %mul3A_728 : i32 to vector<16xi32>
    %mul3A_730 = arith.muli %add3A_725, %mul3A_729 : vector<16xi32>
    %add3A_731 = vector.broadcast %mul3A_727 : i32 to vector<16xi32>
    %add3A_732 = arith.addi %add3A_731, %mul3A_730 : vector<16xi32>
    %jit3A_733 = arith.constant 10000 : i32
    %eq3A_734 = arith.constant 0 : i32
    %eq3A_735 = arith.cmpi eq, %jit3A_733, %eq3A_734 : i32
    %jit3A_736 = arith.constant 1 : i32
    %select_n3A_737 = arith.select %eq3A_735, %jit3A_736, %jit3A_733 : i32
    %rem3A_738 = vector.broadcast %select_n3A_737 : i32 to vector<16xi32>
    %rem3A_739 = arith.remsi %add3A_732, %rem3A_738 : vector<16xi32>
    %ne3A_740 = arith.constant 0 : i32
    %ne3A_741 = vector.broadcast %ne3A_740 : i32 to vector<16xi32>
    %ne3A_742 = arith.cmpi ne, %rem3A_739, %ne3A_741 : vector<16xi32>
    %lt3A_743 = arith.constant 0 : i32
    %lt3A_744 = vector.broadcast %lt3A_743 : i32 to vector<16xi32>
    %lt3A_745 = arith.cmpi slt, %rem3A_739, %lt3A_744 : vector<16xi32>
    %lt3A_746 = arith.constant 0 : i32
    %lt3A_747 = arith.cmpi slt, %select_n3A_737, %lt3A_746 : i32
    %ne3A_748 = vector.broadcast %lt3A_747 : i1 to vector<16xi1>
    %ne3A_749 = vector.broadcast %ne3A_748 : vector<16xi1> to vector<16xi1>
    %ne3A_750 = arith.xori %lt3A_745, %ne3A_749 : vector<16xi1>
    %and3A_751 = arith.andi %ne3A_750, %ne3A_742 : vector<16xi1>
    %add3A_752 = vector.broadcast %select_n3A_737 : i32 to vector<16xi32>
    %add3A_753 = arith.addi %rem3A_739, %add3A_752 : vector<16xi32>
    %select_n3A_754 = arith.select %and3A_751, %add3A_753, %rem3A_739 : vector<16xi1>, vector<16xi32>
    %get3A_755 = arith.index_cast %add3A_720 : i32 to index
    %get3A_756 = tpu.vector_load %arg10[%get3A_755] {strides = array<i32>} : memref<10336xi32, #tpu.memory_space<vmem>>, vector<16xi32>,
    %ge3A_757 = vector.broadcast %select_n3A_490 : i32 to vector<16xi32>
    %ge3A_758 = arith.cmpi sge, %add3A_725, %ge3A_757 : vector<16xi32>
    %select_n3A_759 = arith.select %ge3A_758, %select_n3A_754, %get3A_756 : vector<16xi1>, vector<16xi32>
    %swap3A_760 = arith.index_cast %add3A_720 : i32 to index
    %swap3A_761 = tpu.vector_load %arg10[%swap3A_760] {strides = array<i32>} : memref<10336xi32, #tpu.memory_space<vmem>>, vector<16xi32>,
    tpu.vector_store %arg10[%swap3A_760], %select_n3A_759 {strides = array<i32>} : memref<10336xi32, #tpu.memory_space<vmem>>, vector<16xi32>,
    %add3A_762 = arith.constant 5168 : i32
    %add3A_763 = arith.addi %add3A_762, %mul3A_581 : i32
    %add3A_764 = arith.constant 64 : i32
    %add3A_765 = arith.addi %add3A_763, %add3A_764 : i32
    %add3A_766 = arith.constant 64 : i32
    %add3A_767 = arith.addi %mul3A_581, %add3A_766 : i32
    %iota3A_768 = tpu.iota {dimensions = array<i32: 0>} : vector<16xi32>
    %add3A_769 = vector.broadcast %add3A_767 : i32 to vector<16xi32>
    %add3A_770 = arith.addi %add3A_769, %iota3A_768 : vector<16xi32>
    %mul3A_771 = arith.constant 311 : i32
    %mul3A_772 = arith.muli %add3A_456, %mul3A_771 : i32
    %mul3A_773 = arith.constant 7 : i32
    %mul3A_774 = vector.broadcast %mul3A_773 : i32 to vector<16xi32>
    %mul3A_775 = arith.muli %add3A_770, %mul3A_774 : vector<16xi32>
    %add3A_776 = vector.broadcast %mul3A_772 : i32 to vector<16xi32>
    %add3A_777 = arith.addi %add3A_776, %mul3A_775 : vector<16xi32>
    %jit3A_778 = arith.constant 10000 : i32
    %eq3A_779 = arith.constant 0 : i32
    %eq3A_780 = arith.cmpi eq, %jit3A_778, %eq3A_779 : i32
    %jit3A_781 = arith.constant 1 : i32
    %select_n3A_782 = arith.select %eq3A_780, %jit3A_781, %jit3A_778 : i32
    %rem3A_783 = vector.broadcast %select_n3A_782 : i32 to vector<16xi32>
    %rem3A_784 = arith.remsi %add3A_777, %rem3A_783 : vector<16xi32>
    %ne3A_785 = arith.constant 0 : i32
    %ne3A_786 = vector.broadcast %ne3A_785 : i32 to vector<16xi32>
    %ne3A_787 = arith.cmpi ne, %rem3A_784, %ne3A_786 : vector<16xi32>
    %lt3A_788 = arith.constant 0 : i32
    %lt3A_789 = vector.broadcast %lt3A_788 : i32 to vector<16xi32>
    %lt3A_790 = arith.cmpi slt, %rem3A_784, %lt3A_789 : vector<16xi32>
    %lt3A_791 = arith.constant 0 : i32
    %lt3A_792 = arith.cmpi slt, %select_n3A_782, %lt3A_791 : i32
    %ne3A_793 = vector.broadcast %lt3A_792 : i1 to vector<16xi1>
    %ne3A_794 = vector.broadcast %ne3A_793 : vector<16xi1> to vector<16xi1>
    %ne3A_795 = arith.xori %lt3A_790, %ne3A_794 : vector<16xi1>
    %and3A_796 = arith.andi %ne3A_795, %ne3A_787 : vector<16xi1>
    %add3A_797 = vector.broadcast %select_n3A_782 : i32 to vector<16xi32>
    %add3A_798 = arith.addi %rem3A_784, %add3A_797 : vector<16xi32>
    %select_n3A_799 = arith.select %and3A_796, %add3A_798, %rem3A_784 : vector<16xi1>, vector<16xi32>
    %get3A_800 = arith.index_cast %add3A_765 : i32 to index
    %get3A_801 = tpu.vector_load %arg10[%get3A_800] {strides = array<i32>} : memref<10336xi32, #tpu.memory_space<vmem>>, vector<16xi32>,
    %ge3A_802 = vector.broadcast %select_n3A_490 : i32 to vector<16xi32>
    %ge3A_803 = arith.cmpi sge, %add3A_770, %ge3A_802 : vector<16xi32>
    %select_n3A_804 = arith.select %ge3A_803, %select_n3A_799, %get3A_801 : vector<16xi1>, vector<16xi32>
    %swap3A_805 = arith.index_cast %add3A_765 : i32 to index
    %swap3A_806 = tpu.vector_load %arg10[%swap3A_805] {strides = array<i32>} : memref<10336xi32, #tpu.memory_space<vmem>>, vector<16xi32>,
    tpu.vector_store %arg10[%swap3A_805], %select_n3A_804 {strides = array<i32>} : memref<10336xi32, #tpu.memory_space<vmem>>, vector<16xi32>,
    %add3A_807 = arith.constant 5168 : i32
    %add3A_808 = arith.addi %add3A_807, %mul3A_581 : i32
    %add3A_809 = arith.constant 80 : i32
    %add3A_810 = arith.addi %add3A_808, %add3A_809 : i32
    %add3A_811 = arith.constant 80 : i32
    %add3A_812 = arith.addi %mul3A_581, %add3A_811 : i32
    %iota3A_813 = tpu.iota {dimensions = array<i32: 0>} : vector<16xi32>
    %add3A_814 = vector.broadcast %add3A_812 : i32 to vector<16xi32>
    %add3A_815 = arith.addi %add3A_814, %iota3A_813 : vector<16xi32>
    %mul3A_816 = arith.constant 311 : i32
    %mul3A_817 = arith.muli %add3A_456, %mul3A_816 : i32
    %mul3A_818 = arith.constant 7 : i32
    %mul3A_819 = vector.broadcast %mul3A_818 : i32 to vector<16xi32>
    %mul3A_820 = arith.muli %add3A_815, %mul3A_819 : vector<16xi32>
    %add3A_821 = vector.broadcast %mul3A_817 : i32 to vector<16xi32>
    %add3A_822 = arith.addi %add3A_821, %mul3A_820 : vector<16xi32>
    %jit3A_823 = arith.constant 10000 : i32
    %eq3A_824 = arith.constant 0 : i32
    %eq3A_825 = arith.cmpi eq, %jit3A_823, %eq3A_824 : i32
    %jit3A_826 = arith.constant 1 : i32
    %select_n3A_827 = arith.select %eq3A_825, %jit3A_826, %jit3A_823 : i32
    %rem3A_828 = vector.broadcast %select_n3A_827 : i32 to vector<16xi32>
    %rem3A_829 = arith.remsi %add3A_822, %rem3A_828 : vector<16xi32>
    %ne3A_830 = arith.constant 0 : i32
    %ne3A_831 = vector.broadcast %ne3A_830 : i32 to vector<16xi32>
    %ne3A_832 = arith.cmpi ne, %rem3A_829, %ne3A_831 : vector<16xi32>
    %lt3A_833 = arith.constant 0 : i32
    %lt3A_834 = vector.broadcast %lt3A_833 : i32 to vector<16xi32>
    %lt3A_835 = arith.cmpi slt, %rem3A_829, %lt3A_834 : vector<16xi32>
    %lt3A_836 = arith.constant 0 : i32
    %lt3A_837 = arith.cmpi slt, %select_n3A_827, %lt3A_836 : i32
    %ne3A_838 = vector.broadcast %lt3A_837 : i1 to vector<16xi1>
    %ne3A_839 = vector.broadcast %ne3A_838 : vector<16xi1> to vector<16xi1>
    %ne3A_840 = arith.xori %lt3A_835, %ne3A_839 : vector<16xi1>
    %and3A_841 = arith.andi %ne3A_840, %ne3A_832 : vector<16xi1>
    %add3A_842 = vector.broadcast %select_n3A_827 : i32 to vector<16xi32>
    %add3A_843 = arith.addi %rem3A_829, %add3A_842 : vector<16xi32>
    %select_n3A_844 = arith.select %and3A_841, %add3A_843, %rem3A_829 : vector<16xi1>, vector<16xi32>
    %get3A_845 = arith.index_cast %add3A_810 : i32 to index
    %get3A_846 = tpu.vector_load %arg10[%get3A_845] {strides = array<i32>} : memref<10336xi32, #tpu.memory_space<vmem>>, vector<16xi32>,
    %ge3A_847 = vector.broadcast %select_n3A_490 : i32 to vector<16xi32>
    %ge3A_848 = arith.cmpi sge, %add3A_815, %ge3A_847 : vector<16xi32>
    %select_n3A_849 = arith.select %ge3A_848, %select_n3A_844, %get3A_846 : vector<16xi1>, vector<16xi32>
    %swap3A_850 = arith.index_cast %add3A_810 : i32 to index
    %swap3A_851 = tpu.vector_load %arg10[%swap3A_850] {strides = array<i32>} : memref<10336xi32, #tpu.memory_space<vmem>>, vector<16xi32>,
    tpu.vector_store %arg10[%swap3A_850], %select_n3A_849 {strides = array<i32>} : memref<10336xi32, #tpu.memory_space<vmem>>, vector<16xi32>,
    %add3A_852 = arith.constant 5168 : i32
    %add3A_853 = arith.addi %add3A_852, %mul3A_581 : i32
    %add3A_854 = arith.constant 96 : i32
    %add3A_855 = arith.addi %add3A_853, %add3A_854 : i32
    %add3A_856 = arith.constant 96 : i32
    %add3A_857 = arith.addi %mul3A_581, %add3A_856 : i32
    %iota3A_858 = tpu.iota {dimensions = array<i32: 0>} : vector<16xi32>
    %add3A_859 = vector.broadcast %add3A_857 : i32 to vector<16xi32>
    %add3A_860 = arith.addi %add3A_859, %iota3A_858 : vector<16xi32>
    %mul3A_861 = arith.constant 311 : i32
    %mul3A_862 = arith.muli %add3A_456, %mul3A_861 : i32
    %mul3A_863 = arith.constant 7 : i32
    %mul3A_864 = vector.broadcast %mul3A_863 : i32 to vector<16xi32>
    %mul3A_865 = arith.muli %add3A_860, %mul3A_864 : vector<16xi32>
    %add3A_866 = vector.broadcast %mul3A_862 : i32 to vector<16xi32>
    %add3A_867 = arith.addi %add3A_866, %mul3A_865 : vector<16xi32>
    %jit3A_868 = arith.constant 10000 : i32
    %eq3A_869 = arith.constant 0 : i32
    %eq3A_870 = arith.cmpi eq, %jit3A_868, %eq3A_869 : i32
    %jit3A_871 = arith.constant 1 : i32
    %select_n3A_872 = arith.select %eq3A_870, %jit3A_871, %jit3A_868 : i32
    %rem3A_873 = vector.broadcast %select_n3A_872 : i32 to vector<16xi32>
    %rem3A_874 = arith.remsi %add3A_867, %rem3A_873 : vector<16xi32>
    %ne3A_875 = arith.constant 0 : i32
    %ne3A_876 = vector.broadcast %ne3A_875 : i32 to vector<16xi32>
    %ne3A_877 = arith.cmpi ne, %rem3A_874, %ne3A_876 : vector<16xi32>
    %lt3A_878 = arith.constant 0 : i32
    %lt3A_879 = vector.broadcast %lt3A_878 : i32 to vector<16xi32>
    %lt3A_880 = arith.cmpi slt, %rem3A_874, %lt3A_879 : vector<16xi32>
    %lt3A_881 = arith.constant 0 : i32
    %lt3A_882 = arith.cmpi slt, %select_n3A_872, %lt3A_881 : i32
    %ne3A_883 = vector.broadcast %lt3A_882 : i1 to vector<16xi1>
    %ne3A_884 = vector.broadcast %ne3A_883 : vector<16xi1> to vector<16xi1>
    %ne3A_885 = arith.xori %lt3A_880, %ne3A_884 : vector<16xi1>
    %and3A_886 = arith.andi %ne3A_885, %ne3A_877 : vector<16xi1>
    %add3A_887 = vector.broadcast %select_n3A_872 : i32 to vector<16xi32>
    %add3A_888 = arith.addi %rem3A_874, %add3A_887 : vector<16xi32>
    %select_n3A_889 = arith.select %and3A_886, %add3A_888, %rem3A_874 : vector<16xi1>, vector<16xi32>
    %get3A_890 = arith.index_cast %add3A_855 : i32 to index
    %get3A_891 = tpu.vector_load %arg10[%get3A_890] {strides = array<i32>} : memref<10336xi32, #tpu.memory_space<vmem>>, vector<16xi32>,
    %ge3A_892 = vector.broadcast %select_n3A_490 : i32 to vector<16xi32>
    %ge3A_893 = arith.cmpi sge, %add3A_860, %ge3A_892 : vector<16xi32>
    %select_n3A_894 = arith.select %ge3A_893, %select_n3A_889, %get3A_891 : vector<16xi1>, vector<16xi32>
    %swap3A_895 = arith.index_cast %add3A_855 : i32 to index
    %swap3A_896 = tpu.vector_load %arg10[%swap3A_895] {strides = array<i32>} : memref<10336xi32, #tpu.memory_space<vmem>>, vector<16xi32>,
    tpu.vector_store %arg10[%swap3A_895], %select_n3A_894 {strides = array<i32>} : memref<10336xi32, #tpu.memory_space<vmem>>, vector<16xi32>,
    %add3A_897 = arith.constant 96 : i32
    %add3A_898 = arith.addi %select_n3A_490, %add3A_897 : i32
    %sub3A_899 = arith.constant 1 : i32
    %sub3A_900 = arith.subi %add3A_898, %sub3A_899 : i32
    %jit3A_901 = arith.constant 96 : i32
    %div3A_902 = arith.divsi %sub3A_900, %jit3A_901 : i32
    %sign3A_903 = arith.constant 0 : i32
    %sign3A_904 = arith.cmpi sgt, %sub3A_900, %sign3A_903 : i32
    %sign3A_905 = arith.extui %sign3A_904 : i1 to i32
    %sign3A_906 = arith.constant 0 : i32
    %sign3A_907 = arith.cmpi slt, %sub3A_900, %sign3A_906 : i32
    %sign3A_908 = arith.extui %sign3A_907 : i1 to i32
    %sign3A_909 = arith.subi %sign3A_905, %sign3A_908 : i32
    %sign3A_910 = arith.constant 0 : i32
    %sign3A_911 = arith.cmpi sgt, %jit3A_901, %sign3A_910 : i32
    %sign3A_912 = arith.extui %sign3A_911 : i1 to i32
    %sign3A_913 = arith.constant 0 : i32
    %sign3A_914 = arith.cmpi slt, %jit3A_901, %sign3A_913 : i32
    %sign3A_915 = arith.extui %sign3A_914 : i1 to i32
    %sign3A_916 = arith.subi %sign3A_912, %sign3A_915 : i32
    %ne3A_917 = arith.cmpi ne, %sign3A_909, %sign3A_916 : i32
    %rem3A_918 = arith.remsi %sub3A_900, %jit3A_901 : i32
    %ne3A_919 = arith.constant 0 : i32
    %ne3A_920 = arith.cmpi ne, %rem3A_918, %ne3A_919 : i32
    %and3A_921 = arith.andi %ne3A_917, %ne3A_920 : i1
    %sub3A_922 = arith.constant 1 : i32
    %sub3A_923 = arith.subi %div3A_902, %sub3A_922 : i32
    %select_n3A_924 = arith.select %and3A_921, %sub3A_923, %div3A_902 : i32
    %dma_start3A = arith.constant 0 : i32
    %dma_start3A_925 = tpu.memref_slice %arg10[%dma_start3A] : memref<10336xi32, #tpu.memory_space<vmem>> -> memref<96xi32, #tpu.memory_space<vmem>>
    %dma_start3A_926 = arith.constant 0 : i32
    %dma_start3A_927 = arith.constant 0 : i32
    %dma_start3A_928 = tpu.memref_slice %arg5[%dma_start3A_926, %dma_start3A_927] : memref<10000x128xi32, #tpu.memory_space<hbm>> -> memref<10000x128xi32, #tpu.memory_space<hbm>>
    tpu.enqueue_indirect_dma source(%dma_start3A_928 : memref<10000x128xi32, #tpu.memory_space<hbm>>) target(%arg11 : memref<96x128xi32, #tpu.memory_space<vmem>>) offsets(%dma_start3A_925 : memref<96xi32, #tpu.memory_space<vmem>>) semaphore(%arg14 : memref<!tpu.dma_semaphore, #tpu.memory_space<semaphore_mem>>)
    %dma_start3A_929 = arith.constant 5168 : i32
    %dma_start3A_930 = tpu.memref_slice %arg10[%dma_start3A_929] : memref<10336xi32, #tpu.memory_space<vmem>> -> memref<96xi32, #tpu.memory_space<vmem>>
    %dma_start3A_931 = arith.constant 0 : i32
    %dma_start3A_932 = arith.constant 0 : i32
    %dma_start3A_933 = tpu.memref_slice %arg5[%dma_start3A_931, %dma_start3A_932] : memref<10000x128xi32, #tpu.memory_space<hbm>> -> memref<10000x128xi32, #tpu.memory_space<hbm>>
    tpu.enqueue_indirect_dma source(%dma_start3A_933 : memref<10000x128xi32, #tpu.memory_space<hbm>>) target(%arg12 : memref<96x128xi32, #tpu.memory_space<vmem>>) offsets(%dma_start3A_930 : memref<96xi32, #tpu.memory_space<vmem>>) semaphore(%arg15 : memref<!tpu.dma_semaphore, #tpu.memory_space<semaphore_mem>>)
    %mul3A_934 = arith.constant 2 : i32
    %mul3A_935 = arith.muli %add3A, %mul3A_934 : i32
    %add3A_936 = arith.constant 0 : i32
    %add3A_937 = arith.addi %mul3A_935, %add3A_936 : i32
    %broadcast_in_dim3A_938 = arith.constant 0.000000e+00 : f32
    %broadcast_in_dim3A_939 = vector.broadcast %broadcast_in_dim3A_938 : f32 to vector<16xf32>
    %broadcast_in_dim3A_940 = arith.constant 0.000000e+00 : f32
    %broadcast_in_dim3A_941 = vector.broadcast %broadcast_in_dim3A_940 : f32 to vector<16xf32>
    %broadcast_in_dim3A_942 = arith.constant 0.000000e+00 : f32
    %broadcast_in_dim3A_943 = vector.broadcast %broadcast_in_dim3A_942 : f32 to vector<16xf32>
    %broadcast_in_dim3A_944 = arith.constant 0.000000e+00 : f32
    %broadcast_in_dim3A_945 = vector.broadcast %broadcast_in_dim3A_944 : f32 to vector<16xf32>
    %broadcast_in_dim3A_946 = arith.constant 0.000000e+00 : f32
    %broadcast_in_dim3A_947 = vector.broadcast %broadcast_in_dim3A_946 : f32 to vector<16xf32>
    %broadcast_in_dim3A_948 = arith.constant 0.000000e+00 : f32
    %broadcast_in_dim3A_949 = vector.broadcast %broadcast_in_dim3A_948 : f32 to vector<16xf32>
    %broadcast_in_dim3A_950 = arith.constant 0.000000e+00 : f32
    %broadcast_in_dim3A_951 = vector.broadcast %broadcast_in_dim3A_950 : f32 to vector<16xf32>
    %broadcast_in_dim3A_952 = arith.constant 0.000000e+00 : f32
    %broadcast_in_dim3A_953 = vector.broadcast %broadcast_in_dim3A_952 : f32 to vector<16xf32>
    %broadcast_in_dim3A_954 = arith.constant 0.000000e+00 : f32
    %broadcast_in_dim3A_955 = vector.broadcast %broadcast_in_dim3A_954 : f32 to vector<16xf32>
    %broadcast_in_dim3A_956 = arith.constant 0.000000e+00 : f32
    %broadcast_in_dim3A_957 = vector.broadcast %broadcast_in_dim3A_956 : f32 to vector<16xf32>
    %broadcast_in_dim3A_958 = arith.constant 0.000000e+00 : f32
    %broadcast_in_dim3A_959 = vector.broadcast %broadcast_in_dim3A_958 : f32 to vector<16xf32>
    %broadcast_in_dim3A_960 = arith.constant 0.000000e+00 : f32
    %broadcast_in_dim3A_961 = vector.broadcast %broadcast_in_dim3A_960 : f32 to vector<16xf32>
    %broadcast_in_dim3A_962 = arith.constant 0.000000e+00 : f32
    %broadcast_in_dim3A_963 = vector.broadcast %broadcast_in_dim3A_962 : f32 to vector<16xf32>
    %broadcast_in_dim3A_964 = arith.constant 0.000000e+00 : f32
    %broadcast_in_dim3A_965 = vector.broadcast %broadcast_in_dim3A_964 : f32 to vector<16xf32>
    %broadcast_in_dim3A_966 = arith.constant 0.000000e+00 : f32
    %broadcast_in_dim3A_967 = vector.broadcast %broadcast_in_dim3A_966 : f32 to vector<16xf32>
    %broadcast_in_dim3A_968 = arith.constant 0.000000e+00 : f32
    %broadcast_in_dim3A_969 = vector.broadcast %broadcast_in_dim3A_968 : f32 to vector<16xf32>
    %dma_wait3A = arith.constant 0 : i32
    %dma_wait3A_970 = tpu.memref_slice %arg10[%dma_wait3A] : memref<10336xi32, #tpu.memory_space<vmem>> -> memref<96xi32, #tpu.memory_space<vmem>>
    %dma_wait3A_971 = arith.constant 0 : i32
    %dma_wait3A_972 = arith.constant 0 : i32
    %dma_wait3A_973 = tpu.memref_slice %arg5[%dma_wait3A_971, %dma_wait3A_972] : memref<10000x128xi32, #tpu.memory_space<hbm>> -> memref<10000x128xi32, #tpu.memory_space<hbm>>
    tpu.wait_indirect_dma semaphore(%arg14 : memref<!tpu.dma_semaphore, #tpu.memory_space<semaphore_mem>>) src(%dma_wait3A_973 : memref<10000x128xi32, #tpu.memory_space<hbm>>) dst(%arg11 : memref<96x128xi32, #tpu.memory_space<vmem>>)
    %sub3A_974 = arith.constant 0 : i32
    %sub3A_975 = arith.subi %select_n3A, %sub3A_974 : i32
    %min3A = arith.constant 96 : i32
    %min3A_976 = arith.minsi %min3A, %sub3A_975 : i32
    %while3A_977 = arith.constant 0 : i32
    %while3A_978 = arith.subi %min3A_976, %while3A_977 : i32
    %while3A_979 = arith.addi %while3A_977, %while3A_978 : i32
    %while3A_980 = arith.constant 1 : i32
    %while3A_981 = arith.divsi %while3A_978, %while3A_980 : i32
    %while3A_982 = arith.muli %while3A_981, %while3A_980 : i32
    %while3A_983 = arith.addi %while3A_977, %while3A_982 : i32
    %while3A_984 = arith.constant 1 : i32
    %while3A_985:16 = scf.for %while3A_1174 = %while3A_977 to %while3A_983 step %while3A_984 iter_args(%while3A_1175 = %broadcast_in_dim3A_939, %while3A_1176 = %broadcast_in_dim3A_941, %while3A_1177 = %broadcast_in_dim3A_943, %while3A_1178 = %broadcast_in_dim3A_945, %while3A_1179 = %broadcast_in_dim3A_947, %while3A_1180 = %broadcast_in_dim3A_949, %while3A_1181 = %broadcast_in_dim3A_951, %while3A_1182 = %broadcast_in_dim3A_953, %while3A_1183 = %broadcast_in_dim3A_955, %while3A_1184 = %broadcast_in_dim3A_957, %while3A_1185 = %broadcast_in_dim3A_959, %while3A_1186 = %broadcast_in_dim3A_961, %while3A_1187 = %broadcast_in_dim3A_963, %while3A_1188 = %broadcast_in_dim3A_965, %while3A_1189 = %broadcast_in_dim3A_967, %while3A_1190 = %broadcast_in_dim3A_969) -> (vector<16xf32>, vector<16xf32>, vector<16xf32>, vector<16xf32>, vector<16xf32>, vector<16xf32>, vector<16xf32>, vector<16xf32>, vector<16xf32>, vector<16xf32>, vector<16xf32>, vector<16xf32>, vector<16xf32>, vector<16xf32>, vector<16xf32>, vector<16xf32>)  : i32 {
      %get3A_1191 = arith.index_cast %while3A_1174 : i32 to index
      %get3A_1192 = arith.constant 0 : index
      %get3A_1193 = tpu.vector_load %arg11[%get3A_1191, %get3A_1192] {strides = array<i32>} : memref<96x128xi32, #tpu.memory_space<vmem>>, vector<16xi32>,
      %shift_left3A = arith.constant 16 : i32
      %shift_left3A_1194 = vector.broadcast %shift_left3A : i32 to vector<16xi32>
      %shift_left3A_1195 = arith.shli %get3A_1193, %shift_left3A_1194 : vector<16xi32>
      %bitcast3A = vector.bitcast %shift_left3A_1195 : vector<16xi32> to vector<16xf32>
      %and3A_1196 = arith.constant -65536 : i32
      %and3A_1197 = vector.broadcast %and3A_1196 : i32 to vector<16xi32>
      %and3A_1198 = arith.andi %get3A_1193, %and3A_1197 : vector<16xi32>
      %bitcast3A_1199 = vector.bitcast %and3A_1198 : vector<16xi32> to vector<16xf32>
      %add3A_1200 = arith.addf %while3A_1175, %bitcast3A : vector<16xf32>
      %add3A_1201 = arith.addf %while3A_1183, %bitcast3A_1199 : vector<16xf32>
      %get3A_1202 = arith.index_cast %while3A_1174 : i32 to index
      %get3A_1203 = arith.constant 16 : index
      %get3A_1204 = tpu.vector_load %arg11[%get3A_1202, %get3A_1203] {strides = array<i32>} : memref<96x128xi32, #tpu.memory_space<vmem>>, vector<16xi32>,
      %shift_left3A_1205 = arith.constant 16 : i32
      %shift_left3A_1206 = vector.broadcast %shift_left3A_1205 : i32 to vector<16xi32>
      %shift_left3A_1207 = arith.shli %get3A_1204, %shift_left3A_1206 : vector<16xi32>
      %bitcast3A_1208 = vector.bitcast %shift_left3A_1207 : vector<16xi32> to vector<16xf32>
      %and3A_1209 = arith.constant -65536 : i32
      %and3A_1210 = vector.broadcast %and3A_1209 : i32 to vector<16xi32>
      %and3A_1211 = arith.andi %get3A_1204, %and3A_1210 : vector<16xi32>
      %bitcast3A_1212 = vector.bitcast %and3A_1211 : vector<16xi32> to vector<16xf32>
      %add3A_1213 = arith.addf %while3A_1176, %bitcast3A_1208 : vector<16xf32>
      %add3A_1214 = arith.addf %while3A_1184, %bitcast3A_1212 : vector<16xf32>
      %get3A_1215 = arith.index_cast %while3A_1174 : i32 to index
      %get3A_1216 = arith.constant 32 : index
      %get3A_1217 = tpu.vector_load %arg11[%get3A_1215, %get3A_1216] {strides = array<i32>} : memref<96x128xi32, #tpu.memory_space<vmem>>, vector<16xi32>,
      %shift_left3A_1218 = arith.constant 16 : i32
      %shift_left3A_1219 = vector.broadcast %shift_left3A_1218 : i32 to vector<16xi32>
      %shift_left3A_1220 = arith.shli %get3A_1217, %shift_left3A_1219 : vector<16xi32>
      %bitcast3A_1221 = vector.bitcast %shift_left3A_1220 : vector<16xi32> to vector<16xf32>
      %and3A_1222 = arith.constant -65536 : i32
      %and3A_1223 = vector.broadcast %and3A_1222 : i32 to vector<16xi32>
      %and3A_1224 = arith.andi %get3A_1217, %and3A_1223 : vector<16xi32>
      %bitcast3A_1225 = vector.bitcast %and3A_1224 : vector<16xi32> to vector<16xf32>
      %add3A_1226 = arith.addf %while3A_1177, %bitcast3A_1221 : vector<16xf32>
      %add3A_1227 = arith.addf %while3A_1185, %bitcast3A_1225 : vector<16xf32>
      %get3A_1228 = arith.index_cast %while3A_1174 : i32 to index
      %get3A_1229 = arith.constant 48 : index
      %get3A_1230 = tpu.vector_load %arg11[%get3A_1228, %get3A_1229] {strides = array<i32>} : memref<96x128xi32, #tpu.memory_space<vmem>>, vector<16xi32>,
      %shift_left3A_1231 = arith.constant 16 : i32
      %shift_left3A_1232 = vector.broadcast %shift_left3A_1231 : i32 to vector<16xi32>
      %shift_left3A_1233 = arith.shli %get3A_1230, %shift_left3A_1232 : vector<16xi32>
      %bitcast3A_1234 = vector.bitcast %shift_left3A_1233 : vector<16xi32> to vector<16xf32>
      %and3A_1235 = arith.constant -65536 : i32
      %and3A_1236 = vector.broadcast %and3A_1235 : i32 to vector<16xi32>
      %and3A_1237 = arith.andi %get3A_1230, %and3A_1236 : vector<16xi32>
      %bitcast3A_1238 = vector.bitcast %and3A_1237 : vector<16xi32> to vector<16xf32>
      %add3A_1239 = arith.addf %while3A_1178, %bitcast3A_1234 : vector<16xf32>
      %add3A_1240 = arith.addf %while3A_1186, %bitcast3A_1238 : vector<16xf32>
      %get3A_1241 = arith.index_cast %while3A_1174 : i32 to index
      %get3A_1242 = arith.constant 64 : index
      %get3A_1243 = tpu.vector_load %arg11[%get3A_1241, %get3A_1242] {strides = array<i32>} : memref<96x128xi32, #tpu.memory_space<vmem>>, vector<16xi32>,
      %shift_left3A_1244 = arith.constant 16 : i32
      %shift_left3A_1245 = vector.broadcast %shift_left3A_1244 : i32 to vector<16xi32>
      %shift_left3A_1246 = arith.shli %get3A_1243, %shift_left3A_1245 : vector<16xi32>
      %bitcast3A_1247 = vector.bitcast %shift_left3A_1246 : vector<16xi32> to vector<16xf32>
      %and3A_1248 = arith.constant -65536 : i32
      %and3A_1249 = vector.broadcast %and3A_1248 : i32 to vector<16xi32>
      %and3A_1250 = arith.andi %get3A_1243, %and3A_1249 : vector<16xi32>
      %bitcast3A_1251 = vector.bitcast %and3A_1250 : vector<16xi32> to vector<16xf32>
      %add3A_1252 = arith.addf %while3A_1179, %bitcast3A_1247 : vector<16xf32>
      %add3A_1253 = arith.addf %while3A_1187, %bitcast3A_1251 : vector<16xf32>
      %get3A_1254 = arith.index_cast %while3A_1174 : i32 to index
      %get3A_1255 = arith.constant 80 : index
      %get3A_1256 = tpu.vector_load %arg11[%get3A_1254, %get3A_1255] {strides = array<i32>} : memref<96x128xi32, #tpu.memory_space<vmem>>, vector<16xi32>,
      %shift_left3A_1257 = arith.constant 16 : i32
      %shift_left3A_1258 = vector.broadcast %shift_left3A_1257 : i32 to vector<16xi32>
      %shift_left3A_1259 = arith.shli %get3A_1256, %shift_left3A_1258 : vector<16xi32>
      %bitcast3A_1260 = vector.bitcast %shift_left3A_1259 : vector<16xi32> to vector<16xf32>
      %and3A_1261 = arith.constant -65536 : i32
      %and3A_1262 = vector.broadcast %and3A_1261 : i32 to vector<16xi32>
      %and3A_1263 = arith.andi %get3A_1256, %and3A_1262 : vector<16xi32>
      %bitcast3A_1264 = vector.bitcast %and3A_1263 : vector<16xi32> to vector<16xf32>
      %add3A_1265 = arith.addf %while3A_1180, %bitcast3A_1260 : vector<16xf32>
      %add3A_1266 = arith.addf %while3A_1188, %bitcast3A_1264 : vector<16xf32>
      %get3A_1267 = arith.index_cast %while3A_1174 : i32 to index
      %get3A_1268 = arith.constant 96 : index
      %get3A_1269 = tpu.vector_load %arg11[%get3A_1267, %get3A_1268] {strides = array<i32>} : memref<96x128xi32, #tpu.memory_space<vmem>>, vector<16xi32>,
      %shift_left3A_1270 = arith.constant 16 : i32
      %shift_left3A_1271 = vector.broadcast %shift_left3A_1270 : i32 to vector<16xi32>
      %shift_left3A_1272 = arith.shli %get3A_1269, %shift_left3A_1271 : vector<16xi32>
      %bitcast3A_1273 = vector.bitcast %shift_left3A_1272 : vector<16xi32> to vector<16xf32>
      %and3A_1274 = arith.constant -65536 : i32
      %and3A_1275 = vector.broadcast %and3A_1274 : i32 to vector<16xi32>
      %and3A_1276 = arith.andi %get3A_1269, %and3A_1275 : vector<16xi32>
      %bitcast3A_1277 = vector.bitcast %and3A_1276 : vector<16xi32> to vector<16xf32>
      %add3A_1278 = arith.addf %while3A_1181, %bitcast3A_1273 : vector<16xf32>
      %add3A_1279 = arith.addf %while3A_1189, %bitcast3A_1277 : vector<16xf32>
      %get3A_1280 = arith.index_cast %while3A_1174 : i32 to index
      %get3A_1281 = arith.constant 112 : index
      %get3A_1282 = tpu.vector_load %arg11[%get3A_1280, %get3A_1281] {strides = array<i32>} : memref<96x128xi32, #tpu.memory_space<vmem>>, vector<16xi32>,
      %shift_left3A_1283 = arith.constant 16 : i32
      %shift_left3A_1284 = vector.broadcast %shift_left3A_1283 : i32 to vector<16xi32>
      %shift_left3A_1285 = arith.shli %get3A_1282, %shift_left3A_1284 : vector<16xi32>
      %bitcast3A_1286 = vector.bitcast %shift_left3A_1285 : vector<16xi32> to vector<16xf32>
      %and3A_1287 = arith.constant -65536 : i32
      %and3A_1288 = vector.broadcast %and3A_1287 : i32 to vector<16xi32>
      %and3A_1289 = arith.andi %get3A_1282, %and3A_1288 : vector<16xi32>
      %bitcast3A_1290 = vector.bitcast %and3A_1289 : vector<16xi32> to vector<16xf32>
      %add3A_1291 = arith.addf %while3A_1182, %bitcast3A_1286 : vector<16xf32>
      %add3A_1292 = arith.addf %while3A_1190, %bitcast3A_1290 : vector<16xf32>
      scf.yield %add3A_1200, %add3A_1213, %add3A_1226, %add3A_1239, %add3A_1252, %add3A_1265, %add3A_1278, %add3A_1291, %add3A_1201, %add3A_1214, %add3A_1227, %add3A_1240, %add3A_1253, %add3A_1266, %add3A_1279, %add3A_1292 : vector<16xf32>, vector<16xf32>, vector<16xf32>, vector<16xf32>, vector<16xf32>, vector<16xf32>, vector<16xf32>, vector<16xf32>, vector<16xf32>, vector<16xf32>, vector<16xf32>, vector<16xf32>, vector<16xf32>, vector<16xf32>, vector<16xf32>, vector<16xf32>
    }
    %while3A_986 = arith.constant 1 : i32
    %while3A_987:16 = scf.for %while3A_1174 = %while3A_983 to %while3A_979 step %while3A_986 iter_args(%while3A_1175 = %while3A_985#0, %while3A_1176 = %while3A_985#1, %while3A_1177 = %while3A_985#2, %while3A_1178 = %while3A_985#3, %while3A_1179 = %while3A_985#4, %while3A_1180 = %while3A_985#5, %while3A_1181 = %while3A_985#6, %while3A_1182 = %while3A_985#7, %while3A_1183 = %while3A_985#8, %while3A_1184 = %while3A_985#9, %while3A_1185 = %while3A_985#10, %while3A_1186 = %while3A_985#11, %while3A_1187 = %while3A_985#12, %while3A_1188 = %while3A_985#13, %while3A_1189 = %while3A_985#14, %while3A_1190 = %while3A_985#15) -> (vector<16xf32>, vector<16xf32>, vector<16xf32>, vector<16xf32>, vector<16xf32>, vector<16xf32>, vector<16xf32>, vector<16xf32>, vector<16xf32>, vector<16xf32>, vector<16xf32>, vector<16xf32>, vector<16xf32>, vector<16xf32>, vector<16xf32>, vector<16xf32>)  : i32 {
      %get3A_1191 = arith.index_cast %while3A_1174 : i32 to index
      %get3A_1192 = arith.constant 0 : index
      %get3A_1193 = tpu.vector_load %arg11[%get3A_1191, %get3A_1192] {strides = array<i32>} : memref<96x128xi32, #tpu.memory_space<vmem>>, vector<16xi32>,
      %shift_left3A = arith.constant 16 : i32
      %shift_left3A_1194 = vector.broadcast %shift_left3A : i32 to vector<16xi32>
      %shift_left3A_1195 = arith.shli %get3A_1193, %shift_left3A_1194 : vector<16xi32>
      %bitcast3A = vector.bitcast %shift_left3A_1195 : vector<16xi32> to vector<16xf32>
      %and3A_1196 = arith.constant -65536 : i32
      %and3A_1197 = vector.broadcast %and3A_1196 : i32 to vector<16xi32>
      %and3A_1198 = arith.andi %get3A_1193, %and3A_1197 : vector<16xi32>
      %bitcast3A_1199 = vector.bitcast %and3A_1198 : vector<16xi32> to vector<16xf32>
      %add3A_1200 = arith.addf %while3A_1175, %bitcast3A : vector<16xf32>
      %add3A_1201 = arith.addf %while3A_1183, %bitcast3A_1199 : vector<16xf32>
      %get3A_1202 = arith.index_cast %while3A_1174 : i32 to index
      %get3A_1203 = arith.constant 16 : index
      %get3A_1204 = tpu.vector_load %arg11[%get3A_1202, %get3A_1203] {strides = array<i32>} : memref<96x128xi32, #tpu.memory_space<vmem>>, vector<16xi32>,
      %shift_left3A_1205 = arith.constant 16 : i32
      %shift_left3A_1206 = vector.broadcast %shift_left3A_1205 : i32 to vector<16xi32>
      %shift_left3A_1207 = arith.shli %get3A_1204, %shift_left3A_1206 : vector<16xi32>
      %bitcast3A_1208 = vector.bitcast %shift_left3A_1207 : vector<16xi32> to vector<16xf32>
      %and3A_1209 = arith.constant -65536 : i32
      %and3A_1210 = vector.broadcast %and3A_1209 : i32 to vector<16xi32>
      %and3A_1211 = arith.andi %get3A_1204, %and3A_1210 : vector<16xi32>
      %bitcast3A_1212 = vector.bitcast %and3A_1211 : vector<16xi32> to vector<16xf32>
      %add3A_1213 = arith.addf %while3A_1176, %bitcast3A_1208 : vector<16xf32>
      %add3A_1214 = arith.addf %while3A_1184, %bitcast3A_1212 : vector<16xf32>
      %get3A_1215 = arith.index_cast %while3A_1174 : i32 to index
      %get3A_1216 = arith.constant 32 : index
      %get3A_1217 = tpu.vector_load %arg11[%get3A_1215, %get3A_1216] {strides = array<i32>} : memref<96x128xi32, #tpu.memory_space<vmem>>, vector<16xi32>,
      %shift_left3A_1218 = arith.constant 16 : i32
      %shift_left3A_1219 = vector.broadcast %shift_left3A_1218 : i32 to vector<16xi32>
      %shift_left3A_1220 = arith.shli %get3A_1217, %shift_left3A_1219 : vector<16xi32>
      %bitcast3A_1221 = vector.bitcast %shift_left3A_1220 : vector<16xi32> to vector<16xf32>
      %and3A_1222 = arith.constant -65536 : i32
      %and3A_1223 = vector.broadcast %and3A_1222 : i32 to vector<16xi32>
      %and3A_1224 = arith.andi %get3A_1217, %and3A_1223 : vector<16xi32>
      %bitcast3A_1225 = vector.bitcast %and3A_1224 : vector<16xi32> to vector<16xf32>
      %add3A_1226 = arith.addf %while3A_1177, %bitcast3A_1221 : vector<16xf32>
      %add3A_1227 = arith.addf %while3A_1185, %bitcast3A_1225 : vector<16xf32>
      %get3A_1228 = arith.index_cast %while3A_1174 : i32 to index
      %get3A_1229 = arith.constant 48 : index
      %get3A_1230 = tpu.vector_load %arg11[%get3A_1228, %get3A_1229] {strides = array<i32>} : memref<96x128xi32, #tpu.memory_space<vmem>>, vector<16xi32>,
      %shift_left3A_1231 = arith.constant 16 : i32
      %shift_left3A_1232 = vector.broadcast %shift_left3A_1231 : i32 to vector<16xi32>
      %shift_left3A_1233 = arith.shli %get3A_1230, %shift_left3A_1232 : vector<16xi32>
      %bitcast3A_1234 = vector.bitcast %shift_left3A_1233 : vector<16xi32> to vector<16xf32>
      %and3A_1235 = arith.constant -65536 : i32
      %and3A_1236 = vector.broadcast %and3A_1235 : i32 to vector<16xi32>
      %and3A_1237 = arith.andi %get3A_1230, %and3A_1236 : vector<16xi32>
      %bitcast3A_1238 = vector.bitcast %and3A_1237 : vector<16xi32> to vector<16xf32>
      %add3A_1239 = arith.addf %while3A_1178, %bitcast3A_1234 : vector<16xf32>
      %add3A_1240 = arith.addf %while3A_1186, %bitcast3A_1238 : vector<16xf32>
      %get3A_1241 = arith.index_cast %while3A_1174 : i32 to index
      %get3A_1242 = arith.constant 64 : index
      %get3A_1243 = tpu.vector_load %arg11[%get3A_1241, %get3A_1242] {strides = array<i32>} : memref<96x128xi32, #tpu.memory_space<vmem>>, vector<16xi32>,
      %shift_left3A_1244 = arith.constant 16 : i32
      %shift_left3A_1245 = vector.broadcast %shift_left3A_1244 : i32 to vector<16xi32>
      %shift_left3A_1246 = arith.shli %get3A_1243, %shift_left3A_1245 : vector<16xi32>
      %bitcast3A_1247 = vector.bitcast %shift_left3A_1246 : vector<16xi32> to vector<16xf32>
      %and3A_1248 = arith.constant -65536 : i32
      %and3A_1249 = vector.broadcast %and3A_1248 : i32 to vector<16xi32>
      %and3A_1250 = arith.andi %get3A_1243, %and3A_1249 : vector<16xi32>
      %bitcast3A_1251 = vector.bitcast %and3A_1250 : vector<16xi32> to vector<16xf32>
      %add3A_1252 = arith.addf %while3A_1179, %bitcast3A_1247 : vector<16xf32>
      %add3A_1253 = arith.addf %while3A_1187, %bitcast3A_1251 : vector<16xf32>
      %get3A_1254 = arith.index_cast %while3A_1174 : i32 to index
      %get3A_1255 = arith.constant 80 : index
      %get3A_1256 = tpu.vector_load %arg11[%get3A_1254, %get3A_1255] {strides = array<i32>} : memref<96x128xi32, #tpu.memory_space<vmem>>, vector<16xi32>,
      %shift_left3A_1257 = arith.constant 16 : i32
      %shift_left3A_1258 = vector.broadcast %shift_left3A_1257 : i32 to vector<16xi32>
      %shift_left3A_1259 = arith.shli %get3A_1256, %shift_left3A_1258 : vector<16xi32>
      %bitcast3A_1260 = vector.bitcast %shift_left3A_1259 : vector<16xi32> to vector<16xf32>
      %and3A_1261 = arith.constant -65536 : i32
      %and3A_1262 = vector.broadcast %and3A_1261 : i32 to vector<16xi32>
      %and3A_1263 = arith.andi %get3A_1256, %and3A_1262 : vector<16xi32>
      %bitcast3A_1264 = vector.bitcast %and3A_1263 : vector<16xi32> to vector<16xf32>
      %add3A_1265 = arith.addf %while3A_1180, %bitcast3A_1260 : vector<16xf32>
      %add3A_1266 = arith.addf %while3A_1188, %bitcast3A_1264 : vector<16xf32>
      %get3A_1267 = arith.index_cast %while3A_1174 : i32 to index
      %get3A_1268 = arith.constant 96 : index
      %get3A_1269 = tpu.vector_load %arg11[%get3A_1267, %get3A_1268] {strides = array<i32>} : memref<96x128xi32, #tpu.memory_space<vmem>>, vector<16xi32>,
      %shift_left3A_1270 = arith.constant 16 : i32
      %shift_left3A_1271 = vector.broadcast %shift_left3A_1270 : i32 to vector<16xi32>
      %shift_left3A_1272 = arith.shli %get3A_1269, %shift_left3A_1271 : vector<16xi32>
      %bitcast3A_1273 = vector.bitcast %shift_left3A_1272 : vector<16xi32> to vector<16xf32>
      %and3A_1274 = arith.constant -65536 : i32
      %and3A_1275 = vector.broadcast %and3A_1274 : i32 to vector<16xi32>
      %and3A_1276 = arith.andi %get3A_1269, %and3A_1275 : vector<16xi32>
      %bitcast3A_1277 = vector.bitcast %and3A_1276 : vector<16xi32> to vector<16xf32>
      %add3A_1278 = arith.addf %while3A_1181, %bitcast3A_1273 : vector<16xf32>
      %add3A_1279 = arith.addf %while3A_1189, %bitcast3A_1277 : vector<16xf32>
      %get3A_1280 = arith.index_cast %while3A_1174 : i32 to index
      %get3A_1281 = arith.constant 112 : index
      %get3A_1282 = tpu.vector_load %arg11[%get3A_1280, %get3A_1281] {strides = array<i32>} : memref<96x128xi32, #tpu.memory_space<vmem>>, vector<16xi32>,
      %shift_left3A_1283 = arith.constant 16 : i32
      %shift_left3A_1284 = vector.broadcast %shift_left3A_1283 : i32 to vector<16xi32>
      %shift_left3A_1285 = arith.shli %get3A_1282, %shift_left3A_1284 : vector<16xi32>
      %bitcast3A_1286 = vector.bitcast %shift_left3A_1285 : vector<16xi32> to vector<16xf32>
      %and3A_1287 = arith.constant -65536 : i32
      %and3A_1288 = vector.broadcast %and3A_1287 : i32 to vector<16xi32>
      %and3A_1289 = arith.andi %get3A_1282, %and3A_1288 : vector<16xi32>
      %bitcast3A_1290 = vector.bitcast %and3A_1289 : vector<16xi32> to vector<16xf32>
      %add3A_1291 = arith.addf %while3A_1182, %bitcast3A_1286 : vector<16xf32>
      %add3A_1292 = arith.addf %while3A_1190, %bitcast3A_1290 : vector<16xf32>
      scf.yield %add3A_1200, %add3A_1213, %add3A_1226, %add3A_1239, %add3A_1252, %add3A_1265, %add3A_1278, %add3A_1291, %add3A_1201, %add3A_1214, %add3A_1227, %add3A_1240, %add3A_1253, %add3A_1266, %add3A_1279, %add3A_1292 : vector<16xf32>, vector<16xf32>, vector<16xf32>, vector<16xf32>, vector<16xf32>, vector<16xf32>, vector<16xf32>, vector<16xf32>, vector<16xf32>, vector<16xf32>, vector<16xf32>, vector<16xf32>, vector<16xf32>, vector<16xf32>, vector<16xf32>, vector<16xf32>
    }
    %while3A_988 = arith.constant 1 : i32
    %while3A_989 = arith.subi %select_n3A_452, %while3A_988 : i32
    %while3A_990 = arith.addi %while3A_988, %while3A_989 : i32
    %while3A_991 = arith.constant 1 : i32
    %while3A_992 = arith.divsi %while3A_989, %while3A_991 : i32
    %while3A_993 = arith.muli %while3A_992, %while3A_991 : i32
    %while3A_994 = arith.addi %while3A_988, %while3A_993 : i32
    %while3A_995 = arith.constant 1 : i32
    %while3A_996:16 = scf.for %while3A_1174 = %while3A_988 to %while3A_994 step %while3A_995 iter_args(%while3A_1175 = %while3A_987#0, %while3A_1176 = %while3A_987#1, %while3A_1177 = %while3A_987#2, %while3A_1178 = %while3A_987#3, %while3A_1179 = %while3A_987#4, %while3A_1180 = %while3A_987#5, %while3A_1181 = %while3A_987#6, %while3A_1182 = %while3A_987#7, %while3A_1183 = %while3A_987#8, %while3A_1184 = %while3A_987#9, %while3A_1185 = %while3A_987#10, %while3A_1186 = %while3A_987#11, %while3A_1187 = %while3A_987#12, %while3A_1188 = %while3A_987#13, %while3A_1189 = %while3A_987#14, %while3A_1190 = %while3A_987#15) -> (vector<16xf32>, vector<16xf32>, vector<16xf32>, vector<16xf32>, vector<16xf32>, vector<16xf32>, vector<16xf32>, vector<16xf32>, vector<16xf32>, vector<16xf32>, vector<16xf32>, vector<16xf32>, vector<16xf32>, vector<16xf32>, vector<16xf32>, vector<16xf32>)  : i32 {
      %mul3A_1191 = arith.constant 96 : i32
      %mul3A_1192 = arith.muli %while3A_1174, %mul3A_1191 : i32
      %add3A_1193 = arith.constant 0 : i32
      %add3A_1194 = arith.addi %add3A_1193, %mul3A_1192 : i32
      %dma_start3A_1195 = tpu.memref_slice %arg10[%add3A_1194] : memref<10336xi32, #tpu.memory_space<vmem>> -> memref<96xi32, #tpu.memory_space<vmem>>
      %dma_start3A_1196 = arith.constant 0 : i32
      %dma_start3A_1197 = arith.constant 0 : i32
      %dma_start3A_1198 = tpu.memref_slice %arg5[%dma_start3A_1196, %dma_start3A_1197] : memref<10000x128xi32, #tpu.memory_space<hbm>> -> memref<10000x128xi32, #tpu.memory_space<hbm>>
      tpu.enqueue_indirect_dma source(%dma_start3A_1198 : memref<10000x128xi32, #tpu.memory_space<hbm>>) target(%arg11 : memref<96x128xi32, #tpu.memory_space<vmem>>) offsets(%dma_start3A_1195 : memref<96xi32, #tpu.memory_space<vmem>>) semaphore(%arg14 : memref<!tpu.dma_semaphore, #tpu.memory_space<semaphore_mem>>)
      %dma_wait3A_1199 = tpu.memref_slice %arg10[%add3A_1194] : memref<10336xi32, #tpu.memory_space<vmem>> -> memref<96xi32, #tpu.memory_space<vmem>>
      %dma_wait3A_1200 = arith.constant 0 : i32
      %dma_wait3A_1201 = arith.constant 0 : i32
      %dma_wait3A_1202 = tpu.memref_slice %arg5[%dma_wait3A_1200, %dma_wait3A_1201] : memref<10000x128xi32, #tpu.memory_space<hbm>> -> memref<10000x128xi32, #tpu.memory_space<hbm>>
      tpu.wait_indirect_dma semaphore(%arg14 : memref<!tpu.dma_semaphore, #tpu.memory_space<semaphore_mem>>) src(%dma_wait3A_1202 : memref<10000x128xi32, #tpu.memory_space<hbm>>) dst(%arg11 : memref<96x128xi32, #tpu.memory_space<vmem>>)
      %mul3A_1203 = arith.constant 96 : i32
      %mul3A_1204 = arith.muli %while3A_1174, %mul3A_1203 : i32
      %sub3A_1205 = arith.subi %select_n3A, %mul3A_1204 : i32
      %min3A_1206 = arith.constant 96 : i32
      %min3A_1207 = arith.minsi %min3A_1206, %sub3A_1205 : i32
      %while3A_1208 = arith.constant 0 : i32
      %while3A_1209 = arith.subi %min3A_1207, %while3A_1208 : i32
      %while3A_1210 = arith.addi %while3A_1208, %while3A_1209 : i32
      %while3A_1211 = arith.constant 1 : i32
      %while3A_1212 = arith.divsi %while3A_1209, %while3A_1211 : i32
      %while3A_1213 = arith.muli %while3A_1212, %while3A_1211 : i32
      %while3A_1214 = arith.addi %while3A_1208, %while3A_1213 : i32
      %while3A_1215 = arith.constant 1 : i32
      %while3A_1216:16 = scf.for %while3A_1219 = %while3A_1208 to %while3A_1214 step %while3A_1215 iter_args(%while3A_1220 = %while3A_1175, %while3A_1221 = %while3A_1176, %while3A_1222 = %while3A_1177, %while3A_1223 = %while3A_1178, %while3A_1224 = %while3A_1179, %while3A_1225 = %while3A_1180, %while3A_1226 = %while3A_1181, %while3A_1227 = %while3A_1182, %while3A_1228 = %while3A_1183, %while3A_1229 = %while3A_1184, %while3A_1230 = %while3A_1185, %while3A_1231 = %while3A_1186, %while3A_1232 = %while3A_1187, %while3A_1233 = %while3A_1188, %while3A_1234 = %while3A_1189, %while3A_1235 = %while3A_1190) -> (vector<16xf32>, vector<16xf32>, vector<16xf32>, vector<16xf32>, vector<16xf32>, vector<16xf32>, vector<16xf32>, vector<16xf32>, vector<16xf32>, vector<16xf32>, vector<16xf32>, vector<16xf32>, vector<16xf32>, vector<16xf32>, vector<16xf32>, vector<16xf32>)  : i32 {
        %get3A_1236 = arith.index_cast %while3A_1219 : i32 to index
        %get3A_1237 = arith.constant 0 : index
        %get3A_1238 = tpu.vector_load %arg11[%get3A_1236, %get3A_1237] {strides = array<i32>} : memref<96x128xi32, #tpu.memory_space<vmem>>, vector<16xi32>,
        %shift_left3A = arith.constant 16 : i32
        %shift_left3A_1239 = vector.broadcast %shift_left3A : i32 to vector<16xi32>
        %shift_left3A_1240 = arith.shli %get3A_1238, %shift_left3A_1239 : vector<16xi32>
        %bitcast3A = vector.bitcast %shift_left3A_1240 : vector<16xi32> to vector<16xf32>
        %and3A_1241 = arith.constant -65536 : i32
        %and3A_1242 = vector.broadcast %and3A_1241 : i32 to vector<16xi32>
        %and3A_1243 = arith.andi %get3A_1238, %and3A_1242 : vector<16xi32>
        %bitcast3A_1244 = vector.bitcast %and3A_1243 : vector<16xi32> to vector<16xf32>
        %add3A_1245 = arith.addf %while3A_1220, %bitcast3A : vector<16xf32>
        %add3A_1246 = arith.addf %while3A_1228, %bitcast3A_1244 : vector<16xf32>
        %get3A_1247 = arith.index_cast %while3A_1219 : i32 to index
        %get3A_1248 = arith.constant 16 : index
        %get3A_1249 = tpu.vector_load %arg11[%get3A_1247, %get3A_1248] {strides = array<i32>} : memref<96x128xi32, #tpu.memory_space<vmem>>, vector<16xi32>,
        %shift_left3A_1250 = arith.constant 16 : i32
        %shift_left3A_1251 = vector.broadcast %shift_left3A_1250 : i32 to vector<16xi32>
        %shift_left3A_1252 = arith.shli %get3A_1249, %shift_left3A_1251 : vector<16xi32>
        %bitcast3A_1253 = vector.bitcast %shift_left3A_1252 : vector<16xi32> to vector<16xf32>
        %and3A_1254 = arith.constant -65536 : i32
        %and3A_1255 = vector.broadcast %and3A_1254 : i32 to vector<16xi32>
        %and3A_1256 = arith.andi %get3A_1249, %and3A_1255 : vector<16xi32>
        %bitcast3A_1257 = vector.bitcast %and3A_1256 : vector<16xi32> to vector<16xf32>
        %add3A_1258 = arith.addf %while3A_1221, %bitcast3A_1253 : vector<16xf32>
        %add3A_1259 = arith.addf %while3A_1229, %bitcast3A_1257 : vector<16xf32>
        %get3A_1260 = arith.index_cast %while3A_1219 : i32 to index
        %get3A_1261 = arith.constant 32 : index
        %get3A_1262 = tpu.vector_load %arg11[%get3A_1260, %get3A_1261] {strides = array<i32>} : memref<96x128xi32, #tpu.memory_space<vmem>>, vector<16xi32>,
        %shift_left3A_1263 = arith.constant 16 : i32
        %shift_left3A_1264 = vector.broadcast %shift_left3A_1263 : i32 to vector<16xi32>
        %shift_left3A_1265 = arith.shli %get3A_1262, %shift_left3A_1264 : vector<16xi32>
        %bitcast3A_1266 = vector.bitcast %shift_left3A_1265 : vector<16xi32> to vector<16xf32>
        %and3A_1267 = arith.constant -65536 : i32
        %and3A_1268 = vector.broadcast %and3A_1267 : i32 to vector<16xi32>
        %and3A_1269 = arith.andi %get3A_1262, %and3A_1268 : vector<16xi32>
        %bitcast3A_1270 = vector.bitcast %and3A_1269 : vector<16xi32> to vector<16xf32>
        %add3A_1271 = arith.addf %while3A_1222, %bitcast3A_1266 : vector<16xf32>
        %add3A_1272 = arith.addf %while3A_1230, %bitcast3A_1270 : vector<16xf32>
        %get3A_1273 = arith.index_cast %while3A_1219 : i32 to index
        %get3A_1274 = arith.constant 48 : index
        %get3A_1275 = tpu.vector_load %arg11[%get3A_1273, %get3A_1274] {strides = array<i32>} : memref<96x128xi32, #tpu.memory_space<vmem>>, vector<16xi32>,
        %shift_left3A_1276 = arith.constant 16 : i32
        %shift_left3A_1277 = vector.broadcast %shift_left3A_1276 : i32 to vector<16xi32>
        %shift_left3A_1278 = arith.shli %get3A_1275, %shift_left3A_1277 : vector<16xi32>
        %bitcast3A_1279 = vector.bitcast %shift_left3A_1278 : vector<16xi32> to vector<16xf32>
        %and3A_1280 = arith.constant -65536 : i32
        %and3A_1281 = vector.broadcast %and3A_1280 : i32 to vector<16xi32>
        %and3A_1282 = arith.andi %get3A_1275, %and3A_1281 : vector<16xi32>
        %bitcast3A_1283 = vector.bitcast %and3A_1282 : vector<16xi32> to vector<16xf32>
        %add3A_1284 = arith.addf %while3A_1223, %bitcast3A_1279 : vector<16xf32>
        %add3A_1285 = arith.addf %while3A_1231, %bitcast3A_1283 : vector<16xf32>
        %get3A_1286 = arith.index_cast %while3A_1219 : i32 to index
        %get3A_1287 = arith.constant 64 : index
        %get3A_1288 = tpu.vector_load %arg11[%get3A_1286, %get3A_1287] {strides = array<i32>} : memref<96x128xi32, #tpu.memory_space<vmem>>, vector<16xi32>,
        %shift_left3A_1289 = arith.constant 16 : i32
        %shift_left3A_1290 = vector.broadcast %shift_left3A_1289 : i32 to vector<16xi32>
        %shift_left3A_1291 = arith.shli %get3A_1288, %shift_left3A_1290 : vector<16xi32>
        %bitcast3A_1292 = vector.bitcast %shift_left3A_1291 : vector<16xi32> to vector<16xf32>
        %and3A_1293 = arith.constant -65536 : i32
        %and3A_1294 = vector.broadcast %and3A_1293 : i32 to vector<16xi32>
        %and3A_1295 = arith.andi %get3A_1288, %and3A_1294 : vector<16xi32>
        %bitcast3A_1296 = vector.bitcast %and3A_1295 : vector<16xi32> to vector<16xf32>
        %add3A_1297 = arith.addf %while3A_1224, %bitcast3A_1292 : vector<16xf32>
        %add3A_1298 = arith.addf %while3A_1232, %bitcast3A_1296 : vector<16xf32>
        %get3A_1299 = arith.index_cast %while3A_1219 : i32 to index
        %get3A_1300 = arith.constant 80 : index
        %get3A_1301 = tpu.vector_load %arg11[%get3A_1299, %get3A_1300] {strides = array<i32>} : memref<96x128xi32, #tpu.memory_space<vmem>>, vector<16xi32>,
        %shift_left3A_1302 = arith.constant 16 : i32
        %shift_left3A_1303 = vector.broadcast %shift_left3A_1302 : i32 to vector<16xi32>
        %shift_left3A_1304 = arith.shli %get3A_1301, %shift_left3A_1303 : vector<16xi32>
        %bitcast3A_1305 = vector.bitcast %shift_left3A_1304 : vector<16xi32> to vector<16xf32>
        %and3A_1306 = arith.constant -65536 : i32
        %and3A_1307 = vector.broadcast %and3A_1306 : i32 to vector<16xi32>
        %and3A_1308 = arith.andi %get3A_1301, %and3A_1307 : vector<16xi32>
        %bitcast3A_1309 = vector.bitcast %and3A_1308 : vector<16xi32> to vector<16xf32>
        %add3A_1310 = arith.addf %while3A_1225, %bitcast3A_1305 : vector<16xf32>
        %add3A_1311 = arith.addf %while3A_1233, %bitcast3A_1309 : vector<16xf32>
        %get3A_1312 = arith.index_cast %while3A_1219 : i32 to index
        %get3A_1313 = arith.constant 96 : index
        %get3A_1314 = tpu.vector_load %arg11[%get3A_1312, %get3A_1313] {strides = array<i32>} : memref<96x128xi32, #tpu.memory_space<vmem>>, vector<16xi32>,
        %shift_left3A_1315 = arith.constant 16 : i32
        %shift_left3A_1316 = vector.broadcast %shift_left3A_1315 : i32 to vector<16xi32>
        %shift_left3A_1317 = arith.shli %get3A_1314, %shift_left3A_1316 : vector<16xi32>
        %bitcast3A_1318 = vector.bitcast %shift_left3A_1317 : vector<16xi32> to vector<16xf32>
        %and3A_1319 = arith.constant -65536 : i32
        %and3A_1320 = vector.broadcast %and3A_1319 : i32 to vector<16xi32>
        %and3A_1321 = arith.andi %get3A_1314, %and3A_1320 : vector<16xi32>
        %bitcast3A_1322 = vector.bitcast %and3A_1321 : vector<16xi32> to vector<16xf32>
        %add3A_1323 = arith.addf %while3A_1226, %bitcast3A_1318 : vector<16xf32>
        %add3A_1324 = arith.addf %while3A_1234, %bitcast3A_1322 : vector<16xf32>
        %get3A_1325 = arith.index_cast %while3A_1219 : i32 to index
        %get3A_1326 = arith.constant 112 : index
        %get3A_1327 = tpu.vector_load %arg11[%get3A_1325, %get3A_1326] {strides = array<i32>} : memref<96x128xi32, #tpu.memory_space<vmem>>, vector<16xi32>,
        %shift_left3A_1328 = arith.constant 16 : i32
        %shift_left3A_1329 = vector.broadcast %shift_left3A_1328 : i32 to vector<16xi32>
        %shift_left3A_1330 = arith.shli %get3A_1327, %shift_left3A_1329 : vector<16xi32>
        %bitcast3A_1331 = vector.bitcast %shift_left3A_1330 : vector<16xi32> to vector<16xf32>
        %and3A_1332 = arith.constant -65536 : i32
        %and3A_1333 = vector.broadcast %and3A_1332 : i32 to vector<16xi32>
        %and3A_1334 = arith.andi %get3A_1327, %and3A_1333 : vector<16xi32>
        %bitcast3A_1335 = vector.bitcast %and3A_1334 : vector<16xi32> to vector<16xf32>
        %add3A_1336 = arith.addf %while3A_1227, %bitcast3A_1331 : vector<16xf32>
        %add3A_1337 = arith.addf %while3A_1235, %bitcast3A_1335 : vector<16xf32>
        scf.yield %add3A_1245, %add3A_1258, %add3A_1271, %add3A_1284, %add3A_1297, %add3A_1310, %add3A_1323, %add3A_1336, %add3A_1246, %add3A_1259, %add3A_1272, %add3A_1285, %add3A_1298, %add3A_1311, %add3A_1324, %add3A_1337 : vector<16xf32>, vector<16xf32>, vector<16xf32>, vector<16xf32>, vector<16xf32>, vector<16xf32>, vector<16xf32>, vector<16xf32>, vector<16xf32>, vector<16xf32>, vector<16xf32>, vector<16xf32>, vector<16xf32>, vector<16xf32>, vector<16xf32>, vector<16xf32>
      }
      %while3A_1217 = arith.constant 1 : i32
      %while3A_1218:16 = scf.for %while3A_1219 = %while3A_1214 to %while3A_1210 step %while3A_1217 iter_args(%while3A_1220 = %while3A_1216#0, %while3A_1221 = %while3A_1216#1, %while3A_1222 = %while3A_1216#2, %while3A_1223 = %while3A_1216#3, %while3A_1224 = %while3A_1216#4, %while3A_1225 = %while3A_1216#5, %while3A_1226 = %while3A_1216#6, %while3A_1227 = %while3A_1216#7, %while3A_1228 = %while3A_1216#8, %while3A_1229 = %while3A_1216#9, %while3A_1230 = %while3A_1216#10, %while3A_1231 = %while3A_1216#11, %while3A_1232 = %while3A_1216#12, %while3A_1233 = %while3A_1216#13, %while3A_1234 = %while3A_1216#14, %while3A_1235 = %while3A_1216#15) -> (vector<16xf32>, vector<16xf32>, vector<16xf32>, vector<16xf32>, vector<16xf32>, vector<16xf32>, vector<16xf32>, vector<16xf32>, vector<16xf32>, vector<16xf32>, vector<16xf32>, vector<16xf32>, vector<16xf32>, vector<16xf32>, vector<16xf32>, vector<16xf32>)  : i32 {
        %get3A_1236 = arith.index_cast %while3A_1219 : i32 to index
        %get3A_1237 = arith.constant 0 : index
        %get3A_1238 = tpu.vector_load %arg11[%get3A_1236, %get3A_1237] {strides = array<i32>} : memref<96x128xi32, #tpu.memory_space<vmem>>, vector<16xi32>,
        %shift_left3A = arith.constant 16 : i32
        %shift_left3A_1239 = vector.broadcast %shift_left3A : i32 to vector<16xi32>
        %shift_left3A_1240 = arith.shli %get3A_1238, %shift_left3A_1239 : vector<16xi32>
        %bitcast3A = vector.bitcast %shift_left3A_1240 : vector<16xi32> to vector<16xf32>
        %and3A_1241 = arith.constant -65536 : i32
        %and3A_1242 = vector.broadcast %and3A_1241 : i32 to vector<16xi32>
        %and3A_1243 = arith.andi %get3A_1238, %and3A_1242 : vector<16xi32>
        %bitcast3A_1244 = vector.bitcast %and3A_1243 : vector<16xi32> to vector<16xf32>
        %add3A_1245 = arith.addf %while3A_1220, %bitcast3A : vector<16xf32>
        %add3A_1246 = arith.addf %while3A_1228, %bitcast3A_1244 : vector<16xf32>
        %get3A_1247 = arith.index_cast %while3A_1219 : i32 to index
        %get3A_1248 = arith.constant 16 : index
        %get3A_1249 = tpu.vector_load %arg11[%get3A_1247, %get3A_1248] {strides = array<i32>} : memref<96x128xi32, #tpu.memory_space<vmem>>, vector<16xi32>,
        %shift_left3A_1250 = arith.constant 16 : i32
        %shift_left3A_1251 = vector.broadcast %shift_left3A_1250 : i32 to vector<16xi32>
        %shift_left3A_1252 = arith.shli %get3A_1249, %shift_left3A_1251 : vector<16xi32>
        %bitcast3A_1253 = vector.bitcast %shift_left3A_1252 : vector<16xi32> to vector<16xf32>
        %and3A_1254 = arith.constant -65536 : i32
        %and3A_1255 = vector.broadcast %and3A_1254 : i32 to vector<16xi32>
        %and3A_1256 = arith.andi %get3A_1249, %and3A_1255 : vector<16xi32>
        %bitcast3A_1257 = vector.bitcast %and3A_1256 : vector<16xi32> to vector<16xf32>
        %add3A_1258 = arith.addf %while3A_1221, %bitcast3A_1253 : vector<16xf32>
        %add3A_1259 = arith.addf %while3A_1229, %bitcast3A_1257 : vector<16xf32>
        %get3A_1260 = arith.index_cast %while3A_1219 : i32 to index
        %get3A_1261 = arith.constant 32 : index
        %get3A_1262 = tpu.vector_load %arg11[%get3A_1260, %get3A_1261] {strides = array<i32>} : memref<96x128xi32, #tpu.memory_space<vmem>>, vector<16xi32>,
        %shift_left3A_1263 = arith.constant 16 : i32
        %shift_left3A_1264 = vector.broadcast %shift_left3A_1263 : i32 to vector<16xi32>
        %shift_left3A_1265 = arith.shli %get3A_1262, %shift_left3A_1264 : vector<16xi32>
        %bitcast3A_1266 = vector.bitcast %shift_left3A_1265 : vector<16xi32> to vector<16xf32>
        %and3A_1267 = arith.constant -65536 : i32
        %and3A_1268 = vector.broadcast %and3A_1267 : i32 to vector<16xi32>
        %and3A_1269 = arith.andi %get3A_1262, %and3A_1268 : vector<16xi32>
        %bitcast3A_1270 = vector.bitcast %and3A_1269 : vector<16xi32> to vector<16xf32>
        %add3A_1271 = arith.addf %while3A_1222, %bitcast3A_1266 : vector<16xf32>
        %add3A_1272 = arith.addf %while3A_1230, %bitcast3A_1270 : vector<16xf32>
        %get3A_1273 = arith.index_cast %while3A_1219 : i32 to index
        %get3A_1274 = arith.constant 48 : index
        %get3A_1275 = tpu.vector_load %arg11[%get3A_1273, %get3A_1274] {strides = array<i32>} : memref<96x128xi32, #tpu.memory_space<vmem>>, vector<16xi32>,
        %shift_left3A_1276 = arith.constant 16 : i32
        %shift_left3A_1277 = vector.broadcast %shift_left3A_1276 : i32 to vector<16xi32>
        %shift_left3A_1278 = arith.shli %get3A_1275, %shift_left3A_1277 : vector<16xi32>
        %bitcast3A_1279 = vector.bitcast %shift_left3A_1278 : vector<16xi32> to vector<16xf32>
        %and3A_1280 = arith.constant -65536 : i32
        %and3A_1281 = vector.broadcast %and3A_1280 : i32 to vector<16xi32>
        %and3A_1282 = arith.andi %get3A_1275, %and3A_1281 : vector<16xi32>
        %bitcast3A_1283 = vector.bitcast %and3A_1282 : vector<16xi32> to vector<16xf32>
        %add3A_1284 = arith.addf %while3A_1223, %bitcast3A_1279 : vector<16xf32>
        %add3A_1285 = arith.addf %while3A_1231, %bitcast3A_1283 : vector<16xf32>
        %get3A_1286 = arith.index_cast %while3A_1219 : i32 to index
        %get3A_1287 = arith.constant 64 : index
        %get3A_1288 = tpu.vector_load %arg11[%get3A_1286, %get3A_1287] {strides = array<i32>} : memref<96x128xi32, #tpu.memory_space<vmem>>, vector<16xi32>,
        %shift_left3A_1289 = arith.constant 16 : i32
        %shift_left3A_1290 = vector.broadcast %shift_left3A_1289 : i32 to vector<16xi32>
        %shift_left3A_1291 = arith.shli %get3A_1288, %shift_left3A_1290 : vector<16xi32>
        %bitcast3A_1292 = vector.bitcast %shift_left3A_1291 : vector<16xi32> to vector<16xf32>
        %and3A_1293 = arith.constant -65536 : i32
        %and3A_1294 = vector.broadcast %and3A_1293 : i32 to vector<16xi32>
        %and3A_1295 = arith.andi %get3A_1288, %and3A_1294 : vector<16xi32>
        %bitcast3A_1296 = vector.bitcast %and3A_1295 : vector<16xi32> to vector<16xf32>
        %add3A_1297 = arith.addf %while3A_1224, %bitcast3A_1292 : vector<16xf32>
        %add3A_1298 = arith.addf %while3A_1232, %bitcast3A_1296 : vector<16xf32>
        %get3A_1299 = arith.index_cast %while3A_1219 : i32 to index
        %get3A_1300 = arith.constant 80 : index
        %get3A_1301 = tpu.vector_load %arg11[%get3A_1299, %get3A_1300] {strides = array<i32>} : memref<96x128xi32, #tpu.memory_space<vmem>>, vector<16xi32>,
        %shift_left3A_1302 = arith.constant 16 : i32
        %shift_left3A_1303 = vector.broadcast %shift_left3A_1302 : i32 to vector<16xi32>
        %shift_left3A_1304 = arith.shli %get3A_1301, %shift_left3A_1303 : vector<16xi32>
        %bitcast3A_1305 = vector.bitcast %shift_left3A_1304 : vector<16xi32> to vector<16xf32>
        %and3A_1306 = arith.constant -65536 : i32
        %and3A_1307 = vector.broadcast %and3A_1306 : i32 to vector<16xi32>
        %and3A_1308 = arith.andi %get3A_1301, %and3A_1307 : vector<16xi32>
        %bitcast3A_1309 = vector.bitcast %and3A_1308 : vector<16xi32> to vector<16xf32>
        %add3A_1310 = arith.addf %while3A_1225, %bitcast3A_1305 : vector<16xf32>
        %add3A_1311 = arith.addf %while3A_1233, %bitcast3A_1309 : vector<16xf32>
        %get3A_1312 = arith.index_cast %while3A_1219 : i32 to index
        %get3A_1313 = arith.constant 96 : index
        %get3A_1314 = tpu.vector_load %arg11[%get3A_1312, %get3A_1313] {strides = array<i32>} : memref<96x128xi32, #tpu.memory_space<vmem>>, vector<16xi32>,
        %shift_left3A_1315 = arith.constant 16 : i32
        %shift_left3A_1316 = vector.broadcast %shift_left3A_1315 : i32 to vector<16xi32>
        %shift_left3A_1317 = arith.shli %get3A_1314, %shift_left3A_1316 : vector<16xi32>
        %bitcast3A_1318 = vector.bitcast %shift_left3A_1317 : vector<16xi32> to vector<16xf32>
        %and3A_1319 = arith.constant -65536 : i32
        %and3A_1320 = vector.broadcast %and3A_1319 : i32 to vector<16xi32>
        %and3A_1321 = arith.andi %get3A_1314, %and3A_1320 : vector<16xi32>
        %bitcast3A_1322 = vector.bitcast %and3A_1321 : vector<16xi32> to vector<16xf32>
        %add3A_1323 = arith.addf %while3A_1226, %bitcast3A_1318 : vector<16xf32>
        %add3A_1324 = arith.addf %while3A_1234, %bitcast3A_1322 : vector<16xf32>
        %get3A_1325 = arith.index_cast %while3A_1219 : i32 to index
        %get3A_1326 = arith.constant 112 : index
        %get3A_1327 = tpu.vector_load %arg11[%get3A_1325, %get3A_1326] {strides = array<i32>} : memref<96x128xi32, #tpu.memory_space<vmem>>, vector<16xi32>,
        %shift_left3A_1328 = arith.constant 16 : i32
        %shift_left3A_1329 = vector.broadcast %shift_left3A_1328 : i32 to vector<16xi32>
        %shift_left3A_1330 = arith.shli %get3A_1327, %shift_left3A_1329 : vector<16xi32>
        %bitcast3A_1331 = vector.bitcast %shift_left3A_1330 : vector<16xi32> to vector<16xf32>
        %and3A_1332 = arith.constant -65536 : i32
        %and3A_1333 = vector.broadcast %and3A_1332 : i32 to vector<16xi32>
        %and3A_1334 = arith.andi %get3A_1327, %and3A_1333 : vector<16xi32>
        %bitcast3A_1335 = vector.bitcast %and3A_1334 : vector<16xi32> to vector<16xf32>
        %add3A_1336 = arith.addf %while3A_1227, %bitcast3A_1331 : vector<16xf32>
        %add3A_1337 = arith.addf %while3A_1235, %bitcast3A_1335 : vector<16xf32>
        scf.yield %add3A_1245, %add3A_1258, %add3A_1271, %add3A_1284, %add3A_1297, %add3A_1310, %add3A_1323, %add3A_1336, %add3A_1246, %add3A_1259, %add3A_1272, %add3A_1285, %add3A_1298, %add3A_1311, %add3A_1324, %add3A_1337 : vector<16xf32>, vector<16xf32>, vector<16xf32>, vector<16xf32>, vector<16xf32>, vector<16xf32>, vector<16xf32>, vector<16xf32>, vector<16xf32>, vector<16xf32>, vector<16xf32>, vector<16xf32>, vector<16xf32>, vector<16xf32>, vector<16xf32>, vector<16xf32>
      }
      scf.yield %while3A_1218#0, %while3A_1218#1, %while3A_1218#2, %while3A_1218#3, %while3A_1218#4, %while3A_1218#5, %while3A_1218#6, %while3A_1218#7, %while3A_1218#8, %while3A_1218#9, %while3A_1218#10, %while3A_1218#11, %while3A_1218#12, %while3A_1218#13, %while3A_1218#14, %while3A_1218#15 : vector<16xf32>, vector<16xf32>, vector<16xf32>, vector<16xf32>, vector<16xf32>, vector<16xf32>, vector<16xf32>, vector<16xf32>, vector<16xf32>, vector<16xf32>, vector<16xf32>, vector<16xf32>, vector<16xf32>, vector<16xf32>, vector<16xf32>, vector<16xf32>
    }
    %while3A_997 = arith.constant 1 : i32
    %while3A_998:16 = scf.for %while3A_1174 = %while3A_994 to %while3A_990 step %while3A_997 iter_args(%while3A_1175 = %while3A_996#0, %while3A_1176 = %while3A_996#1, %while3A_1177 = %while3A_996#2, %while3A_1178 = %while3A_996#3, %while3A_1179 = %while3A_996#4, %while3A_1180 = %while3A_996#5, %while3A_1181 = %while3A_996#6, %while3A_1182 = %while3A_996#7, %while3A_1183 = %while3A_996#8, %while3A_1184 = %while3A_996#9, %while3A_1185 = %while3A_996#10, %while3A_1186 = %while3A_996#11, %while3A_1187 = %while3A_996#12, %while3A_1188 = %while3A_996#13, %while3A_1189 = %while3A_996#14, %while3A_1190 = %while3A_996#15) -> (vector<16xf32>, vector<16xf32>, vector<16xf32>, vector<16xf32>, vector<16xf32>, vector<16xf32>, vector<16xf32>, vector<16xf32>, vector<16xf32>, vector<16xf32>, vector<16xf32>, vector<16xf32>, vector<16xf32>, vector<16xf32>, vector<16xf32>, vector<16xf32>)  : i32 {
      %mul3A_1191 = arith.constant 96 : i32
      %mul3A_1192 = arith.muli %while3A_1174, %mul3A_1191 : i32
      %add3A_1193 = arith.constant 0 : i32
      %add3A_1194 = arith.addi %add3A_1193, %mul3A_1192 : i32
      %dma_start3A_1195 = tpu.memref_slice %arg10[%add3A_1194] : memref<10336xi32, #tpu.memory_space<vmem>> -> memref<96xi32, #tpu.memory_space<vmem>>
      %dma_start3A_1196 = arith.constant 0 : i32
      %dma_start3A_1197 = arith.constant 0 : i32
      %dma_start3A_1198 = tpu.memref_slice %arg5[%dma_start3A_1196, %dma_start3A_1197] : memref<10000x128xi32, #tpu.memory_space<hbm>> -> memref<10000x128xi32, #tpu.memory_space<hbm>>
      tpu.enqueue_indirect_dma source(%dma_start3A_1198 : memref<10000x128xi32, #tpu.memory_space<hbm>>) target(%arg11 : memref<96x128xi32, #tpu.memory_space<vmem>>) offsets(%dma_start3A_1195 : memref<96xi32, #tpu.memory_space<vmem>>) semaphore(%arg14 : memref<!tpu.dma_semaphore, #tpu.memory_space<semaphore_mem>>)
      %dma_wait3A_1199 = tpu.memref_slice %arg10[%add3A_1194] : memref<10336xi32, #tpu.memory_space<vmem>> -> memref<96xi32, #tpu.memory_space<vmem>>
      %dma_wait3A_1200 = arith.constant 0 : i32
      %dma_wait3A_1201 = arith.constant 0 : i32
      %dma_wait3A_1202 = tpu.memref_slice %arg5[%dma_wait3A_1200, %dma_wait3A_1201] : memref<10000x128xi32, #tpu.memory_space<hbm>> -> memref<10000x128xi32, #tpu.memory_space<hbm>>
      tpu.wait_indirect_dma semaphore(%arg14 : memref<!tpu.dma_semaphore, #tpu.memory_space<semaphore_mem>>) src(%dma_wait3A_1202 : memref<10000x128xi32, #tpu.memory_space<hbm>>) dst(%arg11 : memref<96x128xi32, #tpu.memory_space<vmem>>)
      %mul3A_1203 = arith.constant 96 : i32
      %mul3A_1204 = arith.muli %while3A_1174, %mul3A_1203 : i32
      %sub3A_1205 = arith.subi %select_n3A, %mul3A_1204 : i32
      %min3A_1206 = arith.constant 96 : i32
      %min3A_1207 = arith.minsi %min3A_1206, %sub3A_1205 : i32
      %while3A_1208 = arith.constant 0 : i32
      %while3A_1209 = arith.subi %min3A_1207, %while3A_1208 : i32
      %while3A_1210 = arith.addi %while3A_1208, %while3A_1209 : i32
      %while3A_1211 = arith.constant 1 : i32
      %while3A_1212 = arith.divsi %while3A_1209, %while3A_1211 : i32
      %while3A_1213 = arith.muli %while3A_1212, %while3A_1211 : i32
      %while3A_1214 = arith.addi %while3A_1208, %while3A_1213 : i32
      %while3A_1215 = arith.constant 1 : i32
      %while3A_1216:16 = scf.for %while3A_1219 = %while3A_1208 to %while3A_1214 step %while3A_1215 iter_args(%while3A_1220 = %while3A_1175, %while3A_1221 = %while3A_1176, %while3A_1222 = %while3A_1177, %while3A_1223 = %while3A_1178, %while3A_1224 = %while3A_1179, %while3A_1225 = %while3A_1180, %while3A_1226 = %while3A_1181, %while3A_1227 = %while3A_1182, %while3A_1228 = %while3A_1183, %while3A_1229 = %while3A_1184, %while3A_1230 = %while3A_1185, %while3A_1231 = %while3A_1186, %while3A_1232 = %while3A_1187, %while3A_1233 = %while3A_1188, %while3A_1234 = %while3A_1189, %while3A_1235 = %while3A_1190) -> (vector<16xf32>, vector<16xf32>, vector<16xf32>, vector<16xf32>, vector<16xf32>, vector<16xf32>, vector<16xf32>, vector<16xf32>, vector<16xf32>, vector<16xf32>, vector<16xf32>, vector<16xf32>, vector<16xf32>, vector<16xf32>, vector<16xf32>, vector<16xf32>)  : i32 {
        %get3A_1236 = arith.index_cast %while3A_1219 : i32 to index
        %get3A_1237 = arith.constant 0 : index
        %get3A_1238 = tpu.vector_load %arg11[%get3A_1236, %get3A_1237] {strides = array<i32>} : memref<96x128xi32, #tpu.memory_space<vmem>>, vector<16xi32>,
        %shift_left3A = arith.constant 16 : i32
        %shift_left3A_1239 = vector.broadcast %shift_left3A : i32 to vector<16xi32>
        %shift_left3A_1240 = arith.shli %get3A_1238, %shift_left3A_1239 : vector<16xi32>
        %bitcast3A = vector.bitcast %shift_left3A_1240 : vector<16xi32> to vector<16xf32>
        %and3A_1241 = arith.constant -65536 : i32
        %and3A_1242 = vector.broadcast %and3A_1241 : i32 to vector<16xi32>
        %and3A_1243 = arith.andi %get3A_1238, %and3A_1242 : vector<16xi32>
        %bitcast3A_1244 = vector.bitcast %and3A_1243 : vector<16xi32> to vector<16xf32>
        %add3A_1245 = arith.addf %while3A_1220, %bitcast3A : vector<16xf32>
        %add3A_1246 = arith.addf %while3A_1228, %bitcast3A_1244 : vector<16xf32>
        %get3A_1247 = arith.index_cast %while3A_1219 : i32 to index
        %get3A_1248 = arith.constant 16 : index
        %get3A_1249 = tpu.vector_load %arg11[%get3A_1247, %get3A_1248] {strides = array<i32>} : memref<96x128xi32, #tpu.memory_space<vmem>>, vector<16xi32>,
        %shift_left3A_1250 = arith.constant 16 : i32
        %shift_left3A_1251 = vector.broadcast %shift_left3A_1250 : i32 to vector<16xi32>
        %shift_left3A_1252 = arith.shli %get3A_1249, %shift_left3A_1251 : vector<16xi32>
        %bitcast3A_1253 = vector.bitcast %shift_left3A_1252 : vector<16xi32> to vector<16xf32>
        %and3A_1254 = arith.constant -65536 : i32
        %and3A_1255 = vector.broadcast %and3A_1254 : i32 to vector<16xi32>
        %and3A_1256 = arith.andi %get3A_1249, %and3A_1255 : vector<16xi32>
        %bitcast3A_1257 = vector.bitcast %and3A_1256 : vector<16xi32> to vector<16xf32>
        %add3A_1258 = arith.addf %while3A_1221, %bitcast3A_1253 : vector<16xf32>
        %add3A_1259 = arith.addf %while3A_1229, %bitcast3A_1257 : vector<16xf32>
        %get3A_1260 = arith.index_cast %while3A_1219 : i32 to index
        %get3A_1261 = arith.constant 32 : index
        %get3A_1262 = tpu.vector_load %arg11[%get3A_1260, %get3A_1261] {strides = array<i32>} : memref<96x128xi32, #tpu.memory_space<vmem>>, vector<16xi32>,
        %shift_left3A_1263 = arith.constant 16 : i32
        %shift_left3A_1264 = vector.broadcast %shift_left3A_1263 : i32 to vector<16xi32>
        %shift_left3A_1265 = arith.shli %get3A_1262, %shift_left3A_1264 : vector<16xi32>
        %bitcast3A_1266 = vector.bitcast %shift_left3A_1265 : vector<16xi32> to vector<16xf32>
        %and3A_1267 = arith.constant -65536 : i32
        %and3A_1268 = vector.broadcast %and3A_1267 : i32 to vector<16xi32>
        %and3A_1269 = arith.andi %get3A_1262, %and3A_1268 : vector<16xi32>
        %bitcast3A_1270 = vector.bitcast %and3A_1269 : vector<16xi32> to vector<16xf32>
        %add3A_1271 = arith.addf %while3A_1222, %bitcast3A_1266 : vector<16xf32>
        %add3A_1272 = arith.addf %while3A_1230, %bitcast3A_1270 : vector<16xf32>
        %get3A_1273 = arith.index_cast %while3A_1219 : i32 to index
        %get3A_1274 = arith.constant 48 : index
        %get3A_1275 = tpu.vector_load %arg11[%get3A_1273, %get3A_1274] {strides = array<i32>} : memref<96x128xi32, #tpu.memory_space<vmem>>, vector<16xi32>,
        %shift_left3A_1276 = arith.constant 16 : i32
        %shift_left3A_1277 = vector.broadcast %shift_left3A_1276 : i32 to vector<16xi32>
        %shift_left3A_1278 = arith.shli %get3A_1275, %shift_left3A_1277 : vector<16xi32>
        %bitcast3A_1279 = vector.bitcast %shift_left3A_1278 : vector<16xi32> to vector<16xf32>
        %and3A_1280 = arith.constant -65536 : i32
        %and3A_1281 = vector.broadcast %and3A_1280 : i32 to vector<16xi32>
        %and3A_1282 = arith.andi %get3A_1275, %and3A_1281 : vector<16xi32>
        %bitcast3A_1283 = vector.bitcast %and3A_1282 : vector<16xi32> to vector<16xf32>
        %add3A_1284 = arith.addf %while3A_1223, %bitcast3A_1279 : vector<16xf32>
        %add3A_1285 = arith.addf %while3A_1231, %bitcast3A_1283 : vector<16xf32>
        %get3A_1286 = arith.index_cast %while3A_1219 : i32 to index
        %get3A_1287 = arith.constant 64 : index
        %get3A_1288 = tpu.vector_load %arg11[%get3A_1286, %get3A_1287] {strides = array<i32>} : memref<96x128xi32, #tpu.memory_space<vmem>>, vector<16xi32>,
        %shift_left3A_1289 = arith.constant 16 : i32
        %shift_left3A_1290 = vector.broadcast %shift_left3A_1289 : i32 to vector<16xi32>
        %shift_left3A_1291 = arith.shli %get3A_1288, %shift_left3A_1290 : vector<16xi32>
        %bitcast3A_1292 = vector.bitcast %shift_left3A_1291 : vector<16xi32> to vector<16xf32>
        %and3A_1293 = arith.constant -65536 : i32
        %and3A_1294 = vector.broadcast %and3A_1293 : i32 to vector<16xi32>
        %and3A_1295 = arith.andi %get3A_1288, %and3A_1294 : vector<16xi32>
        %bitcast3A_1296 = vector.bitcast %and3A_1295 : vector<16xi32> to vector<16xf32>
        %add3A_1297 = arith.addf %while3A_1224, %bitcast3A_1292 : vector<16xf32>
        %add3A_1298 = arith.addf %while3A_1232, %bitcast3A_1296 : vector<16xf32>
        %get3A_1299 = arith.index_cast %while3A_1219 : i32 to index
        %get3A_1300 = arith.constant 80 : index
        %get3A_1301 = tpu.vector_load %arg11[%get3A_1299, %get3A_1300] {strides = array<i32>} : memref<96x128xi32, #tpu.memory_space<vmem>>, vector<16xi32>,
        %shift_left3A_1302 = arith.constant 16 : i32
        %shift_left3A_1303 = vector.broadcast %shift_left3A_1302 : i32 to vector<16xi32>
        %shift_left3A_1304 = arith.shli %get3A_1301, %shift_left3A_1303 : vector<16xi32>
        %bitcast3A_1305 = vector.bitcast %shift_left3A_1304 : vector<16xi32> to vector<16xf32>
        %and3A_1306 = arith.constant -65536 : i32
        %and3A_1307 = vector.broadcast %and3A_1306 : i32 to vector<16xi32>
        %and3A_1308 = arith.andi %get3A_1301, %and3A_1307 : vector<16xi32>
        %bitcast3A_1309 = vector.bitcast %and3A_1308 : vector<16xi32> to vector<16xf32>
        %add3A_1310 = arith.addf %while3A_1225, %bitcast3A_1305 : vector<16xf32>
        %add3A_1311 = arith.addf %while3A_1233, %bitcast3A_1309 : vector<16xf32>
        %get3A_1312 = arith.index_cast %while3A_1219 : i32 to index
        %get3A_1313 = arith.constant 96 : index
        %get3A_1314 = tpu.vector_load %arg11[%get3A_1312, %get3A_1313] {strides = array<i32>} : memref<96x128xi32, #tpu.memory_space<vmem>>, vector<16xi32>,
        %shift_left3A_1315 = arith.constant 16 : i32
        %shift_left3A_1316 = vector.broadcast %shift_left3A_1315 : i32 to vector<16xi32>
        %shift_left3A_1317 = arith.shli %get3A_1314, %shift_left3A_1316 : vector<16xi32>
        %bitcast3A_1318 = vector.bitcast %shift_left3A_1317 : vector<16xi32> to vector<16xf32>
        %and3A_1319 = arith.constant -65536 : i32
        %and3A_1320 = vector.broadcast %and3A_1319 : i32 to vector<16xi32>
        %and3A_1321 = arith.andi %get3A_1314, %and3A_1320 : vector<16xi32>
        %bitcast3A_1322 = vector.bitcast %and3A_1321 : vector<16xi32> to vector<16xf32>
        %add3A_1323 = arith.addf %while3A_1226, %bitcast3A_1318 : vector<16xf32>
        %add3A_1324 = arith.addf %while3A_1234, %bitcast3A_1322 : vector<16xf32>
        %get3A_1325 = arith.index_cast %while3A_1219 : i32 to index
        %get3A_1326 = arith.constant 112 : index
        %get3A_1327 = tpu.vector_load %arg11[%get3A_1325, %get3A_1326] {strides = array<i32>} : memref<96x128xi32, #tpu.memory_space<vmem>>, vector<16xi32>,
        %shift_left3A_1328 = arith.constant 16 : i32
        %shift_left3A_1329 = vector.broadcast %shift_left3A_1328 : i32 to vector<16xi32>
        %shift_left3A_1330 = arith.shli %get3A_1327, %shift_left3A_1329 : vector<16xi32>
        %bitcast3A_1331 = vector.bitcast %shift_left3A_1330 : vector<16xi32> to vector<16xf32>
        %and3A_1332 = arith.constant -65536 : i32
        %and3A_1333 = vector.broadcast %and3A_1332 : i32 to vector<16xi32>
        %and3A_1334 = arith.andi %get3A_1327, %and3A_1333 : vector<16xi32>
        %bitcast3A_1335 = vector.bitcast %and3A_1334 : vector<16xi32> to vector<16xf32>
        %add3A_1336 = arith.addf %while3A_1227, %bitcast3A_1331 : vector<16xf32>
        %add3A_1337 = arith.addf %while3A_1235, %bitcast3A_1335 : vector<16xf32>
        scf.yield %add3A_1245, %add3A_1258, %add3A_1271, %add3A_1284, %add3A_1297, %add3A_1310, %add3A_1323, %add3A_1336, %add3A_1246, %add3A_1259, %add3A_1272, %add3A_1285, %add3A_1298, %add3A_1311, %add3A_1324, %add3A_1337 : vector<16xf32>, vector<16xf32>, vector<16xf32>, vector<16xf32>, vector<16xf32>, vector<16xf32>, vector<16xf32>, vector<16xf32>, vector<16xf32>, vector<16xf32>, vector<16xf32>, vector<16xf32>, vector<16xf32>, vector<16xf32>, vector<16xf32>, vector<16xf32>
      }
      %while3A_1217 = arith.constant 1 : i32
      %while3A_1218:16 = scf.for %while3A_1219 = %while3A_1214 to %while3A_1210 step %while3A_1217 iter_args(%while3A_1220 = %while3A_1216#0, %while3A_1221 = %while3A_1216#1, %while3A_1222 = %while3A_1216#2, %while3A_1223 = %while3A_1216#3, %while3A_1224 = %while3A_1216#4, %while3A_1225 = %while3A_1216#5, %while3A_1226 = %while3A_1216#6, %while3A_1227 = %while3A_1216#7, %while3A_1228 = %while3A_1216#8, %while3A_1229 = %while3A_1216#9, %while3A_1230 = %while3A_1216#10, %while3A_1231 = %while3A_1216#11, %while3A_1232 = %while3A_1216#12, %while3A_1233 = %while3A_1216#13, %while3A_1234 = %while3A_1216#14, %while3A_1235 = %while3A_1216#15) -> (vector<16xf32>, vector<16xf32>, vector<16xf32>, vector<16xf32>, vector<16xf32>, vector<16xf32>, vector<16xf32>, vector<16xf32>, vector<16xf32>, vector<16xf32>, vector<16xf32>, vector<16xf32>, vector<16xf32>, vector<16xf32>, vector<16xf32>, vector<16xf32>)  : i32 {
        %get3A_1236 = arith.index_cast %while3A_1219 : i32 to index
        %get3A_1237 = arith.constant 0 : index
        %get3A_1238 = tpu.vector_load %arg11[%get3A_1236, %get3A_1237] {strides = array<i32>} : memref<96x128xi32, #tpu.memory_space<vmem>>, vector<16xi32>,
        %shift_left3A = arith.constant 16 : i32
        %shift_left3A_1239 = vector.broadcast %shift_left3A : i32 to vector<16xi32>
        %shift_left3A_1240 = arith.shli %get3A_1238, %shift_left3A_1239 : vector<16xi32>
        %bitcast3A = vector.bitcast %shift_left3A_1240 : vector<16xi32> to vector<16xf32>
        %and3A_1241 = arith.constant -65536 : i32
        %and3A_1242 = vector.broadcast %and3A_1241 : i32 to vector<16xi32>
        %and3A_1243 = arith.andi %get3A_1238, %and3A_1242 : vector<16xi32>
        %bitcast3A_1244 = vector.bitcast %and3A_1243 : vector<16xi32> to vector<16xf32>
        %add3A_1245 = arith.addf %while3A_1220, %bitcast3A : vector<16xf32>
        %add3A_1246 = arith.addf %while3A_1228, %bitcast3A_1244 : vector<16xf32>
        %get3A_1247 = arith.index_cast %while3A_1219 : i32 to index
        %get3A_1248 = arith.constant 16 : index
        %get3A_1249 = tpu.vector_load %arg11[%get3A_1247, %get3A_1248] {strides = array<i32>} : memref<96x128xi32, #tpu.memory_space<vmem>>, vector<16xi32>,
        %shift_left3A_1250 = arith.constant 16 : i32
        %shift_left3A_1251 = vector.broadcast %shift_left3A_1250 : i32 to vector<16xi32>
        %shift_left3A_1252 = arith.shli %get3A_1249, %shift_left3A_1251 : vector<16xi32>
        %bitcast3A_1253 = vector.bitcast %shift_left3A_1252 : vector<16xi32> to vector<16xf32>
        %and3A_1254 = arith.constant -65536 : i32
        %and3A_1255 = vector.broadcast %and3A_1254 : i32 to vector<16xi32>
        %and3A_1256 = arith.andi %get3A_1249, %and3A_1255 : vector<16xi32>
        %bitcast3A_1257 = vector.bitcast %and3A_1256 : vector<16xi32> to vector<16xf32>
        %add3A_1258 = arith.addf %while3A_1221, %bitcast3A_1253 : vector<16xf32>
        %add3A_1259 = arith.addf %while3A_1229, %bitcast3A_1257 : vector<16xf32>
        %get3A_1260 = arith.index_cast %while3A_1219 : i32 to index
        %get3A_1261 = arith.constant 32 : index
        %get3A_1262 = tpu.vector_load %arg11[%get3A_1260, %get3A_1261] {strides = array<i32>} : memref<96x128xi32, #tpu.memory_space<vmem>>, vector<16xi32>,
        %shift_left3A_1263 = arith.constant 16 : i32
        %shift_left3A_1264 = vector.broadcast %shift_left3A_1263 : i32 to vector<16xi32>
        %shift_left3A_1265 = arith.shli %get3A_1262, %shift_left3A_1264 : vector<16xi32>
        %bitcast3A_1266 = vector.bitcast %shift_left3A_1265 : vector<16xi32> to vector<16xf32>
        %and3A_1267 = arith.constant -65536 : i32
        %and3A_1268 = vector.broadcast %and3A_1267 : i32 to vector<16xi32>
        %and3A_1269 = arith.andi %get3A_1262, %and3A_1268 : vector<16xi32>
        %bitcast3A_1270 = vector.bitcast %and3A_1269 : vector<16xi32> to vector<16xf32>
        %add3A_1271 = arith.addf %while3A_1222, %bitcast3A_1266 : vector<16xf32>
        %add3A_1272 = arith.addf %while3A_1230, %bitcast3A_1270 : vector<16xf32>
        %get3A_1273 = arith.index_cast %while3A_1219 : i32 to index
        %get3A_1274 = arith.constant 48 : index
        %get3A_1275 = tpu.vector_load %arg11[%get3A_1273, %get3A_1274] {strides = array<i32>} : memref<96x128xi32, #tpu.memory_space<vmem>>, vector<16xi32>,
        %shift_left3A_1276 = arith.constant 16 : i32
        %shift_left3A_1277 = vector.broadcast %shift_left3A_1276 : i32 to vector<16xi32>
        %shift_left3A_1278 = arith.shli %get3A_1275, %shift_left3A_1277 : vector<16xi32>
        %bitcast3A_1279 = vector.bitcast %shift_left3A_1278 : vector<16xi32> to vector<16xf32>
        %and3A_1280 = arith.constant -65536 : i32
        %and3A_1281 = vector.broadcast %and3A_1280 : i32 to vector<16xi32>
        %and3A_1282 = arith.andi %get3A_1275, %and3A_1281 : vector<16xi32>
        %bitcast3A_1283 = vector.bitcast %and3A_1282 : vector<16xi32> to vector<16xf32>
        %add3A_1284 = arith.addf %while3A_1223, %bitcast3A_1279 : vector<16xf32>
        %add3A_1285 = arith.addf %while3A_1231, %bitcast3A_1283 : vector<16xf32>
        %get3A_1286 = arith.index_cast %while3A_1219 : i32 to index
        %get3A_1287 = arith.constant 64 : index
        %get3A_1288 = tpu.vector_load %arg11[%get3A_1286, %get3A_1287] {strides = array<i32>} : memref<96x128xi32, #tpu.memory_space<vmem>>, vector<16xi32>,
        %shift_left3A_1289 = arith.constant 16 : i32
        %shift_left3A_1290 = vector.broadcast %shift_left3A_1289 : i32 to vector<16xi32>
        %shift_left3A_1291 = arith.shli %get3A_1288, %shift_left3A_1290 : vector<16xi32>
        %bitcast3A_1292 = vector.bitcast %shift_left3A_1291 : vector<16xi32> to vector<16xf32>
        %and3A_1293 = arith.constant -65536 : i32
        %and3A_1294 = vector.broadcast %and3A_1293 : i32 to vector<16xi32>
        %and3A_1295 = arith.andi %get3A_1288, %and3A_1294 : vector<16xi32>
        %bitcast3A_1296 = vector.bitcast %and3A_1295 : vector<16xi32> to vector<16xf32>
        %add3A_1297 = arith.addf %while3A_1224, %bitcast3A_1292 : vector<16xf32>
        %add3A_1298 = arith.addf %while3A_1232, %bitcast3A_1296 : vector<16xf32>
        %get3A_1299 = arith.index_cast %while3A_1219 : i32 to index
        %get3A_1300 = arith.constant 80 : index
        %get3A_1301 = tpu.vector_load %arg11[%get3A_1299, %get3A_1300] {strides = array<i32>} : memref<96x128xi32, #tpu.memory_space<vmem>>, vector<16xi32>,
        %shift_left3A_1302 = arith.constant 16 : i32
        %shift_left3A_1303 = vector.broadcast %shift_left3A_1302 : i32 to vector<16xi32>
        %shift_left3A_1304 = arith.shli %get3A_1301, %shift_left3A_1303 : vector<16xi32>
        %bitcast3A_1305 = vector.bitcast %shift_left3A_1304 : vector<16xi32> to vector<16xf32>
        %and3A_1306 = arith.constant -65536 : i32
        %and3A_1307 = vector.broadcast %and3A_1306 : i32 to vector<16xi32>
        %and3A_1308 = arith.andi %get3A_1301, %and3A_1307 : vector<16xi32>
        %bitcast3A_1309 = vector.bitcast %and3A_1308 : vector<16xi32> to vector<16xf32>
        %add3A_1310 = arith.addf %while3A_1225, %bitcast3A_1305 : vector<16xf32>
        %add3A_1311 = arith.addf %while3A_1233, %bitcast3A_1309 : vector<16xf32>
        %get3A_1312 = arith.index_cast %while3A_1219 : i32 to index
        %get3A_1313 = arith.constant 96 : index
        %get3A_1314 = tpu.vector_load %arg11[%get3A_1312, %get3A_1313] {strides = array<i32>} : memref<96x128xi32, #tpu.memory_space<vmem>>, vector<16xi32>,
        %shift_left3A_1315 = arith.constant 16 : i32
        %shift_left3A_1316 = vector.broadcast %shift_left3A_1315 : i32 to vector<16xi32>
        %shift_left3A_1317 = arith.shli %get3A_1314, %shift_left3A_1316 : vector<16xi32>
        %bitcast3A_1318 = vector.bitcast %shift_left3A_1317 : vector<16xi32> to vector<16xf32>
        %and3A_1319 = arith.constant -65536 : i32
        %and3A_1320 = vector.broadcast %and3A_1319 : i32 to vector<16xi32>
        %and3A_1321 = arith.andi %get3A_1314, %and3A_1320 : vector<16xi32>
        %bitcast3A_1322 = vector.bitcast %and3A_1321 : vector<16xi32> to vector<16xf32>
        %add3A_1323 = arith.addf %while3A_1226, %bitcast3A_1318 : vector<16xf32>
        %add3A_1324 = arith.addf %while3A_1234, %bitcast3A_1322 : vector<16xf32>
        %get3A_1325 = arith.index_cast %while3A_1219 : i32 to index
        %get3A_1326 = arith.constant 112 : index
        %get3A_1327 = tpu.vector_load %arg11[%get3A_1325, %get3A_1326] {strides = array<i32>} : memref<96x128xi32, #tpu.memory_space<vmem>>, vector<16xi32>,
        %shift_left3A_1328 = arith.constant 16 : i32
        %shift_left3A_1329 = vector.broadcast %shift_left3A_1328 : i32 to vector<16xi32>
        %shift_left3A_1330 = arith.shli %get3A_1327, %shift_left3A_1329 : vector<16xi32>
        %bitcast3A_1331 = vector.bitcast %shift_left3A_1330 : vector<16xi32> to vector<16xf32>
        %and3A_1332 = arith.constant -65536 : i32
        %and3A_1333 = vector.broadcast %and3A_1332 : i32 to vector<16xi32>
        %and3A_1334 = arith.andi %get3A_1327, %and3A_1333 : vector<16xi32>
        %bitcast3A_1335 = vector.bitcast %and3A_1334 : vector<16xi32> to vector<16xf32>
        %add3A_1336 = arith.addf %while3A_1227, %bitcast3A_1331 : vector<16xf32>
        %add3A_1337 = arith.addf %while3A_1235, %bitcast3A_1335 : vector<16xf32>
        scf.yield %add3A_1245, %add3A_1258, %add3A_1271, %add3A_1284, %add3A_1297, %add3A_1310, %add3A_1323, %add3A_1336, %add3A_1246, %add3A_1259, %add3A_1272, %add3A_1285, %add3A_1298, %add3A_1311, %add3A_1324, %add3A_1337 : vector<16xf32>, vector<16xf32>, vector<16xf32>, vector<16xf32>, vector<16xf32>, vector<16xf32>, vector<16xf32>, vector<16xf32>, vector<16xf32>, vector<16xf32>, vector<16xf32>, vector<16xf32>, vector<16xf32>, vector<16xf32>, vector<16xf32>, vector<16xf32>
      }
      scf.yield %while3A_1218#0, %while3A_1218#1, %while3A_1218#2, %while3A_1218#3, %while3A_1218#4, %while3A_1218#5, %while3A_1218#6, %while3A_1218#7, %while3A_1218#8, %while3A_1218#9, %while3A_1218#10, %while3A_1218#11, %while3A_1218#12, %while3A_1218#13, %while3A_1218#14, %while3A_1218#15 : vector<16xf32>, vector<16xf32>, vector<16xf32>, vector<16xf32>, vector<16xf32>, vector<16xf32>, vector<16xf32>, vector<16xf32>, vector<16xf32>, vector<16xf32>, vector<16xf32>, vector<16xf32>, vector<16xf32>, vector<16xf32>, vector<16xf32>, vector<16xf32>
    }
    %max3A = arith.constant 1 : i32
    %max3A_999 = arith.maxsi %select_n3A, %max3A : i32
    %convert_element_type3A = arith.sitofp %max3A_999 : i32 to f32
    %broadcast_in_dim3A_1000 = vector.broadcast %convert_element_type3A : f32 to vector<16xf32>
    %div3A_1001 = arith.constant 1.000000e+00 : f32
    %div3A_1002 = vector.broadcast %div3A_1001 : f32 to vector<16xf32>
    %div3A_1003 = arith.divf %div3A_1002, %broadcast_in_dim3A_1000 : vector<16xf32>
    %mul3A_1004 = arith.mulf %while3A_998#0, %div3A_1003 : vector<16xf32>
    %swap3A_1005 = arith.constant 0 : index
    %swap3A_1006 = tpu.vector_load %arg13[%swap3A_1005] {strides = array<i32>} : memref<256xf32, #tpu.memory_space<vmem>>, vector<16xf32>,
    tpu.vector_store %arg13[%swap3A_1005], %mul3A_1004 {strides = array<i32>} : memref<256xf32, #tpu.memory_space<vmem>>, vector<16xf32>,
    %mul3A_1007 = arith.mulf %while3A_998#8, %div3A_1003 : vector<16xf32>
    %swap3A_1008 = arith.constant 128 : index
    %swap3A_1009 = tpu.vector_load %arg13[%swap3A_1008] {strides = array<i32>} : memref<256xf32, #tpu.memory_space<vmem>>, vector<16xf32>,
    tpu.vector_store %arg13[%swap3A_1008], %mul3A_1007 {strides = array<i32>} : memref<256xf32, #tpu.memory_space<vmem>>, vector<16xf32>,
    %mul3A_1010 = arith.mulf %while3A_998#1, %div3A_1003 : vector<16xf32>
    %swap3A_1011 = arith.constant 16 : index
    %swap3A_1012 = tpu.vector_load %arg13[%swap3A_1011] {strides = array<i32>} : memref<256xf32, #tpu.memory_space<vmem>>, vector<16xf32>,
    tpu.vector_store %arg13[%swap3A_1011], %mul3A_1010 {strides = array<i32>} : memref<256xf32, #tpu.memory_space<vmem>>, vector<16xf32>,
    %mul3A_1013 = arith.mulf %while3A_998#9, %div3A_1003 : vector<16xf32>
    %swap3A_1014 = arith.constant 144 : index
    %swap3A_1015 = tpu.vector_load %arg13[%swap3A_1014] {strides = array<i32>} : memref<256xf32, #tpu.memory_space<vmem>>, vector<16xf32>,
    tpu.vector_store %arg13[%swap3A_1014], %mul3A_1013 {strides = array<i32>} : memref<256xf32, #tpu.memory_space<vmem>>, vector<16xf32>,
    %mul3A_1016 = arith.mulf %while3A_998#2, %div3A_1003 : vector<16xf32>
    %swap3A_1017 = arith.constant 32 : index
    %swap3A_1018 = tpu.vector_load %arg13[%swap3A_1017] {strides = array<i32>} : memref<256xf32, #tpu.memory_space<vmem>>, vector<16xf32>,
    tpu.vector_store %arg13[%swap3A_1017], %mul3A_1016 {strides = array<i32>} : memref<256xf32, #tpu.memory_space<vmem>>, vector<16xf32>,
    %mul3A_1019 = arith.mulf %while3A_998#10, %div3A_1003 : vector<16xf32>
    %swap3A_1020 = arith.constant 160 : index
    %swap3A_1021 = tpu.vector_load %arg13[%swap3A_1020] {strides = array<i32>} : memref<256xf32, #tpu.memory_space<vmem>>, vector<16xf32>,
    tpu.vector_store %arg13[%swap3A_1020], %mul3A_1019 {strides = array<i32>} : memref<256xf32, #tpu.memory_space<vmem>>, vector<16xf32>,
    %mul3A_1022 = arith.mulf %while3A_998#3, %div3A_1003 : vector<16xf32>
    %swap3A_1023 = arith.constant 48 : index
    %swap3A_1024 = tpu.vector_load %arg13[%swap3A_1023] {strides = array<i32>} : memref<256xf32, #tpu.memory_space<vmem>>, vector<16xf32>,
    tpu.vector_store %arg13[%swap3A_1023], %mul3A_1022 {strides = array<i32>} : memref<256xf32, #tpu.memory_space<vmem>>, vector<16xf32>,
    %mul3A_1025 = arith.mulf %while3A_998#11, %div3A_1003 : vector<16xf32>
    %swap3A_1026 = arith.constant 176 : index
    %swap3A_1027 = tpu.vector_load %arg13[%swap3A_1026] {strides = array<i32>} : memref<256xf32, #tpu.memory_space<vmem>>, vector<16xf32>,
    tpu.vector_store %arg13[%swap3A_1026], %mul3A_1025 {strides = array<i32>} : memref<256xf32, #tpu.memory_space<vmem>>, vector<16xf32>,
    %mul3A_1028 = arith.mulf %while3A_998#4, %div3A_1003 : vector<16xf32>
    %swap3A_1029 = arith.constant 64 : index
    %swap3A_1030 = tpu.vector_load %arg13[%swap3A_1029] {strides = array<i32>} : memref<256xf32, #tpu.memory_space<vmem>>, vector<16xf32>,
    tpu.vector_store %arg13[%swap3A_1029], %mul3A_1028 {strides = array<i32>} : memref<256xf32, #tpu.memory_space<vmem>>, vector<16xf32>,
    %mul3A_1031 = arith.mulf %while3A_998#12, %div3A_1003 : vector<16xf32>
    %swap3A_1032 = arith.constant 192 : index
    %swap3A_1033 = tpu.vector_load %arg13[%swap3A_1032] {strides = array<i32>} : memref<256xf32, #tpu.memory_space<vmem>>, vector<16xf32>,
    tpu.vector_store %arg13[%swap3A_1032], %mul3A_1031 {strides = array<i32>} : memref<256xf32, #tpu.memory_space<vmem>>, vector<16xf32>,
    %mul3A_1034 = arith.mulf %while3A_998#5, %div3A_1003 : vector<16xf32>
    %swap3A_1035 = arith.constant 80 : index
    %swap3A_1036 = tpu.vector_load %arg13[%swap3A_1035] {strides = array<i32>} : memref<256xf32, #tpu.memory_space<vmem>>, vector<16xf32>,
    tpu.vector_store %arg13[%swap3A_1035], %mul3A_1034 {strides = array<i32>} : memref<256xf32, #tpu.memory_space<vmem>>, vector<16xf32>,
    %mul3A_1037 = arith.mulf %while3A_998#13, %div3A_1003 : vector<16xf32>
    %swap3A_1038 = arith.constant 208 : index
    %swap3A_1039 = tpu.vector_load %arg13[%swap3A_1038] {strides = array<i32>} : memref<256xf32, #tpu.memory_space<vmem>>, vector<16xf32>,
    tpu.vector_store %arg13[%swap3A_1038], %mul3A_1037 {strides = array<i32>} : memref<256xf32, #tpu.memory_space<vmem>>, vector<16xf32>,
    %mul3A_1040 = arith.mulf %while3A_998#6, %div3A_1003 : vector<16xf32>
    %swap3A_1041 = arith.constant 96 : index
    %swap3A_1042 = tpu.vector_load %arg13[%swap3A_1041] {strides = array<i32>} : memref<256xf32, #tpu.memory_space<vmem>>, vector<16xf32>,
    tpu.vector_store %arg13[%swap3A_1041], %mul3A_1040 {strides = array<i32>} : memref<256xf32, #tpu.memory_space<vmem>>, vector<16xf32>,
    %mul3A_1043 = arith.mulf %while3A_998#14, %div3A_1003 : vector<16xf32>
    %swap3A_1044 = arith.constant 224 : index
    %swap3A_1045 = tpu.vector_load %arg13[%swap3A_1044] {strides = array<i32>} : memref<256xf32, #tpu.memory_space<vmem>>, vector<16xf32>,
    tpu.vector_store %arg13[%swap3A_1044], %mul3A_1043 {strides = array<i32>} : memref<256xf32, #tpu.memory_space<vmem>>, vector<16xf32>,
    %mul3A_1046 = arith.mulf %while3A_998#7, %div3A_1003 : vector<16xf32>
    %swap3A_1047 = arith.constant 112 : index
    %swap3A_1048 = tpu.vector_load %arg13[%swap3A_1047] {strides = array<i32>} : memref<256xf32, #tpu.memory_space<vmem>>, vector<16xf32>,
    tpu.vector_store %arg13[%swap3A_1047], %mul3A_1046 {strides = array<i32>} : memref<256xf32, #tpu.memory_space<vmem>>, vector<16xf32>,
    %mul3A_1049 = arith.mulf %while3A_998#15, %div3A_1003 : vector<16xf32>
    %swap3A_1050 = arith.constant 240 : index
    %swap3A_1051 = tpu.vector_load %arg13[%swap3A_1050] {strides = array<i32>} : memref<256xf32, #tpu.memory_space<vmem>>, vector<16xf32>,
    tpu.vector_store %arg13[%swap3A_1050], %mul3A_1049 {strides = array<i32>} : memref<256xf32, #tpu.memory_space<vmem>>, vector<16xf32>,
    "tpu.region"() ({
      %run_scoped3A = tpu.sem_alloc : memref<!tpu.dma_semaphore, #tpu.memory_space<semaphore_mem>>
      %dma_start3A_1174 = arith.constant 0 : i32
      %dma_start3A_1175 = tpu.memref_slice %arg6[%add3A_937, %dma_start3A_1174] : memref<64x256xf32, #tpu.memory_space<hbm>> -> memref<1x256xf32, #tpu.memory_space<hbm>>
      %dma_start3A_1176 = tpu.memref_squeeze %dma_start3A_1175 : memref<1x256xf32, #tpu.memory_space<hbm>> -> memref<256xf32, #tpu.memory_space<hbm>>
      %dma_start3A_1177 = arith.constant 0 : i32
      %dma_start3A_1178 = tpu.memref_slice %arg6[%add3A_937, %dma_start3A_1177] : memref<64x256xf32, #tpu.memory_space<hbm>> -> memref<1x256xf32, #tpu.memory_space<hbm>>
      %dma_start3A_1179 = tpu.memref_squeeze %dma_start3A_1178 : memref<1x256xf32, #tpu.memory_space<hbm>> -> memref<256xf32, #tpu.memory_space<hbm>>
      tpu.enqueue_dma source(%arg13 : memref<256xf32, #tpu.memory_space<vmem>>) target(%dma_start3A_1179 : memref<256xf32, #tpu.memory_space<hbm>>) target_semaphore(%run_scoped3A : memref<!tpu.dma_semaphore, #tpu.memory_space<semaphore_mem>>)
      %dma_wait3A_1180 = arith.constant 0 : i32
      %dma_wait3A_1181 = tpu.memref_slice %arg6[%add3A_937, %dma_wait3A_1180] : memref<64x256xf32, #tpu.memory_space<hbm>> -> memref<1x256xf32, #tpu.memory_space<hbm>>
      %dma_wait3A_1182 = tpu.memref_squeeze %dma_wait3A_1181 : memref<1x256xf32, #tpu.memory_space<hbm>> -> memref<256xf32, #tpu.memory_space<hbm>>
      %dma_wait3A_1183 = arith.constant 0 : i32
      %dma_wait3A_1184 = tpu.memref_slice %arg6[%add3A_937, %dma_wait3A_1183] : memref<64x256xf32, #tpu.memory_space<hbm>> -> memref<1x256xf32, #tpu.memory_space<hbm>>
      %dma_wait3A_1185 = tpu.memref_squeeze %dma_wait3A_1184 : memref<1x256xf32, #tpu.memory_space<hbm>> -> memref<256xf32, #tpu.memory_space<hbm>>
      tpu.wait_dma2 semaphore(%run_scoped3A : memref<!tpu.dma_semaphore, #tpu.memory_space<semaphore_mem>>) src(%arg13 : memref<256xf32, #tpu.memory_space<vmem>>) dst(%dma_wait3A_1185 : memref<256xf32, #tpu.memory_space<hbm>>)
      tpu.yield
    }) : () -> ()
    %mul3A_1052 = arith.constant 2 : i32
    %mul3A_1053 = arith.muli %add3A, %mul3A_1052 : i32
    %add3A_1054 = arith.constant 1 : i32
    %add3A_1055 = arith.addi %mul3A_1053, %add3A_1054 : i32
    %broadcast_in_dim3A_1056 = arith.constant 0.000000e+00 : f32
    %broadcast_in_dim3A_1057 = vector.broadcast %broadcast_in_dim3A_1056 : f32 to vector<16xf32>
    %broadcast_in_dim3A_1058 = arith.constant 0.000000e+00 : f32
    %broadcast_in_dim3A_1059 = vector.broadcast %broadcast_in_dim3A_1058 : f32 to vector<16xf32>
    %broadcast_in_dim3A_1060 = arith.constant 0.000000e+00 : f32
    %broadcast_in_dim3A_1061 = vector.broadcast %broadcast_in_dim3A_1060 : f32 to vector<16xf32>
    %broadcast_in_dim3A_1062 = arith.constant 0.000000e+00 : f32
    %broadcast_in_dim3A_1063 = vector.broadcast %broadcast_in_dim3A_1062 : f32 to vector<16xf32>
    %broadcast_in_dim3A_1064 = arith.constant 0.000000e+00 : f32
    %broadcast_in_dim3A_1065 = vector.broadcast %broadcast_in_dim3A_1064 : f32 to vector<16xf32>
    %broadcast_in_dim3A_1066 = arith.constant 0.000000e+00 : f32
    %broadcast_in_dim3A_1067 = vector.broadcast %broadcast_in_dim3A_1066 : f32 to vector<16xf32>
    %broadcast_in_dim3A_1068 = arith.constant 0.000000e+00 : f32
    %broadcast_in_dim3A_1069 = vector.broadcast %broadcast_in_dim3A_1068 : f32 to vector<16xf32>
    %broadcast_in_dim3A_1070 = arith.constant 0.000000e+00 : f32
    %broadcast_in_dim3A_1071 = vector.broadcast %broadcast_in_dim3A_1070 : f32 to vector<16xf32>
    %broadcast_in_dim3A_1072 = arith.constant 0.000000e+00 : f32
    %broadcast_in_dim3A_1073 = vector.broadcast %broadcast_in_dim3A_1072 : f32 to vector<16xf32>
    %broadcast_in_dim3A_1074 = arith.constant 0.000000e+00 : f32
    %broadcast_in_dim3A_1075 = vector.broadcast %broadcast_in_dim3A_1074 : f32 to vector<16xf32>
    %broadcast_in_dim3A_1076 = arith.constant 0.000000e+00 : f32
    %broadcast_in_dim3A_1077 = vector.broadcast %broadcast_in_dim3A_1076 : f32 to vector<16xf32>
    %broadcast_in_dim3A_1078 = arith.constant 0.000000e+00 : f32
    %broadcast_in_dim3A_1079 = vector.broadcast %broadcast_in_dim3A_1078 : f32 to vector<16xf32>
    %broadcast_in_dim3A_1080 = arith.constant 0.000000e+00 : f32
    %broadcast_in_dim3A_1081 = vector.broadcast %broadcast_in_dim3A_1080 : f32 to vector<16xf32>
    %broadcast_in_dim3A_1082 = arith.constant 0.000000e+00 : f32
    %broadcast_in_dim3A_1083 = vector.broadcast %broadcast_in_dim3A_1082 : f32 to vector<16xf32>
    %broadcast_in_dim3A_1084 = arith.constant 0.000000e+00 : f32
    %broadcast_in_dim3A_1085 = vector.broadcast %broadcast_in_dim3A_1084 : f32 to vector<16xf32>
    %broadcast_in_dim3A_1086 = arith.constant 0.000000e+00 : f32
    %broadcast_in_dim3A_1087 = vector.broadcast %broadcast_in_dim3A_1086 : f32 to vector<16xf32>
    %dma_wait3A_1088 = arith.constant 5168 : i32
    %dma_wait3A_1089 = tpu.memref_slice %arg10[%dma_wait3A_1088] : memref<10336xi32, #tpu.memory_space<vmem>> -> memref<96xi32, #tpu.memory_space<vmem>>
    %dma_wait3A_1090 = arith.constant 0 : i32
    %dma_wait3A_1091 = arith.constant 0 : i32
    %dma_wait3A_1092 = tpu.memref_slice %arg5[%dma_wait3A_1090, %dma_wait3A_1091] : memref<10000x128xi32, #tpu.memory_space<hbm>> -> memref<10000x128xi32, #tpu.memory_space<hbm>>
    tpu.wait_indirect_dma semaphore(%arg15 : memref<!tpu.dma_semaphore, #tpu.memory_space<semaphore_mem>>) src(%dma_wait3A_1092 : memref<10000x128xi32, #tpu.memory_space<hbm>>) dst(%arg12 : memref<96x128xi32, #tpu.memory_space<vmem>>)
    %sub3A_1093 = arith.constant 0 : i32
    %sub3A_1094 = arith.subi %select_n3A_490, %sub3A_1093 : i32
    %min3A_1095 = arith.constant 96 : i32
    %min3A_1096 = arith.minsi %min3A_1095, %sub3A_1094 : i32
    %while3A_1097 = arith.constant 0 : i32
    %while3A_1098 = arith.subi %min3A_1096, %while3A_1097 : i32
    %while3A_1099 = arith.addi %while3A_1097, %while3A_1098 : i32
    %while3A_1100 = arith.constant 1 : i32
    %while3A_1101 = arith.divsi %while3A_1098, %while3A_1100 : i32
    %while3A_1102 = arith.muli %while3A_1101, %while3A_1100 : i32
    %while3A_1103 = arith.addi %while3A_1097, %while3A_1102 : i32
    %while3A_1104 = arith.constant 1 : i32
    %while3A_1105:16 = scf.for %while3A_1174 = %while3A_1097 to %while3A_1103 step %while3A_1104 iter_args(%while3A_1175 = %broadcast_in_dim3A_1057, %while3A_1176 = %broadcast_in_dim3A_1059, %while3A_1177 = %broadcast_in_dim3A_1061, %while3A_1178 = %broadcast_in_dim3A_1063, %while3A_1179 = %broadcast_in_dim3A_1065, %while3A_1180 = %broadcast_in_dim3A_1067, %while3A_1181 = %broadcast_in_dim3A_1069, %while3A_1182 = %broadcast_in_dim3A_1071, %while3A_1183 = %broadcast_in_dim3A_1073, %while3A_1184 = %broadcast_in_dim3A_1075, %while3A_1185 = %broadcast_in_dim3A_1077, %while3A_1186 = %broadcast_in_dim3A_1079, %while3A_1187 = %broadcast_in_dim3A_1081, %while3A_1188 = %broadcast_in_dim3A_1083, %while3A_1189 = %broadcast_in_dim3A_1085, %while3A_1190 = %broadcast_in_dim3A_1087) -> (vector<16xf32>, vector<16xf32>, vector<16xf32>, vector<16xf32>, vector<16xf32>, vector<16xf32>, vector<16xf32>, vector<16xf32>, vector<16xf32>, vector<16xf32>, vector<16xf32>, vector<16xf32>, vector<16xf32>, vector<16xf32>, vector<16xf32>, vector<16xf32>)  : i32 {
      %get3A_1191 = arith.index_cast %while3A_1174 : i32 to index
      %get3A_1192 = arith.constant 0 : index
      %get3A_1193 = tpu.vector_load %arg12[%get3A_1191, %get3A_1192] {strides = array<i32>} : memref<96x128xi32, #tpu.memory_space<vmem>>, vector<16xi32>,
      %shift_left3A = arith.constant 16 : i32
      %shift_left3A_1194 = vector.broadcast %shift_left3A : i32 to vector<16xi32>
      %shift_left3A_1195 = arith.shli %get3A_1193, %shift_left3A_1194 : vector<16xi32>
      %bitcast3A = vector.bitcast %shift_left3A_1195 : vector<16xi32> to vector<16xf32>
      %and3A_1196 = arith.constant -65536 : i32
      %and3A_1197 = vector.broadcast %and3A_1196 : i32 to vector<16xi32>
      %and3A_1198 = arith.andi %get3A_1193, %and3A_1197 : vector<16xi32>
      %bitcast3A_1199 = vector.bitcast %and3A_1198 : vector<16xi32> to vector<16xf32>
      %add3A_1200 = arith.addf %while3A_1175, %bitcast3A : vector<16xf32>
      %add3A_1201 = arith.addf %while3A_1183, %bitcast3A_1199 : vector<16xf32>
      %get3A_1202 = arith.index_cast %while3A_1174 : i32 to index
      %get3A_1203 = arith.constant 16 : index
      %get3A_1204 = tpu.vector_load %arg12[%get3A_1202, %get3A_1203] {strides = array<i32>} : memref<96x128xi32, #tpu.memory_space<vmem>>, vector<16xi32>,
      %shift_left3A_1205 = arith.constant 16 : i32
      %shift_left3A_1206 = vector.broadcast %shift_left3A_1205 : i32 to vector<16xi32>
      %shift_left3A_1207 = arith.shli %get3A_1204, %shift_left3A_1206 : vector<16xi32>
      %bitcast3A_1208 = vector.bitcast %shift_left3A_1207 : vector<16xi32> to vector<16xf32>
      %and3A_1209 = arith.constant -65536 : i32
      %and3A_1210 = vector.broadcast %and3A_1209 : i32 to vector<16xi32>
      %and3A_1211 = arith.andi %get3A_1204, %and3A_1210 : vector<16xi32>
      %bitcast3A_1212 = vector.bitcast %and3A_1211 : vector<16xi32> to vector<16xf32>
      %add3A_1213 = arith.addf %while3A_1176, %bitcast3A_1208 : vector<16xf32>
      %add3A_1214 = arith.addf %while3A_1184, %bitcast3A_1212 : vector<16xf32>
      %get3A_1215 = arith.index_cast %while3A_1174 : i32 to index
      %get3A_1216 = arith.constant 32 : index
      %get3A_1217 = tpu.vector_load %arg12[%get3A_1215, %get3A_1216] {strides = array<i32>} : memref<96x128xi32, #tpu.memory_space<vmem>>, vector<16xi32>,
      %shift_left3A_1218 = arith.constant 16 : i32
      %shift_left3A_1219 = vector.broadcast %shift_left3A_1218 : i32 to vector<16xi32>
      %shift_left3A_1220 = arith.shli %get3A_1217, %shift_left3A_1219 : vector<16xi32>
      %bitcast3A_1221 = vector.bitcast %shift_left3A_1220 : vector<16xi32> to vector<16xf32>
      %and3A_1222 = arith.constant -65536 : i32
      %and3A_1223 = vector.broadcast %and3A_1222 : i32 to vector<16xi32>
      %and3A_1224 = arith.andi %get3A_1217, %and3A_1223 : vector<16xi32>
      %bitcast3A_1225 = vector.bitcast %and3A_1224 : vector<16xi32> to vector<16xf32>
      %add3A_1226 = arith.addf %while3A_1177, %bitcast3A_1221 : vector<16xf32>
      %add3A_1227 = arith.addf %while3A_1185, %bitcast3A_1225 : vector<16xf32>
      %get3A_1228 = arith.index_cast %while3A_1174 : i32 to index
      %get3A_1229 = arith.constant 48 : index
      %get3A_1230 = tpu.vector_load %arg12[%get3A_1228, %get3A_1229] {strides = array<i32>} : memref<96x128xi32, #tpu.memory_space<vmem>>, vector<16xi32>,
      %shift_left3A_1231 = arith.constant 16 : i32
      %shift_left3A_1232 = vector.broadcast %shift_left3A_1231 : i32 to vector<16xi32>
      %shift_left3A_1233 = arith.shli %get3A_1230, %shift_left3A_1232 : vector<16xi32>
      %bitcast3A_1234 = vector.bitcast %shift_left3A_1233 : vector<16xi32> to vector<16xf32>
      %and3A_1235 = arith.constant -65536 : i32
      %and3A_1236 = vector.broadcast %and3A_1235 : i32 to vector<16xi32>
      %and3A_1237 = arith.andi %get3A_1230, %and3A_1236 : vector<16xi32>
      %bitcast3A_1238 = vector.bitcast %and3A_1237 : vector<16xi32> to vector<16xf32>
      %add3A_1239 = arith.addf %while3A_1178, %bitcast3A_1234 : vector<16xf32>
      %add3A_1240 = arith.addf %while3A_1186, %bitcast3A_1238 : vector<16xf32>
      %get3A_1241 = arith.index_cast %while3A_1174 : i32 to index
      %get3A_1242 = arith.constant 64 : index
      %get3A_1243 = tpu.vector_load %arg12[%get3A_1241, %get3A_1242] {strides = array<i32>} : memref<96x128xi32, #tpu.memory_space<vmem>>, vector<16xi32>,
      %shift_left3A_1244 = arith.constant 16 : i32
      %shift_left3A_1245 = vector.broadcast %shift_left3A_1244 : i32 to vector<16xi32>
      %shift_left3A_1246 = arith.shli %get3A_1243, %shift_left3A_1245 : vector<16xi32>
      %bitcast3A_1247 = vector.bitcast %shift_left3A_1246 : vector<16xi32> to vector<16xf32>
      %and3A_1248 = arith.constant -65536 : i32
      %and3A_1249 = vector.broadcast %and3A_1248 : i32 to vector<16xi32>
      %and3A_1250 = arith.andi %get3A_1243, %and3A_1249 : vector<16xi32>
      %bitcast3A_1251 = vector.bitcast %and3A_1250 : vector<16xi32> to vector<16xf32>
      %add3A_1252 = arith.addf %while3A_1179, %bitcast3A_1247 : vector<16xf32>
      %add3A_1253 = arith.addf %while3A_1187, %bitcast3A_1251 : vector<16xf32>
      %get3A_1254 = arith.index_cast %while3A_1174 : i32 to index
      %get3A_1255 = arith.constant 80 : index
      %get3A_1256 = tpu.vector_load %arg12[%get3A_1254, %get3A_1255] {strides = array<i32>} : memref<96x128xi32, #tpu.memory_space<vmem>>, vector<16xi32>,
      %shift_left3A_1257 = arith.constant 16 : i32
      %shift_left3A_1258 = vector.broadcast %shift_left3A_1257 : i32 to vector<16xi32>
      %shift_left3A_1259 = arith.shli %get3A_1256, %shift_left3A_1258 : vector<16xi32>
      %bitcast3A_1260 = vector.bitcast %shift_left3A_1259 : vector<16xi32> to vector<16xf32>
      %and3A_1261 = arith.constant -65536 : i32
      %and3A_1262 = vector.broadcast %and3A_1261 : i32 to vector<16xi32>
      %and3A_1263 = arith.andi %get3A_1256, %and3A_1262 : vector<16xi32>
      %bitcast3A_1264 = vector.bitcast %and3A_1263 : vector<16xi32> to vector<16xf32>
      %add3A_1265 = arith.addf %while3A_1180, %bitcast3A_1260 : vector<16xf32>
      %add3A_1266 = arith.addf %while3A_1188, %bitcast3A_1264 : vector<16xf32>
      %get3A_1267 = arith.index_cast %while3A_1174 : i32 to index
      %get3A_1268 = arith.constant 96 : index
      %get3A_1269 = tpu.vector_load %arg12[%get3A_1267, %get3A_1268] {strides = array<i32>} : memref<96x128xi32, #tpu.memory_space<vmem>>, vector<16xi32>,
      %shift_left3A_1270 = arith.constant 16 : i32
      %shift_left3A_1271 = vector.broadcast %shift_left3A_1270 : i32 to vector<16xi32>
      %shift_left3A_1272 = arith.shli %get3A_1269, %shift_left3A_1271 : vector<16xi32>
      %bitcast3A_1273 = vector.bitcast %shift_left3A_1272 : vector<16xi32> to vector<16xf32>
      %and3A_1274 = arith.constant -65536 : i32
      %and3A_1275 = vector.broadcast %and3A_1274 : i32 to vector<16xi32>
      %and3A_1276 = arith.andi %get3A_1269, %and3A_1275 : vector<16xi32>
      %bitcast3A_1277 = vector.bitcast %and3A_1276 : vector<16xi32> to vector<16xf32>
      %add3A_1278 = arith.addf %while3A_1181, %bitcast3A_1273 : vector<16xf32>
      %add3A_1279 = arith.addf %while3A_1189, %bitcast3A_1277 : vector<16xf32>
      %get3A_1280 = arith.index_cast %while3A_1174 : i32 to index
      %get3A_1281 = arith.constant 112 : index
      %get3A_1282 = tpu.vector_load %arg12[%get3A_1280, %get3A_1281] {strides = array<i32>} : memref<96x128xi32, #tpu.memory_space<vmem>>, vector<16xi32>,
      %shift_left3A_1283 = arith.constant 16 : i32
      %shift_left3A_1284 = vector.broadcast %shift_left3A_1283 : i32 to vector<16xi32>
      %shift_left3A_1285 = arith.shli %get3A_1282, %shift_left3A_1284 : vector<16xi32>
      %bitcast3A_1286 = vector.bitcast %shift_left3A_1285 : vector<16xi32> to vector<16xf32>
      %and3A_1287 = arith.constant -65536 : i32
      %and3A_1288 = vector.broadcast %and3A_1287 : i32 to vector<16xi32>
      %and3A_1289 = arith.andi %get3A_1282, %and3A_1288 : vector<16xi32>
      %bitcast3A_1290 = vector.bitcast %and3A_1289 : vector<16xi32> to vector<16xf32>
      %add3A_1291 = arith.addf %while3A_1182, %bitcast3A_1286 : vector<16xf32>
      %add3A_1292 = arith.addf %while3A_1190, %bitcast3A_1290 : vector<16xf32>
      scf.yield %add3A_1200, %add3A_1213, %add3A_1226, %add3A_1239, %add3A_1252, %add3A_1265, %add3A_1278, %add3A_1291, %add3A_1201, %add3A_1214, %add3A_1227, %add3A_1240, %add3A_1253, %add3A_1266, %add3A_1279, %add3A_1292 : vector<16xf32>, vector<16xf32>, vector<16xf32>, vector<16xf32>, vector<16xf32>, vector<16xf32>, vector<16xf32>, vector<16xf32>, vector<16xf32>, vector<16xf32>, vector<16xf32>, vector<16xf32>, vector<16xf32>, vector<16xf32>, vector<16xf32>, vector<16xf32>
    }
    %while3A_1106 = arith.constant 1 : i32
    %while3A_1107:16 = scf.for %while3A_1174 = %while3A_1103 to %while3A_1099 step %while3A_1106 iter_args(%while3A_1175 = %while3A_1105#0, %while3A_1176 = %while3A_1105#1, %while3A_1177 = %while3A_1105#2, %while3A_1178 = %while3A_1105#3, %while3A_1179 = %while3A_1105#4, %while3A_1180 = %while3A_1105#5, %while3A_1181 = %while3A_1105#6, %while3A_1182 = %while3A_1105#7, %while3A_1183 = %while3A_1105#8, %while3A_1184 = %while3A_1105#9, %while3A_1185 = %while3A_1105#10, %while3A_1186 = %while3A_1105#11, %while3A_1187 = %while3A_1105#12, %while3A_1188 = %while3A_1105#13, %while3A_1189 = %while3A_1105#14, %while3A_1190 = %while3A_1105#15) -> (vector<16xf32>, vector<16xf32>, vector<16xf32>, vector<16xf32>, vector<16xf32>, vector<16xf32>, vector<16xf32>, vector<16xf32>, vector<16xf32>, vector<16xf32>, vector<16xf32>, vector<16xf32>, vector<16xf32>, vector<16xf32>, vector<16xf32>, vector<16xf32>)  : i32 {
      %get3A_1191 = arith.index_cast %while3A_1174 : i32 to index
      %get3A_1192 = arith.constant 0 : index
      %get3A_1193 = tpu.vector_load %arg12[%get3A_1191, %get3A_1192] {strides = array<i32>} : memref<96x128xi32, #tpu.memory_space<vmem>>, vector<16xi32>,
      %shift_left3A = arith.constant 16 : i32
      %shift_left3A_1194 = vector.broadcast %shift_left3A : i32 to vector<16xi32>
      %shift_left3A_1195 = arith.shli %get3A_1193, %shift_left3A_1194 : vector<16xi32>
      %bitcast3A = vector.bitcast %shift_left3A_1195 : vector<16xi32> to vector<16xf32>
      %and3A_1196 = arith.constant -65536 : i32
      %and3A_1197 = vector.broadcast %and3A_1196 : i32 to vector<16xi32>
      %and3A_1198 = arith.andi %get3A_1193, %and3A_1197 : vector<16xi32>
      %bitcast3A_1199 = vector.bitcast %and3A_1198 : vector<16xi32> to vector<16xf32>
      %add3A_1200 = arith.addf %while3A_1175, %bitcast3A : vector<16xf32>
      %add3A_1201 = arith.addf %while3A_1183, %bitcast3A_1199 : vector<16xf32>
      %get3A_1202 = arith.index_cast %while3A_1174 : i32 to index
      %get3A_1203 = arith.constant 16 : index
      %get3A_1204 = tpu.vector_load %arg12[%get3A_1202, %get3A_1203] {strides = array<i32>} : memref<96x128xi32, #tpu.memory_space<vmem>>, vector<16xi32>,
      %shift_left3A_1205 = arith.constant 16 : i32
      %shift_left3A_1206 = vector.broadcast %shift_left3A_1205 : i32 to vector<16xi32>
      %shift_left3A_1207 = arith.shli %get3A_1204, %shift_left3A_1206 : vector<16xi32>
      %bitcast3A_1208 = vector.bitcast %shift_left3A_1207 : vector<16xi32> to vector<16xf32>
      %and3A_1209 = arith.constant -65536 : i32
      %and3A_1210 = vector.broadcast %and3A_1209 : i32 to vector<16xi32>
      %and3A_1211 = arith.andi %get3A_1204, %and3A_1210 : vector<16xi32>
      %bitcast3A_1212 = vector.bitcast %and3A_1211 : vector<16xi32> to vector<16xf32>
      %add3A_1213 = arith.addf %while3A_1176, %bitcast3A_1208 : vector<16xf32>
      %add3A_1214 = arith.addf %while3A_1184, %bitcast3A_1212 : vector<16xf32>
      %get3A_1215 = arith.index_cast %while3A_1174 : i32 to index
      %get3A_1216 = arith.constant 32 : index
      %get3A_1217 = tpu.vector_load %arg12[%get3A_1215, %get3A_1216] {strides = array<i32>} : memref<96x128xi32, #tpu.memory_space<vmem>>, vector<16xi32>,
      %shift_left3A_1218 = arith.constant 16 : i32
      %shift_left3A_1219 = vector.broadcast %shift_left3A_1218 : i32 to vector<16xi32>
      %shift_left3A_1220 = arith.shli %get3A_1217, %shift_left3A_1219 : vector<16xi32>
      %bitcast3A_1221 = vector.bitcast %shift_left3A_1220 : vector<16xi32> to vector<16xf32>
      %and3A_1222 = arith.constant -65536 : i32
      %and3A_1223 = vector.broadcast %and3A_1222 : i32 to vector<16xi32>
      %and3A_1224 = arith.andi %get3A_1217, %and3A_1223 : vector<16xi32>
      %bitcast3A_1225 = vector.bitcast %and3A_1224 : vector<16xi32> to vector<16xf32>
      %add3A_1226 = arith.addf %while3A_1177, %bitcast3A_1221 : vector<16xf32>
      %add3A_1227 = arith.addf %while3A_1185, %bitcast3A_1225 : vector<16xf32>
      %get3A_1228 = arith.index_cast %while3A_1174 : i32 to index
      %get3A_1229 = arith.constant 48 : index
      %get3A_1230 = tpu.vector_load %arg12[%get3A_1228, %get3A_1229] {strides = array<i32>} : memref<96x128xi32, #tpu.memory_space<vmem>>, vector<16xi32>,
      %shift_left3A_1231 = arith.constant 16 : i32
      %shift_left3A_1232 = vector.broadcast %shift_left3A_1231 : i32 to vector<16xi32>
      %shift_left3A_1233 = arith.shli %get3A_1230, %shift_left3A_1232 : vector<16xi32>
      %bitcast3A_1234 = vector.bitcast %shift_left3A_1233 : vector<16xi32> to vector<16xf32>
      %and3A_1235 = arith.constant -65536 : i32
      %and3A_1236 = vector.broadcast %and3A_1235 : i32 to vector<16xi32>
      %and3A_1237 = arith.andi %get3A_1230, %and3A_1236 : vector<16xi32>
      %bitcast3A_1238 = vector.bitcast %and3A_1237 : vector<16xi32> to vector<16xf32>
      %add3A_1239 = arith.addf %while3A_1178, %bitcast3A_1234 : vector<16xf32>
      %add3A_1240 = arith.addf %while3A_1186, %bitcast3A_1238 : vector<16xf32>
      %get3A_1241 = arith.index_cast %while3A_1174 : i32 to index
      %get3A_1242 = arith.constant 64 : index
      %get3A_1243 = tpu.vector_load %arg12[%get3A_1241, %get3A_1242] {strides = array<i32>} : memref<96x128xi32, #tpu.memory_space<vmem>>, vector<16xi32>,
      %shift_left3A_1244 = arith.constant 16 : i32
      %shift_left3A_1245 = vector.broadcast %shift_left3A_1244 : i32 to vector<16xi32>
      %shift_left3A_1246 = arith.shli %get3A_1243, %shift_left3A_1245 : vector<16xi32>
      %bitcast3A_1247 = vector.bitcast %shift_left3A_1246 : vector<16xi32> to vector<16xf32>
      %and3A_1248 = arith.constant -65536 : i32
      %and3A_1249 = vector.broadcast %and3A_1248 : i32 to vector<16xi32>
      %and3A_1250 = arith.andi %get3A_1243, %and3A_1249 : vector<16xi32>
      %bitcast3A_1251 = vector.bitcast %and3A_1250 : vector<16xi32> to vector<16xf32>
      %add3A_1252 = arith.addf %while3A_1179, %bitcast3A_1247 : vector<16xf32>
      %add3A_1253 = arith.addf %while3A_1187, %bitcast3A_1251 : vector<16xf32>
      %get3A_1254 = arith.index_cast %while3A_1174 : i32 to index
      %get3A_1255 = arith.constant 80 : index
      %get3A_1256 = tpu.vector_load %arg12[%get3A_1254, %get3A_1255] {strides = array<i32>} : memref<96x128xi32, #tpu.memory_space<vmem>>, vector<16xi32>,
      %shift_left3A_1257 = arith.constant 16 : i32
      %shift_left3A_1258 = vector.broadcast %shift_left3A_1257 : i32 to vector<16xi32>
      %shift_left3A_1259 = arith.shli %get3A_1256, %shift_left3A_1258 : vector<16xi32>
      %bitcast3A_1260 = vector.bitcast %shift_left3A_1259 : vector<16xi32> to vector<16xf32>
      %and3A_1261 = arith.constant -65536 : i32
      %and3A_1262 = vector.broadcast %and3A_1261 : i32 to vector<16xi32>
      %and3A_1263 = arith.andi %get3A_1256, %and3A_1262 : vector<16xi32>
      %bitcast3A_1264 = vector.bitcast %and3A_1263 : vector<16xi32> to vector<16xf32>
      %add3A_1265 = arith.addf %while3A_1180, %bitcast3A_1260 : vector<16xf32>
      %add3A_1266 = arith.addf %while3A_1188, %bitcast3A_1264 : vector<16xf32>
      %get3A_1267 = arith.index_cast %while3A_1174 : i32 to index
      %get3A_1268 = arith.constant 96 : index
      %get3A_1269 = tpu.vector_load %arg12[%get3A_1267, %get3A_1268] {strides = array<i32>} : memref<96x128xi32, #tpu.memory_space<vmem>>, vector<16xi32>,
      %shift_left3A_1270 = arith.constant 16 : i32
      %shift_left3A_1271 = vector.broadcast %shift_left3A_1270 : i32 to vector<16xi32>
      %shift_left3A_1272 = arith.shli %get3A_1269, %shift_left3A_1271 : vector<16xi32>
      %bitcast3A_1273 = vector.bitcast %shift_left3A_1272 : vector<16xi32> to vector<16xf32>
      %and3A_1274 = arith.constant -65536 : i32
      %and3A_1275 = vector.broadcast %and3A_1274 : i32 to vector<16xi32>
      %and3A_1276 = arith.andi %get3A_1269, %and3A_1275 : vector<16xi32>
      %bitcast3A_1277 = vector.bitcast %and3A_1276 : vector<16xi32> to vector<16xf32>
      %add3A_1278 = arith.addf %while3A_1181, %bitcast3A_1273 : vector<16xf32>
      %add3A_1279 = arith.addf %while3A_1189, %bitcast3A_1277 : vector<16xf32>
      %get3A_1280 = arith.index_cast %while3A_1174 : i32 to index
      %get3A_1281 = arith.constant 112 : index
      %get3A_1282 = tpu.vector_load %arg12[%get3A_1280, %get3A_1281] {strides = array<i32>} : memref<96x128xi32, #tpu.memory_space<vmem>>, vector<16xi32>,
      %shift_left3A_1283 = arith.constant 16 : i32
      %shift_left3A_1284 = vector.broadcast %shift_left3A_1283 : i32 to vector<16xi32>
      %shift_left3A_1285 = arith.shli %get3A_1282, %shift_left3A_1284 : vector<16xi32>
      %bitcast3A_1286 = vector.bitcast %shift_left3A_1285 : vector<16xi32> to vector<16xf32>
      %and3A_1287 = arith.constant -65536 : i32
      %and3A_1288 = vector.broadcast %and3A_1287 : i32 to vector<16xi32>
      %and3A_1289 = arith.andi %get3A_1282, %and3A_1288 : vector<16xi32>
      %bitcast3A_1290 = vector.bitcast %and3A_1289 : vector<16xi32> to vector<16xf32>
      %add3A_1291 = arith.addf %while3A_1182, %bitcast3A_1286 : vector<16xf32>
      %add3A_1292 = arith.addf %while3A_1190, %bitcast3A_1290 : vector<16xf32>
      scf.yield %add3A_1200, %add3A_1213, %add3A_1226, %add3A_1239, %add3A_1252, %add3A_1265, %add3A_1278, %add3A_1291, %add3A_1201, %add3A_1214, %add3A_1227, %add3A_1240, %add3A_1253, %add3A_1266, %add3A_1279, %add3A_1292 : vector<16xf32>, vector<16xf32>, vector<16xf32>, vector<16xf32>, vector<16xf32>, vector<16xf32>, vector<16xf32>, vector<16xf32>, vector<16xf32>, vector<16xf32>, vector<16xf32>, vector<16xf32>, vector<16xf32>, vector<16xf32>, vector<16xf32>, vector<16xf32>
    }
    %while3A_1108 = arith.constant 1 : i32
    %while3A_1109 = arith.subi %select_n3A_924, %while3A_1108 : i32
    %while3A_1110 = arith.addi %while3A_1108, %while3A_1109 : i32
    %while3A_1111 = arith.constant 1 : i32
    %while3A_1112 = arith.divsi %while3A_1109, %while3A_1111 : i32
    %while3A_1113 = arith.muli %while3A_1112, %while3A_1111 : i32
    %while3A_1114 = arith.addi %while3A_1108, %while3A_1113 : i32
    %while3A_1115 = arith.constant 1 : i32
    %while3A_1116:16 = scf.for %while3A_1174 = %while3A_1108 to %while3A_1114 step %while3A_1115 iter_args(%while3A_1175 = %while3A_1107#0, %while3A_1176 = %while3A_1107#1, %while3A_1177 = %while3A_1107#2, %while3A_1178 = %while3A_1107#3, %while3A_1179 = %while3A_1107#4, %while3A_1180 = %while3A_1107#5, %while3A_1181 = %while3A_1107#6, %while3A_1182 = %while3A_1107#7, %while3A_1183 = %while3A_1107#8, %while3A_1184 = %while3A_1107#9, %while3A_1185 = %while3A_1107#10, %while3A_1186 = %while3A_1107#11, %while3A_1187 = %while3A_1107#12, %while3A_1188 = %while3A_1107#13, %while3A_1189 = %while3A_1107#14, %while3A_1190 = %while3A_1107#15) -> (vector<16xf32>, vector<16xf32>, vector<16xf32>, vector<16xf32>, vector<16xf32>, vector<16xf32>, vector<16xf32>, vector<16xf32>, vector<16xf32>, vector<16xf32>, vector<16xf32>, vector<16xf32>, vector<16xf32>, vector<16xf32>, vector<16xf32>, vector<16xf32>)  : i32 {
      %mul3A_1191 = arith.constant 96 : i32
      %mul3A_1192 = arith.muli %while3A_1174, %mul3A_1191 : i32
      %add3A_1193 = arith.constant 5168 : i32
      %add3A_1194 = arith.addi %add3A_1193, %mul3A_1192 : i32
      %dma_start3A_1195 = tpu.memref_slice %arg10[%add3A_1194] : memref<10336xi32, #tpu.memory_space<vmem>> -> memref<96xi32, #tpu.memory_space<vmem>>
      %dma_start3A_1196 = arith.constant 0 : i32
      %dma_start3A_1197 = arith.constant 0 : i32
      %dma_start3A_1198 = tpu.memref_slice %arg5[%dma_start3A_1196, %dma_start3A_1197] : memref<10000x128xi32, #tpu.memory_space<hbm>> -> memref<10000x128xi32, #tpu.memory_space<hbm>>
      tpu.enqueue_indirect_dma source(%dma_start3A_1198 : memref<10000x128xi32, #tpu.memory_space<hbm>>) target(%arg12 : memref<96x128xi32, #tpu.memory_space<vmem>>) offsets(%dma_start3A_1195 : memref<96xi32, #tpu.memory_space<vmem>>) semaphore(%arg15 : memref<!tpu.dma_semaphore, #tpu.memory_space<semaphore_mem>>)
      %dma_wait3A_1199 = tpu.memref_slice %arg10[%add3A_1194] : memref<10336xi32, #tpu.memory_space<vmem>> -> memref<96xi32, #tpu.memory_space<vmem>>
      %dma_wait3A_1200 = arith.constant 0 : i32
      %dma_wait3A_1201 = arith.constant 0 : i32
      %dma_wait3A_1202 = tpu.memref_slice %arg5[%dma_wait3A_1200, %dma_wait3A_1201] : memref<10000x128xi32, #tpu.memory_space<hbm>> -> memref<10000x128xi32, #tpu.memory_space<hbm>>
      tpu.wait_indirect_dma semaphore(%arg15 : memref<!tpu.dma_semaphore, #tpu.memory_space<semaphore_mem>>) src(%dma_wait3A_1202 : memref<10000x128xi32, #tpu.memory_space<hbm>>) dst(%arg12 : memref<96x128xi32, #tpu.memory_space<vmem>>)
      %mul3A_1203 = arith.constant 96 : i32
      %mul3A_1204 = arith.muli %while3A_1174, %mul3A_1203 : i32
      %sub3A_1205 = arith.subi %select_n3A_490, %mul3A_1204 : i32
      %min3A_1206 = arith.constant 96 : i32
      %min3A_1207 = arith.minsi %min3A_1206, %sub3A_1205 : i32
      %while3A_1208 = arith.constant 0 : i32
      %while3A_1209 = arith.subi %min3A_1207, %while3A_1208 : i32
      %while3A_1210 = arith.addi %while3A_1208, %while3A_1209 : i32
      %while3A_1211 = arith.constant 1 : i32
      %while3A_1212 = arith.divsi %while3A_1209, %while3A_1211 : i32
      %while3A_1213 = arith.muli %while3A_1212, %while3A_1211 : i32
      %while3A_1214 = arith.addi %while3A_1208, %while3A_1213 : i32
      %while3A_1215 = arith.constant 1 : i32
      %while3A_1216:16 = scf.for %while3A_1219 = %while3A_1208 to %while3A_1214 step %while3A_1215 iter_args(%while3A_1220 = %while3A_1175, %while3A_1221 = %while3A_1176, %while3A_1222 = %while3A_1177, %while3A_1223 = %while3A_1178, %while3A_1224 = %while3A_1179, %while3A_1225 = %while3A_1180, %while3A_1226 = %while3A_1181, %while3A_1227 = %while3A_1182, %while3A_1228 = %while3A_1183, %while3A_1229 = %while3A_1184, %while3A_1230 = %while3A_1185, %while3A_1231 = %while3A_1186, %while3A_1232 = %while3A_1187, %while3A_1233 = %while3A_1188, %while3A_1234 = %while3A_1189, %while3A_1235 = %while3A_1190) -> (vector<16xf32>, vector<16xf32>, vector<16xf32>, vector<16xf32>, vector<16xf32>, vector<16xf32>, vector<16xf32>, vector<16xf32>, vector<16xf32>, vector<16xf32>, vector<16xf32>, vector<16xf32>, vector<16xf32>, vector<16xf32>, vector<16xf32>, vector<16xf32>)  : i32 {
        %get3A_1236 = arith.index_cast %while3A_1219 : i32 to index
        %get3A_1237 = arith.constant 0 : index
        %get3A_1238 = tpu.vector_load %arg12[%get3A_1236, %get3A_1237] {strides = array<i32>} : memref<96x128xi32, #tpu.memory_space<vmem>>, vector<16xi32>,
        %shift_left3A = arith.constant 16 : i32
        %shift_left3A_1239 = vector.broadcast %shift_left3A : i32 to vector<16xi32>
        %shift_left3A_1240 = arith.shli %get3A_1238, %shift_left3A_1239 : vector<16xi32>
        %bitcast3A = vector.bitcast %shift_left3A_1240 : vector<16xi32> to vector<16xf32>
        %and3A_1241 = arith.constant -65536 : i32
        %and3A_1242 = vector.broadcast %and3A_1241 : i32 to vector<16xi32>
        %and3A_1243 = arith.andi %get3A_1238, %and3A_1242 : vector<16xi32>
        %bitcast3A_1244 = vector.bitcast %and3A_1243 : vector<16xi32> to vector<16xf32>
        %add3A_1245 = arith.addf %while3A_1220, %bitcast3A : vector<16xf32>
        %add3A_1246 = arith.addf %while3A_1228, %bitcast3A_1244 : vector<16xf32>
        %get3A_1247 = arith.index_cast %while3A_1219 : i32 to index
        %get3A_1248 = arith.constant 16 : index
        %get3A_1249 = tpu.vector_load %arg12[%get3A_1247, %get3A_1248] {strides = array<i32>} : memref<96x128xi32, #tpu.memory_space<vmem>>, vector<16xi32>,
        %shift_left3A_1250 = arith.constant 16 : i32
        %shift_left3A_1251 = vector.broadcast %shift_left3A_1250 : i32 to vector<16xi32>
        %shift_left3A_1252 = arith.shli %get3A_1249, %shift_left3A_1251 : vector<16xi32>
        %bitcast3A_1253 = vector.bitcast %shift_left3A_1252 : vector<16xi32> to vector<16xf32>
        %and3A_1254 = arith.constant -65536 : i32
        %and3A_1255 = vector.broadcast %and3A_1254 : i32 to vector<16xi32>
        %and3A_1256 = arith.andi %get3A_1249, %and3A_1255 : vector<16xi32>
        %bitcast3A_1257 = vector.bitcast %and3A_1256 : vector<16xi32> to vector<16xf32>
        %add3A_1258 = arith.addf %while3A_1221, %bitcast3A_1253 : vector<16xf32>
        %add3A_1259 = arith.addf %while3A_1229, %bitcast3A_1257 : vector<16xf32>
        %get3A_1260 = arith.index_cast %while3A_1219 : i32 to index
        %get3A_1261 = arith.constant 32 : index
        %get3A_1262 = tpu.vector_load %arg12[%get3A_1260, %get3A_1261] {strides = array<i32>} : memref<96x128xi32, #tpu.memory_space<vmem>>, vector<16xi32>,
        %shift_left3A_1263 = arith.constant 16 : i32
        %shift_left3A_1264 = vector.broadcast %shift_left3A_1263 : i32 to vector<16xi32>
        %shift_left3A_1265 = arith.shli %get3A_1262, %shift_left3A_1264 : vector<16xi32>
        %bitcast3A_1266 = vector.bitcast %shift_left3A_1265 : vector<16xi32> to vector<16xf32>
        %and3A_1267 = arith.constant -65536 : i32
        %and3A_1268 = vector.broadcast %and3A_1267 : i32 to vector<16xi32>
        %and3A_1269 = arith.andi %get3A_1262, %and3A_1268 : vector<16xi32>
        %bitcast3A_1270 = vector.bitcast %and3A_1269 : vector<16xi32> to vector<16xf32>
        %add3A_1271 = arith.addf %while3A_1222, %bitcast3A_1266 : vector<16xf32>
        %add3A_1272 = arith.addf %while3A_1230, %bitcast3A_1270 : vector<16xf32>
        %get3A_1273 = arith.index_cast %while3A_1219 : i32 to index
        %get3A_1274 = arith.constant 48 : index
        %get3A_1275 = tpu.vector_load %arg12[%get3A_1273, %get3A_1274] {strides = array<i32>} : memref<96x128xi32, #tpu.memory_space<vmem>>, vector<16xi32>,
        %shift_left3A_1276 = arith.constant 16 : i32
        %shift_left3A_1277 = vector.broadcast %shift_left3A_1276 : i32 to vector<16xi32>
        %shift_left3A_1278 = arith.shli %get3A_1275, %shift_left3A_1277 : vector<16xi32>
        %bitcast3A_1279 = vector.bitcast %shift_left3A_1278 : vector<16xi32> to vector<16xf32>
        %and3A_1280 = arith.constant -65536 : i32
        %and3A_1281 = vector.broadcast %and3A_1280 : i32 to vector<16xi32>
        %and3A_1282 = arith.andi %get3A_1275, %and3A_1281 : vector<16xi32>
        %bitcast3A_1283 = vector.bitcast %and3A_1282 : vector<16xi32> to vector<16xf32>
        %add3A_1284 = arith.addf %while3A_1223, %bitcast3A_1279 : vector<16xf32>
        %add3A_1285 = arith.addf %while3A_1231, %bitcast3A_1283 : vector<16xf32>
        %get3A_1286 = arith.index_cast %while3A_1219 : i32 to index
        %get3A_1287 = arith.constant 64 : index
        %get3A_1288 = tpu.vector_load %arg12[%get3A_1286, %get3A_1287] {strides = array<i32>} : memref<96x128xi32, #tpu.memory_space<vmem>>, vector<16xi32>,
        %shift_left3A_1289 = arith.constant 16 : i32
        %shift_left3A_1290 = vector.broadcast %shift_left3A_1289 : i32 to vector<16xi32>
        %shift_left3A_1291 = arith.shli %get3A_1288, %shift_left3A_1290 : vector<16xi32>
        %bitcast3A_1292 = vector.bitcast %shift_left3A_1291 : vector<16xi32> to vector<16xf32>
        %and3A_1293 = arith.constant -65536 : i32
        %and3A_1294 = vector.broadcast %and3A_1293 : i32 to vector<16xi32>
        %and3A_1295 = arith.andi %get3A_1288, %and3A_1294 : vector<16xi32>
        %bitcast3A_1296 = vector.bitcast %and3A_1295 : vector<16xi32> to vector<16xf32>
        %add3A_1297 = arith.addf %while3A_1224, %bitcast3A_1292 : vector<16xf32>
        %add3A_1298 = arith.addf %while3A_1232, %bitcast3A_1296 : vector<16xf32>
        %get3A_1299 = arith.index_cast %while3A_1219 : i32 to index
        %get3A_1300 = arith.constant 80 : index
        %get3A_1301 = tpu.vector_load %arg12[%get3A_1299, %get3A_1300] {strides = array<i32>} : memref<96x128xi32, #tpu.memory_space<vmem>>, vector<16xi32>,
        %shift_left3A_1302 = arith.constant 16 : i32
        %shift_left3A_1303 = vector.broadcast %shift_left3A_1302 : i32 to vector<16xi32>
        %shift_left3A_1304 = arith.shli %get3A_1301, %shift_left3A_1303 : vector<16xi32>
        %bitcast3A_1305 = vector.bitcast %shift_left3A_1304 : vector<16xi32> to vector<16xf32>
        %and3A_1306 = arith.constant -65536 : i32
        %and3A_1307 = vector.broadcast %and3A_1306 : i32 to vector<16xi32>
        %and3A_1308 = arith.andi %get3A_1301, %and3A_1307 : vector<16xi32>
        %bitcast3A_1309 = vector.bitcast %and3A_1308 : vector<16xi32> to vector<16xf32>
        %add3A_1310 = arith.addf %while3A_1225, %bitcast3A_1305 : vector<16xf32>
        %add3A_1311 = arith.addf %while3A_1233, %bitcast3A_1309 : vector<16xf32>
        %get3A_1312 = arith.index_cast %while3A_1219 : i32 to index
        %get3A_1313 = arith.constant 96 : index
        %get3A_1314 = tpu.vector_load %arg12[%get3A_1312, %get3A_1313] {strides = array<i32>} : memref<96x128xi32, #tpu.memory_space<vmem>>, vector<16xi32>,
        %shift_left3A_1315 = arith.constant 16 : i32
        %shift_left3A_1316 = vector.broadcast %shift_left3A_1315 : i32 to vector<16xi32>
        %shift_left3A_1317 = arith.shli %get3A_1314, %shift_left3A_1316 : vector<16xi32>
        %bitcast3A_1318 = vector.bitcast %shift_left3A_1317 : vector<16xi32> to vector<16xf32>
        %and3A_1319 = arith.constant -65536 : i32
        %and3A_1320 = vector.broadcast %and3A_1319 : i32 to vector<16xi32>
        %and3A_1321 = arith.andi %get3A_1314, %and3A_1320 : vector<16xi32>
        %bitcast3A_1322 = vector.bitcast %and3A_1321 : vector<16xi32> to vector<16xf32>
        %add3A_1323 = arith.addf %while3A_1226, %bitcast3A_1318 : vector<16xf32>
        %add3A_1324 = arith.addf %while3A_1234, %bitcast3A_1322 : vector<16xf32>
        %get3A_1325 = arith.index_cast %while3A_1219 : i32 to index
        %get3A_1326 = arith.constant 112 : index
        %get3A_1327 = tpu.vector_load %arg12[%get3A_1325, %get3A_1326] {strides = array<i32>} : memref<96x128xi32, #tpu.memory_space<vmem>>, vector<16xi32>,
        %shift_left3A_1328 = arith.constant 16 : i32
        %shift_left3A_1329 = vector.broadcast %shift_left3A_1328 : i32 to vector<16xi32>
        %shift_left3A_1330 = arith.shli %get3A_1327, %shift_left3A_1329 : vector<16xi32>
        %bitcast3A_1331 = vector.bitcast %shift_left3A_1330 : vector<16xi32> to vector<16xf32>
        %and3A_1332 = arith.constant -65536 : i32
        %and3A_1333 = vector.broadcast %and3A_1332 : i32 to vector<16xi32>
        %and3A_1334 = arith.andi %get3A_1327, %and3A_1333 : vector<16xi32>
        %bitcast3A_1335 = vector.bitcast %and3A_1334 : vector<16xi32> to vector<16xf32>
        %add3A_1336 = arith.addf %while3A_1227, %bitcast3A_1331 : vector<16xf32>
        %add3A_1337 = arith.addf %while3A_1235, %bitcast3A_1335 : vector<16xf32>
        scf.yield %add3A_1245, %add3A_1258, %add3A_1271, %add3A_1284, %add3A_1297, %add3A_1310, %add3A_1323, %add3A_1336, %add3A_1246, %add3A_1259, %add3A_1272, %add3A_1285, %add3A_1298, %add3A_1311, %add3A_1324, %add3A_1337 : vector<16xf32>, vector<16xf32>, vector<16xf32>, vector<16xf32>, vector<16xf32>, vector<16xf32>, vector<16xf32>, vector<16xf32>, vector<16xf32>, vector<16xf32>, vector<16xf32>, vector<16xf32>, vector<16xf32>, vector<16xf32>, vector<16xf32>, vector<16xf32>
      }
      %while3A_1217 = arith.constant 1 : i32
      %while3A_1218:16 = scf.for %while3A_1219 = %while3A_1214 to %while3A_1210 step %while3A_1217 iter_args(%while3A_1220 = %while3A_1216#0, %while3A_1221 = %while3A_1216#1, %while3A_1222 = %while3A_1216#2, %while3A_1223 = %while3A_1216#3, %while3A_1224 = %while3A_1216#4, %while3A_1225 = %while3A_1216#5, %while3A_1226 = %while3A_1216#6, %while3A_1227 = %while3A_1216#7, %while3A_1228 = %while3A_1216#8, %while3A_1229 = %while3A_1216#9, %while3A_1230 = %while3A_1216#10, %while3A_1231 = %while3A_1216#11, %while3A_1232 = %while3A_1216#12, %while3A_1233 = %while3A_1216#13, %while3A_1234 = %while3A_1216#14, %while3A_1235 = %while3A_1216#15) -> (vector<16xf32>, vector<16xf32>, vector<16xf32>, vector<16xf32>, vector<16xf32>, vector<16xf32>, vector<16xf32>, vector<16xf32>, vector<16xf32>, vector<16xf32>, vector<16xf32>, vector<16xf32>, vector<16xf32>, vector<16xf32>, vector<16xf32>, vector<16xf32>)  : i32 {
        %get3A_1236 = arith.index_cast %while3A_1219 : i32 to index
        %get3A_1237 = arith.constant 0 : index
        %get3A_1238 = tpu.vector_load %arg12[%get3A_1236, %get3A_1237] {strides = array<i32>} : memref<96x128xi32, #tpu.memory_space<vmem>>, vector<16xi32>,
        %shift_left3A = arith.constant 16 : i32
        %shift_left3A_1239 = vector.broadcast %shift_left3A : i32 to vector<16xi32>
        %shift_left3A_1240 = arith.shli %get3A_1238, %shift_left3A_1239 : vector<16xi32>
        %bitcast3A = vector.bitcast %shift_left3A_1240 : vector<16xi32> to vector<16xf32>
        %and3A_1241 = arith.constant -65536 : i32
        %and3A_1242 = vector.broadcast %and3A_1241 : i32 to vector<16xi32>
        %and3A_1243 = arith.andi %get3A_1238, %and3A_1242 : vector<16xi32>
        %bitcast3A_1244 = vector.bitcast %and3A_1243 : vector<16xi32> to vector<16xf32>
        %add3A_1245 = arith.addf %while3A_1220, %bitcast3A : vector<16xf32>
        %add3A_1246 = arith.addf %while3A_1228, %bitcast3A_1244 : vector<16xf32>
        %get3A_1247 = arith.index_cast %while3A_1219 : i32 to index
        %get3A_1248 = arith.constant 16 : index
        %get3A_1249 = tpu.vector_load %arg12[%get3A_1247, %get3A_1248] {strides = array<i32>} : memref<96x128xi32, #tpu.memory_space<vmem>>, vector<16xi32>,
        %shift_left3A_1250 = arith.constant 16 : i32
        %shift_left3A_1251 = vector.broadcast %shift_left3A_1250 : i32 to vector<16xi32>
        %shift_left3A_1252 = arith.shli %get3A_1249, %shift_left3A_1251 : vector<16xi32>
        %bitcast3A_1253 = vector.bitcast %shift_left3A_1252 : vector<16xi32> to vector<16xf32>
        %and3A_1254 = arith.constant -65536 : i32
        %and3A_1255 = vector.broadcast %and3A_1254 : i32 to vector<16xi32>
        %and3A_1256 = arith.andi %get3A_1249, %and3A_1255 : vector<16xi32>
        %bitcast3A_1257 = vector.bitcast %and3A_1256 : vector<16xi32> to vector<16xf32>
        %add3A_1258 = arith.addf %while3A_1221, %bitcast3A_1253 : vector<16xf32>
        %add3A_1259 = arith.addf %while3A_1229, %bitcast3A_1257 : vector<16xf32>
        %get3A_1260 = arith.index_cast %while3A_1219 : i32 to index
        %get3A_1261 = arith.constant 32 : index
        %get3A_1262 = tpu.vector_load %arg12[%get3A_1260, %get3A_1261] {strides = array<i32>} : memref<96x128xi32, #tpu.memory_space<vmem>>, vector<16xi32>,
        %shift_left3A_1263 = arith.constant 16 : i32
        %shift_left3A_1264 = vector.broadcast %shift_left3A_1263 : i32 to vector<16xi32>
        %shift_left3A_1265 = arith.shli %get3A_1262, %shift_left3A_1264 : vector<16xi32>
        %bitcast3A_1266 = vector.bitcast %shift_left3A_1265 : vector<16xi32> to vector<16xf32>
        %and3A_1267 = arith.constant -65536 : i32
        %and3A_1268 = vector.broadcast %and3A_1267 : i32 to vector<16xi32>
        %and3A_1269 = arith.andi %get3A_1262, %and3A_1268 : vector<16xi32>
        %bitcast3A_1270 = vector.bitcast %and3A_1269 : vector<16xi32> to vector<16xf32>
        %add3A_1271 = arith.addf %while3A_1222, %bitcast3A_1266 : vector<16xf32>
        %add3A_1272 = arith.addf %while3A_1230, %bitcast3A_1270 : vector<16xf32>
        %get3A_1273 = arith.index_cast %while3A_1219 : i32 to index
        %get3A_1274 = arith.constant 48 : index
        %get3A_1275 = tpu.vector_load %arg12[%get3A_1273, %get3A_1274] {strides = array<i32>} : memref<96x128xi32, #tpu.memory_space<vmem>>, vector<16xi32>,
        %shift_left3A_1276 = arith.constant 16 : i32
        %shift_left3A_1277 = vector.broadcast %shift_left3A_1276 : i32 to vector<16xi32>
        %shift_left3A_1278 = arith.shli %get3A_1275, %shift_left3A_1277 : vector<16xi32>
        %bitcast3A_1279 = vector.bitcast %shift_left3A_1278 : vector<16xi32> to vector<16xf32>
        %and3A_1280 = arith.constant -65536 : i32
        %and3A_1281 = vector.broadcast %and3A_1280 : i32 to vector<16xi32>
        %and3A_1282 = arith.andi %get3A_1275, %and3A_1281 : vector<16xi32>
        %bitcast3A_1283 = vector.bitcast %and3A_1282 : vector<16xi32> to vector<16xf32>
        %add3A_1284 = arith.addf %while3A_1223, %bitcast3A_1279 : vector<16xf32>
        %add3A_1285 = arith.addf %while3A_1231, %bitcast3A_1283 : vector<16xf32>
        %get3A_1286 = arith.index_cast %while3A_1219 : i32 to index
        %get3A_1287 = arith.constant 64 : index
        %get3A_1288 = tpu.vector_load %arg12[%get3A_1286, %get3A_1287] {strides = array<i32>} : memref<96x128xi32, #tpu.memory_space<vmem>>, vector<16xi32>,
        %shift_left3A_1289 = arith.constant 16 : i32
        %shift_left3A_1290 = vector.broadcast %shift_left3A_1289 : i32 to vector<16xi32>
        %shift_left3A_1291 = arith.shli %get3A_1288, %shift_left3A_1290 : vector<16xi32>
        %bitcast3A_1292 = vector.bitcast %shift_left3A_1291 : vector<16xi32> to vector<16xf32>
        %and3A_1293 = arith.constant -65536 : i32
        %and3A_1294 = vector.broadcast %and3A_1293 : i32 to vector<16xi32>
        %and3A_1295 = arith.andi %get3A_1288, %and3A_1294 : vector<16xi32>
        %bitcast3A_1296 = vector.bitcast %and3A_1295 : vector<16xi32> to vector<16xf32>
        %add3A_1297 = arith.addf %while3A_1224, %bitcast3A_1292 : vector<16xf32>
        %add3A_1298 = arith.addf %while3A_1232, %bitcast3A_1296 : vector<16xf32>
        %get3A_1299 = arith.index_cast %while3A_1219 : i32 to index
        %get3A_1300 = arith.constant 80 : index
        %get3A_1301 = tpu.vector_load %arg12[%get3A_1299, %get3A_1300] {strides = array<i32>} : memref<96x128xi32, #tpu.memory_space<vmem>>, vector<16xi32>,
        %shift_left3A_1302 = arith.constant 16 : i32
        %shift_left3A_1303 = vector.broadcast %shift_left3A_1302 : i32 to vector<16xi32>
        %shift_left3A_1304 = arith.shli %get3A_1301, %shift_left3A_1303 : vector<16xi32>
        %bitcast3A_1305 = vector.bitcast %shift_left3A_1304 : vector<16xi32> to vector<16xf32>
        %and3A_1306 = arith.constant -65536 : i32
        %and3A_1307 = vector.broadcast %and3A_1306 : i32 to vector<16xi32>
        %and3A_1308 = arith.andi %get3A_1301, %and3A_1307 : vector<16xi32>
        %bitcast3A_1309 = vector.bitcast %and3A_1308 : vector<16xi32> to vector<16xf32>
        %add3A_1310 = arith.addf %while3A_1225, %bitcast3A_1305 : vector<16xf32>
        %add3A_1311 = arith.addf %while3A_1233, %bitcast3A_1309 : vector<16xf32>
        %get3A_1312 = arith.index_cast %while3A_1219 : i32 to index
        %get3A_1313 = arith.constant 96 : index
        %get3A_1314 = tpu.vector_load %arg12[%get3A_1312, %get3A_1313] {strides = array<i32>} : memref<96x128xi32, #tpu.memory_space<vmem>>, vector<16xi32>,
        %shift_left3A_1315 = arith.constant 16 : i32
        %shift_left3A_1316 = vector.broadcast %shift_left3A_1315 : i32 to vector<16xi32>
        %shift_left3A_1317 = arith.shli %get3A_1314, %shift_left3A_1316 : vector<16xi32>
        %bitcast3A_1318 = vector.bitcast %shift_left3A_1317 : vector<16xi32> to vector<16xf32>
        %and3A_1319 = arith.constant -65536 : i32
        %and3A_1320 = vector.broadcast %and3A_1319 : i32 to vector<16xi32>
        %and3A_1321 = arith.andi %get3A_1314, %and3A_1320 : vector<16xi32>
        %bitcast3A_1322 = vector.bitcast %and3A_1321 : vector<16xi32> to vector<16xf32>
        %add3A_1323 = arith.addf %while3A_1226, %bitcast3A_1318 : vector<16xf32>
        %add3A_1324 = arith.addf %while3A_1234, %bitcast3A_1322 : vector<16xf32>
        %get3A_1325 = arith.index_cast %while3A_1219 : i32 to index
        %get3A_1326 = arith.constant 112 : index
        %get3A_1327 = tpu.vector_load %arg12[%get3A_1325, %get3A_1326] {strides = array<i32>} : memref<96x128xi32, #tpu.memory_space<vmem>>, vector<16xi32>,
        %shift_left3A_1328 = arith.constant 16 : i32
        %shift_left3A_1329 = vector.broadcast %shift_left3A_1328 : i32 to vector<16xi32>
        %shift_left3A_1330 = arith.shli %get3A_1327, %shift_left3A_1329 : vector<16xi32>
        %bitcast3A_1331 = vector.bitcast %shift_left3A_1330 : vector<16xi32> to vector<16xf32>
        %and3A_1332 = arith.constant -65536 : i32
        %and3A_1333 = vector.broadcast %and3A_1332 : i32 to vector<16xi32>
        %and3A_1334 = arith.andi %get3A_1327, %and3A_1333 : vector<16xi32>
        %bitcast3A_1335 = vector.bitcast %and3A_1334 : vector<16xi32> to vector<16xf32>
        %add3A_1336 = arith.addf %while3A_1227, %bitcast3A_1331 : vector<16xf32>
        %add3A_1337 = arith.addf %while3A_1235, %bitcast3A_1335 : vector<16xf32>
        scf.yield %add3A_1245, %add3A_1258, %add3A_1271, %add3A_1284, %add3A_1297, %add3A_1310, %add3A_1323, %add3A_1336, %add3A_1246, %add3A_1259, %add3A_1272, %add3A_1285, %add3A_1298, %add3A_1311, %add3A_1324, %add3A_1337 : vector<16xf32>, vector<16xf32>, vector<16xf32>, vector<16xf32>, vector<16xf32>, vector<16xf32>, vector<16xf32>, vector<16xf32>, vector<16xf32>, vector<16xf32>, vector<16xf32>, vector<16xf32>, vector<16xf32>, vector<16xf32>, vector<16xf32>, vector<16xf32>
      }
      scf.yield %while3A_1218#0, %while3A_1218#1, %while3A_1218#2, %while3A_1218#3, %while3A_1218#4, %while3A_1218#5, %while3A_1218#6, %while3A_1218#7, %while3A_1218#8, %while3A_1218#9, %while3A_1218#10, %while3A_1218#11, %while3A_1218#12, %while3A_1218#13, %while3A_1218#14, %while3A_1218#15 : vector<16xf32>, vector<16xf32>, vector<16xf32>, vector<16xf32>, vector<16xf32>, vector<16xf32>, vector<16xf32>, vector<16xf32>, vector<16xf32>, vector<16xf32>, vector<16xf32>, vector<16xf32>, vector<16xf32>, vector<16xf32>, vector<16xf32>, vector<16xf32>
    }
    %while3A_1117 = arith.constant 1 : i32
    %while3A_1118:16 = scf.for %while3A_1174 = %while3A_1114 to %while3A_1110 step %while3A_1117 iter_args(%while3A_1175 = %while3A_1116#0, %while3A_1176 = %while3A_1116#1, %while3A_1177 = %while3A_1116#2, %while3A_1178 = %while3A_1116#3, %while3A_1179 = %while3A_1116#4, %while3A_1180 = %while3A_1116#5, %while3A_1181 = %while3A_1116#6, %while3A_1182 = %while3A_1116#7, %while3A_1183 = %while3A_1116#8, %while3A_1184 = %while3A_1116#9, %while3A_1185 = %while3A_1116#10, %while3A_1186 = %while3A_1116#11, %while3A_1187 = %while3A_1116#12, %while3A_1188 = %while3A_1116#13, %while3A_1189 = %while3A_1116#14, %while3A_1190 = %while3A_1116#15) -> (vector<16xf32>, vector<16xf32>, vector<16xf32>, vector<16xf32>, vector<16xf32>, vector<16xf32>, vector<16xf32>, vector<16xf32>, vector<16xf32>, vector<16xf32>, vector<16xf32>, vector<16xf32>, vector<16xf32>, vector<16xf32>, vector<16xf32>, vector<16xf32>)  : i32 {
      %mul3A_1191 = arith.constant 96 : i32
      %mul3A_1192 = arith.muli %while3A_1174, %mul3A_1191 : i32
      %add3A_1193 = arith.constant 5168 : i32
      %add3A_1194 = arith.addi %add3A_1193, %mul3A_1192 : i32
      %dma_start3A_1195 = tpu.memref_slice %arg10[%add3A_1194] : memref<10336xi32, #tpu.memory_space<vmem>> -> memref<96xi32, #tpu.memory_space<vmem>>
      %dma_start3A_1196 = arith.constant 0 : i32
      %dma_start3A_1197 = arith.constant 0 : i32
      %dma_start3A_1198 = tpu.memref_slice %arg5[%dma_start3A_1196, %dma_start3A_1197] : memref<10000x128xi32, #tpu.memory_space<hbm>> -> memref<10000x128xi32, #tpu.memory_space<hbm>>
      tpu.enqueue_indirect_dma source(%dma_start3A_1198 : memref<10000x128xi32, #tpu.memory_space<hbm>>) target(%arg12 : memref<96x128xi32, #tpu.memory_space<vmem>>) offsets(%dma_start3A_1195 : memref<96xi32, #tpu.memory_space<vmem>>) semaphore(%arg15 : memref<!tpu.dma_semaphore, #tpu.memory_space<semaphore_mem>>)
      %dma_wait3A_1199 = tpu.memref_slice %arg10[%add3A_1194] : memref<10336xi32, #tpu.memory_space<vmem>> -> memref<96xi32, #tpu.memory_space<vmem>>
      %dma_wait3A_1200 = arith.constant 0 : i32
      %dma_wait3A_1201 = arith.constant 0 : i32
      %dma_wait3A_1202 = tpu.memref_slice %arg5[%dma_wait3A_1200, %dma_wait3A_1201] : memref<10000x128xi32, #tpu.memory_space<hbm>> -> memref<10000x128xi32, #tpu.memory_space<hbm>>
      tpu.wait_indirect_dma semaphore(%arg15 : memref<!tpu.dma_semaphore, #tpu.memory_space<semaphore_mem>>) src(%dma_wait3A_1202 : memref<10000x128xi32, #tpu.memory_space<hbm>>) dst(%arg12 : memref<96x128xi32, #tpu.memory_space<vmem>>)
      %mul3A_1203 = arith.constant 96 : i32
      %mul3A_1204 = arith.muli %while3A_1174, %mul3A_1203 : i32
      %sub3A_1205 = arith.subi %select_n3A_490, %mul3A_1204 : i32
      %min3A_1206 = arith.constant 96 : i32
      %min3A_1207 = arith.minsi %min3A_1206, %sub3A_1205 : i32
      %while3A_1208 = arith.constant 0 : i32
      %while3A_1209 = arith.subi %min3A_1207, %while3A_1208 : i32
      %while3A_1210 = arith.addi %while3A_1208, %while3A_1209 : i32
      %while3A_1211 = arith.constant 1 : i32
      %while3A_1212 = arith.divsi %while3A_1209, %while3A_1211 : i32
      %while3A_1213 = arith.muli %while3A_1212, %while3A_1211 : i32
      %while3A_1214 = arith.addi %while3A_1208, %while3A_1213 : i32
      %while3A_1215 = arith.constant 1 : i32
      %while3A_1216:16 = scf.for %while3A_1219 = %while3A_1208 to %while3A_1214 step %while3A_1215 iter_args(%while3A_1220 = %while3A_1175, %while3A_1221 = %while3A_1176, %while3A_1222 = %while3A_1177, %while3A_1223 = %while3A_1178, %while3A_1224 = %while3A_1179, %while3A_1225 = %while3A_1180, %while3A_1226 = %while3A_1181, %while3A_1227 = %while3A_1182, %while3A_1228 = %while3A_1183, %while3A_1229 = %while3A_1184, %while3A_1230 = %while3A_1185, %while3A_1231 = %while3A_1186, %while3A_1232 = %while3A_1187, %while3A_1233 = %while3A_1188, %while3A_1234 = %while3A_1189, %while3A_1235 = %while3A_1190) -> (vector<16xf32>, vector<16xf32>, vector<16xf32>, vector<16xf32>, vector<16xf32>, vector<16xf32>, vector<16xf32>, vector<16xf32>, vector<16xf32>, vector<16xf32>, vector<16xf32>, vector<16xf32>, vector<16xf32>, vector<16xf32>, vector<16xf32>, vector<16xf32>)  : i32 {
        %get3A_1236 = arith.index_cast %while3A_1219 : i32 to index
        %get3A_1237 = arith.constant 0 : index
        %get3A_1238 = tpu.vector_load %arg12[%get3A_1236, %get3A_1237] {strides = array<i32>} : memref<96x128xi32, #tpu.memory_space<vmem>>, vector<16xi32>,
        %shift_left3A = arith.constant 16 : i32
        %shift_left3A_1239 = vector.broadcast %shift_left3A : i32 to vector<16xi32>
        %shift_left3A_1240 = arith.shli %get3A_1238, %shift_left3A_1239 : vector<16xi32>
        %bitcast3A = vector.bitcast %shift_left3A_1240 : vector<16xi32> to vector<16xf32>
        %and3A_1241 = arith.constant -65536 : i32
        %and3A_1242 = vector.broadcast %and3A_1241 : i32 to vector<16xi32>
        %and3A_1243 = arith.andi %get3A_1238, %and3A_1242 : vector<16xi32>
        %bitcast3A_1244 = vector.bitcast %and3A_1243 : vector<16xi32> to vector<16xf32>
        %add3A_1245 = arith.addf %while3A_1220, %bitcast3A : vector<16xf32>
        %add3A_1246 = arith.addf %while3A_1228, %bitcast3A_1244 : vector<16xf32>
        %get3A_1247 = arith.index_cast %while3A_1219 : i32 to index
        %get3A_1248 = arith.constant 16 : index
        %get3A_1249 = tpu.vector_load %arg12[%get3A_1247, %get3A_1248] {strides = array<i32>} : memref<96x128xi32, #tpu.memory_space<vmem>>, vector<16xi32>,
        %shift_left3A_1250 = arith.constant 16 : i32
        %shift_left3A_1251 = vector.broadcast %shift_left3A_1250 : i32 to vector<16xi32>
        %shift_left3A_1252 = arith.shli %get3A_1249, %shift_left3A_1251 : vector<16xi32>
        %bitcast3A_1253 = vector.bitcast %shift_left3A_1252 : vector<16xi32> to vector<16xf32>
        %and3A_1254 = arith.constant -65536 : i32
        %and3A_1255 = vector.broadcast %and3A_1254 : i32 to vector<16xi32>
        %and3A_1256 = arith.andi %get3A_1249, %and3A_1255 : vector<16xi32>
        %bitcast3A_1257 = vector.bitcast %and3A_1256 : vector<16xi32> to vector<16xf32>
        %add3A_1258 = arith.addf %while3A_1221, %bitcast3A_1253 : vector<16xf32>
        %add3A_1259 = arith.addf %while3A_1229, %bitcast3A_1257 : vector<16xf32>
        %get3A_1260 = arith.index_cast %while3A_1219 : i32 to index
        %get3A_1261 = arith.constant 32 : index
        %get3A_1262 = tpu.vector_load %arg12[%get3A_1260, %get3A_1261] {strides = array<i32>} : memref<96x128xi32, #tpu.memory_space<vmem>>, vector<16xi32>,
        %shift_left3A_1263 = arith.constant 16 : i32
        %shift_left3A_1264 = vector.broadcast %shift_left3A_1263 : i32 to vector<16xi32>
        %shift_left3A_1265 = arith.shli %get3A_1262, %shift_left3A_1264 : vector<16xi32>
        %bitcast3A_1266 = vector.bitcast %shift_left3A_1265 : vector<16xi32> to vector<16xf32>
        %and3A_1267 = arith.constant -65536 : i32
        %and3A_1268 = vector.broadcast %and3A_1267 : i32 to vector<16xi32>
        %and3A_1269 = arith.andi %get3A_1262, %and3A_1268 : vector<16xi32>
        %bitcast3A_1270 = vector.bitcast %and3A_1269 : vector<16xi32> to vector<16xf32>
        %add3A_1271 = arith.addf %while3A_1222, %bitcast3A_1266 : vector<16xf32>
        %add3A_1272 = arith.addf %while3A_1230, %bitcast3A_1270 : vector<16xf32>
        %get3A_1273 = arith.index_cast %while3A_1219 : i32 to index
        %get3A_1274 = arith.constant 48 : index
        %get3A_1275 = tpu.vector_load %arg12[%get3A_1273, %get3A_1274] {strides = array<i32>} : memref<96x128xi32, #tpu.memory_space<vmem>>, vector<16xi32>,
        %shift_left3A_1276 = arith.constant 16 : i32
        %shift_left3A_1277 = vector.broadcast %shift_left3A_1276 : i32 to vector<16xi32>
        %shift_left3A_1278 = arith.shli %get3A_1275, %shift_left3A_1277 : vector<16xi32>
        %bitcast3A_1279 = vector.bitcast %shift_left3A_1278 : vector<16xi32> to vector<16xf32>
        %and3A_1280 = arith.constant -65536 : i32
        %and3A_1281 = vector.broadcast %and3A_1280 : i32 to vector<16xi32>
        %and3A_1282 = arith.andi %get3A_1275, %and3A_1281 : vector<16xi32>
        %bitcast3A_1283 = vector.bitcast %and3A_1282 : vector<16xi32> to vector<16xf32>
        %add3A_1284 = arith.addf %while3A_1223, %bitcast3A_1279 : vector<16xf32>
        %add3A_1285 = arith.addf %while3A_1231, %bitcast3A_1283 : vector<16xf32>
        %get3A_1286 = arith.index_cast %while3A_1219 : i32 to index
        %get3A_1287 = arith.constant 64 : index
        %get3A_1288 = tpu.vector_load %arg12[%get3A_1286, %get3A_1287] {strides = array<i32>} : memref<96x128xi32, #tpu.memory_space<vmem>>, vector<16xi32>,
        %shift_left3A_1289 = arith.constant 16 : i32
        %shift_left3A_1290 = vector.broadcast %shift_left3A_1289 : i32 to vector<16xi32>
        %shift_left3A_1291 = arith.shli %get3A_1288, %shift_left3A_1290 : vector<16xi32>
        %bitcast3A_1292 = vector.bitcast %shift_left3A_1291 : vector<16xi32> to vector<16xf32>
        %and3A_1293 = arith.constant -65536 : i32
        %and3A_1294 = vector.broadcast %and3A_1293 : i32 to vector<16xi32>
        %and3A_1295 = arith.andi %get3A_1288, %and3A_1294 : vector<16xi32>
        %bitcast3A_1296 = vector.bitcast %and3A_1295 : vector<16xi32> to vector<16xf32>
        %add3A_1297 = arith.addf %while3A_1224, %bitcast3A_1292 : vector<16xf32>
        %add3A_1298 = arith.addf %while3A_1232, %bitcast3A_1296 : vector<16xf32>
        %get3A_1299 = arith.index_cast %while3A_1219 : i32 to index
        %get3A_1300 = arith.constant 80 : index
        %get3A_1301 = tpu.vector_load %arg12[%get3A_1299, %get3A_1300] {strides = array<i32>} : memref<96x128xi32, #tpu.memory_space<vmem>>, vector<16xi32>,
        %shift_left3A_1302 = arith.constant 16 : i32
        %shift_left3A_1303 = vector.broadcast %shift_left3A_1302 : i32 to vector<16xi32>
        %shift_left3A_1304 = arith.shli %get3A_1301, %shift_left3A_1303 : vector<16xi32>
        %bitcast3A_1305 = vector.bitcast %shift_left3A_1304 : vector<16xi32> to vector<16xf32>
        %and3A_1306 = arith.constant -65536 : i32
        %and3A_1307 = vector.broadcast %and3A_1306 : i32 to vector<16xi32>
        %and3A_1308 = arith.andi %get3A_1301, %and3A_1307 : vector<16xi32>
        %bitcast3A_1309 = vector.bitcast %and3A_1308 : vector<16xi32> to vector<16xf32>
        %add3A_1310 = arith.addf %while3A_1225, %bitcast3A_1305 : vector<16xf32>
        %add3A_1311 = arith.addf %while3A_1233, %bitcast3A_1309 : vector<16xf32>
        %get3A_1312 = arith.index_cast %while3A_1219 : i32 to index
        %get3A_1313 = arith.constant 96 : index
        %get3A_1314 = tpu.vector_load %arg12[%get3A_1312, %get3A_1313] {strides = array<i32>} : memref<96x128xi32, #tpu.memory_space<vmem>>, vector<16xi32>,
        %shift_left3A_1315 = arith.constant 16 : i32
        %shift_left3A_1316 = vector.broadcast %shift_left3A_1315 : i32 to vector<16xi32>
        %shift_left3A_1317 = arith.shli %get3A_1314, %shift_left3A_1316 : vector<16xi32>
        %bitcast3A_1318 = vector.bitcast %shift_left3A_1317 : vector<16xi32> to vector<16xf32>
        %and3A_1319 = arith.constant -65536 : i32
        %and3A_1320 = vector.broadcast %and3A_1319 : i32 to vector<16xi32>
        %and3A_1321 = arith.andi %get3A_1314, %and3A_1320 : vector<16xi32>
        %bitcast3A_1322 = vector.bitcast %and3A_1321 : vector<16xi32> to vector<16xf32>
        %add3A_1323 = arith.addf %while3A_1226, %bitcast3A_1318 : vector<16xf32>
        %add3A_1324 = arith.addf %while3A_1234, %bitcast3A_1322 : vector<16xf32>
        %get3A_1325 = arith.index_cast %while3A_1219 : i32 to index
        %get3A_1326 = arith.constant 112 : index
        %get3A_1327 = tpu.vector_load %arg12[%get3A_1325, %get3A_1326] {strides = array<i32>} : memref<96x128xi32, #tpu.memory_space<vmem>>, vector<16xi32>,
        %shift_left3A_1328 = arith.constant 16 : i32
        %shift_left3A_1329 = vector.broadcast %shift_left3A_1328 : i32 to vector<16xi32>
        %shift_left3A_1330 = arith.shli %get3A_1327, %shift_left3A_1329 : vector<16xi32>
        %bitcast3A_1331 = vector.bitcast %shift_left3A_1330 : vector<16xi32> to vector<16xf32>
        %and3A_1332 = arith.constant -65536 : i32
        %and3A_1333 = vector.broadcast %and3A_1332 : i32 to vector<16xi32>
        %and3A_1334 = arith.andi %get3A_1327, %and3A_1333 : vector<16xi32>
        %bitcast3A_1335 = vector.bitcast %and3A_1334 : vector<16xi32> to vector<16xf32>
        %add3A_1336 = arith.addf %while3A_1227, %bitcast3A_1331 : vector<16xf32>
        %add3A_1337 = arith.addf %while3A_1235, %bitcast3A_1335 : vector<16xf32>
        scf.yield %add3A_1245, %add3A_1258, %add3A_1271, %add3A_1284, %add3A_1297, %add3A_1310, %add3A_1323, %add3A_1336, %add3A_1246, %add3A_1259, %add3A_1272, %add3A_1285, %add3A_1298, %add3A_1311, %add3A_1324, %add3A_1337 : vector<16xf32>, vector<16xf32>, vector<16xf32>, vector<16xf32>, vector<16xf32>, vector<16xf32>, vector<16xf32>, vector<16xf32>, vector<16xf32>, vector<16xf32>, vector<16xf32>, vector<16xf32>, vector<16xf32>, vector<16xf32>, vector<16xf32>, vector<16xf32>
      }
      %while3A_1217 = arith.constant 1 : i32
      %while3A_1218:16 = scf.for %while3A_1219 = %while3A_1214 to %while3A_1210 step %while3A_1217 iter_args(%while3A_1220 = %while3A_1216#0, %while3A_1221 = %while3A_1216#1, %while3A_1222 = %while3A_1216#2, %while3A_1223 = %while3A_1216#3, %while3A_1224 = %while3A_1216#4, %while3A_1225 = %while3A_1216#5, %while3A_1226 = %while3A_1216#6, %while3A_1227 = %while3A_1216#7, %while3A_1228 = %while3A_1216#8, %while3A_1229 = %while3A_1216#9, %while3A_1230 = %while3A_1216#10, %while3A_1231 = %while3A_1216#11, %while3A_1232 = %while3A_1216#12, %while3A_1233 = %while3A_1216#13, %while3A_1234 = %while3A_1216#14, %while3A_1235 = %while3A_1216#15) -> (vector<16xf32>, vector<16xf32>, vector<16xf32>, vector<16xf32>, vector<16xf32>, vector<16xf32>, vector<16xf32>, vector<16xf32>, vector<16xf32>, vector<16xf32>, vector<16xf32>, vector<16xf32>, vector<16xf32>, vector<16xf32>, vector<16xf32>, vector<16xf32>)  : i32 {
        %get3A_1236 = arith.index_cast %while3A_1219 : i32 to index
        %get3A_1237 = arith.constant 0 : index
        %get3A_1238 = tpu.vector_load %arg12[%get3A_1236, %get3A_1237] {strides = array<i32>} : memref<96x128xi32, #tpu.memory_space<vmem>>, vector<16xi32>,
        %shift_left3A = arith.constant 16 : i32
        %shift_left3A_1239 = vector.broadcast %shift_left3A : i32 to vector<16xi32>
        %shift_left3A_1240 = arith.shli %get3A_1238, %shift_left3A_1239 : vector<16xi32>
        %bitcast3A = vector.bitcast %shift_left3A_1240 : vector<16xi32> to vector<16xf32>
        %and3A_1241 = arith.constant -65536 : i32
        %and3A_1242 = vector.broadcast %and3A_1241 : i32 to vector<16xi32>
        %and3A_1243 = arith.andi %get3A_1238, %and3A_1242 : vector<16xi32>
        %bitcast3A_1244 = vector.bitcast %and3A_1243 : vector<16xi32> to vector<16xf32>
        %add3A_1245 = arith.addf %while3A_1220, %bitcast3A : vector<16xf32>
        %add3A_1246 = arith.addf %while3A_1228, %bitcast3A_1244 : vector<16xf32>
        %get3A_1247 = arith.index_cast %while3A_1219 : i32 to index
        %get3A_1248 = arith.constant 16 : index
        %get3A_1249 = tpu.vector_load %arg12[%get3A_1247, %get3A_1248] {strides = array<i32>} : memref<96x128xi32, #tpu.memory_space<vmem>>, vector<16xi32>,
        %shift_left3A_1250 = arith.constant 16 : i32
        %shift_left3A_1251 = vector.broadcast %shift_left3A_1250 : i32 to vector<16xi32>
        %shift_left3A_1252 = arith.shli %get3A_1249, %shift_left3A_1251 : vector<16xi32>
        %bitcast3A_1253 = vector.bitcast %shift_left3A_1252 : vector<16xi32> to vector<16xf32>
        %and3A_1254 = arith.constant -65536 : i32
        %and3A_1255 = vector.broadcast %and3A_1254 : i32 to vector<16xi32>
        %and3A_1256 = arith.andi %get3A_1249, %and3A_1255 : vector<16xi32>
        %bitcast3A_1257 = vector.bitcast %and3A_1256 : vector<16xi32> to vector<16xf32>
        %add3A_1258 = arith.addf %while3A_1221, %bitcast3A_1253 : vector<16xf32>
        %add3A_1259 = arith.addf %while3A_1229, %bitcast3A_1257 : vector<16xf32>
        %get3A_1260 = arith.index_cast %while3A_1219 : i32 to index
        %get3A_1261 = arith.constant 32 : index
        %get3A_1262 = tpu.vector_load %arg12[%get3A_1260, %get3A_1261] {strides = array<i32>} : memref<96x128xi32, #tpu.memory_space<vmem>>, vector<16xi32>,
        %shift_left3A_1263 = arith.constant 16 : i32
        %shift_left3A_1264 = vector.broadcast %shift_left3A_1263 : i32 to vector<16xi32>
        %shift_left3A_1265 = arith.shli %get3A_1262, %shift_left3A_1264 : vector<16xi32>
        %bitcast3A_1266 = vector.bitcast %shift_left3A_1265 : vector<16xi32> to vector<16xf32>
        %and3A_1267 = arith.constant -65536 : i32
        %and3A_1268 = vector.broadcast %and3A_1267 : i32 to vector<16xi32>
        %and3A_1269 = arith.andi %get3A_1262, %and3A_1268 : vector<16xi32>
        %bitcast3A_1270 = vector.bitcast %and3A_1269 : vector<16xi32> to vector<16xf32>
        %add3A_1271 = arith.addf %while3A_1222, %bitcast3A_1266 : vector<16xf32>
        %add3A_1272 = arith.addf %while3A_1230, %bitcast3A_1270 : vector<16xf32>
        %get3A_1273 = arith.index_cast %while3A_1219 : i32 to index
        %get3A_1274 = arith.constant 48 : index
        %get3A_1275 = tpu.vector_load %arg12[%get3A_1273, %get3A_1274] {strides = array<i32>} : memref<96x128xi32, #tpu.memory_space<vmem>>, vector<16xi32>,
        %shift_left3A_1276 = arith.constant 16 : i32
        %shift_left3A_1277 = vector.broadcast %shift_left3A_1276 : i32 to vector<16xi32>
        %shift_left3A_1278 = arith.shli %get3A_1275, %shift_left3A_1277 : vector<16xi32>
        %bitcast3A_1279 = vector.bitcast %shift_left3A_1278 : vector<16xi32> to vector<16xf32>
        %and3A_1280 = arith.constant -65536 : i32
        %and3A_1281 = vector.broadcast %and3A_1280 : i32 to vector<16xi32>
        %and3A_1282 = arith.andi %get3A_1275, %and3A_1281 : vector<16xi32>
        %bitcast3A_1283 = vector.bitcast %and3A_1282 : vector<16xi32> to vector<16xf32>
        %add3A_1284 = arith.addf %while3A_1223, %bitcast3A_1279 : vector<16xf32>
        %add3A_1285 = arith.addf %while3A_1231, %bitcast3A_1283 : vector<16xf32>
        %get3A_1286 = arith.index_cast %while3A_1219 : i32 to index
        %get3A_1287 = arith.constant 64 : index
        %get3A_1288 = tpu.vector_load %arg12[%get3A_1286, %get3A_1287] {strides = array<i32>} : memref<96x128xi32, #tpu.memory_space<vmem>>, vector<16xi32>,
        %shift_left3A_1289 = arith.constant 16 : i32
        %shift_left3A_1290 = vector.broadcast %shift_left3A_1289 : i32 to vector<16xi32>
        %shift_left3A_1291 = arith.shli %get3A_1288, %shift_left3A_1290 : vector<16xi32>
        %bitcast3A_1292 = vector.bitcast %shift_left3A_1291 : vector<16xi32> to vector<16xf32>
        %and3A_1293 = arith.constant -65536 : i32
        %and3A_1294 = vector.broadcast %and3A_1293 : i32 to vector<16xi32>
        %and3A_1295 = arith.andi %get3A_1288, %and3A_1294 : vector<16xi32>
        %bitcast3A_1296 = vector.bitcast %and3A_1295 : vector<16xi32> to vector<16xf32>
        %add3A_1297 = arith.addf %while3A_1224, %bitcast3A_1292 : vector<16xf32>
        %add3A_1298 = arith.addf %while3A_1232, %bitcast3A_1296 : vector<16xf32>
        %get3A_1299 = arith.index_cast %while3A_1219 : i32 to index
        %get3A_1300 = arith.constant 80 : index
        %get3A_1301 = tpu.vector_load %arg12[%get3A_1299, %get3A_1300] {strides = array<i32>} : memref<96x128xi32, #tpu.memory_space<vmem>>, vector<16xi32>,
        %shift_left3A_1302 = arith.constant 16 : i32
        %shift_left3A_1303 = vector.broadcast %shift_left3A_1302 : i32 to vector<16xi32>
        %shift_left3A_1304 = arith.shli %get3A_1301, %shift_left3A_1303 : vector<16xi32>
        %bitcast3A_1305 = vector.bitcast %shift_left3A_1304 : vector<16xi32> to vector<16xf32>
        %and3A_1306 = arith.constant -65536 : i32
        %and3A_1307 = vector.broadcast %and3A_1306 : i32 to vector<16xi32>
        %and3A_1308 = arith.andi %get3A_1301, %and3A_1307 : vector<16xi32>
        %bitcast3A_1309 = vector.bitcast %and3A_1308 : vector<16xi32> to vector<16xf32>
        %add3A_1310 = arith.addf %while3A_1225, %bitcast3A_1305 : vector<16xf32>
        %add3A_1311 = arith.addf %while3A_1233, %bitcast3A_1309 : vector<16xf32>
        %get3A_1312 = arith.index_cast %while3A_1219 : i32 to index
        %get3A_1313 = arith.constant 96 : index
        %get3A_1314 = tpu.vector_load %arg12[%get3A_1312, %get3A_1313] {strides = array<i32>} : memref<96x128xi32, #tpu.memory_space<vmem>>, vector<16xi32>,
        %shift_left3A_1315 = arith.constant 16 : i32
        %shift_left3A_1316 = vector.broadcast %shift_left3A_1315 : i32 to vector<16xi32>
        %shift_left3A_1317 = arith.shli %get3A_1314, %shift_left3A_1316 : vector<16xi32>
        %bitcast3A_1318 = vector.bitcast %shift_left3A_1317 : vector<16xi32> to vector<16xf32>
        %and3A_1319 = arith.constant -65536 : i32
        %and3A_1320 = vector.broadcast %and3A_1319 : i32 to vector<16xi32>
        %and3A_1321 = arith.andi %get3A_1314, %and3A_1320 : vector<16xi32>
        %bitcast3A_1322 = vector.bitcast %and3A_1321 : vector<16xi32> to vector<16xf32>
        %add3A_1323 = arith.addf %while3A_1226, %bitcast3A_1318 : vector<16xf32>
        %add3A_1324 = arith.addf %while3A_1234, %bitcast3A_1322 : vector<16xf32>
        %get3A_1325 = arith.index_cast %while3A_1219 : i32 to index
        %get3A_1326 = arith.constant 112 : index
        %get3A_1327 = tpu.vector_load %arg12[%get3A_1325, %get3A_1326] {strides = array<i32>} : memref<96x128xi32, #tpu.memory_space<vmem>>, vector<16xi32>,
        %shift_left3A_1328 = arith.constant 16 : i32
        %shift_left3A_1329 = vector.broadcast %shift_left3A_1328 : i32 to vector<16xi32>
        %shift_left3A_1330 = arith.shli %get3A_1327, %shift_left3A_1329 : vector<16xi32>
        %bitcast3A_1331 = vector.bitcast %shift_left3A_1330 : vector<16xi32> to vector<16xf32>
        %and3A_1332 = arith.constant -65536 : i32
        %and3A_1333 = vector.broadcast %and3A_1332 : i32 to vector<16xi32>
        %and3A_1334 = arith.andi %get3A_1327, %and3A_1333 : vector<16xi32>
        %bitcast3A_1335 = vector.bitcast %and3A_1334 : vector<16xi32> to vector<16xf32>
        %add3A_1336 = arith.addf %while3A_1227, %bitcast3A_1331 : vector<16xf32>
        %add3A_1337 = arith.addf %while3A_1235, %bitcast3A_1335 : vector<16xf32>
        scf.yield %add3A_1245, %add3A_1258, %add3A_1271, %add3A_1284, %add3A_1297, %add3A_1310, %add3A_1323, %add3A_1336, %add3A_1246, %add3A_1259, %add3A_1272, %add3A_1285, %add3A_1298, %add3A_1311, %add3A_1324, %add3A_1337 : vector<16xf32>, vector<16xf32>, vector<16xf32>, vector<16xf32>, vector<16xf32>, vector<16xf32>, vector<16xf32>, vector<16xf32>, vector<16xf32>, vector<16xf32>, vector<16xf32>, vector<16xf32>, vector<16xf32>, vector<16xf32>, vector<16xf32>, vector<16xf32>
      }
      scf.yield %while3A_1218#0, %while3A_1218#1, %while3A_1218#2, %while3A_1218#3, %while3A_1218#4, %while3A_1218#5, %while3A_1218#6, %while3A_1218#7, %while3A_1218#8, %while3A_1218#9, %while3A_1218#10, %while3A_1218#11, %while3A_1218#12, %while3A_1218#13, %while3A_1218#14, %while3A_1218#15 : vector<16xf32>, vector<16xf32>, vector<16xf32>, vector<16xf32>, vector<16xf32>, vector<16xf32>, vector<16xf32>, vector<16xf32>, vector<16xf32>, vector<16xf32>, vector<16xf32>, vector<16xf32>, vector<16xf32>, vector<16xf32>, vector<16xf32>, vector<16xf32>
    }
    %max3A_1119 = arith.constant 1 : i32
    %max3A_1120 = arith.maxsi %select_n3A_490, %max3A_1119 : i32
    %convert_element_type3A_1121 = arith.sitofp %max3A_1120 : i32 to f32
    %broadcast_in_dim3A_1122 = vector.broadcast %convert_element_type3A_1121 : f32 to vector<16xf32>
    %div3A_1123 = arith.constant 1.000000e+00 : f32
    %div3A_1124 = vector.broadcast %div3A_1123 : f32 to vector<16xf32>
    %div3A_1125 = arith.divf %div3A_1124, %broadcast_in_dim3A_1122 : vector<16xf32>
    %mul3A_1126 = arith.mulf %while3A_1118#0, %div3A_1125 : vector<16xf32>
    %swap3A_1127 = arith.constant 0 : index
    %swap3A_1128 = tpu.vector_load %arg13[%swap3A_1127] {strides = array<i32>} : memref<256xf32, #tpu.memory_space<vmem>>, vector<16xf32>,
    tpu.vector_store %arg13[%swap3A_1127], %mul3A_1126 {strides = array<i32>} : memref<256xf32, #tpu.memory_space<vmem>>, vector<16xf32>,
    %mul3A_1129 = arith.mulf %while3A_1118#8, %div3A_1125 : vector<16xf32>
    %swap3A_1130 = arith.constant 128 : index
    %swap3A_1131 = tpu.vector_load %arg13[%swap3A_1130] {strides = array<i32>} : memref<256xf32, #tpu.memory_space<vmem>>, vector<16xf32>,
    tpu.vector_store %arg13[%swap3A_1130], %mul3A_1129 {strides = array<i32>} : memref<256xf32, #tpu.memory_space<vmem>>, vector<16xf32>,
    %mul3A_1132 = arith.mulf %while3A_1118#1, %div3A_1125 : vector<16xf32>
    %swap3A_1133 = arith.constant 16 : index
    %swap3A_1134 = tpu.vector_load %arg13[%swap3A_1133] {strides = array<i32>} : memref<256xf32, #tpu.memory_space<vmem>>, vector<16xf32>,
    tpu.vector_store %arg13[%swap3A_1133], %mul3A_1132 {strides = array<i32>} : memref<256xf32, #tpu.memory_space<vmem>>, vector<16xf32>,
    %mul3A_1135 = arith.mulf %while3A_1118#9, %div3A_1125 : vector<16xf32>
    %swap3A_1136 = arith.constant 144 : index
    %swap3A_1137 = tpu.vector_load %arg13[%swap3A_1136] {strides = array<i32>} : memref<256xf32, #tpu.memory_space<vmem>>, vector<16xf32>,
    tpu.vector_store %arg13[%swap3A_1136], %mul3A_1135 {strides = array<i32>} : memref<256xf32, #tpu.memory_space<vmem>>, vector<16xf32>,
    %mul3A_1138 = arith.mulf %while3A_1118#2, %div3A_1125 : vector<16xf32>
    %swap3A_1139 = arith.constant 32 : index
    %swap3A_1140 = tpu.vector_load %arg13[%swap3A_1139] {strides = array<i32>} : memref<256xf32, #tpu.memory_space<vmem>>, vector<16xf32>,
    tpu.vector_store %arg13[%swap3A_1139], %mul3A_1138 {strides = array<i32>} : memref<256xf32, #tpu.memory_space<vmem>>, vector<16xf32>,
    %mul3A_1141 = arith.mulf %while3A_1118#10, %div3A_1125 : vector<16xf32>
    %swap3A_1142 = arith.constant 160 : index
    %swap3A_1143 = tpu.vector_load %arg13[%swap3A_1142] {strides = array<i32>} : memref<256xf32, #tpu.memory_space<vmem>>, vector<16xf32>,
    tpu.vector_store %arg13[%swap3A_1142], %mul3A_1141 {strides = array<i32>} : memref<256xf32, #tpu.memory_space<vmem>>, vector<16xf32>,
    %mul3A_1144 = arith.mulf %while3A_1118#3, %div3A_1125 : vector<16xf32>
    %swap3A_1145 = arith.constant 48 : index
    %swap3A_1146 = tpu.vector_load %arg13[%swap3A_1145] {strides = array<i32>} : memref<256xf32, #tpu.memory_space<vmem>>, vector<16xf32>,
    tpu.vector_store %arg13[%swap3A_1145], %mul3A_1144 {strides = array<i32>} : memref<256xf32, #tpu.memory_space<vmem>>, vector<16xf32>,
    %mul3A_1147 = arith.mulf %while3A_1118#11, %div3A_1125 : vector<16xf32>
    %swap3A_1148 = arith.constant 176 : index
    %swap3A_1149 = tpu.vector_load %arg13[%swap3A_1148] {strides = array<i32>} : memref<256xf32, #tpu.memory_space<vmem>>, vector<16xf32>,
    tpu.vector_store %arg13[%swap3A_1148], %mul3A_1147 {strides = array<i32>} : memref<256xf32, #tpu.memory_space<vmem>>, vector<16xf32>,
    %mul3A_1150 = arith.mulf %while3A_1118#4, %div3A_1125 : vector<16xf32>
    %swap3A_1151 = arith.constant 64 : index
    %swap3A_1152 = tpu.vector_load %arg13[%swap3A_1151] {strides = array<i32>} : memref<256xf32, #tpu.memory_space<vmem>>, vector<16xf32>,
    tpu.vector_store %arg13[%swap3A_1151], %mul3A_1150 {strides = array<i32>} : memref<256xf32, #tpu.memory_space<vmem>>, vector<16xf32>,
    %mul3A_1153 = arith.mulf %while3A_1118#12, %div3A_1125 : vector<16xf32>
    %swap3A_1154 = arith.constant 192 : index
    %swap3A_1155 = tpu.vector_load %arg13[%swap3A_1154] {strides = array<i32>} : memref<256xf32, #tpu.memory_space<vmem>>, vector<16xf32>,
    tpu.vector_store %arg13[%swap3A_1154], %mul3A_1153 {strides = array<i32>} : memref<256xf32, #tpu.memory_space<vmem>>, vector<16xf32>,
    %mul3A_1156 = arith.mulf %while3A_1118#5, %div3A_1125 : vector<16xf32>
    %swap3A_1157 = arith.constant 80 : index
    %swap3A_1158 = tpu.vector_load %arg13[%swap3A_1157] {strides = array<i32>} : memref<256xf32, #tpu.memory_space<vmem>>, vector<16xf32>,
    tpu.vector_store %arg13[%swap3A_1157], %mul3A_1156 {strides = array<i32>} : memref<256xf32, #tpu.memory_space<vmem>>, vector<16xf32>,
    %mul3A_1159 = arith.mulf %while3A_1118#13, %div3A_1125 : vector<16xf32>
    %swap3A_1160 = arith.constant 208 : index
    %swap3A_1161 = tpu.vector_load %arg13[%swap3A_1160] {strides = array<i32>} : memref<256xf32, #tpu.memory_space<vmem>>, vector<16xf32>,
    tpu.vector_store %arg13[%swap3A_1160], %mul3A_1159 {strides = array<i32>} : memref<256xf32, #tpu.memory_space<vmem>>, vector<16xf32>,
    %mul3A_1162 = arith.mulf %while3A_1118#6, %div3A_1125 : vector<16xf32>
    %swap3A_1163 = arith.constant 96 : index
    %swap3A_1164 = tpu.vector_load %arg13[%swap3A_1163] {strides = array<i32>} : memref<256xf32, #tpu.memory_space<vmem>>, vector<16xf32>,
    tpu.vector_store %arg13[%swap3A_1163], %mul3A_1162 {strides = array<i32>} : memref<256xf32, #tpu.memory_space<vmem>>, vector<16xf32>,
    %mul3A_1165 = arith.mulf %while3A_1118#14, %div3A_1125 : vector<16xf32>
    %swap3A_1166 = arith.constant 224 : index
    %swap3A_1167 = tpu.vector_load %arg13[%swap3A_1166] {strides = array<i32>} : memref<256xf32, #tpu.memory_space<vmem>>, vector<16xf32>,
    tpu.vector_store %arg13[%swap3A_1166], %mul3A_1165 {strides = array<i32>} : memref<256xf32, #tpu.memory_space<vmem>>, vector<16xf32>,
    %mul3A_1168 = arith.mulf %while3A_1118#7, %div3A_1125 : vector<16xf32>
    %swap3A_1169 = arith.constant 112 : index
    %swap3A_1170 = tpu.vector_load %arg13[%swap3A_1169] {strides = array<i32>} : memref<256xf32, #tpu.memory_space<vmem>>, vector<16xf32>,
    tpu.vector_store %arg13[%swap3A_1169], %mul3A_1168 {strides = array<i32>} : memref<256xf32, #tpu.memory_space<vmem>>, vector<16xf32>,
    %mul3A_1171 = arith.mulf %while3A_1118#15, %div3A_1125 : vector<16xf32>
    %swap3A_1172 = arith.constant 240 : index
    %swap3A_1173 = tpu.vector_load %arg13[%swap3A_1172] {strides = array<i32>} : memref<256xf32, #tpu.memory_space<vmem>>, vector<16xf32>,
    tpu.vector_store %arg13[%swap3A_1172], %mul3A_1171 {strides = array<i32>} : memref<256xf32, #tpu.memory_space<vmem>>, vector<16xf32>,
    "tpu.region"() ({
      %run_scoped3A = tpu.sem_alloc : memref<!tpu.dma_semaphore, #tpu.memory_space<semaphore_mem>>
      %dma_start3A_1174 = arith.constant 0 : i32
      %dma_start3A_1175 = tpu.memref_slice %arg6[%add3A_1055, %dma_start3A_1174] : memref<64x256xf32, #tpu.memory_space<hbm>> -> memref<1x256xf32, #tpu.memory_space<hbm>>
      %dma_start3A_1176 = tpu.memref_squeeze %dma_start3A_1175 : memref<1x256xf32, #tpu.memory_space<hbm>> -> memref<256xf32, #tpu.memory_space<hbm>>
      %dma_start3A_1177 = arith.constant 0 : i32
      %dma_start3A_1178 = tpu.memref_slice %arg6[%add3A_1055, %dma_start3A_1177] : memref<64x256xf32, #tpu.memory_space<hbm>> -> memref<1x256xf32, #tpu.memory_space<hbm>>
      %dma_start3A_1179 = tpu.memref_squeeze %dma_start3A_1178 : memref<1x256xf32, #tpu.memory_space<hbm>> -> memref<256xf32, #tpu.memory_space<hbm>>
      tpu.enqueue_dma source(%arg13 : memref<256xf32, #tpu.memory_space<vmem>>) target(%dma_start3A_1179 : memref<256xf32, #tpu.memory_space<hbm>>) target_semaphore(%run_scoped3A : memref<!tpu.dma_semaphore, #tpu.memory_space<semaphore_mem>>)
      %dma_wait3A_1180 = arith.constant 0 : i32
      %dma_wait3A_1181 = tpu.memref_slice %arg6[%add3A_1055, %dma_wait3A_1180] : memref<64x256xf32, #tpu.memory_space<hbm>> -> memref<1x256xf32, #tpu.memory_space<hbm>>
      %dma_wait3A_1182 = tpu.memref_squeeze %dma_wait3A_1181 : memref<1x256xf32, #tpu.memory_space<hbm>> -> memref<256xf32, #tpu.memory_space<hbm>>
      %dma_wait3A_1183 = arith.constant 0 : i32
      %dma_wait3A_1184 = tpu.memref_slice %arg6[%add3A_1055, %dma_wait3A_1183] : memref<64x256xf32, #tpu.memory_space<hbm>> -> memref<1x256xf32, #tpu.memory_space<hbm>>
      %dma_wait3A_1185 = tpu.memref_squeeze %dma_wait3A_1184 : memref<1x256xf32, #tpu.memory_space<hbm>> -> memref<256xf32, #tpu.memory_space<hbm>>
      tpu.wait_dma2 semaphore(%run_scoped3A : memref<!tpu.dma_semaphore, #tpu.memory_space<semaphore_mem>>) src(%arg13 : memref<256xf32, #tpu.memory_space<vmem>>) dst(%dma_wait3A_1185 : memref<256xf32, #tpu.memory_space<hbm>>)
      tpu.yield
    }) : () -> ()
    return
  }
}

module attributes {stable_mosaic.version = 14 : i64} {
  func.func @_tc_body(%arg0: i32, %arg1: memref<1024x256xf32, #tpu.memory_space<vmem>>, %arg2: memref<10000xi32, #tpu.memory_space<vmem>>, %arg3: memref<256x1xf32, #tpu.memory_space<vmem>>, %arg4: memref<1024xi32, #tpu.memory_space<vmem>>, %arg5: memref<1024x128xi32, #tpu.memory_space<vmem>>, %arg6: memref<64xi32, #tpu.memory_space<vmem>>, %arg7: memref<64xi32, #tpu.memory_space<vmem>>) attributes {dimension_semantics = [#tpu.dimension_semantics<arbitrary>], iteration_bounds = array<i64: 10>, scalar_prefetch = 0 : i64, scratch_operands = 0 : i64, tpu.core_type = #tpu.core_type<tc>, window_params = [{transform_indices = @transform_0, window_bounds = array<i64: 1024, 256>}, {pipeline_mode = #tpu.pipeline_mode<synchronous>, transform_indices = @transform_1, window_bounds = array<i64: 10000>}, {pipeline_mode = #tpu.pipeline_mode<synchronous>, transform_indices = @transform_2, window_bounds = array<i64: 256, 1>}, {transform_indices = @transform_3, window_bounds = array<i64: 1024>}, {transform_indices = @transform_4, window_bounds = array<i64: 1024, 128>}, {pipeline_mode = #tpu.pipeline_mode<synchronous>, transform_indices = @transform_5, window_bounds = array<i64: 64>}, {pipeline_mode = #tpu.pipeline_mode<synchronous>, transform_indices = @transform_6, window_bounds = array<i64: 64>}]} {
    %get3A = arith.constant 0 : index
    %get3A_0 = arith.constant 0 : index
    %get3A_1 = vector.load %arg1[%get3A, %get3A_0] : memref<1024x256xf32, #tpu.memory_space<vmem>>, vector<1024x256xf32>
    %get3A_2 = arith.constant 0 : index
    %get3A_3 = arith.constant 0 : index
    %get3A_4 = vector.load %arg3[%get3A_2, %get3A_3] : memref<256x1xf32, #tpu.memory_space<vmem>>, vector<256x1xf32>
    %mul3A = arith.mulf %get3A_4, %get3A_4 : vector<256x1xf32>
    %reduce_sum3A = vector.shape_cast %mul3A : vector<256x1xf32> to vector<1x256x1xf32>
    %reduce_sum3A_5 = arith.constant dense<0.000000e+00> : vector<1xf32>
    %reduce_sum3A_6 = vector.multi_reduction <add>, %reduce_sum3A, %reduce_sum3A_5 [1, 2] : vector<1x256x1xf32> to vector<1xf32>
    %reduce_sum3A_7 = vector.shape_cast %reduce_sum3A_6 : vector<1xf32> to vector<1x1x1xf32>
    %reduce_sum3A_8 = vector.extract %reduce_sum3A_7[0, 0, 0] : f32 from vector<1x1x1xf32>
    %rsqrt3A = math.rsqrt %reduce_sum3A_8 : f32
    %dot_general3A = arith.constant dense<0.000000e+00> : vector<1024x1xf32>
    %dot_general3A_9 = tpu.matmul %get3A_1, %get3A_4, %dot_general3A {dimension_numbers = #tpu.dot_dimension_numbers<[1], [0], [0], [1], [0, 0, 1, 1], [], []>, transpose_lhs_hint = false} : vector<1024x256xf32>, vector<256x1xf32>, vector<1024x1xf32> -> vector<1024x1xf32>
    %mul3A_10 = vector.broadcast %rsqrt3A : f32 to vector<1024x1xf32>
    %mul3A_11 = arith.mulf %dot_general3A_9, %mul3A_10 : vector<1024x1xf32>
    %tanh3A = math.tanh %mul3A_11 : vector<1024x1xf32>
    %mul3A_12 = vector.broadcast %tanh3A : vector<1024x1xf32> to vector<1024x256xf32>
    %mul3A_13 = arith.mulf %get3A_1, %mul3A_12 : vector<1024x256xf32>
    %slice3A = vector.extract_strided_slice %mul3A_13 {offsets = [0, 0], sizes = [1024, 128], strides = [1, 1]} : vector<1024x256xf32> to vector<1024x128xf32>
    %bitcast_convert_type3A = tpu.bitcast %slice3A : vector<1024x128xf32> -> vector<1024x128xi32>
    %slice3A_14 = vector.extract_strided_slice %mul3A_13 {offsets = [0, 128], sizes = [1024, 128], strides = [1, 1]} : vector<1024x256xf32> to vector<1024x128xf32>
    %bitcast_convert_type3A_15 = tpu.bitcast %slice3A_14 : vector<1024x128xf32> -> vector<1024x128xi32>
    %add3A = arith.constant 32767 : i32
    %add3A_16 = vector.broadcast %add3A : i32 to vector<1024x128xi32>
    %add3A_17 = arith.addi %bitcast_convert_type3A, %add3A_16 : vector<1024x128xi32>
    %shift_right_logical3A = arith.constant 16 : i32
    %shift_right_logical3A_18 = vector.broadcast %shift_right_logical3A : i32 to vector<1024x128xi32>
    %shift_right_logical3A_19 = arith.shrui %bitcast_convert_type3A, %shift_right_logical3A_18 : vector<1024x128xi32>
    %and3A = arith.constant 1 : i32
    %and3A_20 = vector.broadcast %and3A : i32 to vector<1024x128xi32>
    %and3A_21 = arith.andi %shift_right_logical3A_19, %and3A_20 : vector<1024x128xi32>
    %add3A_22 = arith.addi %add3A_17, %and3A_21 : vector<1024x128xi32>
    %add3A_23 = arith.constant 32767 : i32
    %add3A_24 = vector.broadcast %add3A_23 : i32 to vector<1024x128xi32>
    %add3A_25 = arith.addi %bitcast_convert_type3A_15, %add3A_24 : vector<1024x128xi32>
    %shift_right_logical3A_26 = arith.constant 16 : i32
    %shift_right_logical3A_27 = vector.broadcast %shift_right_logical3A_26 : i32 to vector<1024x128xi32>
    %shift_right_logical3A_28 = arith.shrui %bitcast_convert_type3A_15, %shift_right_logical3A_27 : vector<1024x128xi32>
    %and3A_29 = arith.constant 1 : i32
    %and3A_30 = vector.broadcast %and3A_29 : i32 to vector<1024x128xi32>
    %and3A_31 = arith.andi %shift_right_logical3A_28, %and3A_30 : vector<1024x128xi32>
    %add3A_32 = arith.addi %add3A_25, %and3A_31 : vector<1024x128xi32>
    %shift_right_logical3A_33 = arith.constant 16 : i32
    %shift_right_logical3A_34 = vector.broadcast %shift_right_logical3A_33 : i32 to vector<1024x128xi32>
    %shift_right_logical3A_35 = arith.shrui %add3A_22, %shift_right_logical3A_34 : vector<1024x128xi32>
    %and3A_36 = arith.constant -65536 : i32
    %and3A_37 = vector.broadcast %and3A_36 : i32 to vector<1024x128xi32>
    %and3A_38 = arith.andi %add3A_32, %and3A_37 : vector<1024x128xi32>
    %or3A = arith.ori %shift_right_logical3A_35, %and3A_38 : vector<1024x128xi32>
    %swap3A = arith.constant 0 : index
    %swap3A_39 = arith.constant 0 : index
    %swap3A_40 = vector.load %arg5[%swap3A, %swap3A_39] : memref<1024x128xi32, #tpu.memory_space<vmem>>, vector<1024x128xi32>
    tpu.vector_store %arg5[%swap3A, %swap3A_39], %or3A {strides = array<i32>} : memref<1024x128xi32, #tpu.memory_space<vmem>>, vector<1024x128xi32>,
    %bitcast_convert_type3A_41 = tpu.bitcast %mul3A_11 : vector<1024x1xf32> -> vector<1024x1xi32>
    %shift_right_arithmetic3A = arith.constant 31 : i32
    %shift_right_arithmetic3A_42 = vector.broadcast %shift_right_arithmetic3A : i32 to vector<1024x1xi32>
    %shift_right_arithmetic3A_43 = arith.shrsi %bitcast_convert_type3A_41, %shift_right_arithmetic3A_42 : vector<1024x1xi32>
    %or3A_44 = arith.constant -2147483648 : i32
    %or3A_45 = vector.broadcast %or3A_44 : i32 to vector<1024x1xi32>
    %or3A_46 = arith.ori %shift_right_arithmetic3A_43, %or3A_45 : vector<1024x1xi32>
    %xor3A = arith.xori %bitcast_convert_type3A_41, %or3A_46 : vector<1024x1xi32>
    %reshape3A = vector.shape_cast %xor3A : vector<1024x1xi32> to vector<1024xi32>
    %swap3A_47 = arith.constant 0 : index
    %swap3A_48 = vector.load %arg4[%swap3A_47] : memref<1024xi32, #tpu.memory_space<vmem>>, vector<1024xi32>
    tpu.vector_store %arg4[%swap3A_47], %reshape3A {strides = array<i32>} : memref<1024xi32, #tpu.memory_space<vmem>>, vector<1024xi32>,
    %eq3A = arith.constant 0 : i32
    %eq3A_49 = arith.cmpi eq, %arg0, %eq3A : i32
    %convert_element_type3A = arith.extui %eq3A_49 : i1 to i32
    %cond3A = arith.constant 0 : i32
    %cond3A_50 = arith.cmpi ne, %convert_element_type3A, %cond3A : i32
    scf.if %cond3A_50 {
      %get3A_51 = arith.constant 0 : index
      %get3A_52 = vector.load %arg2[%get3A_51] : memref<10000xi32, #tpu.memory_space<vmem>>, vector<10000xi32>
      %reshape3A_53 = vector.shape_cast %get3A_52 : vector<10000xi32> to vector<1x10000xi32>
      %iota3A = tpu.iota {dimensions = array<i32: 0>} : vector<64x10000xi32>
      %eq3A_54 = vector.broadcast %reshape3A_53 : vector<1x10000xi32> to vector<64x10000xi32>
      %eq3A_55 = arith.cmpi eq, %eq3A_54, %iota3A : vector<64x10000xi32>
      %convert_element_type3A_56 = arith.extui %eq3A_55 : vector<64x10000xi1> to vector<64x10000xi32>
      %convert_element_type3A_57 = arith.sitofp %convert_element_type3A_56 : vector<64x10000xi32> to vector<64x10000xf32>
      %reduce_sum3A_58 = arith.constant dense<0.000000e+00> : vector<64xf32>
      %reduce_sum3A_59 = vector.multi_reduction <add>, %convert_element_type3A_57, %reduce_sum3A_58 [1] : vector<64x10000xf32> to vector<64xf32>
      %broadcast_in_dim3A = vector.shape_cast %reduce_sum3A_59 : vector<64xf32> to vector<64x1xf32>
      %convert_element_type3A_60 = arith.fptosi %broadcast_in_dim3A : vector<64x1xf32> to vector<64x1xi32>
      %reshape3A_61 = vector.shape_cast %convert_element_type3A_60 : vector<64x1xi32> to vector<64xi32>
      %swap3A_62 = arith.constant 0 : index
      %swap3A_63 = vector.load %arg6[%swap3A_62] : memref<64xi32, #tpu.memory_space<vmem>>, vector<64xi32>
      tpu.vector_store %arg6[%swap3A_62], %reshape3A_61 {strides = array<i32>} : memref<64xi32, #tpu.memory_space<vmem>>, vector<64xi32>,
      %iota3A_64 = tpu.iota {dimensions = array<i32: 0>} : vector<64x64xi32>
      %iota3A_65 = tpu.iota {dimensions = array<i32: 1>} : vector<64x64xi32>
      %gt3A = arith.cmpi sgt, %iota3A_64, %iota3A_65 : vector<64x64xi32>
      %convert_element_type3A_66 = arith.extui %gt3A : vector<64x64xi1> to vector<64x64xi32>
      %convert_element_type3A_67 = arith.sitofp %convert_element_type3A_66 : vector<64x64xi32> to vector<64x64xf32>
      %dot_general3A_68 = arith.constant dense<0.000000e+00> : vector<64x1xf32>
      %dot_general3A_69 = tpu.matmul %convert_element_type3A_67, %broadcast_in_dim3A, %dot_general3A_68 {dimension_numbers = #tpu.dot_dimension_numbers<[1], [0], [0], [1], [0, 0, 1, 1], [], []>, transpose_lhs_hint = false} : vector<64x64xf32>, vector<64x1xf32>, vector<64x1xf32> -> vector<64x1xf32>
      %convert_element_type3A_70 = arith.fptosi %dot_general3A_69 : vector<64x1xf32> to vector<64x1xi32>
      %reshape3A_71 = vector.shape_cast %convert_element_type3A_70 : vector<64x1xi32> to vector<64xi32>
      %swap3A_72 = arith.constant 0 : index
      %swap3A_73 = vector.load %arg7[%swap3A_72] : memref<64xi32, #tpu.memory_space<vmem>>, vector<64xi32>
      tpu.vector_store %arg7[%swap3A_72], %reshape3A_71 {strides = array<i32>} : memref<64xi32, #tpu.memory_space<vmem>>, vector<64xi32>,
    } else {
    }
    return
  }
  func.func @transform_0(%arg0: i32) -> (i32, i32) {
    %c0_i32 = arith.constant 0 : i32
    %c0_i32_0 = arith.constant 0 : i32
    return %arg0, %c0_i32 : i32, i32
  }
  func.func @transform_1(%arg0: i32) -> i32 {
    %c0_i32 = arith.constant 0 : i32
    %c0_i32_0 = arith.constant 0 : i32
    return %c0_i32 : i32
  }
  func.func @transform_2(%arg0: i32) -> (i32, i32) {
    %c0_i32 = arith.constant 0 : i32
    %c0_i32_0 = arith.constant 0 : i32
    %c0_i32_1 = arith.constant 0 : i32
    return %c0_i32, %c0_i32_0 : i32, i32
  }
  func.func @transform_3(%arg0: i32) -> i32 {
    %c0_i32 = arith.constant 0 : i32
    return %arg0 : i32
  }
  func.func @transform_4(%arg0: i32) -> (i32, i32) {
    %c0_i32 = arith.constant 0 : i32
    %c0_i32_0 = arith.constant 0 : i32
    return %arg0, %c0_i32 : i32, i32
  }
  func.func @transform_5(%arg0: i32) -> i32 {
    %c0_i32 = arith.constant 0 : i32
    %c0_i32_0 = arith.constant 0 : i32
    return %c0_i32 : i32
  }
  func.func @transform_6(%arg0: i32) -> i32 {
    %c0_i32 = arith.constant 0 : i32
    %c0_i32_0 = arith.constant 0 : i32
    return %c0_i32 : i32
  }
}

</mosaic_0001>

<sc_bundles>
// kernel: kernel.4.cloned.1.call-start
scs
__scs_entry_jumppad:
0x0: {  	(pc) =	sbr.rel $0x88, $3  }
0x1: {  	(tag) =	ssettag $0x0;
	lr =	simm.s32 $0x1  }
0x2: {  	[smem:$0x3F9E] =	sst lr;
	_ =	strace $0xD0000000  }
0x3: {  	_ = 	snop  }
0x4: {  	_ = 	snop  }
0x5: {  	_ = 	snop  }
0x6: {  	_ = 	snop  }
0x7: {  	_ = 	snop  }
__scs_overlays_trampoline_lowered:
0x8: {  	[smem:$0x3FAD] =	sst s0  }
0x9: {  	[smem:$0x3FAE] =	sst s1  }
0xa: {  	[smem:$0x3FAF] =	sst s2  }
0xb: {  	[smem:$0x3FB0] =	sst s3  }
0xc: {  	[smem:$0x3FB1] =	sst s4  }
0xd: {  	[smem:$0x3FB2] =	sst s5  }
0xe: {  	[smem:$0x3FB3] =	sst s6  }
0xf: {  	[smem:$0x3FB4] =	sst s7  }
0x10: {  	[smem:$0x3FB5] =	sst s8  }
0x11: {  	[smem:$0x3FB6] =	sst s9;
	s0 =	simm.s32 @!p0 $0x0  }
0x12: {  	s1 =	sld [smem:$0x3F9C];
	s0 =	simm.s32 @p0 $0x1  }
0x13: {  	[smem:$0x3FB7] =	sst s0;
	s0 =	simm.s32 @!p1 $0x0  }
0x14: {  	s2 =	sld [smem:$0x3F9B];
	s0 =	simm.s32 @p1 $0x1  }
0x15: {  	[smem:$0x3FB8] =	sst s0;
	s0 =	simm.s32 @!p2 $0x0  }
0x16: {  	s3 =	sld [smem:$0x3FDB];
	s0 =	simm.s32 @p2 $0x1  }
0x17: {  	s4 =	simm.s32 $0x1BF5;
	[smem:$0x3FBA] =	sst s0  }
0x18: {  	s0 =	sld [smem:$0x3F9D];
	_ =	swait.ge [sflag:s4], $0x0  }
0x19: {  	s7 =	sld [smem:$0x3F9E]  }
0x1a: {  	s8 =	sadd.s32 $0xFFFFE003, lr  }
0x1b: {  	s9 =	sadd.s32 $0xFFFFFEF7, lr;
	s5 =	simm.s32 $0xFFFFFFFF;
	p2 =	slt.u32 s8, $0xFFFFF086  }
0x1c: {  	p1 =	slt.u32 s9, $0xF7A;
	s5 =	simm.s32 @!p2 $0x0  }
0x1d: {  	s5 =	simm.s32 @p1 $0x1;
	p0 =	seq.s32 s7, s2  }
0x1e: {  	s7 =	smul.u32 @!p0 $0xF7A, s2;
	p2 =	seq.s32 @!p0 s5, $0x0  }
0x1f: {  	s9 =	smul.u32 $0xF7A, s1;
	s8 =	simm.s32 @!p0 $0x1BF5;
	p2 =	por !p2, p0  }
0x20: {  	[sflag:s8] =	ssyncset.s32 @!p0 $0xFFFFF086;
	s6 =	sadd.s32 @!p0 s3, s7;
	s7 =	simm.s32 @!p0 $0x108  }
0x21: {  	s3 =	sadd.s32 s3, s9;
	s6 =	sadd.s32 @!p0 $0x88, s6;
	s7 =	simm.s32 @p2 $0x1082  }
0x22: {  	[simem:s7], [sflag:s8] =	dma.local @!p0 [hbm:s6], $0xF7A  }
0x23: {  	s9 =	sor.u32 $0xD0000000, s2;
	s6 =	simm.s32 $0x108;
	_ =	swait.ge @!p0 [sflag:s8], $0x0  }
0x24: {  	s3 =	sadd.s32 $0x88, s3;
	s6 =	simm.s32 @!p1 $0x1082;
	[sflag:s4] =	ssyncset.s32 $0xFFFFF086  }
0x25: {  	[simem:s6], [sflag:s4] =	dma.local [hbm:s3], $0xF7A  }
0x26: {  	[smem:$0x3F9E] =	sst s1;
	(tag) =	ssettag s2;
	_ =	strace s9  }
0x27: {  	s1 =	sld [smem:$0x3FAE]  }
0x28: {  	s2 =	sld [smem:$0x3FAF]  }
0x29: {  	s4 =	sld [smem:$0x3FB1]  }
0x2a: {  	p0 =	seq.s32 s5, $0x0;
	s5 =	sld [smem:$0x3FB2]  }
0x2b: {  	s6 =	sld [smem:$0x3FB3]  }
0x2c: {  	s7 =	sld [smem:$0x3FB4]  }
0x2d: {  	s3 =	simm.s32 $0x108;
	s8 =	sld [smem:$0x3FB5]  }
0x2e: {  	s3 =	simm.s32 @!p0 $0x1082;
	s9 =	sld [smem:$0x3FB6]  }
0x2f: {  	lr =	sadd.s32 s0, s3;
	s0 =	sld [smem:$0x3FAD]  }
0x30: {  	s3 =	sld [smem:$0x3FB0]  }
0x31: {  	[smem:$0x3FB9] =	sst s10  }
0x32: {  	s10 =	sld [smem:$0x3FB7];
	_ =	sdelay $0x3  }
0x33: {  	p0 =	seq.s32 s10, $0x1;
	s10 =	sld [smem:$0x3FB9];
	_ =	sdelay $0x3  }
0x34: {  	[smem:$0x3FB9] =	sst s10  }
0x35: {  	s10 =	sld [smem:$0x3FB8];
	_ =	sdelay $0x3  }
0x36: {  	p1 =	seq.s32 s10, $0x1;
	s10 =	sld [smem:$0x3FB9];
	_ =	sdelay $0x3  }
0x37: {  	[smem:$0x3FB9] =	sst s10  }
0x38: {  	s10 =	sld [smem:$0x3FBA]  }
0x39: {  	_ = 	snop;
	(pc) =	sbr.ind lr, $3  }
0x3a: {  	_ = 	snop  }
0x3b: {  	_ = 	snop  }
0x3c: {  	p2 =	seq.s32 s10, $0x1;
	s10 =	sld [smem:$0x3FB9]  }
0x3d: {  	_ =	shalt  }
0x3e: {  	_ =	shalt  }
0x3f: {  	_ =	shalt  }
0x40: {  	_ =	shalt  }
0x41: {  	_ =	shalt  }
0x42: {  	_ =	shalt  }
0x43: {  	_ =	shalt  }
0x44: {  	_ =	shalt  }
0x45: {  	_ =	shalt  }
0x46: {  	_ =	shalt  }
0x47: {  	_ =	shalt  }
0x48: {  	_ =	shalt  }
0x49: {  	_ =	shalt  }
0x4a: {  	_ =	shalt  }
0x4b: {  	_ =	shalt  }
0x4c: {  	_ =	shalt  }
0x4d: {  	_ =	shalt  }
0x4e: {  	_ =	shalt  }
0x4f: {  	_ =	shalt  }
0x50: {  	_ =	shalt  }
0x51: {  	_ =	shalt  }
0x52: {  	_ =	shalt  }
0x53: {  	_ =	shalt  }
0x54: {  	_ =	shalt  }
0x55: {  	_ =	shalt  }
0x56: {  	_ =	shalt  }
0x57: {  	_ =	shalt  }
0x58: {  	_ =	shalt  }
0x59: {  	_ =	shalt  }
0x5a: {  	_ =	shalt  }
0x5b: {  	_ =	shalt  }
0x5c: {  	_ =	shalt  }
0x5d: {  	_ =	shalt  }
0x5e: {  	_ =	shalt  }
0x5f: {  	_ =	shalt  }
0x60: {  	_ =	shalt  }
0x61: {  	_ =	shalt  }
0x62: {  	_ =	shalt  }
0x63: {  	_ =	shalt  }
0x64: {  	_ =	shalt  }
0x65: {  	_ =	shalt  }
0x66: {  	_ =	shalt  }
0x67: {  	_ =	shalt  }
0x68: {  	_ =	shalt  }
0x69: {  	_ =	shalt  }
0x6a: {  	_ =	shalt  }
0x6b: {  	_ =	shalt  }
0x6c: {  	_ =	shalt  }
0x6d: {  	_ =	shalt  }
0x6e: {  	_ =	shalt  }
0x6f: {  	_ =	shalt  }
0x70: {  	_ =	shalt  }
0x71: {  	_ =	shalt  }
0x72: {  	_ =	shalt  }
0x73: {  	_ =	shalt  }
0x74: {  	_ =	shalt  }
0x75: {  	_ =	shalt  }
0x76: {  	_ =	shalt  }
0x77: {  	_ =	shalt  }
0x78: {  	_ =	shalt  }
0x79: {  	_ =	shalt  }
0x7a: {  	_ =	shalt  }
0x7b: {  	_ =	shalt  }
0x7c: {  	_ =	shalt  }
0x7d: {  	_ =	shalt  }
0x7e: {  	_ =	shalt  }
0x7f: {  	_ =	shalt  }
0x80: {  	_ =	shalt  }
0x81: {  	_ =	shalt  }
0x82: {  	_ =	shalt  }
0x83: {  	_ =	shalt  }
0x84: {  	_ =	shalt  }
0x85: {  	_ =	shalt  }
0x86: {  	_ =	shalt  }
0x87: {  	_ =	shalt  }
.Lfunc_end0:
.L_simem_size_0:
called_computation_lowered:
.L_overlay_start_0:
0x88: {  	s2 =	sld [smem:$0x3FD9]  }
0x89: {  	s3 =	sld [smem:$0x3FFE];
	_ =	sdelay $0x1  }
0x8a: {  	s1 =	srdreg.scid  }
0x8b: {  	s0 =	sand.u32 $0x1, s1  }
0x8c: {  	s17 =	sshll.u32 s0, $0xA;
	s2 =	sadd.s32 s3, s2  }
0x8d: {  	s2 =	sadd.s32 s2, s17  }
0x8e: {  	[smem:$0x3FC5] =	sst s2  }
0x8f: {  	_ = 	snop  }
0x90: {  	s2 =	sld [smem:$0x3FD0];
	(tm) =	ssettm $0x1  }
0x91: {  	s18 =	sld [smem:$0x3FFB];
	_ =	sdelay $0x3  }
0x92: {  	_ =	strace s18  }
0x93: {  	s3 =	sld [smem:$0x3FFC];
	_ =	sdelay $0x3  }
0x94: {  	_ =	strace s3  }
0x95: {  	s3 =	sld [smem:$0x3FFD];
	_ =	sdelay $0x3  }
0x96: {  	_ =	strace s3  }
0x97: {  	_ =	strace $0x8FFFFFFF  }
0x98: {  	s19 =	sld [smem:$0x3FDB];
	_ =	sdelay $0x1  }
0x99: {  	s4 =	simm.s32 $_scs_section_size  }
0x9a: {  	s5 =	simm.s32 $_size__tile_overlayer_lowered;
	s6 =	simm.s32 $_tile_overlayer_lowered  }
0x9b: {  	s22 =	simm.s32 $0x1BFF;
	s21 =	sshll.u32 s6, $0x1;
	s3 =	sadd.s32 s4, s19  }
0x9c: {  	s7 =	simm.s32 $0x0;
	s20 =	sshll.u32 s5, $0x1;
	s5 =	sadd.s32 s21, s3  }
0x9d: {  	[timem:s7], [sflag:s22] =	dma.local [hbm:s5], s20  }
0x9e: {  	_ =	swait.ge [sflag:s22], s20  }
0x9f: {  	s4 =	ssub.s32 $0x0, s20;
	[sflag:s22] =	ssyncset.done $0x0  }
0xa0: {  	[sflag:s22] =	ssyncadd.s32 s4;
	_ =	sdelay $0x1  }
0xa1: {  	s23 =	simm.s32 $0x1B8B  }
0xa2: {  	_ =	swait.ge [sflag:s23], $0x1  }
0xa3: {  	[sflag:s23] =	ssyncset.done $0x0  }
0xa4: {  	s25 =	simm.s32 $0x1B8E;
	s24 =	sld [smem:$0x3FFE];
	[sflag:s23] =	ssyncadd.s32 $0xFFFFFFFF  }
0xa5: {  	s26 =	simm.s32 $execute0_lowered;
	[smem:$0x3FD2] =	sst s25  }
0xa6: {  	s5 =	sshll.u32 s26, $0x1;
	_ =	strace $0x80000046;
	[dreg:$0x1] =	wrdreg $0xFFFFFFFF  }
0xa7: {  	s28 =	simm.s32 $_size_execute0_lowered;
	s3 =	sadd.s32 s3, s5;
	[dreg:$0x0] =	wrdreg $0x0  }
0xa8: {  	s5 =	sshll.u32 s28, $0x1;
	[dreg:$0x2] =	wrdreg s3  }
0xa9: {  	[dreg:$0x3] =	wrdreg s5  }
0xaa: {  	[dreg:$0x4] =	wrdreg $0xC0  }
0xab: {  	_ =	task [dreg:s7], $0x5FFFF  }
0xac: {  	[dreg:$0x1] =	wrdreg $0xFFFFFFFF  }
0xad: {  	[dreg:$0x0] =	wrdreg $0x60  }
0xae: {  	[dreg:$0x2] =	wrdreg s24  }
0xaf: {  	[dreg:$0x3] =	wrdreg s2  }
0xb0: {  	[dreg:$0x4] =	wrdreg $0x9  }
0xb1: {  	_ =	task.clear_ibuf [dreg:s7], $0x5FFFF;
	_ =	strace $0x90000046  }
0xb2: {  	s29 =	simm.s32 $0x9;
	_ =	strace $0x80000048  }
0xb3: {  	_ =	swait.ge [sflag:s29], $0x1  }
0xb4: {  	[sflag:s29] =	ssyncadd.s32 $0xFFFFFFFF  }
0xb5: {  	_ =	strace $0x90000048  }
0xb6: {  	_ =	sfence  }
0xb7: {  	s30 =	sld [smem:$0x0];
	_ =	sdelay $0x2  }
0xb8: {  	s31 =	sshll.u32 s1, $0xD;
	s1 =	sshrl.u32 s1, $0x2  }
0xb9: {  	s3 =	sand.u32 $0x4000, s31;
	s1 =	sadd.s32 s1, s30  }
0xba: {  	s0 =	sor.u32 s3, s0;
	s1 =	sshll.u32 s1, $0x11  }
0xbb: {  	s0 =	sor.u32 s1, s0  }
0xbc: {  	s0 =	sadd.s32 $0x8F2B, s0  }
0xbd: {  	[sflag:s0] =	ssyncadd.remote.s32 $0x1  }
0xbe: {  	_ =	sfence.sel $0xFFFF  }
0xbf: {  	[dreg:$0x0] =	wrdreg $0xFFFFFFFF;
	(pc) =	sbr.abs _section_cstart, $3  }
0xc0: {  	[dreg:$0x1] =	wrdreg $0xFFFFFFFF  }
0xc1: {  	_ =	task.clear_ibuf [dreg:s7], $0x2FFFF;
	_ =	strace $0x9FFFFFFF  }
0xc2: {  	(tm) =	ssettm $0x7FFFFFFF  }
0xc3: {  	_ =	shalt  }
tec
execute0_lowered:
.L_overlay_start_1:
0x0: {  	(tag) =	ssettag $0x1  }
0x1: {  	s0 =	rddreg [dreg:$0x0]  }
0x2: {  	s1 =	rddreg [dreg:$0x1]  }
0x3: {  	s2 =	simm.s32 $0x0;
	s23 =	srdreg.scid;
	s6 =	stileid.u32  }
0x4: {  	[smem:$0x7FF] =	sst s2;
	s3 =	sadd.s32 $0x28400, s0;
	s2 =	sand.u32 $0x1, s23  }
0x5: {  	s4 =	sadd.s32 $0x28A00, s0;
	_ =	strace $0x80000047;
	[dreg:$0x3] =	wrdreg s3  }
0x6: {  	s24 =	sshll.u32 s6, $0x1;
	s25 =	sadd.s32 $0x28C00, s0;
	[dreg:$0x4] =	wrdreg s4  }
0x7: {  	s10 =	sadd.s32 $0x1200, s0;
	s6 =	sshll.u32 s6, $0xA;
	[dreg:$0x5] =	wrdreg s25  }
0x8: {  	s3 =	sor.u32 s2, s24;
	s2 =	ssub.s32 $0x2, s2;
	[dreg:$0x7] =	wrdreg s10  }
0x9: {  	s6 =	sand.u32 $0x3800, s6;
	s26 =	smul.u32 $0x26E, s3;
	s8 =	sshllo.u32 s3, $0x1  }
0xa: {  	s28 =	sshrl.u32 s2, $0x1;
	s7 =	sshll.u32 s3, $0x8;
	s3 =	sshll.u32 s3, $0x1  }
0xb: {  	s5 =	smul.u32 $0x137, s8;
	[dreg:$0x6] =	wrdreg s8;
	s8 =	sshll.u32 s8, $0x7  }
0xc: {  	s7 =	sand.u32 $0x300, s7;
	s0 =	ssub.s32 s2, s28;
	[dreg:$0x8] =	wrdreg s3  }
.Ltmp0:
0xd: {  	s8 =	sand.u32 $0x380, s8;
	s29 =	sor.u32 s6, s7;
	(pc) =	sbr.rel .LBB2_1-.Ltmp0, $4  }
0xe: {  	v4 =	vimm.s32 $0xECA86420;
	v2 =	vlaneseq.u32;
	s0 =	smax.u32 s0, $0x1;
	s30 =	sor.u32 s6, s8;
	s2 =	sshrl.u32 s29, $0x3  }
0xf: {  	vm0 =	vmmov $0xff;
	v6 =	vimm.s32 $0x0;
	v4 =	vunpack.c.l.s4.s8 v4;
	[dreg:$0xb] =	wrdreg s0;
	s31 =	sshrl.u32 s30, $0x3;
	s2 =	sadd.s32 s1, s2  }
0x10: {  	v3 =	vimm.s32 $0x0;
	s9 =	simm.s32 $0x80000000;
	v5 =	vmul.u32 $0x2, v2;
	v6 =	vsel vm0, $0xFFFFFFFF, v6;
	[dreg:$0x9] =	wrdreg s2;
	s1 =	sadd.s32 s1, s31  }
0x11: {  	[tilespmem:$0x1FFF0] =	vst v6;
	v4 =	vunpack.c.0.s8.s32 v4;
	v0 =	vmov s26;
	v1 =	vmov s5;
	s5 =	simm.s32 $0x3;
	s6 =	simm.s32 $0x0;
	[dreg:$0xa] =	wrdreg s1  }
.LBB2_49:
0x12: {  	p0 =	sgt.s32 s26, $0x1  }
0x13: {  	s26 =	simm.s32 @!p0 $0x1  }
0x14: {  	s0 =	scvt.s32.f32 s26;
	_ =	sdelay $0x1  }
0x15: {  	v22 =	vmov s0  }
0x16: {  	(erf) = vrcp.f32 v22;
	_ =	sdelay $0x8  }
0x17: {  	v22 =	vpop (erf)  }
0x18: {  	v20 =	vmul.f32 v20, v22  }
0x19: {  	v21 =	vmul.f32 v21, v22  }
0x1a: {  	v8 =	vmul.f32 v8, v22;
	[tilespmem:$0xB100] =	vst v20  }
0x1b: {  	v10 =	vmul.f32 v10, v22;
	[tilespmem:$0xB180] =	vst v21  }
0x1c: {  	v57 =	vmul.f32 v19, v22;
	[tilespmem:$0xB110] =	vst v8  }
0x1d: {  	v58 =	vmul.f32 v18, v22;
	[tilespmem:$0xB190] =	vst v10  }
0x1e: {  	v59 =	vmul.f32 v17, v22;
	[tilespmem:$0xB120] =	vst v57  }
0x1f: {  	v60 =	vmul.f32 v16, v22;
	[tilespmem:$0xB1A0] =	vst v58  }
0x20: {  	v61 =	vmul.f32 v11, v22;
	[tilespmem:$0xB130] =	vst v59  }
0x21: {  	v62 =	vmul.f32 v14, v22;
	[tilespmem:$0xB1B0] =	vst v60  }
0x22: {  	v63 =	vmul.f32 v12, v22;
	[tilespmem:$0xB140] =	vst v61  }
0x23: {  	v9 =	vmul.f32 v9, v22;
	[tilespmem:$0xB1C0] =	vst v62  }
0x24: {  	v6 =	vmul.f32 v6, v22;
	[tilespmem:$0xB150] =	vst v63  }
0x25: {  	v7 =	vmul.f32 v7, v22;
	[tilespmem:$0xB1D0] =	vst v9  }
0x26: {  	[tilespmem:$0xB160] =	vst v6;
	v6 =	vmul.f32 v13, v22  }
0x27: {  	[tilespmem:$0xB1E0] =	vst v7;
	v7 =	vmul.f32 v15, v22  }
0x28: {  	[tilespmem:$0xB170] =	vst v6  }
0x29: {  	s30 =	rddreg [dreg:$0xa];
	[tilespmem:$0xB1F0] =	vst v7  }
0x2a: {  	[hbm4b:s30+s12] =	stream.strided.scatter [tilespmem:s14], [sflag:$0x3], $0x100, s13, s12, $0x38;
	[tilespmem:$0xB200] =	vst v63  }
0x2b: {  	_ =	swait.ge [sflag:s5], $0x100  }
0x2c: {  	s6 =	sadd.s32 $0x1, s6;
	s31 =	rddreg [dreg:$0xb]  }
0x2d: {  	p0 =	sne.s32 s6, s31  }
.Ltmp1:
0x2e: {  	_ = 	snop;
	(pc) =	sbr.rel @!p0 .LBB2_50-.Ltmp1, $3  }
0x2f: {  	_ =	sdelay $0x1  }
0x30: {  	[sflag:s5] =	ssyncset.done $0x0  }
0x31: {  	[sflag:s5] =	ssyncadd.s32 $0xFFFFFF00  }
.LBB2_1:
0x32: {  	[dreg:$0xc] =	wrdreg s6  }
0x33: {  	s0 =	simm.s32 $0x0;
	s1 =	rddreg [dreg:$0x3]  }
0x34: {  	[tilespmem:s0], [sflag:$0x3] =	stream.linear.gather [hbm4b:s1+s0], $0x2710, $0x38;
	[tilespmem:$0xB200] =	vst v63  }
0x35: {  	_ =	swait.ge [sflag:s5], $0x2710  }
0x36: {  	[sflag:s5] =	ssyncset.done $0x0  }
0x37: {  	s2 =	simm.s32 $0x2780;
	s21 =	rddreg [dreg:$0x4];
	[sflag:s5] =	ssyncadd.s32 $0xFFFFD8F0  }
0x38: {  	[tilespmem:s2], [sflag:$0x3] =	stream.linear.gather [hbm4b:s21+s0], $0x40, $0x38;
	[tilespmem:$0xB200] =	vst v63  }
0x39: {  	_ =	swait.ge [sflag:s5], $0x40  }
0x3a: {  	[sflag:s5] =	ssyncset.done $0x0  }
0x3b: {  	s23 =	simm.s32 $0x2800;
	s22 =	rddreg [dreg:$0x5];
	[sflag:s5] =	ssyncadd.s32 $0xFFFFFFC0  }
0x3c: {  	[tilespmem:s23], [sflag:$0x3] =	stream.linear.gather [hbm4b:s22+s0], $0x40, $0x38;
	[tilespmem:$0xB200] =	vst v63  }
0x3d: {  	_ =	swait.ge [sflag:s5], $0x40  }
0x3e: {  	[sflag:s5] =	ssyncset.done $0x0  }
0x3f: {  	s24 =	rddreg [dreg:$0x8];
	[sflag:s5] =	ssyncadd.s32 $0xFFFFFFC0  }
0x40: {  	v6 =	vld [tilespmem:s24+$0x2780];
	_ =	sdelay $0x4  }
0x41: {  	(v2sf) =	vpush v6, $0x0;
	_ =	sdelay $0x2  }
0x42: {  	v6 =	vld [tilespmem:s24+$0x2800];
	_ =	sdelay $0x4  }
0x43: {  	(v2sf) =	vpush v6, $0x0;
	_ =	sdelay $0x5  }
0x44: {  	s7 =	simm.s32 $0xFFFFFFFF  }
0x45: {  	s0 =	simm.s32 $0x1;
	s5 =	simm.s32 $0x0;
	s1 =	spop (v2sf)  }
0x46: {  	s25 =	sadd.s32 $0x1, s1;
	p0 =	slt.u32 s1, $0x7FFFFFFF;
	s28 =	sadd.s32 $0xF, s1  }
0x47: {  	s3 =	sshrl.u32 s25, $0x1F;
	s0 =	simm.s32 @!p0 $0x0;
	s4 =	sshra.s32 s25, $0x1F  }
0x48: {  	s26 =	sand.u32 $0x1, s25;
	s29 =	sand.u32 $0xF, s28;
	p6 =	slt.s32 s28, $0x1  }
0x49: {  	s31 =	sshra.s32 s28, $0x1F;
	s0 =	sadd.s32 s0, s4;
	p1 =	seq.s32 s26, $0x1  }
0x4a: {  	p2 =	sne.s32 s29, $0x0;
	s2 =	sadd.s32 s3, s25;
	s3 =	simm.s32 $0x1  }
0x4b: {  	s4 =	simm.s32 $0x1;
	p5 =	sne.s32 s0, $0x1;
	s30 =	sshra.s32 s2, $0x1  }
0x4c: {  	s2 =	sshrl.u32 s31, $0x1C;
	p0 =	por !p5, !p1;
	p1 =	por !p6, !p2  }
.Ltmp2:
0x4d: {  	s0 =	spop (v2sf);
	s2 =	sadd.s32 s2, s28;
	(pc) =	sbr.rel .LBB2_2-.Ltmp2, $4  }
0x4e: {  	[dreg:$0xe] =	wrdreg s30;
	p0 =	por !p0, !p0;
	p1 =	por !p1, !p1  }
0x4f: {  	s2 =	sshra.s32 s2, $0x4;
	s3 =	simm.s32 @!p0 $0x0;
	s4 =	simm.s32 @!p1 $0x0  }
0x50: {  	s7 =	simm.s32 @!p0 $0x0;
	s11 =	ssub.s32 s30, s3;
	s3 =	ssub.s32 s2, s4  }
0x51: {  	[dreg:$0xf] =	wrdreg s7;
	s4 =	simm.s32 $0x0;
	p0 =	slt.s32 s3, $0x1  }
.LBB2_5:
0x52: {  	vm9 =	vmand vm9, vm10  }
0x53: {  	v7 =	vsel vm9, $0x1, v3  }
0x54: {  	v6 =	vadd.s32 v7, v6  }
.LBB2_6:
0x55: {  	(xrf0) =	vadd.scan.msk.s32 $0xffff, v6;
	_ =	sdelay $0x5  }
0x56: {  	v6, _, _ =	vpop (xrf0)  }
0x57: {  	(v2sf) =	vpush v6, $0xF;
	_ =	sdelay $0xe  }
0x58: {  	s6 =	spop (v2sf)  }
0x59: {  	s4 =	sadd.s32 $0x1, s4;
	p1 =	slt.s32 s6, s11  }
0x5a: {  	s2 =	smov.u32 @p1 s5;
	p1 =	sne.s32 s4, $0x20  }
.Ltmp3:
0x5b: {  	_ = 	snop;
	(pc) =	sbr.rel @!p1 .LBB2_7-.Ltmp3, $2  }
0x5c: {  	_ =	sdelay $0x2  }
0x5d: {  	s5 =	smov.u32 s2  }
.LBB2_2:
.Ltmp4:
0x5e: {  	(pc) =	sbr.rel @p0 .LBB2_6-.Ltmp4, $3  }
0x5f: {  	_ =	sdelay $0x1  }
0x60: {  	s2 =	sshrl.u32 s9, s4  }
0x61: {  	v6 =	vimm.s32 $0x0;
	s2 =	sor.u32 s2, s5  }
0x62: {  	v8 =	vld [tilespmem:s0+$0x0];
	p1 =	sne.s32 s3, $0x1  }
.Ltmp5:
0x63: {  	_ = 	snop;
	(pc) =	sbr.rel @!p1 .LBB2_5-.Ltmp5, $3  }
0x64: {  	_ =	sdelay $0x1  }
0x65: {  	v7 =	vmov s2;
	v9 =	vmov s1  }
0x66: {  	s6 =	sadd.s32 $0xFFFFFFFF, s3;
	s7 =	sadd.s32 $0x10, s0;
	s8 =	smov.u32 s1;
	vm9 =	vgt.s32 v9, v2;
	vm10 =	vge.u32 v8, v7  }
.LBB2_4:
0x67: {  	v8 =	vld [tilespmem:s7+$0x0];
	p1 =	sne.s32 s6, $0x1;
	s6 =	sadd.s32 $0xFFFFFFFF, s6;
	vm9 =	vmand vm9, vm10  }
.Ltmp6:
0x68: {  	v9 =	vsel vm9, $0x1, v3;
	(pc) =	sbr.rel @p1 .LBB2_4-.Ltmp6, $4  }
0x69: {  	v6 =	vadd.s32 v9, v6  }
0x6a: {  	s8 =	sadd.s32 $0xFFFFFFF0, s8  }
0x6b: {  	v9 =	vmov s8  }
0x6c: {  	s7 =	sadd.s32 $0x10, s7;
	vm9 =	vgt.s32 v9, v2;
	vm10 =	vge.u32 v8, v7  }
.Ltmp7:
0x6d: {  	_ = 	snop;
	(pc) =	sbr.rel .LBB2_5-.Ltmp7, $1  }
0x6e: {  	_ =	sdelay $0x3  }
.LBB2_7:
.Ltmp8:
0x6f: {  	(pc) =	sbr.rel @p0 .LBB2_16-.Ltmp8, $1  }
0x70: {  	_ =	sdelay $0x3  }
0x71: {  	v8 =	vld [tilespmem:s0+$0x0];
	p1 =	sne.s32 s3, $0x1  }
.Ltmp9:
0x72: {  	_ = 	snop;
	(pc) =	sbr.rel @!p1 .LBB2_10-.Ltmp9, $3  }
0x73: {  	_ =	sdelay $0x1  }
0x74: {  	v6 =	vmov s2;
	v9 =	vmov s1  }
0x75: {  	v7 =	vimm.s32 $0x0;
	s2 =	sadd.s32 $0xFFFFFFFF, s3;
	s4 =	sadd.s32 $0x10, s0;
	s5 =	smov.u32 s1;
	vm9 =	vgt.s32 v9, v2;
	vm10 =	vgt.u32 v8, v6  }
.LBB2_9:
0x76: {  	v8 =	vld [tilespmem:s4+$0x0];
	p0 =	sne.s32 s2, $0x1;
	s2 =	sadd.s32 $0xFFFFFFFF, s2;
	vm9 =	vmand vm9, vm10  }
.Ltmp10:
0x77: {  	v10 =	vsel vm9, $0x1, v3;
	(pc) =	sbr.rel @p0 .LBB2_9-.Ltmp10, $4  }
0x78: {  	v7 =	vadd.s32 v10, v7  }
0x79: {  	s5 =	sadd.s32 $0xFFFFFFF0, s5  }
0x7a: {  	v10 =	vmov s5  }
0x7b: {  	s4 =	sadd.s32 $0x10, s4;
	vm9 =	vgt.s32 v10, v2;
	vm10 =	vgt.u32 v8, v6  }
.LBB2_10:
0x7c: {  	vm9 =	vmand vm9, vm10  }
0x7d: {  	v8 =	vsel vm9, $0x1, v3  }
0x7e: {  	v7 =	vadd.s32 v8, v7  }
0x7f: {  	(xrf0) =	vadd.scan.msk.s32 $0xffff, v7;
	_ =	sdelay $0x5  }
0x80: {  	v7, _, _ =	vpop (xrf0)  }
0x81: {  	(v2sf) =	vpush v7, $0xF;
	_ =	sdelay $0xc  }
.Ltmp11:
0x82: {  	_ = 	snop;
	(pc) =	sbr.rel @!p1 .LBB2_11-.Ltmp11, $4  }
0x83: {  	_ = 	snop  }
0x84: {  	s2 =	spop (v2sf)  }
0x85: {  	s2 =	ssub.s32 s11, s2  }
0x86: {  	s3 =	sadd.s32 $0xFFFFFFFF, s3;
	p0 =	por $0x0, $0x0;
	v8 =	vld [tilespmem:s0+$0x0];
	v7 =	vmov s2;
	s2 =	simm.s32 $0x0  }
0x87: {  	_ =	sdelay $0x3  }
0x88: {  	vm9 =	vgt.s32 v9, v2;
	vm10 =	veq.s32 v8, v6  }
0x89: {  	vm10 =	vmand vm9, vm10  }
0x8a: {  	v9 =	vsel vm10, $0x1, v3  }
0x8b: {  	(xrf0) =	vadd.scan.msk.s32 $0xffff, v9;
	_ =	sdelay $0x5  }
0x8c: {  	v9, _, _ =	vpop (xrf0)  }
0x8d: {  	v10 =	vadd.s32 s2, v9;
	(v2sf) =	vpush v9, $0xF  }
0x8e: {  	vm11 =	vgt.u32 v8, v6;
	vm12 =	vle.s32 v10, v7  }
0x8f: {  	vm9 =	vmand vm9, vm11;
	vm10 =	vmand vm10, vm12  }
0x90: {  	p1 =	sne.s32 s3, $0x1;
	v8 =	vadd.s32 s0, v2;
	vm9 =	vmor vm9, vm10  }
.Ltmp12:
0x91: {  	[tilespmem:s2+$0x2880] =	vst.msk vm9, v8;
	v8 =	vsel vm9, $0x1, v3;
	(pc) =	sbr.rel @!p1 .LBB2_13-.Ltmp12, $4  }
0x92: {  	(xrf0) =	vadd.scan.msk.s32 $0xffff, v8  }
0x93: {  	s7 =	sadd.s32 $0x10, s0  }
0x94: {  	s8 =	sadd.s32 $0xFFFFFFFF, s3;
	p0 =	por $0x1, $0x1;
	s6 =	smov.u32 s1  }
0x95: {  	s5 =	simm.s32 $0x0;
	s3 =	smov.u32 s0;
	s4 =	simm.s32 $0x0;
	v8 =	vld [tilespmem:s7+$0x0]  }
.LBB2_14:
0x96: {  	p1 =	sne.s32 s8, $0x1;
	_ =	sdelay $0x1  }
0x97: {  	s6 =	sadd.s32 $0xFFFFFFF0, s6;
	v9, _, _ =	vpop (xrf0)  }
0x98: {  	v10 =	vmov s6;
	(v2sf) =	vpush v9, $0xF  }
0x99: {  	vm9 =	vgt.s32 v10, v2;
	vm10 =	vgt.u32 v8, v6;
	vm11 =	veq.s32 v8, v6  }
0x9a: {  	vm11 =	vmand vm9, vm11  }
0x9b: {  	v8 =	vsel vm11, $0x1, v3;
	s9 =	spop (v2sf)  }
0x9c: {  	(xrf0) =	vadd.scan.msk.s32 $0xffff, v8;
	s5 =	sadd.s32 s5, s9;
	_ =	sdelay $0x5  }
0x9d: {  	v8, _, _ =	vpop (xrf0)  }
0x9e: {  	v9 =	vadd.s32 s5, v8;
	(v2sf) =	vpush v8, $0xF  }
0x9f: {  	vm12 =	vle.s32 v9, v7  }
0xa0: {  	vm9 =	vmand vm9, vm10;
	vm10 =	vmand vm11, vm12  }
0xa1: {  	vm9 =	vmor vm9, vm10  }
.Ltmp13:
0xa2: {  	s3 =	sadd.s32 $0x10, s3;
	v8 =	vsel vm9, $0x1, v3;
	s9 =	spop (v2sf);
	(pc) =	sbr.rel @p1 .LBB2_14-.Ltmp13, $4  }
0xa3: {  	v9 =	vadd.s32 s3, v2;
	(xrf0) =	vadd.scan.msk.s32 $0xffff, v8;
	s4 =	sadd.s32 s4, s9  }
0xa4: {  	[tilespmem:s4+$0x2880] =	vst.msk vm9, v9  }
0xa5: {  	s7 =	sadd.s32 $0x10, s7  }
0xa6: {  	s8 =	sadd.s32 $0xFFFFFFFF, s8;
	v8 =	vld [tilespmem:s7+$0x0]  }
.LBB2_15:
0xa7: {  	_ = 	snop  }
0xa8: {  	s6 =	sadd.s32 @p0 $0xFFFFFFF0, s6  }
0xa9: {  	s1 =	smov.u32 @p0 s6  }
0xaa: {  	v9 =	vmov s1  }
0xab: {  	vm9 =	vgt.s32 v9, v2;
	vm10 =	veq.s32 v8, v6  }
0xac: {  	vm10 =	vmand vm9, vm10  }
0xad: {  	v63 =	vsel vm10, $0x1, v3  }
0xae: {  	(xrf0) =	vadd.scan.msk.s32 $0xffff, v63;
	_ =	sdelay $0x3  }
0xaf: {  	s1 =	spop @p0 (v2sf)  }
0xb0: {  	v9, _, _ =	vpop @p0 (xrf0);
	s1 =	sadd.s32 @p0 s5, s1;
	s5 =	simm.s32 $0x0  }
0xb1: {  	s5 =	smov.u32 @p0 s1;
	v10, _, _ =	vpop (xrf0)  }
0xb2: {  	v11 =	vadd.s32 s5, v10  }
0xb3: {  	vm11 =	vgt.u32 v8, v6;
	vm12 =	vle.s32 v11, v7  }
0xb4: {  	vm9 =	vmand vm9, vm11;
	vm10 =	vmand vm10, vm12  }
0xb5: {  	vm9 =	vmor vm9, vm10  }
0xb6: {  	v6 =	vsel vm9, $0x1, v3  }
0xb7: {  	(xrf0) =	vadd.scan.msk.s32 $0xffff, v6;
	_ =	sdelay $0x3  }
0xb8: {  	(v2sf) =	vpush @p0 v9, $0xF;
	_ =	sdelay $0x1  }
0xb9: {  	(v2sf) =	vpush v10, $0xF;
	v6, _, _ =	vpop (xrf0)  }
0xba: {  	(v2sf) =	vpush v6, $0xF;
	_ =	sdelay $0xb  }
0xbb: {  	s3 =	sadd.s32 @p0 $0x10, s3;
	s1 =	spop @p0 (v2sf)  }
0xbc: {  	s0 =	smov.u32 @p0 s3;
	s1 =	sadd.s32 @p0 s4, s1  }
0xbd: {  	s2 =	smov.u32 @p0 s1;
	v6 =	vadd.s32 s0, v2;
	s30 =	spop (v2sf)  }
0xbe: {  	[tilespmem:s2+$0x2880] =	vst.msk vm9, v6;
	s31 =	spop (v2sf)  }
.LBB2_16:
0xbf: {  	s0 =	sand.u32 $0xF, s11  }
0xc0: {  	s1 =	sshra.s32 s11, $0x1F;
	p0 =	slt.s32 s11, $0x1;
	p1 =	sne.s32 s0, $0x0  }
0xc1: {  	s23 =	sshrl.u32 s1, $0x1C;
	p1 =	por !p0, !p1  }
0xc2: {  	s1 =	simm.s32 $0x1;
	s0 =	sadd.s32 s23, s11;
	p1 =	por !p1, !p1  }
0xc3: {  	s0 =	sshrl.u32 s0, $0x4;
	s1 =	simm.s32 @!p1 $0x0  }
0xc4: {  	s0 =	ssub.s32 s0, s1  }
0xc5: {  	s26 =	sshll.u32 s0, $0x4  }
0xc6: {  	v7 =	vor.u32 s26, v2  }
0xc7: {  	v6 =	vmul.u32 $0x7, v7;
	_ =	sdelay $0x1  }
0xc8: {  	v8 =	vadd.s32 v0, v6  }
0xc9: {  	(v2sf) =	vpush v8, $0xD;
	_ =	sdelay $0x2  }
0xca: {  	(v2sf) =	vpush v8, $0xC  }
0xcb: {  	(v2sf) =	vpush v8, $0xE;
	_ =	sdelay $0x1  }
0xcc: {  	(v2sf) =	vpush v8, $0xF  }
0xcd: {  	(v2sf) =	vpush v8, $0x9;
	_ =	sdelay $0x1  }
0xce: {  	(v2sf) =	vpush v8, $0x8  }
0xcf: {  	(v2sf) =	vpush v8, $0xA;
	_ =	sdelay $0x1  }
0xd0: {  	(v2sf) =	vpush v8, $0xB;
	_ =	sdelay $0x2  }
0xd1: {  	s24 =	spop (v2sf);
	(v2sf) =	vpush v8, $0x0;
	_ =	sdelay $0x1  }
0xd2: {  	s12 =	smulhi.u32 $0x68DB8BAD, s24;
	s0 =	sshra.s32 s24, $0x1F  }
0xd3: {  	s25 =	spop (v2sf);
	(v2sf) =	vpush v8, $0x1;
	s14 =	smul.u32 $0x68DB8BAD, s0  }
0xd4: {  	s13 =	smulhi.u32 $0x68DB8BAD, s25;
	s0 =	sshra.s32 s25, $0x1F;
	s28 =	spop (v2sf);
	(v2sf) =	vpush v8, $0x2  }
0xd5: {  	s16 =	smul.u32 $0x68DB8BAD, s0;
	(v2sf) =	vpush v8, $0x3  }
0xd6: {  	s15 =	smulhi.u32 $0x68DB8BAD, s28;
	s0 =	sshra.s32 s28, $0x1F;
	s29 =	spop (v2sf)  }
0xd7: {  	s18 =	smul.u32 $0x68DB8BAD, s0;
	s30 =	spop (v2sf);
	(v2sf) =	vpush v8, $0x4  }
0xd8: {  	s17 =	smulhi.u32 $0x68DB8BAD, s29;
	s0 =	sshra.s32 s29, $0x1F;
	(v2sf) =	vpush v8, $0x5  }
0xd9: {  	s2 =	sadd.s32 $0x10, s26;
	s20 =	smul.u32 $0x68DB8BAD, s0;
	s31 =	spop (v2sf)  }
0xda: {  	s19 =	smulhi.u32 $0x68DB8BAD, s30;
	s0 =	sshra.s32 s30, $0x1F;
	s1 =	spop (v2sf);
	(v2sf) =	vpush v8, $0x6  }
0xdb: {  	v6 =	vor.u32 s2, v2;
	s22 =	smul.u32 $0x68DB8BAD, s0  }
0xdc: {  	v9 =	vmul.u32 $0x7, v6;
	s21 =	smulhi.u32 $0x68DB8BAD, s31;
	s0 =	sshra.s32 s31, $0x1F;
	s3 =	spop (v2sf);
	(v2sf) =	vpush v8, $0x7  }
0xdd: {  	s23 =	smul.u32 $0x68DB8BAD, s0  }
0xde: {  	v10 =	vadd.s32 v0, v9;
	s24 =	smulhi.u32 $0x68DB8BAD, s1;
	s0 =	sshra.s32 s1, $0x1F  }
0xdf: {  	s28 =	smul.u32 $0x68DB8BAD, s0;
	s4 =	spop (v2sf);
	(v2sf) =	vpush v10, $0xD  }
0xe0: {  	s25 =	smulhi.u32 $0x68DB8BAD, s3;
	s0 =	sshra.s32 s3, $0x1F  }
0xe1: {  	s29 =	smul.u32 $0x68DB8BAD, s0  }
0xe2: {  	s30 =	smulhi.u32 $0x68DB8BAD, s4;
	s5 =	spop (v2sf);
	(v2sf) =	vpush v10, $0xC  }
0xe3: {  	s31 =	smulhi.u32 $0x68DB8BAD, s5;
	s2 =	spop (v2sf)  }
0xe4: {  	s3 =	smulhi.u32 $0x68DB8BAD, s2;
	s6 =	spop (v2sf)  }
0xe5: {  	[dreg:$0xd] =	wrdreg s11;
	s0 =	sshra.s32 s4, $0x1F;
	(v2sf) =	vpush v10, $0xE;
	s4 =	smulhi.u32 $0x68DB8BAD, s6  }
0xe6: {  	s7 =	spop (v2sf);
	[smem:$0x74F] =	sst s3  }
0xe7: {  	s3 =	sshra.s32 s6, $0x1F;
	s8 =	smulhi.u32 $0x68DB8BAD, s7;
	s9 =	spop (v2sf)  }
0xe8: {  	(v2sf) =	vpush v10, $0xF;
	[smem:$0x750] =	sst s4;
	s6 =	smul.u32 $0x68DB8BAD, s3  }
0xe9: {  	s3 =	sshra.s32 s7, $0x1F;
	s10 =	smulhi.u32 $0x68DB8BAD, s9;
	s11 =	spop (v2sf)  }
0xea: {  	s1 =	sshra.s32 s5, $0x1F;
	[smem:$0x751] =	sst s8;
	s8 =	smul.u32 $0x68DB8BAD, s3  }
0xeb: {  	(v2sf) =	vpush v10, $0x9;
	s3 =	sshra.s32 s9, $0x1F;
	s7 =	smulhi.u32 $0x68DB8BAD, s11;
	s9 =	spop (v2sf)  }
0xec: {  	[smem:$0x752] =	sst s10;
	s5 =	smul.u32 $0x68DB8BAD, s3;
	s3 =	sshra.s32 s11, $0x1F  }
0xed: {  	[smem:$0x753] =	sst s7;
	s4 =	smul.u32 $0x68DB8BAD, s3  }
0xee: {  	(v2sf) =	vpush v10, $0x8;
	s7 =	smulhi.u32 $0x68DB8BAD, s9;
	s3 =	sshra.s32 s9, $0x1F;
	s10 =	spop (v2sf)  }
0xef: {  	s11 =	smul.u32 $0x68DB8BAD, s3;
	s3 =	sshra.s32 s10, $0x1F  }
0xf0: {  	s3 =	smul.u32 $0x68DB8BAD, s3  }
0xf1: {  	s9 =	smulhi.u32 $0x68DB8BAD, s10;
	s10 =	spop (v2sf)  }
0xf2: {  	(v2sf) =	vpush v10, $0xA;
	[smem:$0x756] =	sst s3;
	s3 =	sshra.s32 s10, $0x1F  }
0xf3: {  	[smem:$0x755] =	sst s9;
	s3 =	smul.u32 $0x68DB8BAD, s3  }
0xf4: {  	s9 =	smulhi.u32 $0x68DB8BAD, s10;
	s10 =	spop (v2sf)  }
0xf5: {  	(v2sf) =	vpush v10, $0xB;
	[smem:$0x758] =	sst s3;
	s3 =	sshra.s32 s10, $0x1F  }
0xf6: {  	[smem:$0x757] =	sst s9;
	s3 =	smul.u32 $0x68DB8BAD, s3  }
0xf7: {  	(v2sf) =	vpush v10, $0x0;
	s9 =	smulhi.u32 $0x68DB8BAD, s10;
	s10 =	spop (v2sf)  }
0xf8: {  	[smem:$0x75A] =	sst s3;
	s3 =	sshra.s32 s10, $0x1F  }
0xf9: {  	(v2sf) =	vpush v10, $0x1;
	[smem:$0x759] =	sst s9;
	s3 =	smul.u32 $0x68DB8BAD, s3  }
0xfa: {  	s9 =	smulhi.u32 $0x68DB8BAD, s10;
	s10 =	spop (v2sf)  }
0xfb: {  	[smem:$0x75C] =	sst s3;
	s3 =	sshra.s32 s10, $0x1F  }
0xfc: {  	[smem:$0x75B] =	sst s9;
	s3 =	smul.u32 $0x68DB8BAD, s3  }
0xfd: {  	(v2sf) =	vpush v10, $0x2;
	s9 =	smulhi.u32 $0x68DB8BAD, s10;
	s10 =	spop (v2sf)  }
0xfe: {  	[smem:$0x75E] =	sst s3;
	s3 =	sshra.s32 s10, $0x1F  }
0xff: {  	s3 =	smul.u32 $0x68DB8BAD, s3  }
0x100: {  	[smem:$0x75D] =	sst s9;
	s9 =	smulhi.u32 $0x68DB8BAD, s10  }
0x101: {  	(v2sf) =	vpush v10, $0x3;
	[smem:$0x760] =	sst s3;
	s3 =	spop (v2sf)  }
0x102: {  	[smem:$0x75F] =	sst s9;
	s9 =	smulhi.u32 $0x68DB8BAD, s3;
	s3 =	sshra.s32 s3, $0x1F  }
0x103: {  	s10 =	sadd.s32 $0x20, s26;
	s3 =	smul.u32 $0x68DB8BAD, s3  }
0x104: {  	v9 =	vor.u32 s10, v2;
	s10 =	spop (v2sf);
	[smem:$0x761] =	sst s9  }
0x105: {  	(v2sf) =	vpush v10, $0x4;
	s9 =	smulhi.u32 $0x68DB8BAD, s10;
	[smem:$0x762] =	sst s3;
	s3 =	sshra.s32 s10, $0x1F  }
0x106: {  	s10 =	spop (v2sf);
	s3 =	smul.u32 $0x68DB8BAD, s3  }
0x107: {  	[smem:$0x763] =	sst s9;
	s9 =	smulhi.u32 $0x68DB8BAD, s10  }
0x108: {  	[smem:$0x764] =	sst s3;
	s3 =	sshra.s32 s10, $0x1F;
	s10 =	spop (v2sf)  }
0x109: {  	(v2sf) =	vpush v10, $0x5;
	[smem:$0x765] =	sst s9;
	s9 =	smulhi.u32 $0x68DB8BAD, s10  }
0x10a: {  	[smem:$0x754] =	sst s7  }
0x10b: {  	s7 =	smul.u32 $0x68DB8BAD, s3;
	s3 =	sshra.s32 s10, $0x1F;
	[smem:$0x766] =	sst s9  }
0x10c: {  	s9 =	smul.u32 $0x68DB8BAD, s3;
	s3 =	spop (v2sf)  }
0x10d: {  	(v2sf) =	vpush v10, $0x6;
	s10 =	smulhi.u32 $0x68DB8BAD, s3;
	s3 =	sshra.s32 s3, $0x1F  }
0x10e: {  	s3 =	smul.u32 $0x68DB8BAD, s3;
	_ =	sdelay $0x1  }
0x10f: {  	[smem:$0x768] =	sst s3;
	s3 =	spop (v2sf)  }
0x110: {  	(v2sf) =	vpush v10, $0x7;
	[smem:$0x767] =	sst s10;
	s10 =	smulhi.u32 $0x68DB8BAD, s3;
	s3 =	sshra.s32 s3, $0x1F  }
0x111: {  	v11 =	vmul.u32 $0x7, v9;
	s3 =	smul.u32 $0x68DB8BAD, s3;
	_ =	sdelay $0x1  }
0x112: {  	v11 =	vadd.s32 v0, v11;
	[smem:$0x76A] =	sst s3;
	s3 =	spop (v2sf)  }
0x113: {  	(v2sf) =	vpush v11, $0xD;
	[smem:$0x769] =	sst s10;
	s10 =	smulhi.u32 $0x68DB8BAD, s3;
	s3 =	sshra.s32 s3, $0x1F  }
0x114: {  	s3 =	smul.u32 $0x68DB8BAD, s3;
	_ =	sdelay $0x1  }
0x115: {  	[smem:$0x76C] =	sst s3;
	s3 =	spop (v2sf)  }
0x116: {  	[smem:$0x76B] =	sst s10;
	s10 =	smulhi.u32 $0x68DB8BAD, s3;
	s3 =	sshra.s32 s3, $0x1F  }
0x117: {  	(v2sf) =	vpush v11, $0xC;
	s3 =	smul.u32 $0x68DB8BAD, s3;
	_ =	sdelay $0x1  }
0x118: {  	[smem:$0x76E] =	sst s3;
	s3 =	spop (v2sf)  }
0x119: {  	[smem:$0x76D] =	sst s10;
	s10 =	smulhi.u32 $0x68DB8BAD, s3;
	s3 =	sshra.s32 s3, $0x1F  }
0x11a: {  	(v2sf) =	vpush v11, $0xE;
	s3 =	smul.u32 $0x68DB8BAD, s3;
	_ =	sdelay $0x1  }
0x11b: {  	[smem:$0x770] =	sst s3;
	s3 =	spop (v2sf)  }
0x11c: {  	[smem:$0x76F] =	sst s10;
	s10 =	smulhi.u32 $0x68DB8BAD, s3;
	s3 =	sshra.s32 s3, $0x1F  }
0x11d: {  	(v2sf) =	vpush v11, $0xF;
	s3 =	smul.u32 $0x68DB8BAD, s3;
	_ =	sdelay $0x1  }
0x11e: {  	(v2sf) =	vpush v11, $0x9;
	[smem:$0x772] =	sst s3;
	s3 =	spop (v2sf)  }
0x11f: {  	(v2sf) =	vpush v11, $0x8;
	[smem:$0x771] =	sst s10;
	s10 =	smulhi.u32 $0x68DB8BAD, s3;
	s3 =	sshra.s32 s3, $0x1F  }
0x120: {  	(v2sf) =	vpush v11, $0xA;
	s3 =	smul.u32 $0x68DB8BAD, s3  }
0x121: {  	(v2sf) =	vpush v11, $0xB;
	[smem:$0x773] =	sst s10  }
0x122: {  	(v2sf) =	vpush v11, $0x0;
	[smem:$0x774] =	sst s3  }
0x123: {  	s3 =	spop (v2sf)  }
0x124: {  	s10 =	smulhi.u32 $0x68DB8BAD, s3;
	s3 =	sshra.s32 s3, $0x1F  }
0x125: {  	s3 =	smul.u32 $0x68DB8BAD, s3;
	_ =	sdelay $0x1  }
0x126: {  	[smem:$0x776] =	sst s3;
	s3 =	spop (v2sf)  }
0x127: {  	[smem:$0x775] =	sst s10;
	s10 =	smulhi.u32 $0x68DB8BAD, s3;
	s3 =	sshra.s32 s3, $0x1F  }
0x128: {  	s3 =	smul.u32 $0x68DB8BAD, s3;
	_ =	sdelay $0x1  }
0x129: {  	[smem:$0x778] =	sst s3;
	s3 =	spop (v2sf)  }
0x12a: {  	[smem:$0x777] =	sst s10;
	s10 =	smulhi.u32 $0x68DB8BAD, s3;
	s3 =	sshra.s32 s3, $0x1F  }
0x12b: {  	s3 =	smul.u32 $0x68DB8BAD, s3;
	_ =	sdelay $0x1  }
0x12c: {  	[smem:$0x77A] =	sst s3;
	s3 =	spop (v2sf)  }
0x12d: {  	[smem:$0x779] =	sst s10;
	s10 =	smulhi.u32 $0x68DB8BAD, s3;
	s3 =	sshra.s32 s3, $0x1F  }
0x12e: {  	s3 =	smul.u32 $0x68DB8BAD, s3;
	_ =	sdelay $0x1  }
0x12f: {  	[smem:$0x77C] =	sst s3;
	s3 =	spop (v2sf)  }
0x130: {  	(v2sf) =	vpush v11, $0x1;
	[smem:$0x77B] =	sst s10;
	s10 =	smulhi.u32 $0x68DB8BAD, s3;
	s3 =	sshra.s32 s3, $0x1F  }
0x131: {  	s3 =	smul.u32 $0x68DB8BAD, s3  }
0x132: {  	[smem:$0x77D] =	sst s10  }
0x133: {  	s10 =	sadd.s32 $0x30, s26;
	[smem:$0x77E] =	sst s3;
	s3 =	spop (v2sf)  }
0x134: {  	(v2sf) =	vpush v11, $0x2;
	v12 =	vor.u32 s10, v2;
	s10 =	smulhi.u32 $0x68DB8BAD, s3;
	s3 =	sshra.s32 s3, $0x1F  }
0x135: {  	s3 =	smul.u32 $0x68DB8BAD, s3;
	_ =	sdelay $0x1  }
0x136: {  	[smem:$0x780] =	sst s3;
	s3 =	spop (v2sf)  }
0x137: {  	(v2sf) =	vpush v11, $0x3;
	[smem:$0x77F] =	sst s10;
	s10 =	smulhi.u32 $0x68DB8BAD, s3;
	s3 =	sshra.s32 s3, $0x1F  }
0x138: {  	s3 =	smul.u32 $0x68DB8BAD, s3;
	_ =	sdelay $0x1  }
0x139: {  	[smem:$0x782] =	sst s3;
	s3 =	spop (v2sf)  }
0x13a: {  	(v2sf) =	vpush v11, $0x4;
	[smem:$0x781] =	sst s10;
	s10 =	smulhi.u32 $0x68DB8BAD, s3;
	s3 =	sshra.s32 s3, $0x1F  }
0x13b: {  	s3 =	smul.u32 $0x68DB8BAD, s3;
	_ =	sdelay $0x1  }
0x13c: {  	[smem:$0x784] =	sst s3;
	s3 =	spop (v2sf)  }
0x13d: {  	(v2sf) =	vpush v11, $0x5;
	[smem:$0x783] =	sst s10;
	s10 =	smulhi.u32 $0x68DB8BAD, s3;
	s3 =	sshra.s32 s3, $0x1F  }
0x13e: {  	s3 =	smul.u32 $0x68DB8BAD, s3;
	_ =	sdelay $0x1  }
0x13f: {  	[smem:$0x786] =	sst s3;
	s3 =	spop (v2sf)  }
0x140: {  	(v2sf) =	vpush v11, $0x6;
	[smem:$0x785] =	sst s10;
	s10 =	smulhi.u32 $0x68DB8BAD, s3;
	s3 =	sshra.s32 s3, $0x1F  }
0x141: {  	s14 =	sadd.s32 s14, s12;
	s3 =	smul.u32 $0x68DB8BAD, s3  }
0x142: {  	[smem:$0x7B4] =	sst s14  }
0x143: {  	s13 =	sadd.s32 s16, s13;
	[smem:$0x788] =	sst s3;
	s3 =	spop (v2sf)  }
0x144: {  	(v2sf) =	vpush v11, $0x7;
	[smem:$0x787] =	sst s10;
	s10 =	smulhi.u32 $0x68DB8BAD, s3;
	s3 =	sshra.s32 s3, $0x1F  }
0x145: {  	s15 =	sadd.s32 s18, s15;
	[smem:$0x7B2] =	sst s13;
	v13 =	vmul.u32 $0x7, v12;
	s3 =	smul.u32 $0x68DB8BAD, s3  }
0x146: {  	[smem:$0x7B5] =	sst s15  }
0x147: {  	s17 =	sadd.s32 s20, s17;
	v15 =	vadd.s32 v0, v13;
	[smem:$0x78A] =	sst s3;
	s3 =	spop (v2sf)  }
0x148: {  	(v2sf) =	vpush v15, $0xD;
	[smem:$0x789] =	sst s10;
	s10 =	smulhi.u32 $0x68DB8BAD, s3;
	s3 =	sshra.s32 s3, $0x1F  }
0x149: {  	s20 =	sadd.s32 s22, s19;
	[smem:$0x7B7] =	sst s17;
	s3 =	smul.u32 $0x68DB8BAD, s3  }
0x14a: {  	s0 =	smul.u32 $0x68DB8BAD, s0;
	[smem:$0x7BA] =	sst s20;
	(v2sf) =	vpush v15, $0xC  }
0x14b: {  	s21 =	sadd.s32 s23, s21;
	(v2sf) =	vpush v15, $0xE;
	[smem:$0x78C] =	sst s3;
	s3 =	spop (v2sf)  }
0x14c: {  	[smem:$0x78B] =	sst s10;
	s10 =	smulhi.u32 $0x68DB8BAD, s3;
	s3 =	sshra.s32 s3, $0x1F  }
0x14d: {  	s28 =	sadd.s32 s28, s24;
	[smem:$0x7B8] =	sst s21;
	s3 =	smul.u32 $0x68DB8BAD, s3  }
0x14e: {  	s1 =	smul.u32 $0x68DB8BAD, s1;
	[smem:$0x7BC] =	sst s28;
	(v2sf) =	vpush v15, $0xF  }
0x14f: {  	s0 =	sadd.s32 s0, s30;
	[smem:$0x78E] =	sst s3;
	s3 =	spop (v2sf)  }
0x150: {  	(v2sf) =	vpush v15, $0x9;
	[smem:$0x78D] =	sst s10;
	s10 =	smulhi.u32 $0x68DB8BAD, s3;
	s3 =	sshra.s32 s3, $0x1F  }
0x151: {  	s1 =	sadd.s32 s1, s31;
	[smem:$0x7B3] =	sst s0;
	s3 =	smul.u32 $0x68DB8BAD, s3  }
0x152: {  	[smem:$0x7B6] =	sst s1  }
0x153: {  	[smem:$0x790] =	sst s3;
	s3 =	spop (v2sf)  }
0x154: {  	[smem:$0x78F] =	sst s10;
	s10 =	smulhi.u32 $0x68DB8BAD, s3;
	s3 =	sshra.s32 s3, $0x1F  }
0x155: {  	s2 =	sshra.s32 s2, $0x1F;
	s28 =	sld [smem:$0x750];
	s3 =	smul.u32 $0x68DB8BAD, s3  }
0x156: {  	s2 =	smul.u32 $0x68DB8BAD, s2;
	s30 =	sld [smem:$0x751];
	(v2sf) =	vpush v15, $0x8  }
0x157: {  	[smem:$0x792] =	sst s3;
	s3 =	spop (v2sf)  }
0x158: {  	[smem:$0x791] =	sst s10;
	s12 =	smulhi.u32 $0x68DB8BAD, s3;
	s3 =	sshra.s32 s3, $0x1F  }
0x159: {  	s14 =	spop (v2sf);
	s13 =	smul.u32 $0x68DB8BAD, s3  }
0x15a: {  	s16 =	smulhi.u32 $0x68DB8BAD, s14;
	s3 =	sshra.s32 s14, $0x1F;
	s18 =	spop (v2sf)  }
0x15b: {  	[smem:$0x793] =	sst s12;
	s17 =	smul.u32 $0x68DB8BAD, s3  }
0x15c: {  	s19 =	smulhi.u32 $0x68DB8BAD, s18;
	s3 =	sshra.s32 s18, $0x1F;
	s18 =	sld [smem:$0x74F]  }
0x15d: {  	s22 =	spop (v2sf);
	s12 =	sadd.s32 s29, s25;
	[smem:$0x794] =	sst s16  }
0x15e: {  	(v2sf) =	vpush v15, $0xA;
	s23 =	smul.u32 $0x68DB8BAD, s3;
	[smem:$0x7BE] =	sst s12  }
0x15f: {  	s3 =	sshra.s32 s22, $0x1F;
	s14 =	spop (v2sf);
	s12 =	sld [smem:$0x754]  }
0x160: {  	s25 =	smul.u32 $0x68DB8BAD, s3;
	s15 =	sshra.s32 s14, $0x1F;
	s3 =	sld [smem:$0x753]  }
0x161: {  	s0 =	smul.u32 $0x68DB8BAD, s15;
	s15 =	sld [smem:$0x755]  }
0x162: {  	s1 =	sadd.s32 s2, s18;
	s2 =	sadd.s32 s6, s28;
	s28 =	sld [smem:$0x759]  }
0x163: {  	(v2sf) =	vpush v15, $0xB;
	[smem:$0x7B9] =	sst s1  }
0x164: {  	[smem:$0x7BB] =	sst s2  }
0x165: {  	s16 =	spop (v2sf);
	s2 =	sld [smem:$0x752]  }
0x166: {  	s20 =	smulhi.u32 $0x68DB8BAD, s16;
	s1 =	sadd.s32 s8, s30;
	s30 =	sld [smem:$0x75A]  }
0x167: {  	[smem:$0x795] =	sst s0  }
0x168: {  	[smem:$0x796] =	sst s20  }
0x169: {  	(v2sf) =	vpush v15, $0x0;
	s0 =	sshra.s32 s16, $0x1F;
	[smem:$0x7BD] =	sst s1  }
0x16a: {  	s16 =	sld [smem:$0x756];
	s0 =	smul.u32 $0x68DB8BAD, s0  }
0x16b: {  	(v2sf) =	vpush v15, $0x1;
	s20 =	sld [smem:$0x757]  }
0x16c: {  	s21 =	smulhi.u32 $0x68DB8BAD, s22;
	s1 =	sadd.s32 s5, s2;
	[smem:$0x797] =	sst s0  }
0x16d: {  	s22 =	spop (v2sf);
	[smem:$0x7BF] =	sst s1  }
0x16e: {  	s6 =	smulhi.u32 $0x68DB8BAD, s22;
	s0 =	sshra.s32 s22, $0x1F;
	s22 =	sld [smem:$0x758]  }
0x16f: {  	s1 =	sadd.s32 s4, s3;
	s3 =	sld [smem:$0x75B]  }
0x170: {  	[smem:$0x7C0] =	sst s1  }
0x171: {  	(v2sf) =	vpush v15, $0x2;
	s1 =	sadd.s32 s11, s12;
	s12 =	sld [smem:$0x75D]  }
0x172: {  	s31 =	spop (v2sf);
	[smem:$0x7B1] =	sst s1  }
0x173: {  	(v2sf) =	vpush v15, $0x3;
	s8 =	smul.u32 $0x68DB8BAD, s0;
	s1 =	sadd.s32 s16, s15;
	s16 =	sld [smem:$0x75F]  }
0x174: {  	s5 =	smulhi.u32 $0x68DB8BAD, s31;
	[smem:$0x7C3] =	sst s1  }
0x175: {  	s0 =	sshra.s32 s31, $0x1F;
	s1 =	sadd.s32 s22, s20;
	s22 =	sld [smem:$0x761]  }
0x176: {  	s4 =	smul.u32 $0x68DB8BAD, s0;
	[smem:$0x7C4] =	sst s1  }
0x177: {  	s29 =	smulhi.u32 $0x68DB8BAD, s14;
	s1 =	sadd.s32 s30, s28;
	s30 =	sld [smem:$0x763]  }
0x178: {  	s10 =	spop (v2sf);
	s5 =	sadd.s32 s4, s5;
	[smem:$0x7C6] =	sst s1  }
0x179: {  	(v2sf) =	vpush v15, $0x4;
	s14 =	smulhi.u32 $0x68DB8BAD, s10;
	s0 =	sshra.s32 s10, $0x1F;
	s10 =	sld [smem:$0x75C]  }
0x17a: {  	s18 =	spop (v2sf);
	[smem:$0x7F0] =	sst s5  }
0x17b: {  	s24 =	sadd.s32 $0x40, s26;
	s0 =	smul.u32 $0x68DB8BAD, s0;
	[smem:$0x798] =	sst s14  }
0x17c: {  	v13 =	vor.u32 s24, v2;
	s24 =	smulhi.u32 $0x68DB8BAD, s18;
	s14 =	sld [smem:$0x75E]  }
0x17d: {  	[smem:$0x799] =	sst s0  }
0x17e: {  	[smem:$0x79A] =	sst s24  }
0x17f: {  	s0 =	sshra.s32 s18, $0x1F;
	s18 =	sld [smem:$0x760]  }
0x180: {  	s31 =	spop (v2sf);
	s24 =	sld [smem:$0x762]  }
0x181: {  	s11 =	smulhi.u32 $0x68DB8BAD, s31;
	s1 =	sadd.s32 s10, s3;
	s3 =	sld [smem:$0x765]  }
0x182: {  	s15 =	spop (v2sf);
	s10 =	sld [smem:$0x766]  }
0x183: {  	s20 =	smulhi.u32 $0x68DB8BAD, s15;
	[smem:$0x7C8] =	sst s1  }
0x184: {  	[smem:$0x79C] =	sst s11  }
0x185: {  	[smem:$0x79E] =	sst s20  }
0x186: {  	s0 =	smul.u32 $0x68DB8BAD, s0;
	s1 =	sadd.s32 s14, s12;
	s12 =	sld [smem:$0x767]  }
0x187: {  	s14 =	sld [smem:$0x768]  }
0x188: {  	s28 =	spop (v2sf);
	[smem:$0x79B] =	sst s0  }
0x189: {  	s2 =	smulhi.u32 $0x68DB8BAD, s28;
	[smem:$0x7CC] =	sst s1  }
0x18a: {  	s0 =	sshra.s32 s31, $0x1F;
	s31 =	sld [smem:$0x764]  }
0x18b: {  	(v2sf) =	vpush v15, $0x5;
	[smem:$0x7A0] =	sst s2  }
0x18c: {  	s1 =	sadd.s32 s18, s16;
	s16 =	sld [smem:$0x769]  }
0x18d: {  	s18 =	sld [smem:$0x76A]  }
0x18e: {  	s2 =	sld [smem:$0x783]  }
0x18f: {  	s4 =	sld [smem:$0x79E]  }
0x190: {  	[smem:$0x7CA] =	sst s1  }
0x191: {  	(v2sf) =	vpush v15, $0x6;
	s1 =	sadd.s32 s24, s22;
	s22 =	sld [smem:$0x76B]  }
0x192: {  	s0 =	smul.u32 $0x68DB8BAD, s0;
	s24 =	sld [smem:$0x76C]  }
0x193: {  	[smem:$0x7CE] =	sst s1  }
0x194: {  	[smem:$0x79D] =	sst s0  }
0x195: {  	s1 =	sadd.s32 s31, s30;
	s30 =	sld [smem:$0x76D]  }
0x196: {  	(v2sf) =	vpush v15, $0x7;
	s31 =	sld [smem:$0x76E]  }
0x197: {  	s0 =	sshra.s32 s15, $0x1F;
	[smem:$0x7D0] =	sst s1;
	s1 =	sadd.s32 s7, s3  }
0x198: {  	v14 =	vmul.u32 $0x7, v13;
	s0 =	smul.u32 $0x68DB8BAD, s0;
	[smem:$0x7C2] =	sst s1  }
0x199: {  	s1 =	sadd.s32 s9, s10;
	s9 =	sld [smem:$0x770]  }
0x19a: {  	v14 =	vadd.s32 v0, v14;
	s7 =	spop (v2sf);
	[smem:$0x79F] =	sst s0  }
0x19b: {  	(v2sf) =	vpush v14, $0xD;
	s11 =	smulhi.u32 $0x68DB8BAD, s7;
	[smem:$0x7C5] =	sst s1  }
0x19c: {  	s1 =	sadd.s32 s14, s12;
	s12 =	sld [smem:$0x772]  }
0x19d: {  	[smem:$0x7A2] =	sst s11  }
0x19e: {  	[smem:$0x7C7] =	sst s1  }
0x19f: {  	(v2sf) =	vpush v14, $0xC;
	s11 =	sld [smem:$0x771]  }
0x1a0: {  	s15 =	spop (v2sf);
	s1 =	sadd.s32 s18, s16;
	s16 =	sld [smem:$0x774]  }
0x1a1: {  	s20 =	smulhi.u32 $0x68DB8BAD, s15;
	s5 =	sld [smem:$0x79F]  }
0x1a2: {  	[smem:$0x7C9] =	sst s1  }
0x1a3: {  	s0 =	sshra.s32 s28, $0x1F;
	[smem:$0x7A4] =	sst s20  }
0x1a4: {  	s0 =	smul.u32 $0x68DB8BAD, s0;
	s20 =	sld [smem:$0x775]  }
0x1a5: {  	(v2sf) =	vpush v14, $0xE;
	s28 =	spop (v2sf);
	s1 =	sadd.s32 s24, s22;
	s22 =	sld [smem:$0x776]  }
0x1a6: {  	s3 =	smulhi.u32 $0x68DB8BAD, s28;
	[smem:$0x7A1] =	sst s0  }
0x1a7: {  	[smem:$0x7CB] =	sst s1  }
0x1a8: {  	[smem:$0x7A6] =	sst s3  }
0x1a9: {  	s0 =	sshra.s32 s7, $0x1F;
	s7 =	sld [smem:$0x76F]  }
0x1aa: {  	s10 =	spop (v2sf);
	s1 =	sadd.s32 s31, s30;
	s30 =	sld [smem:$0x778]  }
0x1ab: {  	s14 =	smulhi.u32 $0x68DB8BAD, s10;
	s3 =	sld [smem:$0x779]  }
0x1ac: {  	[smem:$0x7CD] =	sst s1  }
0x1ad: {  	(v2sf) =	vpush v14, $0xF;
	s0 =	smul.u32 $0x68DB8BAD, s0;
	[smem:$0x7A8] =	sst s14  }
0x1ae: {  	s18 =	spop (v2sf);
	s14 =	sld [smem:$0x77D]  }
0x1af: {  	s24 =	smulhi.u32 $0x68DB8BAD, s18;
	[smem:$0x7A3] =	sst s0  }
0x1b0: {  	s0 =	sshra.s32 s15, $0x1F;
	s15 =	sld [smem:$0x773]  }
0x1b1: {  	[smem:$0x7AA] =	sst s24  }
0x1b2: {  	s1 =	sadd.s32 s9, s7;
	s7 =	sld [smem:$0x77A]  }
0x1b3: {  	s24 =	sld [smem:$0x781]  }
0x1b4: {  	s31 =	spop (v2sf);
	[smem:$0x7CF] =	sst s1  }
0x1b5: {  	(v2sf) =	vpush v14, $0x9;
	s9 =	smulhi.u32 $0x68DB8BAD, s31;
	s1 =	sadd.s32 s12, s11;
	s11 =	sld [smem:$0x77C]  }
0x1b6: {  	[smem:$0x7C1] =	sst s1  }
0x1b7: {  	s0 =	smul.u32 $0x68DB8BAD, s0;
	[smem:$0x7AC] =	sst s9  }
0x1b8: {  	s9 =	sld [smem:$0x785]  }
0x1b9: {  	[smem:$0x7A5] =	sst s0  }
0x1ba: {  	s0 =	sshra.s32 s28, $0x1F;
	s28 =	sld [smem:$0x777]  }
0x1bb: {  	s1 =	sadd.s32 s16, s15;
	s15 =	sld [smem:$0x77E]  }
0x1bc: {  	(v2sf) =	vpush v14, $0x8;
	s12 =	spop (v2sf);
	[smem:$0x7D1] =	sst s1  }
0x1bd: {  	s16 =	smulhi.u32 $0x68DB8BAD, s12;
	s1 =	sadd.s32 s22, s20;
	s20 =	sld [smem:$0x780]  }
0x1be: {  	[smem:$0x7D2] =	sst s1  }
0x1bf: {  	s0 =	smul.u32 $0x68DB8BAD, s0;
	[smem:$0x7AD] =	sst s16  }
0x1c0: {  	s16 =	sld [smem:$0x788]  }
0x1c1: {  	[smem:$0x7A7] =	sst s0  }
0x1c2: {  	s0 =	sshra.s32 s10, $0x1F;
	s10 =	sld [smem:$0x77B]  }
0x1c3: {  	s1 =	sadd.s32 s30, s28;
	s28 =	sld [smem:$0x782]  }
0x1c4: {  	s22 =	spop (v2sf);
	[smem:$0x7D5] =	sst s1  }
0x1c5: {  	s30 =	smulhi.u32 $0x68DB8BAD, s22;
	s1 =	sadd.s32 s7, s3;
	s3 =	sld [smem:$0x784]  }
0x1c6: {  	s0 =	smul.u32 $0x68DB8BAD, s0;
	[smem:$0x7D7] =	sst s1  }
0x1c7: {  	[smem:$0x7AF] =	sst s30  }
0x1c8: {  	[smem:$0x7A9] =	sst s0  }
0x1c9: {  	s0 =	sshra.s32 s18, $0x1F;
	s18 =	sld [smem:$0x77F]  }
0x1ca: {  	(v2sf) =	vpush v14, $0xA;
	s1 =	sadd.s32 s11, s10;
	s10 =	sld [smem:$0x786]  }
0x1cb: {  	s7 =	spop (v2sf);
	[smem:$0x7DB] =	sst s1  }
0x1cc: {  	(v2sf) =	vpush v14, $0xB;
	s11 =	smulhi.u32 $0x68DB8BAD, s7;
	s1 =	sadd.s32 s15, s14;
	s15 =	sld [smem:$0x787]  }
0x1cd: {  	[smem:$0x7D9] =	sst s1  }
0x1ce: {  	(v2sf) =	vpush v14, $0x0;
	s0 =	smul.u32 $0x68DB8BAD, s0;
	s14 =	sadd.s32 $0x50, s26;
	[smem:$0x7B0] =	sst s11  }
0x1cf: {  	v16 =	vor.u32 s14, v2;
	s14 =	sld [smem:$0x790]  }
0x1d0: {  	[smem:$0x7AB] =	sst s0  }
0x1d1: {  	s1 =	sadd.s32 s20, s18;
	s18 =	sld [smem:$0x789]  }
0x1d2: {  	(v2sf) =	vpush v14, $0x1;
	[smem:$0x7DD] =	sst s1  }
0x1d3: {  	s1 =	sadd.s32 s28, s24;
	s28 =	sld [smem:$0x78A]  }
0x1d4: {  	(v2sf) =	vpush v14, $0x2;
	[smem:$0x7DF] =	sst s1  }
0x1d5: {  	s1 =	sadd.s32 s3, s2;
	s3 =	sld [smem:$0x78B]  }
0x1d6: {  	s0 =	sshra.s32 s31, $0x1F;
	s2 =	sadd.s32 s16, s15;
	[smem:$0x7D4] =	sst s1  }
0x1d7: {  	s31 =	smul.u32 $0x68DB8BAD, s0;
	s0 =	sshra.s32 s12, $0x1F;
	[smem:$0x7D8] =	sst s2  }
0x1d8: {  	s0 =	smul.u32 $0x68DB8BAD, s0;
	s1 =	sadd.s32 s10, s9;
	s9 =	sld [smem:$0x78D]  }
0x1d9: {  	s12 =	spop (v2sf);
	s10 =	sld [smem:$0x78E]  }
0x1da: {  	s20 =	smulhi.u32 $0x68DB8BAD, s12;
	[smem:$0x7AE] =	sst s0  }
0x1db: {  	s30 =	spop (v2sf);
	[smem:$0x7D6] =	sst s1  }
0x1dc: {  	s16 =	smulhi.u32 $0x68DB8BAD, s30;
	s1 =	sadd.s32 s28, s18;
	s28 =	sld [smem:$0x791]  }
0x1dd: {  	s11 =	spop (v2sf);
	s0 =	sshra.s32 s22, $0x1F;
	[smem:$0x7DA] =	sst s1  }
0x1de: {  	s24 =	smul.u32 $0x68DB8BAD, s0;
	s0 =	sshra.s32 s7, $0x1F;
	s7 =	sld [smem:$0x78C]  }
0x1df: {  	s22 =	smul.u32 $0x68DB8BAD, s0;
	s0 =	sshra.s32 s12, $0x1F;
	s12 =	sld [smem:$0x78F]  }
0x1e0: {  	s18 =	smul.u32 $0x68DB8BAD, s0;
	s0 =	sshra.s32 s30, $0x1F;
	s30 =	sld [smem:$0x792]  }
0x1e1: {  	s2 =	spop (v2sf);
	s1 =	sadd.s32 s7, s3;
	s3 =	sld [smem:$0x793]  }
0x1e2: {  	(v2sf) =	vpush v14, $0x3;
	s15 =	smul.u32 $0x68DB8BAD, s0;
	s0 =	sshra.s32 s11, $0x1F;
	s7 =	sld [smem:$0x794]  }
0x1e3: {  	(v2sf) =	vpush v14, $0x4;
	[smem:$0x7DC] =	sst s1;
	s1 =	sadd.s32 s10, s9;
	s9 =	spop (v2sf)  }
0x1e4: {  	[smem:$0x7DE] =	sst s1;
	s1 =	sadd.s32 s14, s12;
	s14 =	smulhi.u32 $0x68DB8BAD, s11  }
0x1e5: {  	(v2sf) =	vpush v14, $0x5;
	s12 =	smul.u32 $0x68DB8BAD, s0;
	s0 =	sshra.s32 s2, $0x1F;
	[smem:$0x7E0] =	sst s1  }
0x1e6: {  	s11 =	smulhi.u32 $0x68DB8BAD, s9;
	s1 =	sadd.s32 s30, s28;
	s30 =	sld [smem:$0x797]  }
0x1e7: {  	(v2sf) =	vpush v14, $0x6;
	s10 =	smul.u32 $0x68DB8BAD, s0;
	s0 =	sshra.s32 s9, $0x1F;
	s9 =	sld [smem:$0x79A]  }
0x1e8: {  	[smem:$0x7D3] =	sst s1  }
0x1e9: {  	s1 =	sadd.s32 s13, s3;
	s3 =	sadd.s32 s8, s6;
	s8 =	sld [smem:$0x799]  }
0x1ea: {  	[smem:$0x7E4] =	sst s1  }
0x1eb: {  	s1 =	sadd.s32 s17, s7;
	s17 =	sadd.s32 s23, s19;
	s23 =	sld [smem:$0x795]  }
0x1ec: {  	s19 =	sadd.s32 s25, s21;
	s25 =	sld [smem:$0x796]  }
0x1ed: {  	[smem:$0x7EE] =	sst s3  }
0x1ee: {  	s7 =	sld [smem:$0x798]  }
0x1ef: {  	(v2sf) =	vpush v14, $0x7;
	s13 =	smulhi.u32 $0x68DB8BAD, s2;
	s3 =	sld [smem:$0x79D]  }
0x1f0: {  	s28 =	smul.u32 $0x68DB8BAD, s0;
	[smem:$0x7E2] =	sst s1  }
0x1f1: {  	s21 =	spop (v2sf);
	[smem:$0x7E5] =	sst s17  }
0x1f2: {  	v17 =	vmul.u32 $0x7, v16;
	[smem:$0x7E8] =	sst s19;
	s2 =	spop (v2sf)  }
0x1f3: {  	s17 =	sld [smem:$0x79B];
	s1 =	sadd.s32 s23, s29;
	s29 =	smulhi.u32 $0x68DB8BAD, s21  }
0x1f4: {  	v17 =	vadd.s32 v0, v17;
	s0 =	sshra.s32 s21, $0x1F;
	s6 =	spop (v2sf);
	s23 =	smulhi.u32 $0x68DB8BAD, s2  }
0x1f5: {  	(v2sf) =	vpush v17, $0xD;
	[smem:$0x7EC] =	sst s1;
	s1 =	sadd.s32 s30, s25;
	s25 =	smul.u32 $0x68DB8BAD, s0  }
0x1f6: {  	s0 =	sshra.s32 s2, $0x1F;
	s30 =	spop (v2sf);
	s2 =	sld [smem:$0x79C]  }
0x1f7: {  	[smem:$0x7EA] =	sst s1;
	s21 =	smul.u32 $0x68DB8BAD, s0  }
0x1f8: {  	s1 =	sadd.s32 s8, s7;
	s0 =	sshra.s32 s6, $0x1F;
	s8 =	sld [smem:$0x7A0]  }
0x1f9: {  	[smem:$0x7E1] =	sst s1;
	s1 =	sadd.s32 s17, s9;
	s17 =	smul.u32 $0x68DB8BAD, s0  }
0x1fa: {  	s9 =	smulhi.u32 $0x68DB8BAD, s30;
	s0 =	sshra.s32 s30, $0x1F;
	s30 =	sld [smem:$0x7A1]  }
0x1fb: {  	[smem:$0x7E3] =	sst s1  }
0x1fc: {  	s1 =	sadd.s32 s3, s2;
	s2 =	sld [smem:$0x7A2]  }
0x1fd: {  	s19 =	smulhi.u32 $0x68DB8BAD, s6;
	s3 =	sld [smem:$0x7A3]  }
0x1fe: {  	s6 =	spop (v2sf);
	[smem:$0x7E6] =	sst s1;
	s1 =	sadd.s32 s5, s4  }
0x1ff: {  	s7 =	smul.u32 $0x68DB8BAD, s0;
	s0 =	sshra.s32 s6, $0x1F;
	[smem:$0x7E9] =	sst s1  }
0x200: {  	s1 =	sadd.s32 s30, s8;
	s8 =	smulhi.u32 $0x68DB8BAD, s6;
	s6 =	sld [smem:$0x7A4]  }
0x201: {  	s30 =	sld [smem:$0x7A5]  }
0x202: {  	[smem:$0x7EB] =	sst s1  }
0x203: {  	s1 =	sadd.s32 s3, s2;
	s2 =	sld [smem:$0x7A6]  }
0x204: {  	s4 =	spop (v2sf);
	s3 =	sld [smem:$0x7A7]  }
0x205: {  	s5 =	smul.u32 $0x68DB8BAD, s0;
	s0 =	sshra.s32 s4, $0x1F;
	[smem:$0x7ED] =	sst s1  }
0x206: {  	(v2sf) =	vpush v17, $0xC;
	s1 =	sadd.s32 s30, s6;
	s6 =	smulhi.u32 $0x68DB8BAD, s4;
	s4 =	sld [smem:$0x7A8]  }
0x207: {  	s30 =	sld [smem:$0x7A9]  }
0x208: {  	[smem:$0x7EF] =	sst s1  }
0x209: {  	(v2sf) =	vpush v17, $0xE;
	s1 =	sadd.s32 s3, s2;
	s2 =	sld [smem:$0x7AA]  }
0x20a: {  	[smem:$0x7E7] =	sst s1  }
0x20b: {  	s18 =	sadd.s32 s18, s20;
	s1 =	sadd.s32 s30, s4;
	s30 =	sld [smem:$0x7AB]  }
0x20c: {  	[smem:$0x7F8] =	sst s18;
	(v2sf) =	vpush v17, $0xF  }
0x20d: {  	[smem:$0x7F1] =	sst s1  }
0x20e: {  	s15 =	sadd.s32 s15, s16;
	(v2sf) =	vpush v17, $0x9;
	s1 =	sadd.s32 s30, s2;
	s30 =	sld [smem:$0x7AC]  }
0x20f: {  	[smem:$0x7FA] =	sst s15;
	s12 =	sadd.s32 s12, s14  }
0x210: {  	[smem:$0x7F7] =	sst s12;
	(v2sf) =	vpush v17, $0x8  }
0x211: {  	s2 =	sadd.s32 s31, s30;
	s31 =	sld [smem:$0x7AD]  }
0x212: {  	s11 =	sadd.s32 s28, s11;
	(v2sf) =	vpush v17, $0xA;
	s30 =	sld [smem:$0x7AE]  }
0x213: {  	[smem:$0x7FB] =	sst s11;
	s16 =	sadd.s32 s25, s29  }
0x214: {  	(v2sf) =	vpush v17, $0xB;
	[smem:$0x7FC] =	sst s16;
	s23 =	sadd.s32 s21, s23;
	s3 =	smul.u32 $0x68DB8BAD, s0  }
0x215: {  	(v2sf) =	vpush v17, $0x0;
	s0 =	spop (v2sf);
	s31 =	sadd.s32 s30, s31;
	s30 =	sld [smem:$0x7AF]  }
0x216: {  	[dreg:$0x1e] =	wrdreg s23;
	s4 =	smulhi.u32 $0x68DB8BAD, s0;
	s0 =	sshra.s32 s0, $0x1F  }
0x217: {  	[smem:$0x7F2] =	sst s1;
	s1 =	smul.u32 $0x68DB8BAD, s0  }
0x218: {  	(v2sf) =	vpush v17, $0x1;
	s0 =	spop (v2sf);
	s24 =	sadd.s32 s24, s30;
	s30 =	sld [smem:$0x7B0]  }
0x219: {  	(v2sf) =	vpush v17, $0x2;
	[smem:$0x7F3] =	sst s2;
	s2 =	smulhi.u32 $0x68DB8BAD, s0;
	s0 =	sshra.s32 s0, $0x1F  }
0x21a: {  	s0 =	smul.u32 $0x68DB8BAD, s0;
	[smem:$0x7F4] =	sst s31  }
0x21b: {  	s31 =	spop (v2sf);
	[smem:$0x7F5] =	sst s24;
	s22 =	sadd.s32 s22, s30  }
0x21c: {  	s24 =	smulhi.u32 $0x68DB8BAD, s31;
	s31 =	sshra.s32 s31, $0x1F;
	[smem:$0x7F6] =	sst s22  }
0x21d: {  	s17 =	sadd.s32 s17, s19;
	s22 =	smul.u32 $0x68DB8BAD, s31;
	s31 =	spop (v2sf)  }
0x21e: {  	[dreg:$0x1a] =	wrdreg s17;
	s18 =	smulhi.u32 $0x68DB8BAD, s31;
	s31 =	sshra.s32 s31, $0x1F  }
0x21f: {  	s19 =	sadd.s32 s7, s9;
	s30 =	spop (v2sf);
	s15 =	smul.u32 $0x68DB8BAD, s31  }
0x220: {  	s5 =	sadd.s32 s5, s8;
	(v2sf) =	vpush v17, $0x3;
	s12 =	smulhi.u32 $0x68DB8BAD, s30;
	s31 =	sshra.s32 s30, $0x1F  }
0x221: {  	s30 =	sadd.s32 s10, s13;
	s14 =	spop (v2sf);
	s10 =	smul.u32 $0x68DB8BAD, s31  }
0x222: {  	[smem:$0x7F9] =	sst s5;
	s11 =	smulhi.u32 $0x68DB8BAD, s14;
	s13 =	sshra.s32 s14, $0x1F  }
0x223: {  	s20 =	spop (v2sf);
	s31 =	sadd.s32 s3, s6;
	s13 =	smul.u32 $0x68DB8BAD, s13  }
0x224: {  	s16 =	smulhi.u32 $0x68DB8BAD, s20;
	s14 =	sshra.s32 s20, $0x1F;
	s25 =	spop (v2sf)  }
0x225: {  	s20 =	sadd.s32 s22, s24;
	s22 =	sadd.s32 s15, s18;
	s14 =	smul.u32 $0x68DB8BAD, s14  }
0x226: {  	s7 =	smulhi.u32 $0x68DB8BAD, s25;
	s28 =	sshra.s32 s25, $0x1F;
	[dreg:$0x1c] =	wrdreg s20  }
0x227: {  	(v2sf) =	vpush v17, $0x4;
	s29 =	spop (v2sf);
	[smem:$0x7FD] =	sst s22;
	s25 =	sadd.s32 s10, s12  }
0x228: {  	s3 =	smulhi.u32 $0x68DB8BAD, s29;
	s8 =	sshra.s32 s29, $0x1F;
	s9 =	spop (v2sf)  }
0x229: {  	s29 =	sadd.s32 s0, s2;
	[dreg:$0x15] =	wrdreg s25;
	s0 =	smulhi.u32 $0x68DB8BAD, s9  }
0x22a: {  	s17 =	sshra.s32 s9, $0x1F;
	s9 =	sadd.s32 s13, s11;
	s13 =	sld [smem:$0x7B1]  }
0x22b: {  	s10 =	sadd.s32 s14, s16;
	s16 =	sld [smem:$0x7B3]  }
0x22c: {  	s5 =	smul.u32 $0x68DB8BAD, s28;
	[dreg:$0x16] =	wrdreg s9  }
0x22d: {  	s28 =	sadd.s32 s1, s4;
	s1 =	smul.u32 $0x68DB8BAD, s8;
	[dreg:$0x12] =	wrdreg s10  }
0x22e: {  	s2 =	smul.u32 $0x68DB8BAD, s17;
	s9 =	sld [smem:$0x7B2]  }
0x22f: {  	s24 =	sadd.s32 s5, s7;
	s5 =	sld [smem:$0x7B4];
	s21 =	spop (v2sf)  }
0x230: {  	s25 =	sadd.s32 s1, s3;
	s3 =	sld [smem:$0x7B6];
	s23 =	smulhi.u32 $0x68DB8BAD, s21  }
0x231: {  	s4 =	sshra.s32 s21, $0x1F;
	s22 =	sadd.s32 s2, s0;
	s14 =	sshra.s32 s13, $0x1F  }
0x232: {  	s17 =	sshra.s32 s16, $0xC;
	s18 =	sshrl.u32 s16, $0x1F;
	s4 =	smul.u32 $0x68DB8BAD, s4  }
0x233: {  	vm0 =	vcmask $0x300;
	s21 =	sshra.s32 s16, $0x1F;
	v18 =	vmov s14;
	s15 =	sshrl.u32 s9, $0x1F;
	v20 =	vmov s18;
	s18 =	sld [smem:$0x7BB]  }
0x234: {  	vm10 =	vcmask $0x704;
	v18 =	vsel vm0, s17, v18;
	s6 =	sshra.s32 s3, $0xC;
	s20 =	sadd.s32 s4, s23;
	s4 =	sld [smem:$0x7B5]  }
0x235: {  	vm1 =	vcmask $0xB08;
	s7 =	sshrl.u32 s3, $0x1F;
	s8 =	sshra.s32 s3, $0x1F;
	s3 =	sld [smem:$0x7B7];
	v18 =	vsel vm10, s21, v18  }
0x236: {  	v19 =	vmov s15;
	s23 =	sshrl.u32 s5, $0x1F;
	v18 =	vsel vm1, s6, v18;
	s6 =	sld [smem:$0x7BA];
	s11 =	spop (v2sf)  }
0x237: {  	vm2 =	vcmask $0x1310;
	vm11 =	vcmask $0xF0C;
	v19 =	vsel vm1, s23, v19;
	s2 =	sshrl.u32 s4, $0x1F;
	s12 =	smulhi.u32 $0x68DB8BAD, s11;
	s0 =	sshra.s32 s11, $0x1F  }
0x238: {  	vm4 =	vcmask $0x1B18;
	s10 =	sshrl.u32 s3, $0x1F;
	v18 =	vsel vm11, s8, v18;
	s8 =	sld [smem:$0x7BC];
	v19 =	vsel vm2, s2, v19;
	s0 =	smul.u32 $0x68DB8BAD, s0  }
0x239: {  	v21 =	vnsel vm0, $0x0, v20;
	v20 =	vsel vm4, s10, v19;
	s10 =	sld [smem:$0x7B8]  }
0x23a: {  	s21 =	sadd.s32 s0, s12;
	s12 =	sld [smem:$0x7B9]  }
0x23b: {  	v57 =	vsel vm1, s7, v21;
	s7 =	sld [smem:$0x7BE]  }
0x23c: {  	s23 =	sshrl.u32 s18, $0x1F;
	s17 =	sshrl.u32 s6, $0x1F;
	s11 =	sshrl.u32 s10, $0x1F  }
0x23d: {  	s1 =	sshrl.u32 s8, $0x1F;
	v58 =	vmov s11;
	s11 =	sshra.s32 s18, $0xC;
	s14 =	sshrl.u32 s12, $0x1F  }
0x23e: {  	vm9 =	vcmask $0x1714;
	vm5 =	vcmask $0x2320;
	vm6 =	vcmask $0x2B28;
	s15 =	sshra.s32 s12, $0xC;
	s16 =	sshra.s32 s12, $0x1F;
	s12 =	sld [smem:$0x7BD]  }
0x23f: {  	v21 =	vsel vm1, s17, v58;
	s17 =	sshra.s32 s9, $0xC;
	s9 =	sld [smem:$0x7C0];
	v19 =	vsel vm2, s14, v57;
	v18 =	vsel vm2, s15, v18;
	s14 =	sshra.s32 s18, $0x1F  }
0x240: {  	v21 =	vsel vm2, s1, v21;
	s15 =	sshrl.u32 s7, $0x1F;
	v23 =	vmov s17;
	s17 =	sshra.s32 s4, $0xC;
	s1 =	sshra.s32 s3, $0xC;
	v18 =	vsel vm9, s16, v18  }
0x241: {  	vm13 =	vcmask $0x1F1C;
	vm7 =	vcmask $0x3330;
	s4 =	sshra.s32 s8, $0xC;
	s2 =	sshrl.u32 s12, $0x1F;
	v18 =	vsel vm4, s11, v18;
	s11 =	sld [smem:$0x7BF]  }
0x242: {  	vm8 =	vcmask $0x3B38;
	v19 =	vsel vm4, s23, v19;
	v22 =	vsel vm4, s15, v21;
	s23 =	sshra.s32 s12, $0xC;
	s15 =	sshra.s32 s12, $0x1F;
	s12 =	sld [smem:$0x7C1]  }
0x243: {  	vm14 =	vcmask $0x2724;
	vm15 =	vcmask $0x2F2C;
	s18 =	sshrl.u32 s9, $0x1F;
	s8 =	sshra.s32 s9, $0x1F;
	v18 =	vsel vm13, s14, v18;
	s14 =	sshra.s32 s5, $0xC  }
0x244: {  	vm12 =	vcmask $0x3734;
	v19 =	vsel vm5, s2, v19;
	s2 =	sshra.s32 s6, $0xC;
	s5 =	sshra.s32 s9, $0xC;
	v18 =	vsel vm5, s23, v18;
	s16 =	sshrl.u32 s11, $0x1F  }
0x245: {  	s9 =	sld [smem:$0x7C2];
	v59 =	vsel vm1, s14, v23;
	v18 =	vsel vm14, s15, v18;
	s23 =	sshra.s32 s11, $0xC;
	s6 =	sshra.s32 s12, $0x1F;
	v19 =	vsel vm6, s16, v19  }
0x246: {  	s3 =	sshra.s32 s11, $0x1F;
	s16 =	sshrl.u32 s13, $0x1F;
	v18 =	vsel vm6, s23, v18;
	v61 =	vmov s6;
	v19 =	vsel vm7, s18, v19;
	s18 =	sshra.s32 s10, $0xC  }
0x247: {  	v18 =	vsel vm15, s3, v18;
	v21 =	vsel vm8, s16, v19;
	v24 =	vmov s18;
	s18 =	sld [smem:$0x7C5]  }
0x248: {  	s7 =	sshra.s32 s7, $0xC;
	s15 =	sld [smem:$0x7C3];
	s10 =	sshra.s32 s9, $0xC;
	v19 =	vsel vm2, s17, v59;
	v18 =	vsel vm7, s5, v18;
	v60 =	vsel vm1, s2, v24  }
0x249: {  	s11 =	sshra.s32 s13, $0xC;
	s14 =	sshra.s32 s9, $0x1F;
	s6 =	sld [smem:$0x7C4];
	v62 =	vsel vm0, s10, v61;
	v23 =	vsel vm4, s1, v19;
	v19 =	vsel vm2, s4, v60  }
0x24a: {  	s13 =	sshrl.u32 s9, $0x1F;
	v18 =	vsel vm12, s8, v18;
	s8 =	sld [smem:$0x7C7];
	v25 =	vsel vm4, s7, v19;
	v19 =	vsel vm10, s14, v62;
	s23 =	sshra.s32 s18, $0xC  }
0x24b: {  	s16 =	sshrl.u32 s15, $0x1F;
	s4 =	sld [smem:$0x7C8];
	s5 =	sshra.s32 s18, $0x1F;
	v19 =	vsel vm1, s23, v19  }
0x24c: {  	s17 =	sshrl.u32 s6, $0x1F;
	s1 =	sshra.s32 s15, $0xC;
	v19 =	vsel vm11, s5, v19;
	s5 =	sld [smem:$0x7C6]  }
0x24d: {  	v32 =	vmov s13;
	v63 =	vsel vm8, s11, v18;
	s3 =	sshrl.u32 s18, $0x1F;
	s14 =	sld [smem:$0x7C9];
	s10 =	sshra.s32 s8, $0xC  }
0x24e: {  	v26 =	vmov s17;
	v18 =	vnsel vm0, $0x0, v32;
	s9 =	sshrl.u32 s8, $0x1F;
	s11 =	sshra.s32 s8, $0x1F;
	v19 =	vsel vm2, s10, v19;
	s10 =	sld [smem:$0x7CA]  }
0x24f: {  	v26 =	vsel vm1, s16, v26;
	v18 =	vsel vm1, s3, v18;
	s8 =	sld [smem:$0x7CC];
	s3 =	sshra.s32 s6, $0xC;
	s7 =	sshrl.u32 s5, $0x1F  }
0x250: {  	s13 =	sshrl.u32 s4, $0x1F;
	s15 =	sshrl.u32 s14, $0x1F;
	v26 =	vsel vm2, s7, v26;
	s7 =	sld [smem:$0x7CB]  }
0x251: {  	s18 =	sshra.s32 s14, $0xC;
	s16 =	sshrl.u32 s10, $0x1F;
	v26 =	vsel vm4, s13, v26;
	s13 =	sld [smem:$0x7CD]  }
0x252: {  	v18 =	vsel vm2, s9, v18;
	s23 =	sshra.s32 s14, $0x1F;
	s9 =	sshrl.u32 s8, $0x1F;
	s6 =	sshra.s32 s10, $0xC;
	v27 =	vmov s16  }
0x253: {  	v18 =	vsel vm4, s15, v18;
	v19 =	vsel vm9, s11, v19;
	v27 =	vsel vm1, s9, v27;
	s9 =	sld [smem:$0x7CE];
	s17 =	sshrl.u32 s7, $0x1F;
	s16 =	sshra.s32 s7, $0xC  }
0x254: {  	v19 =	vsel vm4, s18, v19;
	v18 =	vsel vm5, s17, v18;
	s11 =	sshrl.u32 s13, $0x1F;
	s17 =	sshra.s32 s7, $0x1F;
	s7 =	sld [smem:$0x7D0]  }
0x255: {  	v19 =	vsel vm13, s23, v19;
	s23 =	sshrl.u32 s12, $0x1F;
	v35 =	vmov s6;
	s6 =	sshra.s32 s12, $0xC;
	v18 =	vsel vm6, s11, v18;
	s11 =	sld [smem:$0x7CF]  }
0x256: {  	s12 =	sld [smem:$0x7D4];
	v19 =	vsel vm5, s16, v19;
	s10 =	sshra.s32 s13, $0xC;
	s14 =	sshrl.u32 s9, $0x1F  }
0x257: {  	v34 =	vmov s3;
	v33 =	vsel vm14, s17, v19;
	s17 =	sshra.s32 s4, $0xC;
	v27 =	vsel vm2, s14, v27;
	s14 =	sshra.s32 s5, $0xC;
	s18 =	sshrl.u32 s7, $0x1F  }
0x258: {  	v19 =	vsel vm1, s1, v34;
	s4 =	sshra.s32 s7, $0xC;
	s7 =	sld [smem:$0x7D1];
	s15 =	sshrl.u32 s11, $0x1F  }
0x259: {  	s16 =	sshra.s32 s13, $0x1F;
	s13 =	sshrl.u32 s12, $0x1F;
	v19 =	vsel vm2, s14, v19;
	s14 =	sld [smem:$0x7D3];
	v18 =	vsel vm7, s15, v18  }
0x25a: {  	v30 =	vsel vm4, s18, v27;
	s18 =	sshra.s32 s9, $0xC;
	s5 =	sshra.s32 s11, $0x1F;
	s9 =	sld [smem:$0x7D2];
	v28 =	vsel vm8, s23, v18;
	v18 =	vsel vm6, s10, v33  }
0x25b: {  	s15 =	sshra.s32 s8, $0xC;
	s23 =	sshra.s32 s11, $0xC;
	v33 =	vsel vm4, s17, v19;
	s17 =	sld [smem:$0x7D5];
	v18 =	vsel vm15, s16, v18  }
0x25c: {  	v27 =	vsel vm1, s15, v35;
	s8 =	sshrl.u32 s7, $0x1F;
	s11 =	sshra.s32 s14, $0x1F;
	v18 =	vsel vm7, s23, v18;
	s23 =	sld [smem:$0x7D6]  }
0x25d: {  	s15 =	sshra.s32 s12, $0xC;
	v27 =	vsel vm2, s18, v27;
	s10 =	sshrl.u32 s9, $0x1F;
	v37 =	vmov s11;
	s11 =	sld [smem:$0x7D8]  }
0x25e: {  	s2 =	sshra.s32 s9, $0xC;
	s16 =	sshra.s32 s12, $0x1F;
	v36 =	vmov s10;
	v19 =	vsel vm0, s15, v37;
	v18 =	vsel vm12, s5, v18;
	s18 =	sshrl.u32 s17, $0x1F  }
0x25f: {  	v19 =	vsel vm10, s16, v19;
	s0 =	sshra.s32 s17, $0xC;
	v31 =	vsel vm8, s6, v18;
	v18 =	vsel vm1, s8, v36;
	s6 =	sld [smem:$0x7DB];
	s8 =	sshra.s32 s23, $0xC  }
0x260: {  	s12 =	sshrl.u32 s11, $0x1F;
	s16 =	sshra.s32 s11, $0xC;
	v19 =	vsel vm1, s8, v19;
	s8 =	sld [smem:$0x7D7]  }
0x261: {  	v38 =	vmov s13;
	s17 =	sshra.s32 s11, $0x1F;
	s11 =	sld [smem:$0x7DE];
	s9 =	sshra.s32 s23, $0x1F  }
0x262: {  	s1 =	sshra.s32 s7, $0xC;
	v34 =	vsel vm4, s4, v27;
	v27 =	vnsel vm0, $0x0, v38;
	s7 =	sshrl.u32 s23, $0x1F;
	v19 =	vsel vm11, s9, v19;
	s9 =	sld [smem:$0x7D9]  }
0x263: {  	v18 =	vsel vm2, s18, v18;
	v29 =	vsel vm1, s7, v27;
	s7 =	sld [smem:$0x7DD];
	s10 =	sshrl.u32 s8, $0x1F  }
0x264: {  	v27 =	vsel vm4, s10, v18;
	s10 =	sld [smem:$0x7DA]  }
0x265: {  	s13 =	sshrl.u32 s9, $0x1F  }
0x266: {  	s18 =	sshrl.u32 s6, $0x1F;
	s5 =	sshrl.u32 s11, $0x1F;
	v40 =	vmov s13;
	s13 =	sld [smem:$0x7DC]  }
0x267: {  	v39 =	vsel vm2, s12, v29;
	v19 =	vsel vm2, s16, v19;
	s4 =	sshrl.u32 s7, $0x1F;
	s3 =	sshra.s32 s8, $0xC;
	s15 =	sshrl.u32 s10, $0x1F  }
0x268: {  	v19 =	vsel vm9, s17, v19;
	s12 =	sshra.s32 s10, $0xC;
	v18 =	vsel vm4, s15, v39;
	s15 =	sshra.s32 s10, $0x1F;
	s10 =	sld [smem:$0x7DF]  }
0x269: {  	s8 =	sshra.s32 s6, $0xC;
	s23 =	sshrl.u32 s13, $0x1F;
	v19 =	vsel vm4, s12, v19;
	s12 =	sld [smem:$0x7E0]  }
0x26a: {  	v29 =	vsel vm1, s18, v40;
	s18 =	sshrl.u32 s14, $0x1F;
	v18 =	vsel vm5, s23, v18;
	v19 =	vsel vm13, s15, v19;
	s23 =	sshra.s32 s13, $0xC;
	s15 =	sshra.s32 s9, $0xC  }
0x26b: {  	(v2sf) =	vpush v17, $0x5;
	v29 =	vsel vm2, s4, v29;
	s9 =	sld [smem:$0x7E1];
	v19 =	vsel vm5, s23, v19;
	s23 =	sshra.s32 s11, $0xC;
	s16 =	sshrl.u32 s10, $0x1F  }
0x26c: {  	v18 =	vsel vm6, s5, v18;
	s17 =	sshrl.u32 s12, $0x1F;
	s6 =	sshra.s32 s12, $0xC;
	v32 =	vsel vm4, s16, v29;
	s16 =	sshra.s32 s13, $0x1F  }
0x26d: {  	v18 =	vsel vm7, s17, v18;
	s17 =	sshra.s32 s7, $0xC;
	s7 =	sshra.s32 s12, $0x1F;
	s12 =	sld [smem:$0x7E3];
	v19 =	vsel vm14, s16, v19  }
0x26e: {  	v41 =	vmov s2;
	s5 =	sshra.s32 s11, $0x1F;
	v29 =	vsel vm8, s18, v18;
	s18 =	sshra.s32 s10, $0xC;
	s10 =	sshrl.u32 s9, $0x1F;
	v19 =	vsel vm6, s23, v19  }
0x26f: {  	v35 =	vmov s15;
	v44 =	vmov s10;
	s23 =	sld [smem:$0x7E2];
	v19 =	vsel vm15, s5, v19  }
0x270: {  	v18 =	vsel vm1, s1, v41;
	s13 =	sshrl.u32 s12, $0x1F;
	s5 =	sld [smem:$0x7E6];
	v43 =	vsel vm7, s6, v19;
	v19 =	vnsel vm0, $0x0, v44  }
0x271: {  	v36 =	vsel vm1, s8, v35;
	v18 =	vsel vm2, s0, v18;
	v19 =	vsel vm1, s13, v19;
	s13 =	sld [smem:$0x7E9]  }
0x272: {  	s8 =	sshra.s32 s14, $0xC;
	v42 =	vsel vm2, s17, v36;
	s1 =	sshra.s32 s9, $0x1F;
	s17 =	sld [smem:$0x7E4];
	v35 =	vsel vm4, s3, v18;
	v18 =	vsel vm12, s7, v43  }
0x273: {  	s3 =	sshra.s32 s9, $0xC;
	v36 =	vsel vm8, s8, v18;
	s8 =	sld [smem:$0x7E5];
	s16 =	sshrl.u32 s5, $0x1F  }
0x274: {  	s9 =	sld [smem:$0x7E8];
	s11 =	sshrl.u32 s23, $0x1F;
	v19 =	vsel vm2, s16, v19;
	s7 =	sshrl.u32 s13, $0x1F  }
0x275: {  	s14 =	sshrl.u32 s17, $0x1F;
	v38 =	vmov s11;
	v46 =	vsel vm4, s7, v19;
	s7 =	sld [smem:$0x7EB]  }
0x276: {  	v45 =	vsel vm1, s14, v38;
	s14 =	sld [smem:$0x7E7];
	s15 =	sshrl.u32 s8, $0x1F  }
0x277: {  	s6 =	sshrl.u32 s9, $0x1F;
	s11 =	sld [smem:$0x7EA];
	v18 =	vsel vm2, s15, v45  }
0x278: {  	v38 =	vsel vm4, s6, v18;
	s6 =	sld [smem:$0x7EC];
	s16 =	sshrl.u32 s7, $0x1F  }
0x279: {  	v37 =	vsel vm4, s18, v42;
	s18 =	sshra.s32 s14, $0x1F;
	v18 =	vsel vm5, s16, v46;
	s16 =	sld [smem:$0x7ED]  }
0x27a: {  	s10 =	spop (v2sf);
	s15 =	sshrl.u32 s11, $0x1F;
	v39 =	vmov s18  }
0x27b: {  	s4 =	sshra.s32 s10, $0x1F;
	s18 =	smulhi.u32 $0x68DB8BAD, s10;
	v48 =	vmov s15;
	v47 =	vsel vm0, s3, v39;
	s10 =	sshrl.u32 s6, $0x1F  }
0x27c: {  	s2 =	sshra.s32 s12, $0xC;
	v19 =	vsel vm10, s1, v47;
	v39 =	vsel vm1, s10, v48;
	s10 =	sld [smem:$0x7EE];
	s15 =	sshrl.u32 s16, $0x1F  }
0x27d: {  	s12 =	sshra.s32 s12, $0x1F;
	v19 =	vsel vm1, s2, v19;
	v18 =	vsel vm6, s15, v18;
	s15 =	sld [smem:$0x7EF]  }
0x27e: {  	v19 =	vsel vm11, s12, v19;
	s12 =	sld [smem:$0x7F0];
	_ =	sdelay $0x1  }
0x27f: {  	s4 =	smul.u32 $0x68DB8BAD, s4;
	s3 =	sshrl.u32 s10, $0x1F;
	s0 =	sshrl.u32 s15, $0x1F  }
0x280: {  	s2 =	sshrl.u32 s12, $0x1F;
	v39 =	vsel vm2, s3, v39;
	s3 =	sshrl.u32 s14, $0x1F;
	v18 =	vsel vm7, s0, v18;
	s0 =	sshra.s32 s5, $0xC  }
0x281: {  	s8 =	sshra.s32 s8, $0xC;
	v40 =	vsel vm4, s2, v39;
	v39 =	vsel vm8, s3, v18;
	v49 =	vsel vm2, s0, v19;
	s3 =	sshra.s32 s23, $0xC;
	s23 =	sshra.s32 s5, $0x1F  }
0x282: {  	s2 =	sshra.s32 s6, $0xC;
	s0 =	sadd.s32 $0x60, s26;
	s5 =	sshra.s32 s13, $0xC;
	v41 =	vsel vm9, s23, v49  }
0x283: {  	v50 =	vmov s3;
	s23 =	sadd.s32 s4, s18;
	s4 =	sshra.s32 s17, $0xC;
	s18 =	sshra.s32 s13, $0x1F;
	v41 =	vsel vm4, s5, v41  }
0x284: {  	v18 =	vor.u32 s0, v2;
	s17 =	sshra.s32 s9, $0xC;
	s9 =	sshra.s32 s11, $0xC;
	s11 =	sshra.s32 s7, $0xC;
	v19 =	vsel vm1, s4, v50;
	v51 =	vsel vm13, s18, v41  }
0x285: {  	s6 =	sshra.s32 s12, $0xC;
	s12 =	sshra.s32 s7, $0x1F;
	v42 =	vmul.u32 $0x7, v18;
	v52 =	vmov s9;
	s9 =	sld [smem:$0x7F1];
	v41 =	vsel vm5, s11, v51  }
0x286: {  	s13 =	sshra.s32 s16, $0xC;
	s16 =	sshra.s32 s16, $0x1F;
	v43 =	vsel vm2, s8, v19;
	s11 =	sld [smem:$0x7F2];
	v41 =	vsel vm14, s12, v41  }
0x287: {  	s18 =	sshra.s32 s15, $0x1F;
	v19 =	vadd.s32 v0, v42;
	v42 =	vsel vm4, s17, v43;
	s17 =	sshra.s32 s15, $0xC;
	s15 =	sld [smem:$0x7F4];
	v41 =	vsel vm6, s13, v41  }
0x288: {  	s13 =	sld [smem:$0x7F3];
	v41 =	vsel vm15, s16, v41  }
0x289: {  	(v2sf) =	vpush v17, $0x6;
	s5 =	sshra.s32 s10, $0xC;
	s12 =	sshrl.u32 s11, $0x1F;
	v41 =	vsel vm7, s17, v41;
	s17 =	sld [smem:$0x7F5]  }
0x28a: {  	s8 =	sshra.s32 s14, $0xC;
	s10 =	sshrl.u32 s9, $0x1F;
	v44 =	vmov s12;
	s12 =	sld [smem:$0x7F7];
	v41 =	vsel vm12, s18, v41  }
0x28b: {  	s0 =	sshra.s32 s30, $0x1F;
	v43 =	vsel vm1, s2, v52;
	s14 =	sshrl.u32 s13, $0x1F;
	v45 =	vsel vm1, s10, v44;
	v44 =	vsel vm8, s8, v41;
	s8 =	sld [smem:$0x7F6]  }
0x28c: {  	v22 =	vcombine.low v22, v20;
	(v2sf) =	vpush v17, $0x7;
	v43 =	vsel vm2, s5, v43;
	s18 =	sshrl.u32 s17, $0x1F;
	s5 =	sshra.s32 s17, $0xC;
	s17 =	sld [smem:$0x7F9]  }
0x28d: {  	vm3 =	vmmov vm0;
	(v2sf) =	vpush v19, $0xD;
	s2 =	sshra.s32 s9, $0xC;
	s4 =	sshra.s32 s11, $0xC;
	v53 =	vsel vm2, s14, v45;
	s14 =	sld [smem:$0x7F8]  }
0x28e: {  	v22 =	vperm.xlane v22, v4;
	v21 =	vperm.xlane v21, v5;
	(v2sf) =	vpush v19, $0xC;
	s16 =	sshrl.u32 s15, $0x1F;
	s3 =	sshra.s32 s15, $0xC;
	s11 =	sshrl.u32 s8, $0x1F  }
0x28f: {  	v46 =	vsel vm4, s6, v43;
	s1 =	sshra.s32 s13, $0xC;
	s13 =	sshrl.u32 s12, $0x1F;
	v41 =	vsel vm4, s16, v53;
	v54 =	vmov s11;
	s16 =	sshra.s32 s17, $0x1F  }
0x290: {  	v55 =	vmov s13;
	s13 =	sshra.s32 s12, $0xC;
	s15 =	sshrl.u32 s14, $0x1F;
	v43 =	vsel vm1, s18, v54;
	v47 =	vmov s16;
	s18 =	sld [smem:$0x7FA]  }
0x291: {  	(v2sf) =	vpush v19, $0xE;
	v48 =	vmov s4;
	s6 =	sshra.s32 s14, $0xC;
	s14 =	sshra.s32 s12, $0x1F;
	v47 =	vsel vm0, s13, v47;
	s13 =	sld [smem:$0x7FB]  }
0x292: {  	v23 =	vcombine.low v25, v23;
	v48 =	vsel vm1, s2, v48;
	s2 =	rddreg [dreg:$0x16];
	s11 =	sshrl.u32 s30, $0x1F;
	s16 =	sshra.s32 s30, $0xC;
	v47 =	vsel vm10, s14, v47  }
0x293: {  	(v2sf) =	vpush v19, $0xF;
	v45 =	vnsel vm0, $0x0, v55;
	s10 =	sshrl.u32 s18, $0x1F;
	s9 =	sshra.s32 s18, $0xC;
	s18 =	sld [smem:$0x7FC];
	v47 =	vsel vm1, s16, v47  }
0x294: {  	s7 =	sshra.s32 s8, $0xC;
	v45 =	vsel vm1, s11, v45;
	v43 =	vsel vm2, s15, v43;
	s15 =	sshrl.u32 s13, $0x1F;
	v47 =	vsel vm11, s0, v47;
	s0 =	rddreg [dreg:$0x1a]  }
0x295: {  	v24 =	vperm.xlane v63, v5;
	v23 =	vperm.xlane v23, v4;
	s14 =	sshra.s32 s13, $0xC;
	s12 =	sshra.s32 s13, $0x1F;
	v45 =	vsel vm2, s15, v45;
	s15 =	rddreg [dreg:$0x1e]  }
0x296: {  	v27 =	vcombine.low v32, v27;
	(v2sf) =	vpush v19, $0x9;
	v43 =	vsel vm4, s10, v43;
	s30 =	sshrl.u32 s18, $0x1F;
	s16 =	sshrl.u32 s15, $0x1F;
	s10 =	sshra.s32 s18, $0xC  }
0x297: {  	v35 =	vcombine.low v37, v35;
	(v2sf) =	vpush v19, $0x8;
	v47 =	vsel vm2, s14, v47;
	s11 =	sshra.s32 s18, $0x1F;
	s18 =	sshrl.u32 s0, $0x1F;
	s13 =	sshra.s32 s15, $0xC  }
0x298: {  	v48 =	vsel vm2, s1, v48;
	(v2sf) =	vpush v19, $0xA;
	s14 =	sshra.s32 s15, $0x1F;
	v47 =	vsel vm9, s12, v47;
	s12 =	spop (v2sf);
	s15 =	sshrl.u32 s17, $0x1F  }
0x299: {  	(v2sf) =	vpush v19, $0xB;
	v45 =	vsel vm4, s30, v45;
	s30 =	sshrl.u32 s19, $0x1F;
	v47 =	vsel vm4, s10, v47;
	s10 =	sshra.s32 s0, $0x1F;
	s1 =	smulhi.u32 $0x68DB8BAD, s12  }
0x29a: {  	v49 =	vmov s7;
	v45 =	vsel vm5, s16, v45;
	s16 =	sshra.s32 s0, $0xC;
	s0 =	sshra.s32 s19, $0xC;
	v47 =	vsel vm13, s11, v47;
	s11 =	sshra.s32 s17, $0xC  }
0x29b: {  	v55 =	vcombine.low v34, v33;
	v49 =	vsel vm1, s5, v49;
	s17 =	sshrl.u32 s28, $0x1F;
	s28 =	sshra.s32 s28, $0xC;
	v45 =	vsel vm6, s18, v45;
	s18 =	spop (v2sf)  }
0x29c: {  	v50 =	vsel vm5, s13, v47;
	s13 =	sshra.s32 s12, $0x1F;
	v51 =	vmov s17;
	s17 =	rddreg [dreg:$0x15];
	v45 =	vsel vm7, s30, v45;
	s30 =	sshra.s32 s19, $0x1F  }
0x29d: {  	v56 =	vsel vm2, s6, v49;
	v47 =	vsel vm4, s3, v48;
	s8 =	spop (v2sf);
	v57 =	vsel vm14, s14, v50;
	s3 =	smul.u32 $0x68DB8BAD, s13;
	s14 =	sshrl.u32 s24, $0x1F  }
0x29e: {  	v48 =	vsel vm4, s9, v56;
	v60 =	vmov s28;
	v56 =	vperm.xlane v28, v5;
	s6 =	smulhi.u32 $0x68DB8BAD, s18;
	s12 =	sshra.s32 s18, $0x1F;
	s18 =	sshrl.u32 s25, $0x1F  }
0x29f: {  	s19 =	sshrl.u32 s22, $0x1F;
	v45 =	vsel vm8, s15, v45;
	s7 =	spop (v2sf);
	v49 =	vsel vm6, s16, v57;
	v58 =	vmov s14;
	s15 =	sshrl.u32 s31, $0x1F  }
0x2a0: {  	(v2sf) =	vpush v19, $0x0;
	s16 =	rddreg [dreg:$0x1c];
	s4 =	spop (v2sf);
	v49 =	vsel vm15, s10, v49;
	v50 =	vnsel vm0, $0x0, v58;
	s10 =	sshrl.u32 s29, $0x1F  }
0x2a1: {  	s13 =	sshrl.u32 s16, $0x1F;
	v51 =	vsel vm1, s15, v51;
	s15 =	sshrl.u32 s20, $0x1F;
	s1 =	sadd.s32 s3, s1;
	v58 =	vperm.xlane v31, v5;
	v49 =	vsel vm7, s0, v49  }
0x2a2: {  	s29 =	sshra.s32 s29, $0xC;
	s5 =	spop (v2sf);
	v50 =	vsel vm1, s18, v50;
	s18 =	sld [smem:$0x7FD];
	v51 =	vsel vm2, s10, v51;
	(v2sf) =	vpush v19, $0x1  }
0x2a3: {  	s28 =	sshra.s32 s16, $0xC;
	s10 =	smul.u32 $0x68DB8BAD, s12;
	s14 =	sshrl.u32 s1, $0x1F;
	v49 =	vsel vm12, s30, v49;
	v50 =	vsel vm2, s19, v50;
	(v2sf) =	vpush v19, $0x2  }
0x2a4: {  	s30 =	sshrl.u32 s17, $0x1F;
	s19 =	sshrl.u32 s21, $0x1F;
	s17 =	sshra.s32 s17, $0xC;
	v49 =	vsel vm8, s11, v49;
	v52 =	vsel vm4, s15, v50;
	v50 =	vsel vm4, s13, v51  }
0x2a5: {  	v62 =	vld [tilespmem:$0x1FFF0];
	v59 =	vmov s30;
	s15 =	rddreg [dreg:$0x12];
	s13 =	sshrl.u32 s23, $0x1F;
	(v2sf) =	vpush v19, $0x3;
	s0 =	sshrl.u32 s18, $0x1F;
	v52 =	vsel vm5, s19, v52  }
0x2a6: {  	s11 =	sshrl.u32 s2, $0x1F;
	s30 =	sshrl.u32 s15, $0x1F;
	(v2sf) =	vpush v19, $0x4;
	v51 =	vsel vm1, s0, v59;
	v52 =	vsel vm6, s13, v52;
	s0 =	sadd.s32 s10, s6  }
0x2a7: {  	s10 =	spop (v2sf);
	s13 =	sshra.s32 s2, $0xC;
	(v2sf) =	vpush v19, $0x5;
	v59 =	vmov s17;
	v51 =	vsel vm2, s11, v51;
	s6 =	sshra.s32 s0, $0x1F  }
0x2a8: {  	v52 =	vsel vm7, s14, v52;
	s19 =	sshrl.u32 s0, $0x1F;
	s14 =	sshra.s32 s31, $0xC;
	v51 =	vsel vm4, s30, v51;
	s30 =	sshra.s32 s24, $0xC;
	v53 =	vmov s6  }
0x2a9: {  	s2 =	sshra.s32 s25, $0xC;
	s9 =	spop (v2sf);
	s11 =	sshra.s32 s18, $0xC;
	v20 =	vsel vm8, s19, v52;
	v52 =	vsel vm1, s14, v60;
	v61 =	vsel vm0, s30, v53  }
0x2aa: {  	s31 =	sshra.s32 s24, $0x1F;
	s16 =	smulhi.u32 $0x68DB8BAD, s10;
	s3 =	spop (v2sf);
	vm0 =	vnez.u8 v62;
	v53 =	vcombine.low v30, v26;
	v54 =	vsel vm2, s29, v52  }
0x2ab: {  	s18 =	sshra.s32 s25, $0x1F;
	s19 =	smulhi.u32 $0x68DB8BAD, s8;
	s6 =	spop (v2sf);
	(v2sf) =	vpush v19, $0x6;
	v52 =	vperm.xlane v27, v4;
	v20 =	vperm.xlane v20, v5  }
0x2ac: {  	s25 =	sshra.s32 s20, $0x1F;
	s14 =	sshra.s32 s15, $0xC;
	s15 =	smulhi.u32 $0x68DB8BAD, s7;
	v25 =	vsel vm10, s31, v61;
	v21 =	vsel vm0, v21, v22;
	v23 =	vsel vm0, v24, v23  }
0x2ad: {  	s7 =	sshra.s32 s7, $0x1F;
	s24 =	sshra.s32 s20, $0xC;
	s20 =	smulhi.u32 $0x68DB8BAD, s4;
	v61 =	vsel vm1, s11, v59;
	v25 =	vsel vm1, s2, v25;
	v24 =	vperm.xlane v53, v4  }
0x2ae: {  	s8 =	sshra.s32 s8, $0x1F;
	s7 =	smul.u32 $0x68DB8BAD, s7;
	v21 =	vadd.s32 v21, v23;
	v23 =	vperm.xlane v55, v4;
	v53 =	vperm.xlane v29, v5  }
0x2af: {  	s0 =	sshra.s32 s0, $0xC;
	s4 =	sshra.s32 s4, $0x1F;
	s31 =	smul.u32 $0x68DB8BAD, s8;
	v55 =	vcombine.low v40, v38;
	v40 =	vcombine.low v48, v47;
	v63 =	vsel vm11, s18, v25  }
0x2b0: {  	s30 =	sshra.s32 s22, $0xC;
	s2 =	sshra.s32 s22, $0x1F;
	s22 =	smul.u32 $0x68DB8BAD, s4;
	v57 =	vmul.u32 $0x2710, v21;
	v21 =	vsel vm4, s28, v54;
	v54 =	vperm.xlane v36, v5  }
0x2b1: {  	s29 =	sshra.s32 s21, $0xC;
	s4 =	sadd.s32 s31, s19;
	s18 =	smulhi.u32 $0x68DB8BAD, s5;
	v22 =	vsel vm2, s30, v63;
	v60 =	vsel vm0, v56, v24;
	v23 =	vsel vm0, v58, v23  }
0x2b2: {  	s5 =	sshra.s32 s5, $0x1F;
	s31 =	sshra.s32 s23, $0x1F;
	s30 =	sshra.s32 s23, $0xC;
	v24 =	vsel vm2, s13, v61;
	v58 =	vcombine.low v46, v42;
	v59 =	vperm.xlane v55, v4  }
0x2b3: {  	s17 =	smul.u32 $0x68DB8BAD, s5;
	s23 =	sshra.s32 s10, $0x1F;
	v22 =	vsel vm9, s2, v22;
	s8 =	spop (v2sf);
	v28 =	vsub.s32 v8, v57;
	(v2sf) =	vpush v19, $0x7  }
0x2b4: {  	s21 =	sshra.s32 s21, $0x1F;
	v62 =	vld [tilespmem:s26+$0x2880];
	s28 =	sshra.s32 s1, $0xC;
	s10 =	smul.u32 $0x68DB8BAD, s23;
	v23 =	vadd.s32 v60, v23;
	v60 =	vperm.xlane v39, v5;
	v39 =	vcombine.low v43, v41  }
0x2b5: {  	s1 =	sshra.s32 s1, $0x1F;
	s2 =	sadd.s32 s7, s15;
	s15 =	smulhi.u32 $0x68DB8BAD, s6;
	v57 =	vsel vm0, v53, v52;
	v41 =	vperm.xlane v45, v5;
	v43 =	vperm.xlane v49, v5  }
0x2b6: {  	s5 =	sadd.s32 s22, s20;
	s23 =	rddreg [dreg:$0xd];
	v22 =	vsel vm4, s24, v22;
	s24 =	smulhi.u32 $0x68DB8BAD, s9;
	vm9 =	vlt.s32 v28, $0x0;
	v34 =	vadd.s32 $0x2710, v28  }
0x2b7: {  	s20 =	sshrl.u32 s5, $0x1F;
	s7 =	sshrl.u32 s2, $0x1F;
	v23 =	vmul.u32 $0x2710, v23;
	s12 =	smulhi.u32 $0x68DB8BAD, s8;
	v61 =	vperm.xlane v58, v4;
	v22 =	vsel vm13, s25, v22  }
0x2b8: {  	s25 =	sshra.s32 s9, $0x1F;
	v31 =	vmov s7;
	s9 =	smulhi.u32 $0x68DB8BAD, s3;
	s3 =	sshra.s32 s3, $0x1F;
	v26 =	vsel vm9, v34, v28;
	vm9 =	vlt.s32 v7, s23  }
0x2b9: {  	v27 =	vsel vm0, v60, v59;
	v22 =	vsel vm5, s29, v22;
	s19 =	spop (v2sf);
	s29 =	sshrl.u32 s4, $0x1F;
	s3 =	smul.u32 $0x68DB8BAD, s3;
	v7 =	vsel vm9, v62, v26  }
0x2ba: {  	s2 =	sshra.s32 s2, $0xC;
	v10 =	vsub.s32 v10, v23;
	v22 =	vsel vm14, s21, v22;
	s21 =	spop (v2sf);
	v33 =	vsel vm1, s29, v31;
	s29 =	smulhi.u32 $0x68DB8BAD, s19  }
0x2bb: {  	v23 =	vperm.xlane v35, v4;
	s4 =	sshra.s32 s4, $0xC;
	v63 =	vsel vm6, s30, v22;
	v22 =	vsel vm4, s14, v24;
	s30 =	smul.u32 $0x68DB8BAD, s25;
	s14 =	spop (v2sf)  }
0x2bc: {  	v62 =	vperm.xlane v44, v5;
	v24 =	vsel vm2, s20, v33;
	s20 =	smulhi.u32 $0x68DB8BAD, s21;
	v30 =	vsel vm15, s31, v63;
	s11 =	spop (v2sf);
	s31 =	sshra.s32 s6, $0x1F  }
0x2bd: {  	v44 =	vcombine.low v51, v50;
	vm9 =	vlt.s32 v10, $0x0;
	v37 =	vadd.s32 $0x2710, v10;
	s6 =	sadd.s32 s17, s18;
	s22 =	smul.u32 $0x68DB8BAD, s31;
	s7 =	sadd.s32 s30, s24  }
0x2be: {  	v51 =	vmov s2;
	v10 =	vsel vm9, v37, v10;
	v23 =	vsel vm0, v54, v23;
	s24 =	sshra.s32 s8, $0x1F;
	s8 =	sadd.s32 s10, s16;
	s30 =	sshra.s32 s19, $0x1F  }
0x2bf: {  	vm9 =	vlt.s32 v6, s23;
	v25 =	vsel vm0, v62, v61;
	v23 =	vadd.s32 v57, v23;
	s13 =	spop (v2sf);
	s31 =	sshrl.u32 s6, $0x1F;
	s19 =	smul.u32 $0x68DB8BAD, s30  }
0x2c0: {  	v6 =	vld [tilespmem:s26+$0x2890];
	v25 =	vadd.s32 v27, v25;
	v21 =	vcombine.low v22, v21;
	v22 =	vsel vm1, s4, v51;
	s25 =	sshrl.u32 s7, $0x1F;
	s10 =	sadd.s32 s22, s15;
	s22 =	sshra.s32 s21, $0x1F  }
0x2c1: {  	v8 =	vsel vm7, s28, v30;
	v23 =	vmul.u32 $0x2710, v23;
	v35 =	vmul.u32 $0x2710, v25;
	s18 =	smul.u32 $0x68DB8BAD, s22;
	s16 =	sadd.s32 s19, s29;
	s19 =	spop (v2sf)  }
0x2c2: {  	s28 =	smul.u32 $0x68DB8BAD, s24;
	v24 =	vsel vm4, s31, v24;
	v48 =	vperm.xlane v21, v4;
	s7 =	sshra.s32 s7, $0xC;
	v8 =	vsel vm12, s1, v8;
	s21 =	spop (v2sf)  }
0x2c3: {  	v56 =	vmov s25;
	v11 =	vsub.s32 v11, v23;
	v38 =	vsub.s32 v15, v35;
	s15 =	sadd.s32 s18, s20;
	s22 =	smulhi.u32 $0x68DB8BAD, s21;
	s18 =	sshra.s32 s21, $0x1F  }
0x2c4: {  	s24 =	sshrl.u32 s8, $0x1F;
	v23 =	vperm.xlane v40, v4;
	v52 =	vmov s7;
	v8 =	vsel vm8, s0, v8;
	s18 =	smul.u32 $0x68DB8BAD, s18  }
0x2c5: {  	s9 =	sadd.s32 s3, s9;
	s31 =	smulhi.u32 $0x68DB8BAD, s14;
	s14 =	sshra.s32 s14, $0x1F;
	v63 =	vsel vm1, s24, v56;
	v6 =	vsel vm9, v6, v10;
	vm9 =	vlt.s32 v11, $0x0  }
0x2c6: {  	v33 =	vld [tilespmem:s26+$0x28A0];
	s25 =	sshrl.u32 s9, $0x1F;
	s12 =	sadd.s32 s28, s12;
	v37 =	vadd.s32 $0x2710, v11;
	v15 =	vadd.s32 $0x2710, v38;
	v8 =	vperm.xlane v8, v5;
	s3 =	sadd.s32 s18, s22  }
0x2c7: {  	s14 =	smul.u32 $0x68DB8BAD, s14;
	s28 =	sshrl.u32 s12, $0x1F;
	v29 =	vsel vm2, s25, v63;
	v10 =	vsel vm9, v37, v11;
	vm9 =	vlt.s32 v9, s23;
	s25 =	sshra.s32 s3, $0x1F  }
0x2c8: {  	s29 =	sshrl.u32 s10, $0x1F;
	s30 =	sshrl.u32 s16, $0x1F;
	v11 =	vperm.xlane v39, v4;
	v32 =	vmov s28;
	s28 =	sshra.s32 s12, $0xC;
	v42 =	vmov s25  }
0x2c9: {  	s14 =	sadd.s32 s14, s31;
	v23 =	vsel vm0, v43, v23;
	s31 =	smulhi.u32 $0x68DB8BAD, s13;
	s12 =	sshra.s32 s12, $0x1F;
	v26 =	vnsel vm3, $0x0, v32;
	v28 =	vsel vm3, s28, v42  }
0x2ca: {  	s7 =	sshra.s32 s6, $0xC;
	v34 =	vsel vm4, s29, v29;
	s29 =	smulhi.u32 $0x68DB8BAD, s11;
	v26 =	vsel vm1, s30, v26;
	s30 =	sshra.s32 s16, $0xC;
	v28 =	vsel vm10, s12, v28  }
0x2cb: {  	v10 =	vsel vm9, v33, v10;
	vm9 =	vlt.s32 v38, $0x0;
	s11 =	sshra.s32 s11, $0x1F;
	s20 =	sshrl.u32 s15, $0x1F;
	s16 =	sshra.s32 s16, $0x1F;
	v45 =	vsel vm1, s30, v28  }
0x2cc: {  	s13 =	sshra.s32 s13, $0x1F;
	v8 =	vsel vm0, v8, v48;
	s11 =	smul.u32 $0x68DB8BAD, s11;
	v36 =	vsel vm2, s20, v26;
	s18 =	sshra.s32 s15, $0xC;
	v26 =	vsel vm11, s16, v45  }
0x2cd: {  	s24 =	sshrl.u32 s14, $0x1F;
	s13 =	smul.u32 $0x68DB8BAD, s13;
	v9 =	vsel vm9, v15, v38;
	s15 =	sshra.s32 s15, $0x1F;
	vm11 =	vcmask $0x1714;
	v46 =	vsel vm2, s18, v26  }
0x2ce: {  	v11 =	vsel vm0, v41, v11;
	s11 =	sadd.s32 s11, s29;
	s20 =	smulhi.u32 $0x68DB8BAD, s19;
	v25 =	vsel vm4, s24, v36;
	s24 =	sshra.s32 s14, $0xC;
	v50 =	vsel vm11, s15, v46  }
0x2cf: {  	v15 =	vperm.xlane v44, v4;
	vm9 =	vlt.s32 v12, s23;
	s29 =	sshra.s32 s5, $0xC;
	s21 =	sshra.s32 s19, $0x1F;
	s28 =	sshra.s32 s14, $0x1F;
	v21 =	vsel vm4, s24, v50  }
0x2d0: {  	v49 =	vcombine.low v34, v24;
	v11 =	vadd.s32 v11, v23;
	s22 =	smul.u32 $0x68DB8BAD, s21;
	s12 =	sadd.s32 s13, s31;
	s31 =	sshra.s32 s11, $0xC;
	v21 =	vsel vm13, s28, v21  }
0x2d1: {  	v11 =	vmul.u32 $0x2710, v11;
	v47 =	vsel vm0, v20, v15;
	s25 =	sshra.s32 s8, $0xC;
	s30 =	sshra.s32 s9, $0xC;
	s9 =	sshra.s32 s11, $0x1F;
	v21 =	vsel vm5, s31, v21  }
0x2d2: {  	v22 =	vsel vm2, s29, v22;
	s8 =	sshra.s32 s10, $0xC;
	s10 =	sshrl.u32 s11, $0x1F;
	v23 =	vsel vm1, s25, v52;
	s11 =	sshra.s32 s12, $0xC;
	v21 =	vsel vm14, s9, v21  }
0x2d3: {  	v22 =	vsel vm4, s7, v22;
	v23 =	vsel vm2, s30, v23;
	s16 =	sshra.s32 s12, $0x1F;
	s15 =	sadd.s32 s22, s20;
	v21 =	vsel vm6, s11, v21  }
0x2d4: {  	v54 =	vld [tilespmem:s26+$0x28B0];
	v53 =	vsel vm5, s10, v25;
	s14 =	sshrl.u32 s12, $0x1F;
	v23 =	vsel vm4, s8, v23;
	s18 =	sshra.s32 s15, $0xC;
	v21 =	vsel vm15, s16, v21  }
0x2d5: {  	v24 =	vsel vm6, s14, v53;
	v22 =	vcombine.low v23, v22;
	s17 =	sshrl.u32 s15, $0x1F;
	s20 =	sshra.s32 s15, $0x1F;
	v21 =	vsel vm7, s18, v21  }
0x2d6: {  	v20 =	vperm.xlane v49, v4;
	s19 =	sshrl.u32 s3, $0x1F;
	s21 =	sshra.s32 s3, $0xC;
	v24 =	vsel vm7, s17, v24;
	v21 =	vsel vm12, s20, v21  }
0x2d7: {  	v55 =	vperm.xlane v22, v4;
	v24 =	vsel vm8, s19, v24;
	v21 =	vsel vm8, s21, v21  }
0x2d8: {  	v8 =	vadd.s32 v47, v8;
	v24 =	vperm.xlane v24, v5;
	v21 =	vperm.xlane v21, v5  }
0x2d9: {  	v56 =	vld [tilespmem:s26+$0x28C0];
	v9 =	vsel vm9, v54, v9;
	v8 =	vmul.u32 $0x2710, v8  }
0x2da: {  	v11 =	vsub.s32 v14, v11;
	v57 =	vsel vm0, v24, v20;
	v15 =	vsel vm0, v21, v55  }
0x2db: {  	v59 =	vld [tilespmem:s26+$0x28D0];
	v58 =	vadd.s32 $0x2710, v11;
	v8 =	vsub.s32 v17, v8;
	v14 =	vadd.s32 v57, v15  }
0x2dc: {  	v61 =	vld [tilespmem:s26+$0x28E0];
	[tilespmem:s26+$0x2890] =	vst v6;
	v6 =	vadd.s32 $0x2710, v8;
	vm6 =	vlt.s32 v11, $0x0;
	v60 =	vmul.u32 $0x2710, v14  }
0x2dd: {  	[tilespmem:s26+$0x2880] =	vst v7;
	vm13 =	vlt.s32 v16, s23;
	v7 =	vsel vm6, v58, v11;
	vm7 =	vlt.s32 v13, s23  }
0x2de: {  	[tilespmem:s26+$0x28A0] =	vst v10;
	vm12 =	vlt.s32 v8, $0x0;
	v7 =	vsel vm7, v56, v7;
	v62 =	vsub.s32 v19, v60  }
0x2df: {  	[tilespmem:s26+$0x28B0] =	vst v9;
	v6 =	vsel vm12, v6, v8;
	vm14 =	vlt.s32 v62, $0x0;
	v63 =	vadd.s32 $0x2710, v62  }
0x2e0: {  	vm15 =	vlt.s32 v18, s23;
	[tilespmem:s26+$0x28C0] =	vst v7;
	v6 =	vsel vm13, v59, v6;
	v8 =	vsel vm14, v63, v62  }
0x2e1: {  	[tilespmem:s26+$0x28D0] =	vst v6;
	v7 =	vsel vm15, v61, v8  }
0x2e2: {  	s22 =	rddreg [dreg:$0x6];
	[tilespmem:s26+$0x28E0] =	vst v7  }
0x2e3: {  	v6 =	vld [tilespmem:s22+$0x2780];
	_ =	sdelay $0x4  }
0x2e4: {  	(v2sf) =	vpush v6, $0x0;
	_ =	sdelay $0x2  }
0x2e5: {  	v6 =	vld [tilespmem:s22+$0x2800];
	_ =	sdelay $0x4  }
0x2e6: {  	(v2sf) =	vpush v6, $0x0;
	_ =	sdelay $0x5  }
0x2e7: {  	s4 =	simm.s32 $0x1;
	s0 =	simm.s32 $0x1  }
0x2e8: {  	s5 =	simm.s32 $0x0;
	s7 =	simm.s32 $0xFFFFFFFF;
	s1 =	spop (v2sf)  }
0x2e9: {  	s3 =	simm.s32 $0x1;
	s9 =	simm.s32 $0x80000000;
	s23 =	sadd.s32 $0x1, s1  }
0x2ea: {  	p1 =	slt.u32 s1, $0x7FFFFFFF;
	s28 =	sadd.s32 $0xF, s1;
	s24 =	sshrl.u32 s23, $0x1F  }
0x2eb: {  	s0 =	simm.s32 @!p1 $0x0;
	s25 =	sshra.s32 s23, $0x1F;
	s26 =	sand.u32 $0x1, s23  }
0x2ec: {  	s29 =	sand.u32 $0xF, s28;
	p6 =	slt.s32 s28, $0x1;
	s31 =	sshra.s32 s28, $0x1F  }
0x2ed: {  	s0 =	sadd.s32 s0, s25;
	p2 =	seq.s32 s26, $0x1;
	s2 =	sadd.s32 s24, s23  }
0x2ee: {  	p3 =	sne.s32 s29, $0x0;
	p5 =	sne.s32 s0, $0x1;
	s30 =	sshra.s32 s2, $0x1  }
0x2ef: {  	s2 =	sshrl.u32 s31, $0x1C;
	p1 =	por !p5, !p2;
	p2 =	por !p6, !p3  }
.Ltmp14:
0x2f0: {  	s0 =	spop (v2sf);
	s2 =	sadd.s32 s2, s28;
	(pc) =	sbr.rel .LBB2_17-.Ltmp14, $4  }
0x2f1: {  	[dreg:$0x10] =	wrdreg s30;
	p1 =	por !p1, !p1;
	p2 =	por !p2, !p2  }
0x2f2: {  	s2 =	sshra.s32 s2, $0x4;
	s3 =	simm.s32 @!p1 $0x0;
	s4 =	simm.s32 @!p2 $0x0  }
0x2f3: {  	s7 =	simm.s32 @!p1 $0x0;
	s26 =	ssub.s32 s30, s3;
	s3 =	ssub.s32 s2, s4  }
0x2f4: {  	[dreg:$0x11] =	wrdreg s7;
	s4 =	simm.s32 $0x0;
	p1 =	slt.s32 s3, $0x1  }
.LBB2_20:
0x2f5: {  	vm9 =	vmand vm9, vm10  }
0x2f6: {  	v7 =	vsel vm9, $0x1, v3  }
0x2f7: {  	v6 =	vadd.s32 v7, v6  }
.LBB2_21:
0x2f8: {  	(xrf0) =	vadd.scan.msk.s32 $0xffff, v6;
	_ =	sdelay $0x5  }
0x2f9: {  	v6, _, _ =	vpop (xrf0)  }
0x2fa: {  	(v2sf) =	vpush v6, $0xF;
	_ =	sdelay $0xe  }
0x2fb: {  	s6 =	spop (v2sf)  }
0x2fc: {  	s5 =	sadd.s32 $0x1, s5;
	p2 =	slt.s32 s6, s26  }
0x2fd: {  	s2 =	smov.u32 @p2 s4;
	p2 =	sne.s32 s5, $0x20  }
.Ltmp15:
0x2fe: {  	_ = 	snop;
	(pc) =	sbr.rel @!p2 .LBB2_22-.Ltmp15, $2  }
0x2ff: {  	_ =	sdelay $0x2  }
0x300: {  	s4 =	smov.u32 s2  }
.LBB2_17:
.Ltmp16:
0x301: {  	(pc) =	sbr.rel @p1 .LBB2_21-.Ltmp16, $3  }
0x302: {  	_ =	sdelay $0x1  }
0x303: {  	s2 =	sshrl.u32 s9, s5  }
0x304: {  	v6 =	vimm.s32 $0x0;
	s2 =	sor.u32 s2, s4  }
0x305: {  	v8 =	vld [tilespmem:s0+$0x0];
	p2 =	sne.s32 s3, $0x1  }
.Ltmp17:
0x306: {  	_ = 	snop;
	(pc) =	sbr.rel @!p2 .LBB2_20-.Ltmp17, $3  }
0x307: {  	_ =	sdelay $0x1  }
0x308: {  	v7 =	vmov s2;
	v9 =	vmov s1  }
0x309: {  	s6 =	sadd.s32 $0xFFFFFFFF, s3;
	s7 =	sadd.s32 $0x10, s0;
	s8 =	smov.u32 s1;
	vm9 =	vgt.s32 v9, v2;
	vm10 =	vge.u32 v8, v7  }
.LBB2_19:
0x30a: {  	v8 =	vld [tilespmem:s7+$0x0];
	p2 =	sne.s32 s6, $0x1;
	s6 =	sadd.s32 $0xFFFFFFFF, s6;
	vm9 =	vmand vm9, vm10  }
.Ltmp18:
0x30b: {  	v9 =	vsel vm9, $0x1, v3;
	(pc) =	sbr.rel @p2 .LBB2_19-.Ltmp18, $4  }
0x30c: {  	v6 =	vadd.s32 v9, v6  }
0x30d: {  	s8 =	sadd.s32 $0xFFFFFFF0, s8  }
0x30e: {  	v9 =	vmov s8  }
0x30f: {  	s7 =	sadd.s32 $0x10, s7;
	vm9 =	vgt.s32 v9, v2;
	vm10 =	vge.u32 v8, v7  }
.Ltmp19:
0x310: {  	_ = 	snop;
	(pc) =	sbr.rel .LBB2_20-.Ltmp19, $1  }
0x311: {  	_ =	sdelay $0x3  }
.LBB2_22:
.Ltmp20:
0x312: {  	(pc) =	sbr.rel @p1 .LBB2_31-.Ltmp20, $1  }
0x313: {  	_ =	sdelay $0x3  }
0x314: {  	v8 =	vld [tilespmem:s0+$0x0];
	p2 =	sne.s32 s3, $0x1  }
.Ltmp21:
0x315: {  	_ = 	snop;
	(pc) =	sbr.rel @!p2 .LBB2_25-.Ltmp21, $3  }
0x316: {  	_ =	sdelay $0x1  }
0x317: {  	v6 =	vmov s2;
	v9 =	vmov s1  }
0x318: {  	v7 =	vimm.s32 $0x0;
	s2 =	sadd.s32 $0xFFFFFFFF, s3;
	s4 =	sadd.s32 $0x10, s0;
	s5 =	smov.u32 s1;
	vm9 =	vgt.s32 v9, v2;
	vm10 =	vgt.u32 v8, v6  }
.LBB2_24:
0x319: {  	v8 =	vld [tilespmem:s4+$0x0];
	p1 =	sne.s32 s2, $0x1;
	s2 =	sadd.s32 $0xFFFFFFFF, s2;
	vm9 =	vmand vm9, vm10  }
.Ltmp22:
0x31a: {  	v10 =	vsel vm9, $0x1, v3;
	(pc) =	sbr.rel @p1 .LBB2_24-.Ltmp22, $4  }
0x31b: {  	v7 =	vadd.s32 v10, v7  }
0x31c: {  	s5 =	sadd.s32 $0xFFFFFFF0, s5  }
0x31d: {  	v10 =	vmov s5  }
0x31e: {  	s4 =	sadd.s32 $0x10, s4;
	vm9 =	vgt.s32 v10, v2;
	vm10 =	vgt.u32 v8, v6  }
.LBB2_25:
0x31f: {  	vm9 =	vmand vm9, vm10  }
0x320: {  	v8 =	vsel vm9, $0x1, v3  }
0x321: {  	v7 =	vadd.s32 v8, v7  }
0x322: {  	(xrf0) =	vadd.scan.msk.s32 $0xffff, v7;
	_ =	sdelay $0x5  }
0x323: {  	v7, _, _ =	vpop (xrf0)  }
0x324: {  	(v2sf) =	vpush v7, $0xF;
	_ =	sdelay $0xc  }
.Ltmp23:
0x325: {  	_ = 	snop;
	(pc) =	sbr.rel @!p2 .LBB2_26-.Ltmp23, $4  }
0x326: {  	_ = 	snop  }
0x327: {  	s2 =	spop (v2sf)  }
0x328: {  	s2 =	ssub.s32 s26, s2  }
0x329: {  	s3 =	sadd.s32 $0xFFFFFFFF, s3;
	p1 =	por $0x0, $0x0;
	v8 =	vld [tilespmem:s0+$0x0];
	v7 =	vmov s2;
	s2 =	simm.s32 $0x0  }
0x32a: {  	_ =	sdelay $0x3  }
0x32b: {  	vm9 =	vgt.s32 v9, v2;
	vm10 =	veq.s32 v8, v6  }
0x32c: {  	vm10 =	vmand vm9, vm10  }
0x32d: {  	v9 =	vsel vm10, $0x1, v3  }
0x32e: {  	(xrf0) =	vadd.scan.msk.s32 $0xffff, v9;
	_ =	sdelay $0x5  }
0x32f: {  	v9, _, _ =	vpop (xrf0)  }
0x330: {  	v10 =	vadd.s32 s2, v9;
	(v2sf) =	vpush v9, $0xF  }
0x331: {  	vm11 =	vgt.u32 v8, v6;
	vm12 =	vle.s32 v10, v7  }
0x332: {  	vm9 =	vmand vm9, vm11;
	vm10 =	vmand vm10, vm12  }
0x333: {  	p2 =	sne.s32 s3, $0x1;
	v8 =	vadd.s32 s0, v2;
	vm9 =	vmor vm9, vm10  }
.Ltmp24:
0x334: {  	[tilespmem:s2+$0x3CB0] =	vst.msk vm9, v8;
	v8 =	vsel vm9, $0x1, v3;
	(pc) =	sbr.rel @!p2 .LBB2_28-.Ltmp24, $4  }
0x335: {  	(xrf0) =	vadd.scan.msk.s32 $0xffff, v8  }
0x336: {  	s7 =	sadd.s32 $0x10, s0  }
0x337: {  	s8 =	sadd.s32 $0xFFFFFFFF, s3;
	p1 =	por $0x1, $0x1;
	s6 =	smov.u32 s1  }
0x338: {  	s5 =	simm.s32 $0x0;
	s3 =	smov.u32 s0;
	s4 =	simm.s32 $0x0;
	v8 =	vld [tilespmem:s7+$0x0]  }
.LBB2_29:
0x339: {  	p2 =	sne.s32 s8, $0x1;
	_ =	sdelay $0x1  }
0x33a: {  	s6 =	sadd.s32 $0xFFFFFFF0, s6;
	v9, _, _ =	vpop (xrf0)  }
0x33b: {  	v10 =	vmov s6;
	(v2sf) =	vpush v9, $0xF  }
0x33c: {  	vm9 =	vgt.s32 v10, v2;
	vm10 =	vgt.u32 v8, v6;
	vm11 =	veq.s32 v8, v6  }
0x33d: {  	vm11 =	vmand vm9, vm11  }
0x33e: {  	v8 =	vsel vm11, $0x1, v3;
	s9 =	spop (v2sf)  }
0x33f: {  	(xrf0) =	vadd.scan.msk.s32 $0xffff, v8;
	s5 =	sadd.s32 s5, s9;
	_ =	sdelay $0x5  }
0x340: {  	v8, _, _ =	vpop (xrf0)  }
0x341: {  	v9 =	vadd.s32 s5, v8;
	(v2sf) =	vpush v8, $0xF  }
0x342: {  	vm12 =	vle.s32 v9, v7  }
0x343: {  	vm9 =	vmand vm9, vm10;
	vm10 =	vmand vm11, vm12  }
0x344: {  	vm9 =	vmor vm9, vm10  }
.Ltmp25:
0x345: {  	s3 =	sadd.s32 $0x10, s3;
	v8 =	vsel vm9, $0x1, v3;
	s9 =	spop (v2sf);
	(pc) =	sbr.rel @p2 .LBB2_29-.Ltmp25, $4  }
0x346: {  	v9 =	vadd.s32 s3, v2;
	(xrf0) =	vadd.scan.msk.s32 $0xffff, v8;
	s4 =	sadd.s32 s4, s9  }
0x347: {  	[tilespmem:s4+$0x3CB0] =	vst.msk vm9, v9  }
0x348: {  	s7 =	sadd.s32 $0x10, s7  }
0x349: {  	s8 =	sadd.s32 $0xFFFFFFFF, s8;
	v8 =	vld [tilespmem:s7+$0x0]  }
.LBB2_30:
0x34a: {  	_ = 	snop  }
0x34b: {  	s6 =	sadd.s32 @p1 $0xFFFFFFF0, s6  }
0x34c: {  	s1 =	smov.u32 @p1 s6  }
0x34d: {  	v9 =	vmov s1  }
0x34e: {  	vm9 =	vgt.s32 v9, v2;
	vm10 =	veq.s32 v8, v6  }
0x34f: {  	vm10 =	vmand vm9, vm10  }
0x350: {  	v63 =	vsel vm10, $0x1, v3  }
0x351: {  	(xrf0) =	vadd.scan.msk.s32 $0xffff, v63;
	_ =	sdelay $0x3  }
0x352: {  	s1 =	spop @p1 (v2sf)  }
0x353: {  	v9, _, _ =	vpop @p1 (xrf0);
	s1 =	sadd.s32 @p1 s5, s1;
	s5 =	simm.s32 $0x0  }
0x354: {  	s5 =	smov.u32 @p1 s1;
	v10, _, _ =	vpop (xrf0)  }
0x355: {  	v11 =	vadd.s32 s5, v10  }
0x356: {  	vm11 =	vgt.u32 v8, v6;
	vm12 =	vle.s32 v11, v7  }
0x357: {  	vm9 =	vmand vm9, vm11;
	vm10 =	vmand vm10, vm12  }
0x358: {  	vm9 =	vmor vm9, vm10  }
0x359: {  	v6 =	vsel vm9, $0x1, v3  }
0x35a: {  	(xrf0) =	vadd.scan.msk.s32 $0xffff, v6;
	_ =	sdelay $0x3  }
0x35b: {  	(v2sf) =	vpush @p1 v9, $0xF;
	_ =	sdelay $0x1  }
0x35c: {  	(v2sf) =	vpush v10, $0xF;
	v6, _, _ =	vpop (xrf0)  }
0x35d: {  	(v2sf) =	vpush v6, $0xF;
	_ =	sdelay $0xb  }
0x35e: {  	s3 =	sadd.s32 @p1 $0x10, s3;
	s1 =	spop @p1 (v2sf)  }
0x35f: {  	s0 =	smov.u32 @p1 s3;
	s1 =	sadd.s32 @p1 s4, s1  }
0x360: {  	s2 =	smov.u32 @p1 s1;
	v6 =	vadd.s32 s0, v2;
	s30 =	spop (v2sf)  }
0x361: {  	[tilespmem:s2+$0x3CB0] =	vst.msk vm9, v6;
	s31 =	spop (v2sf)  }
.LBB2_31:
0x362: {  	s0 =	sand.u32 $0xF, s26  }
0x363: {  	s1 =	sshra.s32 s26, $0x1F;
	p1 =	slt.s32 s26, $0x1;
	p2 =	sne.s32 s0, $0x0  }
0x364: {  	s23 =	sshrl.u32 s1, $0x1C;
	p2 =	por !p1, !p2  }
0x365: {  	s1 =	simm.s32 $0x1;
	s0 =	sadd.s32 s23, s26;
	p2 =	por !p2, !p2  }
0x366: {  	s0 =	sshrl.u32 s0, $0x4;
	s1 =	simm.s32 @!p2 $0x0  }
0x367: {  	s0 =	ssub.s32 s0, s1  }
0x368: {  	s12 =	sshll.u32 s0, $0x4  }
0x369: {  	v6 =	vor.u32 s12, v2  }
0x36a: {  	v7 =	vmul.u32 $0x7, v6;
	_ =	sdelay $0x1  }
0x36b: {  	v8 =	vadd.s32 v1, v7  }
0x36c: {  	(v2sf) =	vpush v8, $0xD;
	_ =	sdelay $0x1  }
0x36d: {  	(v2sf) =	vpush v8, $0xC;
	_ =	sdelay $0x1  }
0x36e: {  	(v2sf) =	vpush v8, $0xE;
	_ =	sdelay $0x1  }
0x36f: {  	(v2sf) =	vpush v8, $0xF;
	_ =	sdelay $0x1  }
0x370: {  	(v2sf) =	vpush v8, $0x9;
	_ =	sdelay $0x1  }
0x371: {  	(v2sf) =	vpush v8, $0x8;
	_ =	sdelay $0x1  }
0x372: {  	(v2sf) =	vpush v8, $0xA;
	_ =	sdelay $0x1  }
0x373: {  	(v2sf) =	vpush v8, $0xB  }
0x374: {  	s24 =	spop (v2sf)  }
0x375: {  	(v2sf) =	vpush v8, $0x0;
	s13 =	smulhi.u32 $0x68DB8BAD, s24;
	s0 =	sshra.s32 s24, $0x1F  }
0x376: {  	s25 =	spop (v2sf);
	s15 =	smul.u32 $0x68DB8BAD, s0  }
0x377: {  	(v2sf) =	vpush v8, $0x1;
	s14 =	smulhi.u32 $0x68DB8BAD, s25;
	s0 =	sshra.s32 s25, $0x1F  }
0x378: {  	s28 =	spop (v2sf);
	s17 =	smul.u32 $0x68DB8BAD, s0  }
0x379: {  	(v2sf) =	vpush v8, $0x2;
	s16 =	smulhi.u32 $0x68DB8BAD, s28;
	s0 =	sshra.s32 s28, $0x1F  }
0x37a: {  	s29 =	spop (v2sf);
	(v2sf) =	vpush v8, $0x3;
	s19 =	smul.u32 $0x68DB8BAD, s0  }
0x37b: {  	s18 =	smulhi.u32 $0x68DB8BAD, s29;
	s0 =	sshra.s32 s29, $0x1F  }
0x37c: {  	s30 =	spop (v2sf);
	(v2sf) =	vpush v8, $0x4;
	s21 =	smul.u32 $0x68DB8BAD, s0  }
0x37d: {  	s20 =	smulhi.u32 $0x68DB8BAD, s30;
	s0 =	sshra.s32 s30, $0x1F  }
0x37e: {  	s31 =	spop (v2sf);
	(v2sf) =	vpush v8, $0x5;
	s23 =	smul.u32 $0x68DB8BAD, s0  }
0x37f: {  	s2 =	sadd.s32 $0x10, s12;
	s22 =	smulhi.u32 $0x68DB8BAD, s31;
	s0 =	sshra.s32 s31, $0x1F  }
0x380: {  	v7 =	vor.u32 s2, v2;
	s1 =	spop (v2sf);
	(v2sf) =	vpush v8, $0x6;
	s24 =	smul.u32 $0x68DB8BAD, s0  }
0x381: {  	v9 =	vmul.u32 $0x7, v7;
	s25 =	smulhi.u32 $0x68DB8BAD, s1;
	s0 =	sshra.s32 s1, $0x1F  }
0x382: {  	s3 =	spop (v2sf);
	(v2sf) =	vpush v8, $0x7;
	s29 =	smul.u32 $0x68DB8BAD, s0  }
0x383: {  	v10 =	vadd.s32 v1, v9;
	s28 =	smulhi.u32 $0x68DB8BAD, s3;
	s0 =	sshra.s32 s3, $0x1F  }
0x384: {  	s30 =	smul.u32 $0x68DB8BAD, s0;
	s4 =	spop (v2sf);
	(v2sf) =	vpush v10, $0xD  }
0x385: {  	s31 =	smulhi.u32 $0x68DB8BAD, s4;
	s0 =	sshra.s32 s4, $0x1F  }
0x386: {  	s5 =	spop (v2sf);
	s7 =	smul.u32 $0x68DB8BAD, s0  }
0x387: {  	(v2sf) =	vpush v10, $0xC;
	s6 =	smulhi.u32 $0x68DB8BAD, s5;
	s0 =	sshra.s32 s5, $0x1F  }
0x388: {  	s8 =	spop (v2sf);
	s3 =	smul.u32 $0x68DB8BAD, s0  }
0x389: {  	s9 =	smulhi.u32 $0x68DB8BAD, s8;
	s0 =	sshra.s32 s8, $0x1F;
	s10 =	spop (v2sf)  }
0x38a: {  	(v2sf) =	vpush v10, $0xE;
	[smem:$0x6A4] =	sst s6;
	s1 =	smul.u32 $0x68DB8BAD, s0  }
0x38b: {  	s2 =	smulhi.u32 $0x68DB8BAD, s10;
	s0 =	sshra.s32 s10, $0x1F;
	s11 =	spop (v2sf)  }
0x38c: {  	[smem:$0x6A5] =	sst s9;
	s4 =	smul.u32 $0x68DB8BAD, s0  }
0x38d: {  	(v2sf) =	vpush v10, $0xF;
	s5 =	smulhi.u32 $0x68DB8BAD, s11;
	s0 =	sshra.s32 s11, $0x1F;
	s6 =	spop (v2sf)  }
0x38e: {  	[smem:$0x6A6] =	sst s2;
	s8 =	smul.u32 $0x68DB8BAD, s0  }
0x38f: {  	s9 =	smulhi.u32 $0x68DB8BAD, s6;
	s0 =	sshra.s32 s6, $0x1F;
	s10 =	spop (v2sf)  }
0x390: {  	(v2sf) =	vpush v10, $0x9;
	[smem:$0x6A7] =	sst s5;
	s2 =	smul.u32 $0x68DB8BAD, s0  }
0x391: {  	s5 =	smulhi.u32 $0x68DB8BAD, s10;
	s0 =	sshra.s32 s10, $0x1F;
	s11 =	spop (v2sf)  }
0x392: {  	[smem:$0x6A8] =	sst s9;
	s6 =	smul.u32 $0x68DB8BAD, s0  }
0x393: {  	(v2sf) =	vpush v10, $0x8;
	s9 =	smulhi.u32 $0x68DB8BAD, s11;
	s0 =	sshra.s32 s11, $0x1F;
	s10 =	spop (v2sf)  }
0x394: {  	[smem:$0x6A9] =	sst s5;
	s5 =	smul.u32 $0x68DB8BAD, s0;
	s0 =	sshra.s32 s10, $0x1F  }
0x395: {  	s0 =	smul.u32 $0x68DB8BAD, s0  }
0x396: {  	[smem:$0x6AA] =	sst s9;
	s11 =	spop (v2sf)  }
0x397: {  	(v2sf) =	vpush v10, $0xA;
	s9 =	smulhi.u32 $0x68DB8BAD, s10;
	[smem:$0x6AC] =	sst s0;
	s0 =	sshra.s32 s11, $0x1F  }
0x398: {  	s0 =	smul.u32 $0x68DB8BAD, s0  }
0x399: {  	s10 =	smulhi.u32 $0x68DB8BAD, s11;
	s11 =	spop (v2sf)  }
0x39a: {  	(v2sf) =	vpush v10, $0xB;
	[smem:$0x6AE] =	sst s0;
	s0 =	sshra.s32 s11, $0x1F  }
0x39b: {  	[smem:$0x6AD] =	sst s10;
	s0 =	smul.u32 $0x68DB8BAD, s0  }
0x39c: {  	(v2sf) =	vpush v10, $0x0;
	s10 =	smulhi.u32 $0x68DB8BAD, s11;
	s11 =	spop (v2sf)  }
0x39d: {  	[smem:$0x6B0] =	sst s0;
	s0 =	sshra.s32 s11, $0x1F  }
0x39e: {  	(v2sf) =	vpush v10, $0x1;
	[smem:$0x6AF] =	sst s10;
	s0 =	smul.u32 $0x68DB8BAD, s0  }
0x39f: {  	s10 =	smulhi.u32 $0x68DB8BAD, s11;
	s11 =	spop (v2sf)  }
0x3a0: {  	[smem:$0x6B2] =	sst s0;
	s0 =	sshra.s32 s11, $0x1F  }
0x3a1: {  	(v2sf) =	vpush v10, $0x2;
	[smem:$0x6B1] =	sst s10;
	s0 =	smul.u32 $0x68DB8BAD, s0  }
0x3a2: {  	s10 =	smulhi.u32 $0x68DB8BAD, s11;
	s11 =	spop (v2sf)  }
0x3a3: {  	[smem:$0x6B4] =	sst s0;
	s0 =	sshra.s32 s11, $0x1F  }
0x3a4: {  	s0 =	smul.u32 $0x68DB8BAD, s0  }
0x3a5: {  	(v2sf) =	vpush v10, $0x3;
	[smem:$0x6B3] =	sst s10;
	s10 =	smulhi.u32 $0x68DB8BAD, s11  }
0x3a6: {  	[smem:$0x6B6] =	sst s0;
	s0 =	spop (v2sf)  }
0x3a7: {  	[smem:$0x6B5] =	sst s10;
	s10 =	smulhi.u32 $0x68DB8BAD, s0;
	s0 =	sshra.s32 s0, $0x1F  }
0x3a8: {  	s11 =	sadd.s32 $0x20, s12;
	s0 =	smul.u32 $0x68DB8BAD, s0  }
0x3a9: {  	(v2sf) =	vpush v10, $0x4;
	v9 =	vor.u32 s11, v2;
	s11 =	spop (v2sf);
	[smem:$0x6B7] =	sst s10  }
0x3aa: {  	s10 =	smulhi.u32 $0x68DB8BAD, s11;
	[smem:$0x6B8] =	sst s0;
	s0 =	sshra.s32 s11, $0x1F  }
0x3ab: {  	s11 =	spop (v2sf);
	s0 =	smul.u32 $0x68DB8BAD, s0  }
0x3ac: {  	[smem:$0x6B9] =	sst s10;
	s10 =	smulhi.u32 $0x68DB8BAD, s11  }
0x3ad: {  	(v2sf) =	vpush v10, $0x5;
	[smem:$0x6BA] =	sst s0;
	s0 =	sshra.s32 s11, $0x1F;
	s11 =	spop (v2sf)  }
0x3ae: {  	[smem:$0x6BB] =	sst s10;
	s10 =	smulhi.u32 $0x68DB8BAD, s11  }
0x3af: {  	[smem:$0x6AB] =	sst s9  }
0x3b0: {  	[smem:$0x6BC] =	sst s10;
	s10 =	spop (v2sf)  }
0x3b1: {  	(v2sf) =	vpush v10, $0x6;
	s9 =	sshra.s32 s11, $0x1F;
	s11 =	smulhi.u32 $0x68DB8BAD, s10;
	s10 =	sshra.s32 s10, $0x1F  }
0x3b2: {  	s10 =	smul.u32 $0x68DB8BAD, s10;
	_ =	sdelay $0x1  }
0x3b3: {  	[smem:$0x6BE] =	sst s10;
	s10 =	spop (v2sf)  }
0x3b4: {  	(v2sf) =	vpush v10, $0x7;
	[smem:$0x6BD] =	sst s11;
	s11 =	smulhi.u32 $0x68DB8BAD, s10;
	s10 =	sshra.s32 s10, $0x1F  }
0x3b5: {  	v11 =	vmul.u32 $0x7, v9;
	s10 =	smul.u32 $0x68DB8BAD, s10;
	_ =	sdelay $0x1  }
0x3b6: {  	v11 =	vadd.s32 v1, v11;
	[smem:$0x6C0] =	sst s10;
	s10 =	spop (v2sf)  }
0x3b7: {  	(v2sf) =	vpush v11, $0xD;
	[smem:$0x6BF] =	sst s11;
	s11 =	smulhi.u32 $0x68DB8BAD, s10;
	s10 =	sshra.s32 s10, $0x1F  }
0x3b8: {  	s10 =	smul.u32 $0x68DB8BAD, s10;
	_ =	sdelay $0x1  }
0x3b9: {  	[smem:$0x6C2] =	sst s10;
	s10 =	spop (v2sf)  }
0x3ba: {  	(v2sf) =	vpush v11, $0xC;
	[smem:$0x6C1] =	sst s11;
	s11 =	smulhi.u32 $0x68DB8BAD, s10;
	s10 =	sshra.s32 s10, $0x1F  }
0x3bb: {  	s10 =	smul.u32 $0x68DB8BAD, s10;
	_ =	sdelay $0x1  }
0x3bc: {  	(v2sf) =	vpush v11, $0xE;
	[smem:$0x6C4] =	sst s10;
	s10 =	spop (v2sf)  }
0x3bd: {  	(v2sf) =	vpush v11, $0xF;
	[smem:$0x6C3] =	sst s11;
	s11 =	smulhi.u32 $0x68DB8BAD, s10;
	s10 =	sshra.s32 s10, $0x1F  }
0x3be: {  	(v2sf) =	vpush v11, $0x9;
	s10 =	smul.u32 $0x68DB8BAD, s10  }
0x3bf: {  	(v2sf) =	vpush v11, $0x8;
	[smem:$0x6C5] =	sst s11  }
0x3c0: {  	[smem:$0x6C6] =	sst s10;
	s10 =	spop (v2sf)  }
0x3c1: {  	s11 =	smulhi.u32 $0x68DB8BAD, s10;
	s10 =	sshra.s32 s10, $0x1F  }
0x3c2: {  	s10 =	smul.u32 $0x68DB8BAD, s10;
	_ =	sdelay $0x1  }
0x3c3: {  	[smem:$0x6C8] =	sst s10;
	s10 =	spop (v2sf)  }
0x3c4: {  	[smem:$0x6C7] =	sst s11;
	s11 =	smulhi.u32 $0x68DB8BAD, s10;
	s10 =	sshra.s32 s10, $0x1F  }
0x3c5: {  	s10 =	smul.u32 $0x68DB8BAD, s10;
	_ =	sdelay $0x1  }
0x3c6: {  	[smem:$0x6CA] =	sst s10;
	s10 =	spop (v2sf)  }
0x3c7: {  	[smem:$0x6C9] =	sst s11;
	s11 =	smulhi.u32 $0x68DB8BAD, s10;
	s10 =	sshra.s32 s10, $0x1F  }
0x3c8: {  	s10 =	smul.u32 $0x68DB8BAD, s10;
	_ =	sdelay $0x1  }
0x3c9: {  	[smem:$0x6CC] =	sst s10;
	s10 =	spop (v2sf)  }
0x3ca: {  	(v2sf) =	vpush v11, $0xA;
	[smem:$0x6CB] =	sst s11;
	s11 =	smulhi.u32 $0x68DB8BAD, s10;
	s10 =	sshra.s32 s10, $0x1F  }
0x3cb: {  	s10 =	smul.u32 $0x68DB8BAD, s10;
	_ =	sdelay $0x1  }
0x3cc: {  	[smem:$0x6CE] =	sst s10;
	s10 =	spop (v2sf)  }
0x3cd: {  	(v2sf) =	vpush v11, $0xB;
	[smem:$0x6CD] =	sst s11;
	s11 =	smulhi.u32 $0x68DB8BAD, s10;
	s10 =	sshra.s32 s10, $0x1F  }
0x3ce: {  	s10 =	smul.u32 $0x68DB8BAD, s10;
	_ =	sdelay $0x1  }
0x3cf: {  	[smem:$0x6D0] =	sst s10;
	s10 =	spop (v2sf)  }
0x3d0: {  	(v2sf) =	vpush v11, $0x0;
	[smem:$0x6CF] =	sst s11;
	s11 =	smulhi.u32 $0x68DB8BAD, s10;
	s10 =	sshra.s32 s10, $0x1F  }
0x3d1: {  	s10 =	smul.u32 $0x68DB8BAD, s10;
	_ =	sdelay $0x1  }
0x3d2: {  	[smem:$0x6D2] =	sst s10;
	s10 =	spop (v2sf)  }
0x3d3: {  	(v2sf) =	vpush v11, $0x1;
	[smem:$0x6D1] =	sst s11;
	s11 =	smulhi.u32 $0x68DB8BAD, s10;
	s10 =	sshra.s32 s10, $0x1F  }
0x3d4: {  	s10 =	smul.u32 $0x68DB8BAD, s10  }
0x3d5: {  	[smem:$0x6D3] =	sst s11  }
0x3d6: {  	s11 =	sadd.s32 $0x30, s12;
	[smem:$0x6D4] =	sst s10;
	s10 =	spop (v2sf)  }
0x3d7: {  	(v2sf) =	vpush v11, $0x2;
	v12 =	vor.u32 s11, v2;
	s11 =	smulhi.u32 $0x68DB8BAD, s10;
	s10 =	sshra.s32 s10, $0x1F  }
0x3d8: {  	s15 =	sadd.s32 s15, s13;
	s10 =	smul.u32 $0x68DB8BAD, s10  }
0x3d9: {  	[smem:$0x705] =	sst s15  }
0x3da: {  	s14 =	sadd.s32 s17, s14;
	[smem:$0x6D6] =	sst s10;
	s10 =	spop (v2sf)  }
0x3db: {  	(v2sf) =	vpush v11, $0x3;
	[smem:$0x6D5] =	sst s11;
	s11 =	smulhi.u32 $0x68DB8BAD, s10;
	s10 =	sshra.s32 s10, $0x1F  }
0x3dc: {  	s17 =	sadd.s32 s19, s16;
	[smem:$0x706] =	sst s14;
	s10 =	smul.u32 $0x68DB8BAD, s10  }
0x3dd: {  	[smem:$0x708] =	sst s17  }
0x3de: {  	s18 =	sadd.s32 s21, s18;
	[smem:$0x6D8] =	sst s10;
	s10 =	spop (v2sf)  }
0x3df: {  	(v2sf) =	vpush v11, $0x4;
	[smem:$0x6D7] =	sst s11;
	s11 =	smulhi.u32 $0x68DB8BAD, s10;
	s10 =	sshra.s32 s10, $0x1F  }
0x3e0: {  	s21 =	sadd.s32 s23, s20;
	[smem:$0x709] =	sst s18;
	s10 =	smul.u32 $0x68DB8BAD, s10  }
0x3e1: {  	[smem:$0x70C] =	sst s21  }
0x3e2: {  	s23 =	sadd.s32 s24, s22;
	[smem:$0x6DA] =	sst s10;
	s10 =	spop (v2sf)  }
0x3e3: {  	(v2sf) =	vpush v11, $0x5;
	[smem:$0x6D9] =	sst s11;
	s11 =	smulhi.u32 $0x68DB8BAD, s10;
	s10 =	sshra.s32 s10, $0x1F  }
0x3e4: {  	s25 =	sadd.s32 s29, s25;
	[smem:$0x70B] =	sst s23;
	s10 =	smul.u32 $0x68DB8BAD, s10  }
0x3e5: {  	[smem:$0x70E] =	sst s25  }
0x3e6: {  	s29 =	sadd.s32 s30, s28;
	[smem:$0x6DC] =	sst s10;
	s10 =	spop (v2sf)  }
0x3e7: {  	(v2sf) =	vpush v11, $0x6;
	[smem:$0x6DB] =	sst s11;
	s11 =	smulhi.u32 $0x68DB8BAD, s10;
	s10 =	sshra.s32 s10, $0x1F  }
0x3e8: {  	s7 =	sadd.s32 s7, s31;
	[smem:$0x710] =	sst s29;
	s10 =	smul.u32 $0x68DB8BAD, s10  }
0x3e9: {  	[smem:$0x704] =	sst s7  }
0x3ea: {  	[smem:$0x6DE] =	sst s10;
	s10 =	spop (v2sf)  }
0x3eb: {  	v13 =	vmul.u32 $0x7, v12;
	[smem:$0x6DD] =	sst s11;
	s11 =	smulhi.u32 $0x68DB8BAD, s10;
	s10 =	sshra.s32 s10, $0x1F  }
0x3ec: {  	[smem:$0x743] =	sst s12;
	(v2sf) =	vpush v11, $0x7;
	s10 =	smul.u32 $0x68DB8BAD, s10  }
0x3ed: {  	s14 =	sld [smem:$0x6A5];
	v15 =	vadd.s32 v1, v13  }
0x3ee: {  	(v2sf) =	vpush v15, $0xD;
	[smem:$0x6E0] =	sst s10;
	s10 =	spop (v2sf)  }
0x3ef: {  	[smem:$0x6DF] =	sst s11;
	s11 =	smulhi.u32 $0x68DB8BAD, s10;
	s10 =	sshra.s32 s10, $0x1F  }
0x3f0: {  	s16 =	sld [smem:$0x6A6];
	(v2sf) =	vpush v15, $0xC;
	s10 =	smul.u32 $0x68DB8BAD, s10  }
0x3f1: {  	s28 =	sld [smem:$0x6A8]  }
0x3f2: {  	(v2sf) =	vpush v15, $0xE;
	[smem:$0x6E2] =	sst s10;
	s10 =	spop (v2sf)  }
0x3f3: {  	[smem:$0x6E1] =	sst s11;
	s11 =	smulhi.u32 $0x68DB8BAD, s10;
	s10 =	sshra.s32 s10, $0x1F  }
0x3f4: {  	s21 =	sld [smem:$0x6A7];
	(v2sf) =	vpush v15, $0xF;
	s10 =	smul.u32 $0x68DB8BAD, s10  }
0x3f5: {  	s2 =	sadd.s32 s2, s28;
	s28 =	sld [smem:$0x6B1]  }
0x3f6: {  	(v2sf) =	vpush v15, $0x9;
	[smem:$0x6E4] =	sst s10;
	s10 =	spop (v2sf)  }
0x3f7: {  	s1 =	sadd.s32 s1, s14;
	[smem:$0x6E3] =	sst s11;
	s11 =	smulhi.u32 $0x68DB8BAD, s10  }
0x3f8: {  	[smem:$0x70A] =	sst s1;
	s10 =	sshra.s32 s10, $0x1F  }
0x3f9: {  	(v2sf) =	vpush v15, $0x8;
	s10 =	smul.u32 $0x68DB8BAD, s10;
	[smem:$0x6E5] =	sst s11  }
0x3fa: {  	s11 =	sld [smem:$0x6A4]  }
0x3fb: {  	[smem:$0x6E6] =	sst s10;
	s10 =	spop (v2sf)  }
0x3fc: {  	[smem:$0x711] =	sst s2;
	s13 =	smulhi.u32 $0x68DB8BAD, s10;
	s10 =	sshra.s32 s10, $0x1F  }
0x3fd: {  	s15 =	spop (v2sf);
	s10 =	smul.u32 $0x68DB8BAD, s10  }
0x3fe: {  	s17 =	smulhi.u32 $0x68DB8BAD, s15;
	s3 =	sadd.s32 s3, s11;
	s11 =	sld [smem:$0x6AB]  }
0x3ff: {  	(v2sf) =	vpush v15, $0xA;
	s19 =	spop (v2sf);
	[smem:$0x6E7] =	sst s13  }
0x400: {  	s18 =	smulhi.u32 $0x68DB8BAD, s19;
	[smem:$0x707] =	sst s3  }
0x401: {  	s24 =	spop (v2sf);
	s3 =	sadd.s32 s4, s16;
	s16 =	sld [smem:$0x6AE]  }
0x402: {  	[smem:$0x6E8] =	sst s10;
	s22 =	smulhi.u32 $0x68DB8BAD, s24  }
0x403: {  	s10 =	sshra.s32 s15, $0x1F;
	s30 =	spop (v2sf);
	[smem:$0x70D] =	sst s3  }
0x404: {  	s3 =	sadd.s32 s8, s21;
	s21 =	sld [smem:$0x6AF];
	s10 =	smul.u32 $0x68DB8BAD, s10  }
0x405: {  	s13 =	spop (v2sf);
	[smem:$0x70F] =	sst s3  }
0x406: {  	s7 =	smulhi.u32 $0x68DB8BAD, s13;
	s15 =	sshra.s32 s13, $0x1F;
	s13 =	sld [smem:$0x6AC]  }
0x407: {  	[smem:$0x6E9] =	sst s10;
	s10 =	sshra.s32 s19, $0x1F;
	s1 =	smul.u32 $0x68DB8BAD, s15  }
0x408: {  	s31 =	sshra.s32 s30, $0x1F;
	s19 =	spop (v2sf);
	s20 =	smul.u32 $0x68DB8BAD, s10  }
0x409: {  	s15 =	sld [smem:$0x6AD];
	s10 =	sshra.s32 s24, $0x1F;
	s24 =	smulhi.u32 $0x68DB8BAD, s30  }
0x40a: {  	s30 =	smul.u32 $0x68DB8BAD, s31;
	s31 =	sld [smem:$0x6A9]  }
0x40b: {  	s29 =	smul.u32 $0x68DB8BAD, s10;
	[smem:$0x6EA] =	sst s1;
	s1 =	sshra.s32 s19, $0x1F  }
0x40c: {  	s10 =	sld [smem:$0x6AA];
	s1 =	smul.u32 $0x68DB8BAD, s1  }
0x40d: {  	(v2sf) =	vpush v15, $0xB;
	s2 =	sadd.s32 s6, s31;
	s31 =	sld [smem:$0x6B2]  }
0x40e: {  	s23 =	spop (v2sf);
	[smem:$0x6EB] =	sst s1  }
0x40f: {  	s4 =	smulhi.u32 $0x68DB8BAD, s23;
	[smem:$0x712] =	sst s2  }
0x410: {  	(v2sf) =	vpush v15, $0x0;
	s1 =	sshra.s32 s23, $0x1F;
	s2 =	sadd.s32 s5, s10;
	s23 =	sld [smem:$0x6B0]  }
0x411: {  	[smem:$0x703] =	sst s2  }
0x412: {  	s2 =	sadd.s32 s13, s11;
	s11 =	sld [smem:$0x6B3]  }
0x413: {  	s13 =	sld [smem:$0x6B4]  }
0x414: {  	(v2sf) =	vpush v15, $0x1;
	[smem:$0x713] =	sst s2  }
0x415: {  	s2 =	sadd.s32 s16, s15;
	s15 =	sld [smem:$0x6B5]  }
0x416: {  	s16 =	sld [smem:$0x6B6]  }
0x417: {  	[smem:$0x715] =	sst s2  }
0x418: {  	s2 =	sadd.s32 s23, s21;
	s21 =	sld [smem:$0x6B7]  }
0x419: {  	s23 =	sld [smem:$0x6B8]  }
0x41a: {  	[smem:$0x717] =	sst s2  }
0x41b: {  	(v2sf) =	vpush v15, $0x2;
	s6 =	smul.u32 $0x68DB8BAD, s1;
	s2 =	sadd.s32 s31, s28;
	s28 =	sld [smem:$0x6B9]  }
0x41c: {  	s3 =	spop (v2sf);
	s31 =	sld [smem:$0x6BA]  }
0x41d: {  	s5 =	smulhi.u32 $0x68DB8BAD, s3;
	s1 =	sshra.s32 s3, $0x1F;
	s3 =	sld [smem:$0x6C2]  }
0x41e: {  	s8 =	smulhi.u32 $0x68DB8BAD, s19;
	[smem:$0x719] =	sst s2  }
0x41f: {  	s14 =	spop (v2sf);
	s2 =	sadd.s32 s13, s11;
	s11 =	sld [smem:$0x6BB]  }
0x420: {  	(v2sf) =	vpush v15, $0x3;
	s1 =	smul.u32 $0x68DB8BAD, s1;
	[smem:$0x71D] =	sst s2  }
0x421: {  	s19 =	smulhi.u32 $0x68DB8BAD, s14;
	s2 =	sadd.s32 s16, s15;
	s15 =	sld [smem:$0x6BC]  }
0x422: {  	s25 =	sadd.s32 $0x40, s12;
	[smem:$0x6EC] =	sst s1  }
0x423: {  	v13 =	vor.u32 s25, v2;
	(v2sf) =	vpush v15, $0x4;
	s25 =	spop (v2sf);
	[smem:$0x6ED] =	sst s19  }
0x424: {  	s10 =	smulhi.u32 $0x68DB8BAD, s25;
	[smem:$0x71B] =	sst s2  }
0x425: {  	s2 =	sadd.s32 s23, s21;
	s21 =	sld [smem:$0x6BE]  }
0x426: {  	(v2sf) =	vpush v15, $0x5;
	[smem:$0x6EF] =	sst s10  }
0x427: {  	s0 =	smul.u32 $0x68DB8BAD, s0;
	[smem:$0x71F] =	sst s2  }
0x428: {  	s2 =	sadd.s32 s31, s28;
	s28 =	sld [smem:$0x6C0]  }
0x429: {  	s0 =	sadd.s32 s0, s11;
	s11 =	sld [smem:$0x6C4]  }
0x42a: {  	s1 =	sshra.s32 s14, $0x1F;
	s14 =	spop (v2sf);
	[smem:$0x721] =	sst s2  }
0x42b: {  	s1 =	smul.u32 $0x68DB8BAD, s1;
	[smem:$0x716] =	sst s0  }
0x42c: {  	s19 =	smulhi.u32 $0x68DB8BAD, s14;
	s2 =	sld [smem:$0x6C1]  }
0x42d: {  	[smem:$0x6EE] =	sst s1  }
0x42e: {  	s1 =	sshra.s32 s25, $0x1F;
	[smem:$0x6F1] =	sst s19  }
0x42f: {  	s25 =	spop (v2sf);
	s1 =	smul.u32 $0x68DB8BAD, s1  }
0x430: {  	s19 =	sld [smem:$0x6BD];
	s10 =	smulhi.u32 $0x68DB8BAD, s25  }
0x431: {  	[smem:$0x6F0] =	sst s1  }
0x432: {  	s1 =	sshra.s32 s14, $0x1F;
	[smem:$0x6F3] =	sst s10;
	s14 =	spop (v2sf)  }
0x433: {  	s10 =	sld [smem:$0x6C3];
	s1 =	smul.u32 $0x68DB8BAD, s1  }
0x434: {  	(v2sf) =	vpush v15, $0x6;
	s16 =	smulhi.u32 $0x68DB8BAD, s14;
	s0 =	sshra.s32 s14, $0x1F;
	s14 =	sld [smem:$0x6C5]  }
0x435: {  	(v2sf) =	vpush v15, $0x7;
	s23 =	spop (v2sf);
	[smem:$0x6F2] =	sst s1  }
0x436: {  	s0 =	smul.u32 $0x68DB8BAD, s0;
	[smem:$0x6F5] =	sst s16  }
0x437: {  	s31 =	smulhi.u32 $0x68DB8BAD, s23;
	s1 =	sshra.s32 s25, $0x1F;
	s25 =	sld [smem:$0x6BF]  }
0x438: {  	s9 =	smul.u32 $0x68DB8BAD, s9;
	[smem:$0x6F6] =	sst s0  }
0x439: {  	[smem:$0x6F7] =	sst s31  }
0x43a: {  	v14 =	vmul.u32 $0x7, v13;
	s13 =	smul.u32 $0x68DB8BAD, s1;
	s1 =	sadd.s32 s9, s15;
	s15 =	sld [smem:$0x6C6]  }
0x43b: {  	[smem:$0x718] =	sst s1  }
0x43c: {  	v14 =	vadd.s32 v1, v14;
	s1 =	sadd.s32 s21, s19;
	s19 =	sld [smem:$0x6C7]  }
0x43d: {  	(v2sf) =	vpush v14, $0xD;
	s21 =	sld [smem:$0x6C8]  }
0x43e: {  	[smem:$0x6F4] =	sst s13  }
0x43f: {  	[smem:$0x71A] =	sst s1  }
0x440: {  	s0 =	sshra.s32 s23, $0x1F;
	s1 =	sadd.s32 s28, s25;
	s25 =	sld [smem:$0x6C9]  }
0x441: {  	s0 =	smul.u32 $0x68DB8BAD, s0;
	s28 =	sld [smem:$0x6CA]  }
0x442: {  	[smem:$0x71C] =	sst s1  }
0x443: {  	s9 =	spop (v2sf);
	[smem:$0x6F8] =	sst s0  }
0x444: {  	s16 =	spop (v2sf);
	s1 =	sadd.s32 s3, s2;
	s3 =	sld [smem:$0x6CB]  }
0x445: {  	(v2sf) =	vpush v14, $0xC;
	s13 =	smulhi.u32 $0x68DB8BAD, s9;
	s0 =	sshra.s32 s9, $0x1F;
	s9 =	sld [smem:$0x6CC]  }
0x446: {  	s23 =	smulhi.u32 $0x68DB8BAD, s16;
	[smem:$0x71E] =	sst s1  }
0x447: {  	[smem:$0x6F9] =	sst s13  }
0x448: {  	[smem:$0x6FB] =	sst s23  }
0x449: {  	s1 =	sadd.s32 s11, s10;
	s11 =	sld [smem:$0x6CD]  }
0x44a: {  	s13 =	sld [smem:$0x6CE]  }
0x44b: {  	s23 =	sld [smem:$0x6D2]  }
0x44c: {  	s31 =	spop (v2sf);
	[smem:$0x720] =	sst s1  }
0x44d: {  	(v2sf) =	vpush v14, $0xE;
	s0 =	smul.u32 $0x68DB8BAD, s0;
	s1 =	sadd.s32 s15, s14;
	s15 =	sld [smem:$0x6CF]  }
0x44e: {  	s10 =	smulhi.u32 $0x68DB8BAD, s31;
	[smem:$0x722] =	sst s1  }
0x44f: {  	[smem:$0x6FA] =	sst s0  }
0x450: {  	[smem:$0x6FD] =	sst s10  }
0x451: {  	s0 =	sshra.s32 s16, $0x1F;
	s16 =	sld [smem:$0x6D0]  }
0x452: {  	s1 =	sadd.s32 s21, s19;
	s21 =	sld [smem:$0x6D1]  }
0x453: {  	s10 =	sld [smem:$0x6D6]  }
0x454: {  	s14 =	spop (v2sf);
	[smem:$0x714] =	sst s1  }
0x455: {  	(v2sf) =	vpush v14, $0xF;
	s19 =	smulhi.u32 $0x68DB8BAD, s14;
	s1 =	sadd.s32 s28, s25;
	s28 =	sld [smem:$0x6D3]  }
0x456: {  	[smem:$0x723] =	sst s1  }
0x457: {  	[smem:$0x6FF] =	sst s19  }
0x458: {  	s0 =	smul.u32 $0x68DB8BAD, s0;
	s1 =	sadd.s32 s9, s3;
	s9 =	sld [smem:$0x6D5]  }
0x459: {  	s19 =	sld [smem:$0x6DA]  }
0x45a: {  	[smem:$0x6FC] =	sst s0  }
0x45b: {  	[smem:$0x724] =	sst s1  }
0x45c: {  	(v2sf) =	vpush v14, $0x9;
	s25 =	spop (v2sf);
	s0 =	sshra.s32 s31, $0x1F;
	s31 =	sld [smem:$0x6D4]  }
0x45d: {  	(v2sf) =	vpush v14, $0x8;
	s3 =	smulhi.u32 $0x68DB8BAD, s25;
	s1 =	sadd.s32 s13, s11;
	s13 =	sld [smem:$0x6D7]  }
0x45e: {  	[smem:$0x725] =	sst s1  }
0x45f: {  	[smem:$0x701] =	sst s3  }
0x460: {  	s1 =	sadd.s32 s16, s15;
	s16 =	sld [smem:$0x6D9]  }
0x461: {  	s3 =	sld [smem:$0x6DD]  }
0x462: {  	s0 =	smul.u32 $0x68DB8BAD, s0;
	[smem:$0x727] =	sst s1  }
0x463: {  	s1 =	sadd.s32 s23, s21;
	s23 =	sld [smem:$0x6DB]  }
0x464: {  	s11 =	spop (v2sf);
	[smem:$0x6FE] =	sst s0  }
0x465: {  	s15 =	smulhi.u32 $0x68DB8BAD, s11;
	[smem:$0x729] =	sst s1  }
0x466: {  	s0 =	sshra.s32 s14, $0x1F;
	s14 =	sld [smem:$0x6D8]  }
0x467: {  	[smem:$0x702] =	sst s15  }
0x468: {  	s1 =	sadd.s32 s31, s28;
	s31 =	sld [smem:$0x6DC]  }
0x469: {  	[smem:$0x72B] =	sst s1  }
0x46a: {  	s0 =	smul.u32 $0x68DB8BAD, s0;
	s1 =	sadd.s32 s10, s9;
	s9 =	sld [smem:$0x6DE]  }
0x46b: {  	s21 =	spop (v2sf);
	[smem:$0x72E] =	sst s1  }
0x46c: {  	(v2sf) =	vpush v14, $0xA;
	s10 =	spop (v2sf);
	[smem:$0x700] =	sst s0  }
0x46d: {  	s0 =	sshra.s32 s25, $0x1F;
	s1 =	sadd.s32 s14, s13;
	s13 =	sld [smem:$0x6E0]  }
0x46e: {  	s28 =	smul.u32 $0x68DB8BAD, s0;
	[smem:$0x731] =	sst s1  }
0x46f: {  	s0 =	sshra.s32 s11, $0x1F;
	s1 =	sadd.s32 s19, s16;
	s11 =	sld [smem:$0x6DF]  }
0x470: {  	[smem:$0x728] =	sst s1;
	s25 =	smul.u32 $0x68DB8BAD, s0;
	s1 =	sadd.s32 s31, s23  }
0x471: {  	s23 =	smulhi.u32 $0x68DB8BAD, s21;
	[smem:$0x72A] =	sst s1  }
0x472: {  	s0 =	sshra.s32 s21, $0x1F;
	s1 =	sadd.s32 s9, s3;
	s3 =	sld [smem:$0x6E1]  }
0x473: {  	(v2sf) =	vpush v14, $0xB;
	s21 =	smulhi.u32 $0x68DB8BAD, s10;
	s31 =	sadd.s32 $0x50, s12;
	s9 =	sld [smem:$0x6E2]  }
0x474: {  	(v2sf) =	vpush v14, $0x0;
	s19 =	smul.u32 $0x68DB8BAD, s0;
	s0 =	sshra.s32 s10, $0x1F;
	s10 =	sld [smem:$0x6E3]  }
0x475: {  	v16 =	vor.u32 s31, v2;
	s31 =	sld [smem:$0x6E6]  }
0x476: {  	[smem:$0x72C] =	sst s1  }
0x477: {  	s1 =	sadd.s32 s13, s11;
	s11 =	sld [smem:$0x6E4]  }
0x478: {  	s13 =	sld [smem:$0x6E5]  }
0x479: {  	[smem:$0x72D] =	sst s1  }
0x47a: {  	s2 =	sadd.s32 s9, s3;
	s3 =	sld [smem:$0x6E7]  }
0x47b: {  	(v2sf) =	vpush v14, $0x1;
	s14 =	spop (v2sf);
	s19 =	sadd.s32 s19, s23;
	s9 =	sld [smem:$0x6E8]  }
0x47c: {  	s16 =	smul.u32 $0x68DB8BAD, s0;
	[smem:$0x748] =	sst s19  }
0x47d: {  	(v2sf) =	vpush v14, $0x2;
	s15 =	smulhi.u32 $0x68DB8BAD, s14;
	s0 =	sshra.s32 s14, $0x1F;
	[smem:$0x72F] =	sst s2  }
0x47e: {  	(v2sf) =	vpush v14, $0x3;
	s16 =	sadd.s32 s16, s21;
	s1 =	sadd.s32 s11, s10;
	s11 =	sld [smem:$0x6E9]  }
0x47f: {  	s14 =	smul.u32 $0x68DB8BAD, s0;
	[smem:$0x749] =	sst s16  }
0x480: {  	[smem:$0x730] =	sst s1  }
0x481: {  	(v2sf) =	vpush v14, $0x4;
	s14 =	sadd.s32 s14, s15;
	s1 =	sadd.s32 s31, s13;
	s31 =	sld [smem:$0x6EB]  }
0x482: {  	s12 =	spop (v2sf);
	[smem:$0x74B] =	sst s14  }
0x483: {  	s0 =	sshra.s32 s12, $0x1F;
	s10 =	spop (v2sf);
	[smem:$0x732] =	sst s1  }
0x484: {  	s1 =	sadd.s32 s9, s3;
	s3 =	sadd.s32 s6, s4;
	s4 =	sld [smem:$0x6EC]  }
0x485: {  	s13 =	smulhi.u32 $0x68DB8BAD, s12;
	[smem:$0x726] =	sst s1;
	s1 =	sadd.s32 s11, s17  }
0x486: {  	s17 =	sadd.s32 s20, s18;
	s20 =	sadd.s32 s29, s22;
	s29 =	sld [smem:$0x6EA]  }
0x487: {  	s12 =	smul.u32 $0x68DB8BAD, s0;
	[smem:$0x740] =	sst s3  }
0x488: {  	(v2sf) =	vpush v14, $0x5;
	s0 =	sshra.s32 s10, $0x1F;
	s11 =	smulhi.u32 $0x68DB8BAD, s10;
	[smem:$0x736] =	sst s1  }
0x489: {  	s10 =	smul.u32 $0x68DB8BAD, s0;
	[smem:$0x733] =	sst s17  }
0x48a: {  	s18 =	spop (v2sf);
	s22 =	sadd.s32 s30, s24;
	[smem:$0x737] =	sst s20  }
0x48b: {  	s9 =	smulhi.u32 $0x68DB8BAD, s18;
	[smem:$0x73A] =	sst s22  }
0x48c: {  	s0 =	sshra.s32 s18, $0x1F;
	s24 =	spop (v2sf);
	s17 =	sld [smem:$0x6EF]  }
0x48d: {  	(v2sf) =	vpush v14, $0x6;
	s30 =	smul.u32 $0x68DB8BAD, s0;
	s0 =	sshra.s32 s24, $0x1F;
	s2 =	spop (v2sf)  }
0x48e: {  	s1 =	sadd.s32 s29, s7;
	s29 =	smulhi.u32 $0x68DB8BAD, s24;
	s7 =	sld [smem:$0x6ED]  }
0x48f: {  	s24 =	smul.u32 $0x68DB8BAD, s0;
	s0 =	sshra.s32 s2, $0x1F;
	[smem:$0x73E] =	sst s1  }
0x490: {  	s6 =	spop (v2sf);
	s1 =	sadd.s32 s31, s8;
	s8 =	sld [smem:$0x6EE]  }
0x491: {  	s20 =	smul.u32 $0x68DB8BAD, s0;
	s31 =	sld [smem:$0x6F0]  }
0x492: {  	s18 =	smulhi.u32 $0x68DB8BAD, s6;
	s0 =	sshra.s32 s6, $0x1F;
	s6 =	sld [smem:$0x6F3]  }
0x493: {  	[smem:$0x73C] =	sst s1  }
0x494: {  	(v2sf) =	vpush v14, $0x7;
	s1 =	sadd.s32 s4, s5;
	s4 =	sld [smem:$0x6F1]  }
0x495: {  	s5 =	sld [smem:$0x6F2]  }
0x496: {  	[smem:$0x742] =	sst s1  }
0x497: {  	s3 =	spop (v2sf);
	s1 =	sadd.s32 s8, s7;
	s7 =	sld [smem:$0x6F4]  }
0x498: {  	s8 =	smulhi.u32 $0x68DB8BAD, s3;
	[smem:$0x734] =	sst s1;
	s1 =	sadd.s32 s31, s17  }
0x499: {  	s17 =	smul.u32 $0x68DB8BAD, s0;
	s0 =	sshra.s32 s3, $0x1F;
	s3 =	sld [smem:$0x6F5]  }
0x49a: {  	[smem:$0x735] =	sst s1  }
0x49b: {  	s1 =	sadd.s32 s5, s4;
	s4 =	sld [smem:$0x6F6]  }
0x49c: {  	s31 =	spop (v2sf);
	s5 =	sld [smem:$0x6F7]  }
0x49d: {  	[smem:$0x738] =	sst s1;
	s1 =	sadd.s32 s7, s6;
	s7 =	smul.u32 $0x68DB8BAD, s0  }
0x49e: {  	s6 =	smulhi.u32 $0x68DB8BAD, s31;
	s0 =	sshra.s32 s31, $0x1F;
	s31 =	sld [smem:$0x6F8]  }
0x49f: {  	[smem:$0x73B] =	sst s1  }
0x4a0: {  	v17 =	vmul.u32 $0x7, v16;
	s1 =	sadd.s32 s4, s3;
	s4 =	sld [smem:$0x6F9]  }
0x4a1: {  	[smem:$0x73D] =	sst s1  }
0x4a2: {  	v17 =	vadd.s32 v1, v17;
	s12 =	sadd.s32 s12, s13;
	s1 =	sadd.s32 s31, s5;
	s31 =	sld [smem:$0x6FA]  }
0x4a3: {  	(v2sf) =	vpush v17, $0xD;
	[dreg:$0x19] =	wrdreg s12;
	s3 =	spop (v2sf)  }
0x4a4: {  	s5 =	smul.u32 $0x68DB8BAD, s0;
	s0 =	sshra.s32 s3, $0x1F;
	[smem:$0x73F] =	sst s1  }
0x4a5: {  	s1 =	sadd.s32 s31, s4;
	s4 =	smulhi.u32 $0x68DB8BAD, s3;
	s3 =	sld [smem:$0x6FB]  }
0x4a6: {  	(v2sf) =	vpush v17, $0xC;
	s31 =	sld [smem:$0x6FC]  }
0x4a7: {  	s22 =	smulhi.u32 $0x68DB8BAD, s2;
	s2 =	sld [smem:$0x6FD]  }
0x4a8: {  	(v2sf) =	vpush v17, $0xE;
	[smem:$0x741] =	sst s1  }
0x4a9: {  	s10 =	sadd.s32 s10, s11;
	s1 =	sadd.s32 s31, s3;
	s31 =	sld [smem:$0x6FE]  }
0x4aa: {  	(v2sf) =	vpush v17, $0xF;
	[smem:$0x74A] =	sst s10  }
0x4ab: {  	(v2sf) =	vpush v17, $0x9;
	[smem:$0x739] =	sst s1  }
0x4ac: {  	s1 =	sadd.s32 s31, s2;
	s31 =	sld [smem:$0x700]  }
0x4ad: {  	(v2sf) =	vpush v17, $0x8;
	[smem:$0x744] =	sst s1  }
0x4ae: {  	s17 =	sadd.s32 s17, s18;
	s1 =	sld [smem:$0x6FF]  }
0x4af: {  	[dreg:$0x1b] =	wrdreg s17;
	s7 =	sadd.s32 s7, s8  }
0x4b0: {  	(v2sf) =	vpush v17, $0xA;
	[dreg:$0x18] =	wrdreg s7  }
0x4b1: {  	s1 =	sadd.s32 s31, s1;
	s31 =	sld [smem:$0x701]  }
0x4b2: {  	(v2sf) =	vpush v17, $0xB;
	s3 =	smul.u32 $0x68DB8BAD, s0;
	s0 =	spop (v2sf)  }
0x4b3: {  	(v2sf) =	vpush v17, $0x0;
	s2 =	smulhi.u32 $0x68DB8BAD, s0;
	[smem:$0x745] =	sst s1  }
0x4b4: {  	s0 =	sshra.s32 s0, $0x1F;
	s28 =	sadd.s32 s28, s31;
	s31 =	sld [smem:$0x702]  }
0x4b5: {  	s21 =	sadd.s32 s30, s9;
	s1 =	smul.u32 $0x68DB8BAD, s0;
	s0 =	spop (v2sf)  }
0x4b6: {  	[smem:$0x746] =	sst s28;
	s28 =	smulhi.u32 $0x68DB8BAD, s0;
	s0 =	sshra.s32 s0, $0x1F  }
0x4b7: {  	s0 =	smul.u32 $0x68DB8BAD, s0;
	s25 =	sadd.s32 s25, s31;
	s31 =	spop (v2sf)  }
0x4b8: {  	(v2sf) =	vpush v17, $0x1;
	[smem:$0x747] =	sst s25;
	s19 =	smulhi.u32 $0x68DB8BAD, s31;
	s31 =	sshra.s32 s31, $0x1F  }
0x4b9: {  	(v2sf) =	vpush v17, $0x2;
	s23 =	spop (v2sf);
	s0 =	sadd.s32 s0, s28;
	s16 =	smul.u32 $0x68DB8BAD, s31  }
0x4ba: {  	s14 =	smulhi.u32 $0x68DB8BAD, s23;
	s25 =	sshra.s32 s23, $0x1F;
	s31 =	spop (v2sf)  }
0x4bb: {  	s18 =	sadd.s32 s3, s4;
	[smem:$0x74C] =	sst s0;
	s12 =	smul.u32 $0x68DB8BAD, s25  }
0x4bc: {  	s10 =	smulhi.u32 $0x68DB8BAD, s31;
	s15 =	sshra.s32 s31, $0x1F;
	s23 =	spop (v2sf)  }
0x4bd: {  	s25 =	sadd.s32 s24, s29;
	s29 =	sadd.s32 s20, s22;
	s9 =	smul.u32 $0x68DB8BAD, s15  }
0x4be: {  	(v2sf) =	vpush v17, $0x3;
	[dreg:$0x1f] =	wrdreg s25;
	s13 =	smulhi.u32 $0x68DB8BAD, s23;
	s11 =	sshra.s32 s23, $0x1F  }
0x4bf: {  	s20 =	sadd.s32 s5, s6;
	s30 =	spop (v2sf);
	s11 =	smul.u32 $0x68DB8BAD, s11  }
0x4c0: {  	[dreg:$0x1d] =	wrdreg s29;
	s17 =	smulhi.u32 $0x68DB8BAD, s30;
	s15 =	sshra.s32 s30, $0x1F  }
0x4c1: {  	s31 =	spop (v2sf);
	s30 =	sadd.s32 s12, s14;
	s7 =	smul.u32 $0x68DB8BAD, s15  }
0x4c2: {  	s5 =	smulhi.u32 $0x68DB8BAD, s31;
	s8 =	sshra.s32 s31, $0x1F;
	s15 =	spop (v2sf)  }
0x4c3: {  	[dreg:$0x14] =	wrdreg s30;
	s10 =	sadd.s32 s9, s10;
	s3 =	smul.u32 $0x68DB8BAD, s8  }
0x4c4: {  	s25 =	sadd.s32 s1, s2;
	s22 =	smulhi.u32 $0x68DB8BAD, s15;
	[smem:$0x74D] =	sst s10  }
0x4c5: {  	s23 =	sshra.s32 s15, $0x1F;
	s14 =	sadd.s32 s11, s13;
	s11 =	sld [smem:$0x707]  }
0x4c6: {  	s24 =	smul.u32 $0x68DB8BAD, s23;
	[smem:$0x74E] =	sst s14;
	s7 =	sadd.s32 s7, s17  }
0x4c7: {  	s23 =	sadd.s32 s16, s19;
	[dreg:$0x13] =	wrdreg s7;
	s28 =	spop (v2sf)  }
0x4c8: {  	s3 =	sadd.s32 s3, s5;
	s29 =	smulhi.u32 $0x68DB8BAD, s28;
	s31 =	spop (v2sf)  }
0x4c9: {  	s7 =	sld [smem:$0x705];
	s12 =	smulhi.u32 $0x68DB8BAD, s31;
	s6 =	sshra.s32 s31, $0x1F  }
0x4ca: {  	[dreg:$0x17] =	wrdreg s3;
	s2 =	sshra.s32 s28, $0x1F;
	s6 =	smul.u32 $0x68DB8BAD, s6  }
0x4cb: {  	s30 =	sadd.s32 s24, s22;
	s22 =	sld [smem:$0x704];
	s2 =	smul.u32 $0x68DB8BAD, s2  }
0x4cc: {  	s13 =	sshra.s32 s11, $0xC;
	s24 =	sadd.s32 s6, s12;
	s12 =	sld [smem:$0x703]  }
0x4cd: {  	s14 =	sshrl.u32 s11, $0x1F;
	s28 =	sadd.s32 s2, s29;
	s15 =	spop (v2sf)  }
0x4ce: {  	s29 =	sshrl.u32 s22, $0x1F;
	s16 =	smulhi.u32 $0x68DB8BAD, s15;
	s9 =	sshra.s32 s15, $0x1F  }
0x4cf: {  	s17 =	smul.u32 $0x68DB8BAD, s9;
	s9 =	sld [smem:$0x706];
	s19 =	sshra.s32 s12, $0x1F  }
0x4d0: {  	vm3 =	vcmask $0x300;
	s8 =	sshrl.u32 s7, $0x1F;
	s5 =	sshra.s32 s22, $0xC;
	v20 =	vmov s29;
	s29 =	sld [smem:$0x70A];
	v18 =	vmov s19  }
0x4d1: {  	vm10 =	vcmask $0x704;
	vm1 =	vcmask $0xB08;
	s6 =	sshra.s32 s22, $0x1F;
	s19 =	sadd.s32 s17, s16;
	s16 =	sld [smem:$0x708];
	v18 =	vsel vm3, s5, v18  }
0x4d2: {  	vm2 =	vcmask $0x1310;
	vm11 =	vcmask $0xF0C;
	s10 =	sshrl.u32 s9, $0x1F;
	s3 =	sshra.s32 s9, $0xC;
	s9 =	sld [smem:$0x709];
	v18 =	vsel vm10, s6, v18  }
0x4d3: {  	vm4 =	vcmask $0x1B18;
	s1 =	sshra.s32 s7, $0xC;
	s15 =	sshra.s32 s11, $0x1F;
	v19 =	vmov s10;
	s6 =	sld [smem:$0x710];
	v18 =	vsel vm1, s13, v18  }
0x4d4: {  	v21 =	vnsel vm3, $0x0, v20;
	s31 =	sshra.s32 s29, $0xC;
	v19 =	vsel vm1, s8, v19;
	s17 =	sshrl.u32 s16, $0x1F;
	s13 =	sld [smem:$0x70D];
	v18 =	vsel vm11, s15, v18  }
0x4d5: {  	v58 =	vsel vm1, s14, v21;
	s7 =	sshrl.u32 s29, $0x1F;
	s22 =	sshrl.u32 s9, $0x1F;
	v19 =	vsel vm2, s17, v19;
	v18 =	vsel vm2, s31, v18;
	s31 =	sld [smem:$0x70B]  }
0x4d6: {  	s8 =	sshra.s32 s29, $0x1F;
	v20 =	vsel vm4, s22, v19;
	v19 =	vsel vm2, s7, v58;
	s7 =	sld [smem:$0x70C]  }
0x4d7: {  	vm9 =	vcmask $0x1714;
	s2 =	sshra.s32 s16, $0xC;
	s22 =	sld [smem:$0x70F];
	s14 =	sshrl.u32 s13, $0x1F  }
0x4d8: {  	v18 =	vsel vm9, s8, v18;
	s15 =	sshra.s32 s13, $0xC;
	s16 =	sshra.s32 s13, $0x1F;
	s8 =	sld [smem:$0x70E]  }
0x4d9: {  	vm5 =	vcmask $0x2320;
	vm13 =	vcmask $0x1F1C;
	v18 =	vsel vm4, s15, v18;
	s15 =	sld [smem:$0x712];
	s10 =	sshrl.u32 s31, $0x1F;
	s11 =	sshrl.u32 s7, $0x1F  }
0x4da: {  	vm6 =	vcmask $0x2B28;
	v19 =	vsel vm4, s14, v19;
	s29 =	sshrl.u32 s22, $0x1F;
	v18 =	vsel vm13, s16, v18;
	s13 =	sshra.s32 s22, $0xC;
	s14 =	sshra.s32 s22, $0x1F  }
0x4db: {  	vm14 =	vcmask $0x2724;
	s22 =	sshrl.u32 s12, $0x1F;
	v59 =	vmov s10;
	s17 =	sshrl.u32 s8, $0x1F;
	s10 =	sld [smem:$0x711];
	v18 =	vsel vm5, s13, v18  }
0x4dc: {  	vm7 =	vcmask $0x3330;
	v21 =	vsel vm1, s11, v59;
	s16 =	sshrl.u32 s15, $0x1F;
	v18 =	vsel vm14, s14, v18;
	s13 =	sshra.s32 s15, $0xC;
	s14 =	sshra.s32 s15, $0x1F  }
0x4dd: {  	vm8 =	vcmask $0x3B38;
	v23 =	vmov s3;
	s15 =	sshra.s32 s12, $0xC;
	s12 =	sld [smem:$0x717];
	v21 =	vsel vm2, s17, v21;
	s17 =	sshra.s32 s7, $0xC  }
0x4de: {  	vm15 =	vcmask $0x2F2C;
	v60 =	vsel vm1, s1, v23;
	v19 =	vsel vm5, s29, v19;
	s7 =	sshra.s32 s31, $0xC;
	s5 =	sshrl.u32 s10, $0x1F;
	s29 =	sshra.s32 s10, $0xC  }
0x4df: {  	s10 =	sshra.s32 s10, $0x1F;
	v24 =	vmov s7;
	v19 =	vsel vm6, s5, v19;
	v18 =	vsel vm6, s29, v18;
	s29 =	sld [smem:$0x715]  }
0x4e0: {  	v62 =	vsel vm1, s17, v24;
	v19 =	vsel vm7, s16, v19;
	v18 =	vsel vm15, s10, v18;
	s16 =	sld [smem:$0x713]  }
0x4e1: {  	s0 =	sshra.s32 s9, $0xC;
	s8 =	sshra.s32 s8, $0xC;
	v22 =	vsel vm8, s22, v19;
	v19 =	vsel vm2, s2, v60;
	v18 =	vsel vm7, s13, v18;
	s13 =	sld [smem:$0x714]  }
0x4e2: {  	vm12 =	vcmask $0x3734;
	v61 =	vsel vm4, s0, v19;
	v19 =	vsel vm2, s8, v62;
	s8 =	sld [smem:$0x716]  }
0x4e3: {  	v18 =	vsel vm12, s14, v18;
	s31 =	sshrl.u32 s29, $0x1F;
	s1 =	sshra.s32 s29, $0xC;
	s29 =	sld [smem:$0x719]  }
0x4e4: {  	s11 =	sshra.s32 s6, $0xC;
	s14 =	sshrl.u32 s12, $0x1F;
	v63 =	vsel vm8, s15, v18;
	s15 =	sld [smem:$0x718]  }
0x4e5: {  	s17 =	sshrl.u32 s16, $0x1F;
	v25 =	vsel vm4, s11, v19;
	v30 =	vmov s31;
	s22 =	sshra.s32 s13, $0x1F;
	s10 =	sshrl.u32 s8, $0x1F  }
0x4e6: {  	v19 =	vsel vm1, s17, v30;
	v26 =	vmov s22;
	s9 =	sshra.s32 s8, $0xC;
	s11 =	sshra.s32 s8, $0x1F;
	s8 =	sld [smem:$0x71A];
	v31 =	vmov s10  }
0x4e7: {  	s31 =	sshrl.u32 s29, $0x1F;
	v19 =	vsel vm2, s14, v19;
	s14 =	sld [smem:$0x71C];
	v29 =	vsel vm3, s9, v26;
	s17 =	sshrl.u32 s15, $0x1F;
	v26 =	vnsel vm3, $0x0, v31  }
0x4e8: {  	s4 =	sshrl.u32 s6, $0x1F;
	s0 =	sshra.s32 s16, $0xC;
	v27 =	vsel vm1, s17, v26;
	v26 =	vsel vm4, s31, v19;
	s31 =	sld [smem:$0x71B]  }
0x4e9: {  	s16 =	sshra.s32 s15, $0xC;
	s22 =	sshra.s32 s15, $0x1F;
	v18 =	vsel vm10, s11, v29;
	s9 =	sshrl.u32 s8, $0x1F  }
0x4ea: {  	v18 =	vsel vm1, s16, v18;
	s10 =	sshra.s32 s8, $0xC;
	s11 =	sshra.s32 s8, $0x1F;
	s8 =	sld [smem:$0x71D]  }
0x4eb: {  	v21 =	vsel vm4, s4, v21;
	s4 =	sshra.s32 s12, $0xC;
	v18 =	vsel vm11, s22, v18;
	v32 =	vsel vm2, s9, v27;
	s9 =	sld [smem:$0x71F];
	s12 =	sshrl.u32 s31, $0x1F  }
0x4ec: {  	v18 =	vsel vm2, s10, v18;
	v33 =	vmov s12;
	s12 =	sld [smem:$0x71E]  }
0x4ed: {  	s3 =	sshra.s32 s29, $0xC;
	v18 =	vsel vm9, s11, v18;
	s11 =	sld [smem:$0x720]  }
0x4ee: {  	s15 =	sshrl.u32 s14, $0x1F;
	s29 =	sshra.s32 s14, $0x1F;
	s16 =	sshrl.u32 s8, $0x1F  }
0x4ef: {  	s22 =	sshra.s32 s14, $0xC;
	v19 =	vsel vm4, s15, v32;
	s7 =	sshrl.u32 s9, $0x1F;
	v27 =	vsel vm1, s16, v33;
	s17 =	sshrl.u32 s12, $0x1F  }
0x4f0: {  	v18 =	vsel vm4, s22, v18;
	s10 =	sshrl.u32 s11, $0x1F;
	v27 =	vsel vm2, s7, v27;
	s7 =	sld [smem:$0x721];
	s16 =	sshra.s32 s12, $0xC;
	v19 =	vsel vm5, s17, v19  }
0x4f1: {  	v18 =	vsel vm13, s29, v18;
	s17 =	sshra.s32 s8, $0xC;
	s8 =	sshra.s32 s31, $0xC;
	v19 =	vsel vm6, s10, v19;
	s10 =	sld [smem:$0x722]  }
0x4f2: {  	s5 =	sld [smem:$0x724];
	s9 =	sshra.s32 s9, $0xC;
	s22 =	sshra.s32 s12, $0x1F;
	v18 =	vsel vm5, s16, v18;
	v29 =	vmov s8  }
0x4f3: {  	s29 =	sshrl.u32 s13, $0x1F;
	s14 =	sshrl.u32 s7, $0x1F;
	v18 =	vsel vm14, s22, v18;
	s22 =	sshra.s32 s13, $0xC;
	v29 =	vsel vm1, s17, v29  }
0x4f4: {  	s13 =	sld [smem:$0x727];
	v28 =	vsel vm4, s14, v27;
	s14 =	sshra.s32 s7, $0xC;
	v29 =	vsel vm2, s9, v29;
	s15 =	sshrl.u32 s10, $0x1F  }
0x4f5: {  	s12 =	sshra.s32 s11, $0xC;
	v33 =	vsel vm4, s14, v29;
	s14 =	sld [smem:$0x726];
	v19 =	vsel vm7, s15, v19  }
0x4f6: {  	s6 =	sshrl.u32 s5, $0x1F;
	v18 =	vsel vm6, s12, v18;
	s15 =	sshra.s32 s11, $0x1F;
	v27 =	vsel vm8, s29, v19;
	s29 =	sld [smem:$0x723]  }
0x4f7: {  	s2 =	sshra.s32 s5, $0xC;
	s16 =	sshra.s32 s10, $0xC;
	v18 =	vsel vm15, s15, v18;
	s15 =	sld [smem:$0x728]  }
0x4f8: {  	v34 =	vmov s1;
	s9 =	sld [smem:$0x725];
	s17 =	sshra.s32 s10, $0x1F;
	s5 =	sshrl.u32 s13, $0x1F;
	v18 =	vsel vm7, s16, v18  }
0x4f9: {  	v35 =	vmov s6;
	v19 =	vsel vm1, s0, v34;
	v18 =	vsel vm12, s17, v18;
	s31 =	sshrl.u32 s29, $0x1F;
	s0 =	sshra.s32 s29, $0xC;
	s29 =	sld [smem:$0x729]  }
0x4fa: {  	s12 =	sshra.s32 s14, $0x1F;
	v30 =	vsel vm8, s22, v18;
	s16 =	sshrl.u32 s15, $0x1F;
	v18 =	vsel vm1, s31, v35;
	s31 =	sld [smem:$0x72A]  }
0x4fb: {  	v19 =	vsel vm2, s4, v19;
	v36 =	vmov s12;
	s17 =	sshra.s32 s15, $0xC;
	s22 =	sshra.s32 s15, $0x1F;
	s15 =	sld [smem:$0x72B]  }
0x4fc: {  	s10 =	sshrl.u32 s9, $0x1F;
	v32 =	vsel vm4, s3, v19;
	s3 =	sshra.s32 s13, $0xC;
	v37 =	vmov s16;
	v19 =	vsel vm3, s17, v36;
	s17 =	sld [smem:$0x72C]  }
0x4fd: {  	v19 =	vsel vm10, s22, v19;
	v29 =	vnsel vm3, $0x0, v37;
	s7 =	sshrl.u32 s29, $0x1F;
	s11 =	sshrl.u32 s31, $0x1F;
	s12 =	sshra.s32 s31, $0xC  }
0x4fe: {  	s6 =	sshra.s32 s29, $0xC;
	s13 =	sshra.s32 s31, $0x1F;
	v31 =	vsel vm1, s11, v29;
	v19 =	vsel vm1, s12, v19;
	s11 =	sld [smem:$0x72D]  }
0x4ff: {  	(v2sf) =	vpush v17, $0x4;
	s16 =	sshrl.u32 s15, $0x1F;
	s4 =	sshra.s32 s15, $0xC;
	v19 =	vsel vm11, s13, v19;
	s13 =	sld [smem:$0x72E]  }
0x500: {  	s22 =	sshrl.u32 s17, $0x1F;
	s31 =	sshra.s32 s17, $0xC;
	s12 =	sld [smem:$0x72F]  }
0x501: {  	v18 =	vsel vm2, s10, v18;
	s10 =	sshra.s32 s17, $0x1F;
	v19 =	vsel vm2, s31, v19;
	s31 =	sld [smem:$0x731];
	s29 =	sshrl.u32 s11, $0x1F  }
0x502: {  	v29 =	vsel vm4, s5, v18;
	v38 =	vsel vm2, s22, v31;
	s15 =	sshrl.u32 s13, $0x1F;
	s5 =	sshra.s32 s13, $0xC;
	s13 =	sld [smem:$0x730]  }
0x503: {  	s22 =	sshra.s32 s11, $0xC;
	v18 =	vsel vm4, s29, v38;
	s29 =	sshra.s32 s11, $0x1F;
	s11 =	sld [smem:$0x732]  }
0x504: {  	s1 =	sshra.s32 s9, $0xC;
	v39 =	vmov s16;
	v19 =	vsel vm9, s10, v19  }
0x505: {  	v31 =	vsel vm1, s7, v39;
	s16 =	sshrl.u32 s12, $0x1F;
	v19 =	vsel vm4, s22, v19;
	s9 =	sshrl.u32 s31, $0x1F;
	s7 =	sshra.s32 s31, $0xC  }
0x506: {  	v18 =	vsel vm5, s16, v18;
	v31 =	vsel vm2, s15, v31;
	v19 =	vsel vm13, s29, v19;
	s17 =	sshrl.u32 s13, $0x1F;
	s15 =	sshrl.u32 s11, $0x1F;
	s29 =	sshra.s32 s13, $0xC  }
0x507: {  	s31 =	sshra.s32 s13, $0x1F;
	s13 =	sld [smem:$0x733];
	v18 =	vsel vm6, s17, v18;
	s17 =	sshra.s32 s12, $0xC  }
0x508: {  	(v2sf) =	vpush v17, $0x5;
	s22 =	sshra.s32 s12, $0x1F;
	v18 =	vsel vm7, s15, v18;
	v19 =	vsel vm5, s17, v19;
	s15 =	sld [smem:$0x734]  }
0x509: {  	v40 =	vmov s2;
	v19 =	vsel vm14, s22, v19;
	s22 =	sld [smem:$0x735]  }
0x50a: {  	v35 =	vmov s4;
	s16 =	sshrl.u32 s14, $0x1F;
	v34 =	vsel vm4, s9, v31;
	s9 =	sld [smem:$0x73A];
	s10 =	sshra.s32 s11, $0xC;
	v19 =	vsel vm6, s29, v19  }
0x50b: {  	v36 =	vsel vm1, s6, v35;
	s11 =	sshra.s32 s11, $0x1F;
	s12 =	sshra.s32 s14, $0xC;
	v31 =	vsel vm8, s16, v18;
	s16 =	sshrl.u32 s15, $0x1F;
	v19 =	vsel vm15, s31, v19  }
0x50c: {  	v41 =	vsel vm2, s5, v36;
	s14 =	sshrl.u32 s13, $0x1F;
	s29 =	sshrl.u32 s22, $0x1F;
	v42 =	vsel vm7, s10, v19;
	v43 =	vmov s16;
	s10 =	sld [smem:$0x736]  }
0x50d: {  	v36 =	vsel vm4, s7, v41;
	v18 =	vsel vm1, s0, v40;
	s0 =	sshra.s32 s22, $0xC;
	s7 =	sshra.s32 s22, $0x1F;
	s22 =	sld [smem:$0x738];
	v19 =	vnsel vm3, $0x0, v43  }
0x50e: {  	s17 =	sshra.s32 s13, $0xC;
	v18 =	vsel vm2, s1, v18;
	s31 =	spop (v2sf);
	v19 =	vsel vm1, s29, v19;
	s29 =	sld [smem:$0x73B]  }
0x50f: {  	v38 =	vmov s14;
	v35 =	vsel vm4, s3, v18;
	s1 =	smulhi.u32 $0x68DB8BAD, s31;
	s16 =	sld [smem:$0x739];
	v18 =	vsel vm12, s11, v42;
	s11 =	sshrl.u32 s10, $0x1F  }
0x510: {  	s6 =	sshra.s32 s31, $0x1F;
	s13 =	sshrl.u32 s22, $0x1F;
	v44 =	vsel vm1, s11, v38;
	s11 =	sld [smem:$0x737]  }
0x511: {  	s2 =	smul.u32 $0x68DB8BAD, s6;
	s6 =	sld [smem:$0x73D];
	v19 =	vsel vm2, s13, v19;
	s31 =	sshrl.u32 s29, $0x1F  }
0x512: {  	v45 =	vsel vm4, s31, v19;
	s31 =	sld [smem:$0x73F]  }
0x513: {  	s3 =	sshra.s32 s15, $0xC;
	s5 =	sshra.s32 s15, $0x1F;
	v37 =	vsel vm8, s12, v18;
	s12 =	sshrl.u32 s11, $0x1F  }
0x514: {  	s15 =	sshrl.u32 s9, $0x1F;
	s13 =	sld [smem:$0x73C];
	v18 =	vsel vm2, s12, v44;
	s12 =	sshrl.u32 s6, $0x1F  }
0x515: {  	s14 =	sshra.s32 s16, $0x1F;
	v38 =	vsel vm4, s15, v18;
	v18 =	vsel vm5, s12, v45;
	s12 =	sld [smem:$0x73E];
	s15 =	sshrl.u32 s31, $0x1F  }
0x516: {  	v39 =	vmov s14;
	v18 =	vsel vm6, s15, v18;
	s15 =	sld [smem:$0x741]  }
0x517: {  	s8 =	spop (v2sf);
	v46 =	vsel vm3, s3, v39;
	s4 =	sshrl.u32 s13, $0x1F  }
0x518: {  	v19 =	vsel vm10, s5, v46;
	s5 =	smulhi.u32 $0x68DB8BAD, s8;
	v47 =	vmov s4;
	s14 =	sshrl.u32 s12, $0x1F  }
0x519: {  	v19 =	vsel vm1, s0, v19;
	s0 =	sshra.s32 s8, $0x1F;
	v39 =	vsel vm1, s14, v47;
	s14 =	sld [smem:$0x740];
	s8 =	sshrl.u32 s15, $0x1F  }
0x51a: {  	v18 =	vsel vm7, s8, v18;
	s8 =	sld [smem:$0x742];
	_ =	sdelay $0x1  }
0x51b: {  	s4 =	sshrl.u32 s14, $0x1F  }
0x51c: {  	v39 =	vsel vm2, s4, v39;
	s3 =	sshrl.u32 s8, $0x1F;
	s4 =	sshrl.u32 s16, $0x1F  }
0x51d: {  	v19 =	vsel vm11, s7, v19;
	s7 =	sshra.s32 s22, $0xC;
	v40 =	vsel vm4, s3, v39;
	v39 =	vsel vm8, s4, v18;
	s4 =	sshra.s32 s22, $0x1F;
	s22 =	sld [smem:$0x743]  }
0x51e: {  	s0 =	smul.u32 $0x68DB8BAD, s0  }
0x51f: {  	v49 =	vmov s17;
	s17 =	sshra.s32 s11, $0xC;
	s11 =	sshra.s32 s6, $0xC;
	s3 =	sadd.s32 s2, s1  }
0x520: {  	v48 =	vsel vm2, s7, v19;
	s2 =	sadd.s32 s0, s5;
	s5 =	sshra.s32 s12, $0xC;
	s7 =	sadd.s32 $0x60, s22  }
0x521: {  	s12 =	sshra.s32 s13, $0xC;
	v41 =	vsel vm9, s4, v48;
	v18 =	vor.u32 s7, v2;
	s7 =	sshra.s32 s10, $0xC;
	s10 =	sshra.s32 s29, $0xC  }
0x522: {  	(v2sf) =	vpush v17, $0x6;
	v24 =	vperm.xlane v63, v5;
	v63 =	vld [tilespmem:$0x1FFF0];
	s13 =	sshra.s32 s14, $0xC;
	s14 =	sld [smem:$0x744];
	s29 =	sshra.s32 s29, $0x1F;
	v41 =	vsel vm4, s10, v41  }
0x523: {  	v21 =	vcombine.low v21, v20;
	s6 =	sshra.s32 s6, $0x1F;
	s1 =	sshra.s32 s9, $0xC;
	v51 =	vmov s12;
	s12 =	sld [smem:$0x748];
	v50 =	vsel vm13, s29, v41  }
0x524: {  	(v2sf) =	vpush v17, $0x7;
	v23 =	vcombine.low v25, v61;
	s9 =	sshra.s32 s15, $0xC;
	v41 =	vsel vm5, s11, v50;
	s11 =	sshra.s32 s16, $0xC;
	s16 =	sld [smem:$0x745]  }
0x525: {  	v21 =	vperm.xlane v21, v4;
	v22 =	vperm.xlane v22, v5;
	s0 =	sshra.s32 s14, $0xC;
	v19 =	vsel vm1, s7, v49;
	s7 =	sshra.s32 s8, $0xC;
	s8 =	sshra.s32 s31, $0x1F  }
0x526: {  	v23 =	vperm.xlane v23, v4;
	v42 =	vmul.u32 $0x7, v18;
	s10 =	sshra.s32 s15, $0x1F;
	s29 =	sld [smem:$0x746];
	v41 =	vsel vm14, s6, v41;
	s6 =	sshra.s32 s31, $0xC  }
0x527: {  	vm0 =	vnez.u8 v63;
	s15 =	sshrl.u32 s14, $0x1F;
	s14 =	sld [smem:$0x74B];
	v43 =	vsel vm2, s17, v19;
	v41 =	vsel vm6, s6, v41;
	s17 =	sshrl.u32 s16, $0x1F  }
0x528: {  	v19 =	vadd.s32 v1, v42;
	v41 =	vsel vm15, s8, v41;
	s8 =	sld [smem:$0x747];
	v44 =	vmov s17  }
0x529: {  	v42 =	vsel vm4, s1, v43;
	v43 =	vsel vm1, s5, v51;
	s5 =	sshra.s32 s12, $0xC;
	s31 =	sshrl.u32 s29, $0x1F;
	s17 =	sld [smem:$0x749];
	v46 =	vsel vm1, s15, v44  }
0x52a: {  	(v2sf) =	vpush v19, $0xD;
	v43 =	vsel vm2, s13, v43;
	s13 =	sshrl.u32 s12, $0x1F;
	s1 =	sshra.s32 s29, $0xC;
	v52 =	vsel vm2, s31, v46;
	s31 =	sld [smem:$0x74A]  }
0x52b: {  	(v2sf) =	vpush v19, $0xC;
	v45 =	vsel vm4, s7, v43;
	s7 =	sshra.s32 s14, $0xC;
	s6 =	sshra.s32 s16, $0xC;
	s16 =	sshrl.u32 s21, $0x1F;
	v41 =	vsel vm7, s9, v41  }
0x52c: {  	(v2sf) =	vpush v19, $0xE;
	v48 =	vmov s6;
	v41 =	vsel vm12, s10, v41;
	s15 =	sshra.s32 s18, $0x1F;
	s10 =	sshrl.u32 s8, $0x1F;
	s4 =	sshra.s32 s8, $0xC  }
0x52d: {  	(v2sf) =	vpush v19, $0xF;
	v48 =	vsel vm1, s0, v48;
	v44 =	vsel vm8, s11, v41;
	s29 =	sshrl.u32 s17, $0x1F;
	s8 =	sshra.s32 s17, $0xC;
	s12 =	sshrl.u32 s31, $0x1F  }
0x52e: {  	v47 =	vmov s15;
	v53 =	vmov s29;
	s17 =	sshra.s32 s31, $0xC;
	s29 =	sshra.s32 s31, $0x1F;
	s31 =	rddreg [dreg:$0x19];
	v54 =	vmov s12  }
0x52f: {  	s9 =	sshrl.u32 s14, $0x1F;
	s0 =	sshrl.u32 s23, $0x1F;
	v41 =	vsel vm4, s10, v52;
	v47 =	vsel vm3, s17, v47;
	s11 =	sshrl.u32 s31, $0x1F;
	v46 =	vnsel vm3, $0x0, v54  }
0x530: {  	v43 =	vsel vm1, s13, v53;
	s10 =	sshra.s32 s31, $0xC;
	s17 =	sshra.s32 s21, $0xC;
	v47 =	vsel vm10, s29, v47;
	v46 =	vsel vm1, s16, v46;
	s16 =	rddreg [dreg:$0x1f]  }
0x531: {  	(v2sf) =	vpush v19, $0x9;
	v43 =	vsel vm2, s9, v43;
	s21 =	sshra.s32 s21, $0x1F;
	s9 =	spop (v2sf);
	v47 =	vsel vm1, s17, v47;
	s14 =	sshrl.u32 s16, $0x1F  }
0x532: {  	v48 =	vsel vm2, s1, v48;
	s1 =	smulhi.u32 $0x68DB8BAD, s9;
	s31 =	sshra.s32 s16, $0xC;
	v47 =	vsel vm11, s21, v47;
	v46 =	vsel vm2, s14, v46;
	s14 =	rddreg [dreg:$0x1d]  }
0x533: {  	v21 =	vsel vm0, v22, v21;
	v23 =	vsel vm0, v24, v23;
	s16 =	sshra.s32 s16, $0x1F;
	v47 =	vsel vm2, s31, v47;
	s31 =	sshrl.u32 s20, $0x1F;
	s15 =	sshrl.u32 s14, $0x1F  }
0x534: {  	(v2sf) =	vpush v19, $0x8;
	s17 =	sshra.s32 s14, $0xC;
	s21 =	sshra.s32 s14, $0x1F;
	v47 =	vsel vm9, s16, v47;
	v46 =	vsel vm4, s15, v46;
	s15 =	rddreg [dreg:$0x1b]  }
0x535: {  	v21 =	vadd.s32 v21, v23;
	v47 =	vsel vm4, s17, v47;
	s17 =	sshrl.u32 s18, $0x1F;
	s29 =	sshrl.u32 s15, $0x1F;
	s14 =	sshra.s32 s15, $0xC  }
0x536: {  	v21 =	vmul.u32 $0x2710, v21;
	s13 =	sshra.s32 s15, $0x1F;
	v47 =	vsel vm13, s21, v47;
	s21 =	sshra.s32 s20, $0xC;
	v46 =	vsel vm5, s29, v46;
	s29 =	rddreg [dreg:$0x18]  }
0x537: {  	v50 =	vsel vm5, s14, v47;
	s14 =	sshra.s32 s9, $0x1F;
	s12 =	sshrl.u32 s29, $0x1F;
	s15 =	sshra.s32 s29, $0xC  }
0x538: {  	v8 =	vsub.s32 v8, v21;
	(v2sf) =	vpush v19, $0xA;
	s16 =	sshra.s32 s29, $0x1F;
	s29 =	spop (v2sf);
	v56 =	vsel vm14, s13, v50;
	s13 =	sshra.s32 s18, $0xC  }
0x539: {  	(v2sf) =	vpush v19, $0xB;
	v49 =	vmov s8;
	s8 =	smul.u32 $0x68DB8BAD, s14;
	s18 =	sshrl.u32 s25, $0x1F;
	v46 =	vsel vm6, s12, v46;
	s12 =	spop (v2sf)  }
0x53a: {  	v55 =	vsel vm1, s5, v49;
	(v2sf) =	vpush v19, $0x0;
	v43 =	vsel vm4, s11, v43;
	s14 =	smulhi.u32 $0x68DB8BAD, s29;
	s6 =	sshra.s32 s29, $0x1F;
	s29 =	sld [smem:$0x74C]  }
0x53b: {  	(v2sf) =	vpush v19, $0x1;
	v49 =	vsel vm6, s15, v56;
	s15 =	sshra.s32 s30, $0xC;
	v46 =	vsel vm7, s31, v46;
	s31 =	sshra.s32 s20, $0x1F;
	s9 =	spop (v2sf)  }
0x53c: {  	v47 =	vsel vm4, s4, v48;
	v48 =	vsel vm2, s7, v55;
	v49 =	vsel vm15, s16, v49;
	s16 =	rddreg [dreg:$0x14];
	s1 =	sadd.s32 s8, s1;
	s5 =	spop (v2sf)  }
0x53d: {  	v48 =	vsel vm4, s10, v48;
	v56 =	vcombine.low v28, v26;
	v46 =	vsel vm8, s17, v46;
	s17 =	sshrl.u32 s30, $0x1F;
	s10 =	sshrl.u32 s16, $0x1F;
	s20 =	sshrl.u32 s29, $0x1F  }
0x53e: {  	v49 =	vsel vm7, s21, v49;
	s21 =	sshrl.u32 s28, $0x1F;
	s8 =	sshrl.u32 s1, $0x1F;
	v57 =	vmov s17;
	s17 =	sld [smem:$0x74D];
	v51 =	vmov s20  }
0x53f: {  	v55 =	vcombine.low v36, v35;
	s16 =	sshra.s32 s16, $0xC;
	s4 =	spop (v2sf);
	v50 =	vnsel vm3, $0x0, v57;
	s20 =	sld [smem:$0x74E];
	v51 =	vsel vm1, s18, v51  }
0x540: {  	v22 =	vperm.xlane v56, v4;
	v50 =	vsel vm1, s21, v50;
	s18 =	sshrl.u32 s24, $0x1F;
	s21 =	sshrl.u32 s19, $0x1F;
	v51 =	vsel vm2, s0, v51;
	s0 =	smul.u32 $0x68DB8BAD, s6  }
0x541: {  	v49 =	vsel vm12, s31, v49;
	s7 =	sshrl.u32 s17, $0x1F;
	v50 =	vsel vm2, s18, v50;
	s6 =	spop (v2sf);
	(v2sf) =	vpush v19, $0x2;
	s18 =	rddreg [dreg:$0x13]  }
0x542: {  	v57 =	vcombine.low v33, v32;
	v32 =	vcombine.low v34, v29;
	s31 =	sshrl.u32 s20, $0x1F;
	v53 =	vsel vm4, s21, v50;
	s11 =	sshrl.u32 s18, $0x1F;
	s21 =	rddreg [dreg:$0x17]  }
0x543: {  	v49 =	vsel vm8, s13, v49;
	v33 =	vadd.s32 $0x2710, v8;
	v50 =	vsel vm4, s10, v51;
	s10 =	spop (v2sf);
	s18 =	sshra.s32 s18, $0xC;
	s13 =	sshrl.u32 s21, $0x1F  }
0x544: {  	v34 =	vperm.xlane v32, v4;
	(v2sf) =	vpush v19, $0x3;
	v52 =	vmov s31;
	s31 =	sshrl.u32 s3, $0x1F;
	s0 =	sadd.s32 s0, s14;
	s14 =	sshra.s32 s29, $0xC  }
0x545: {  	v32 =	vperm.xlane v44, v5;
	v44 =	vperm.xlane v49, v5;
	s29 =	sshra.s32 s25, $0xC;
	(v2sf) =	vpush v19, $0x4;
	s25 =	sshra.s32 s20, $0xC;
	s20 =	sshra.s32 s9, $0x1F  }
0x546: {  	v58 =	vsel vm1, s7, v52;
	v59 =	vsel vm5, s31, v53;
	s31 =	sshrl.u32 s2, $0x1F;
	v54 =	vmov s14;
	s14 =	sshra.s32 s23, $0xC;
	s23 =	sshra.s32 s28, $0x1F  }
0x547: {  	v62 =	vmov s25;
	s25 =	smulhi.u32 $0x68DB8BAD, s5;
	s5 =	sshra.s32 s5, $0x1F;
	v51 =	vsel vm2, s11, v58;
	v52 =	vsel vm6, s31, v59;
	s11 =	sshra.s32 s0, $0x1F  }
0x548: {  	s31 =	sshra.s32 s30, $0x1F;
	v54 =	vsel vm1, s29, v54;
	s29 =	sshra.s32 s24, $0x1F;
	s30 =	sshra.s32 s19, $0xC;
	v58 =	vperm.xlane v27, v5;
	v60 =	vmov s11  }
0x549: {  	s5 =	smul.u32 $0x68DB8BAD, s5;
	v51 =	vsel vm4, s13, v51;
	s13 =	sshrl.u32 s0, $0x1F;
	s11 =	spop (v2sf);
	v54 =	vsel vm2, s14, v54;
	v53 =	vsel vm3, s15, v60  }
0x54a: {  	v59 =	vperm.xlane v57, v4;
	s14 =	sshra.s32 s6, $0x1F;
	s15 =	sshra.s32 s28, $0xC;
	v20 =	vsel vm4, s16, v54;
	s16 =	smulhi.u32 $0x68DB8BAD, s12;
	v53 =	vsel vm10, s31, v53  }
0x54b: {  	v57 =	vperm.xlane v55, v4;
	v52 =	vsel vm7, s8, v52;
	s28 =	sshra.s32 s24, $0xC;
	s12 =	sshra.s32 s12, $0x1F;
	s24 =	smul.u32 $0x68DB8BAD, s20;
	v53 =	vsel vm1, s15, v53  }
0x54c: {  	(v2sf) =	vpush v19, $0x5;
	v52 =	vsel vm8, s13, v52;
	s7 =	spop (v2sf);
	s13 =	sshra.s32 s17, $0xC;
	s12 =	smul.u32 $0x68DB8BAD, s12;
	v61 =	vsel vm11, s23, v53  }
0x54d: {  	v60 =	vperm.xlane v30, v5;
	v22 =	vsel vm0, v58, v22;
	s8 =	spop (v2sf);
	s31 =	sshra.s32 s19, $0x1F;
	s19 =	smulhi.u32 $0x68DB8BAD, s9;
	v25 =	vsel vm2, s28, v61  }
0x54e: {  	v54 =	vperm.xlane v31, v5;
	v58 =	vperm.xlane v37, v5;
	s9 =	spop (v2sf);
	s28 =	sshra.s32 s2, $0xC;
	v25 =	vsel vm9, s29, v25;
	s29 =	sshra.s32 s2, $0x1F  }
0x54f: {  	(v2sf) =	vpush v19, $0x6;
	v23 =	vsel vm0, v60, v59;
	s2 =	sadd.s32 s12, s16;
	s16 =	smulhi.u32 $0x68DB8BAD, s4;
	s4 =	sshra.s32 s4, $0x1F;
	v25 =	vsel vm4, s30, v25  }
0x550: {  	v60 =	vsel vm0, v58, v57;
	s23 =	sshra.s32 s3, $0xC;
	v25 =	vsel vm13, s31, v25;
	s31 =	smul.u32 $0x68DB8BAD, s4;
	s15 =	spop (v2sf);
	(v2sf) =	vpush v19, $0x7  }
0x551: {  	s3 =	sshra.s32 s3, $0x1F;
	v28 =	vadd.s32 v22, v23;
	v61 =	vsel vm1, s13, v62;
	s30 =	sshrl.u32 s2, $0x1F;
	v25 =	vsel vm5, s23, v25;
	s23 =	smul.u32 $0x68DB8BAD, s14  }
0x552: {  	v21 =	vmul.u32 $0x2710, v28;
	v63 =	vsel vm2, s18, v61;
	v25 =	vsel vm14, s3, v25;
	s3 =	sadd.s32 s24, s19;
	s19 =	smulhi.u32 $0x68DB8BAD, s6;
	s24 =	sshra.s32 s10, $0x1F  }
0x553: {  	v62 =	vld [tilespmem:s22+$0x3CB0];
	vm9 =	vlt.s32 v8, $0x0;
	v61 =	vcombine.low v45, v42;
	s4 =	sadd.s32 s5, s25;
	v25 =	vsel vm6, s28, v25;
	s20 =	sshrl.u32 s3, $0x1F;
	s28 =	smul.u32 $0x68DB8BAD, s24  }
0x554: {  	v42 =	vperm.xlane v46, v5;
	v45 =	vcombine.low v51, v50;
	s25 =	sshrl.u32 s4, $0x1F;
	s5 =	sadd.s32 s31, s16;
	v30 =	vmov s20;
	s20 =	smulhi.u32 $0x68DB8BAD, s10  }
0x555: {  	v8 =	vsel vm9, v33, v8;
	v10 =	vsub.s32 v10, v21;
	s31 =	sshra.s32 s1, $0xC;
	v25 =	vsel vm15, s29, v25;
	s29 =	sshra.s32 s21, $0xC;
	s21 =	smulhi.u32 $0x68DB8BAD, s11  }
0x556: {  	vm9 =	vlt.s32 v6, s26;
	v21 =	vsel vm0, v54, v34;
	v53 =	vadd.s32 $0x2710, v10;
	s14 =	spop (v2sf);
	s6 =	sadd.s32 s23, s19;
	s19 =	smulhi.u32 $0x68DB8BAD, s7  }
0x557: {  	v21 =	vadd.s32 v21, v60;
	s24 =	sshrl.u32 s5, $0x1F;
	v22 =	vsel vm1, s30, v30;
	s30 =	sshra.s32 s11, $0x1F;
	v26 =	vsel vm4, s29, v63;
	s29 =	smulhi.u32 $0x68DB8BAD, s8  }
0x558: {  	v24 =	vperm.xlane v61, v4;
	v21 =	vmul.u32 $0x2710, v21;
	v6 =	vsel vm9, v62, v8;
	s3 =	sshra.s32 s3, $0xC;
	s23 =	sshra.s32 s7, $0x1F;
	s16 =	smul.u32 $0x68DB8BAD, s30  }
0x559: {  	vm9 =	vlt.s32 v10, $0x0;
	v62 =	vperm.xlane v39, v5;
	s10 =	spop (v2sf);
	s8 =	sshra.s32 s8, $0x1F;
	v22 =	vsel vm2, s25, v22;
	s25 =	smul.u32 $0x68DB8BAD, s23  }
0x55a: {  	v24 =	vsel vm0, v32, v24;
	v10 =	vsel vm9, v53, v10;
	v56 =	vsel vm7, s31, v25;
	s7 =	sadd.s32 s28, s20;
	s30 =	sshrl.u32 s6, $0x1F;
	s31 =	smul.u32 $0x68DB8BAD, s8  }
0x55b: {  	vm9 =	vlt.s32 v7, s26;
	v7 =	vcombine.low v40, v38;
	v40 =	vcombine.low v43, v41;
	s23 =	sshra.s32 s9, $0x1F;
	s8 =	sadd.s32 s16, s21;
	s21 =	smulhi.u32 $0x68DB8BAD, s9  }
0x55c: {  	v11 =	vsub.s32 v11, v21;
	v41 =	vcombine.low v48, v47;
	v47 =	vperm.xlane v52, v5;
	s28 =	sshrl.u32 s7, $0x1F;
	s9 =	sadd.s32 s25, s19;
	s25 =	smul.u32 $0x68DB8BAD, s23  }
0x55d: {  	v38 =	vadd.s32 $0x2710, v11;
	v7 =	vperm.xlane v7, v4;
	s12 =	spop (v2sf);
	v59 =	vmov s28;
	s28 =	smulhi.u32 $0x68DB8BAD, s15;
	s15 =	sshra.s32 s15, $0x1F  }
0x55e: {  	v63 =	vld [tilespmem:s22+$0x3CC0];
	v21 =	vperm.xlane v41, v4;
	v22 =	vsel vm4, s24, v22;
	s24 =	sshrl.u32 s8, $0x1F;
	v28 =	vsel vm1, s30, v59;
	s30 =	smul.u32 $0x68DB8BAD, s15;
	s15 =	spop (v2sf)  }
0x55f: {  	s0 =	sshra.s32 s0, $0xC;
	s1 =	sshra.s32 s1, $0x1F;
	v52 =	vmov s3;
	v20 =	vcombine.low v26, v20;
	v33 =	vsel vm2, s24, v28;
	s24 =	spop (v2sf)  }
0x560: {  	v8 =	vsel vm12, s1, v56;
	v7 =	vsel vm0, v62, v7;
	v21 =	vsel vm0, v44, v21;
	s13 =	sadd.s32 s25, s21;
	s25 =	smulhi.u32 $0x68DB8BAD, s24;
	s17 =	sshra.s32 s24, $0x1F  }
0x561: {  	s7 =	sshra.s32 s7, $0xC;
	v8 =	vsel vm8, s0, v8;
	s19 =	sadd.s32 s31, s29;
	v7 =	vadd.s32 v7, v24;
	v50 =	vperm.xlane v20, v4;
	s17 =	smul.u32 $0x68DB8BAD, s17  }
0x562: {  	v35 =	vld [tilespmem:s22+$0x3CD0];
	v53 =	vmov s7;
	v8 =	vperm.xlane v8, v5;
	s29 =	sshrl.u32 s19, $0x1F;
	v37 =	vmul.u32 $0x2710, v7  }
0x563: {  	s2 =	sshra.s32 s2, $0xC;
	s31 =	sshrl.u32 s9, $0x1F;
	v34 =	vmov s29;
	v7 =	vsel vm9, v63, v10;
	vm9 =	vlt.s32 v11, $0x0;
	s11 =	sadd.s32 s17, s25  }
0x564: {  	s21 =	smulhi.u32 $0x68DB8BAD, s14;
	s14 =	sshra.s32 s14, $0x1F;
	v8 =	vsel vm0, v8, v50;
	v28 =	vnsel vm3, $0x0, v34;
	v23 =	vsel vm4, s31, v33;
	s29 =	sshra.s32 s11, $0x1F  }
0x565: {  	s16 =	sadd.s32 s30, s28;
	s14 =	smul.u32 $0x68DB8BAD, s14;
	v10 =	vsel vm9, v38, v11;
	vm9 =	vlt.s32 v9, s26;
	s30 =	sshra.s32 s19, $0xC;
	v43 =	vmov s29  }
0x566: {  	s20 =	sshra.s32 s19, $0x1F;
	s18 =	sshrl.u32 s13, $0x1F;
	v39 =	vsub.s32 v15, v37;
	v11 =	vperm.xlane v40, v4;
	s31 =	smulhi.u32 $0x68DB8BAD, s10;
	v27 =	vsel vm3, s30, v43  }
0x567: {  	s10 =	sshra.s32 s10, $0x1F;
	v36 =	vsel vm1, s18, v28;
	v10 =	vsel vm9, v35, v10;
	s14 =	sadd.s32 s14, s21;
	s21 =	sshra.s32 s13, $0xC;
	v27 =	vsel vm10, s20, v27  }
0x568: {  	s23 =	sshrl.u32 s16, $0x1F;
	vm9 =	vlt.s32 v39, $0x0;
	v15 =	vadd.s32 $0x2710, v39;
	s10 =	smul.u32 $0x68DB8BAD, s10;
	s13 =	sshra.s32 s13, $0x1F;
	v46 =	vsel vm1, s21, v27  }
0x569: {  	v51 =	vcombine.low v23, v22;
	v24 =	vsel vm2, s23, v36;
	s23 =	smulhi.u32 $0x68DB8BAD, s12;
	s12 =	sshra.s32 s12, $0x1F;
	s24 =	sshra.s32 s16, $0xC;
	v25 =	vsel vm11, s13, v46  }
0x56a: {  	v11 =	vsel vm0, v42, v11;
	s28 =	sshrl.u32 s14, $0x1F;
	s12 =	smul.u32 $0x68DB8BAD, s12;
	s16 =	sshra.s32 s16, $0x1F;
	vm11 =	vcmask $0x1714;
	v48 =	vsel vm2, s24, v25  }
0x56b: {  	s10 =	sadd.s32 s10, s31;
	v11 =	vadd.s32 v11, v21;
	s31 =	sshra.s32 s4, $0xC;
	v24 =	vsel vm4, s28, v24;
	s28 =	sshra.s32 s14, $0xC;
	v21 =	vsel vm11, s16, v48  }
0x56c: {  	v22 =	vsel vm1, s2, v52;
	v9 =	vsel vm9, v15, v39;
	s4 =	sshra.s32 s8, $0xC;
	s8 =	sshra.s32 s5, $0xC;
	s30 =	sshra.s32 s14, $0x1F;
	v21 =	vsel vm4, s28, v21  }
0x56d: {  	v15 =	vperm.xlane v45, v4;
	vm9 =	vlt.s32 v12, s26;
	s7 =	sshra.s32 s10, $0xC;
	s25 =	smulhi.u32 $0x68DB8BAD, s15;
	s15 =	sshra.s32 s15, $0x1F;
	v21 =	vsel vm13, s30, v21  }
0x56e: {  	v20 =	vperm.xlane v51, v4;
	v22 =	vsel vm2, s31, v22;
	s12 =	sadd.s32 s12, s23;
	s15 =	smul.u32 $0x68DB8BAD, s15;
	s16 =	sshra.s32 s10, $0x1F;
	v21 =	vsel vm5, s7, v21  }
0x56f: {  	v11 =	vmul.u32 $0x2710, v11;
	v22 =	vsel vm4, s8, v22;
	s18 =	sshra.s32 s12, $0xC;
	s17 =	sshrl.u32 s10, $0x1F;
	s29 =	sshra.s32 s6, $0xC;
	v21 =	vsel vm14, s16, v21  }
0x570: {  	s19 =	sshrl.u32 s12, $0x1F;
	v24 =	vsel vm5, s17, v24;
	v23 =	vsel vm1, s29, v53;
	s20 =	sadd.s32 s15, s25;
	s21 =	sshra.s32 s12, $0x1F;
	v21 =	vsel vm6, s18, v21  }
0x571: {  	v54 =	vld [tilespmem:s22+$0x3CE0];
	v24 =	vsel vm6, s19, v24;
	s14 =	sshra.s32 s9, $0xC;
	v23 =	vsel vm2, s4, v23;
	s23 =	sshrl.u32 s20, $0x1F;
	s24 =	sshra.s32 s20, $0xC;
	v21 =	vsel vm15, s21, v21  }
0x572: {  	s25 =	sshrl.u32 s11, $0x1F;
	v23 =	vsel vm4, s14, v23;
	v24 =	vsel vm7, s23, v24;
	s28 =	sshra.s32 s20, $0x1F;
	v21 =	vsel vm7, s24, v21  }
0x573: {  	s29 =	sshra.s32 s11, $0xC;
	v22 =	vcombine.low v23, v22;
	v24 =	vsel vm8, s25, v24;
	v21 =	vsel vm12, s28, v21  }
0x574: {  	v49 =	vsel vm0, v47, v15;
	v24 =	vperm.xlane v24, v5;
	v21 =	vsel vm8, s29, v21  }
0x575: {  	v8 =	vadd.s32 v49, v8;
	v55 =	vperm.xlane v22, v4;
	v21 =	vperm.xlane v21, v5  }
0x576: {  	v56 =	vld [tilespmem:s22+$0x3CF0];
	v9 =	vsel vm9, v54, v9;
	v8 =	vmul.u32 $0x2710, v8  }
0x577: {  	v11 =	vsub.s32 v14, v11;
	v57 =	vsel vm0, v24, v20;
	v15 =	vsel vm0, v21, v55  }
0x578: {  	v59 =	vld [tilespmem:s22+$0x3D00];
	v58 =	vadd.s32 $0x2710, v11;
	v8 =	vsub.s32 v17, v8;
	v14 =	vadd.s32 v57, v15  }
0x579: {  	v61 =	vld [tilespmem:s22+$0x3D10];
	[tilespmem:s22+$0x3CC0] =	vst v7;
	v7 =	vadd.s32 $0x2710, v8;
	vm6 =	vlt.s32 v11, $0x0;
	v60 =	vmul.u32 $0x2710, v14  }
0x57a: {  	[tilespmem:s22+$0x3CB0] =	vst v6;
	vm13 =	vlt.s32 v16, s26;
	v6 =	vsel vm6, v58, v11;
	vm7 =	vlt.s32 v13, s26  }
0x57b: {  	[tilespmem:s22+$0x3CD0] =	vst v10;
	vm12 =	vlt.s32 v8, $0x0;
	v6 =	vsel vm7, v56, v6;
	v62 =	vsub.s32 v19, v60  }
0x57c: {  	[tilespmem:s22+$0x3CE0] =	vst v9;
	v7 =	vsel vm12, v7, v8;
	vm14 =	vlt.s32 v62, $0x0;
	v63 =	vadd.s32 $0x2710, v62  }
0x57d: {  	vm15 =	vlt.s32 v18, s26;
	[tilespmem:s22+$0x3CF0] =	vst v6;
	v7 =	vsel vm13, v59, v7;
	v8 =	vsel vm14, v63, v62  }
0x57e: {  	s31 =	simm.s32 $0x3CB0;
	s8 =	simm.s32 $0x5100;
	[tilespmem:s22+$0x3D00] =	vst v7;
	v6 =	vsel vm15, v61, v8  }
0x57f: {  	s10 =	rddreg [dreg:$0x7];
	s30 =	simm.s32 $0x2880;
	s7 =	simm.s32 $0x60;
	[tilespmem:s22+$0x3D10] =	vst v6  }
0x580: {  	[tilespmem:s8], [sflag:$0x1] =	stream.indirect.gather [hbm4b:s10+s7], $0x80, s30, s7, $0xb8;
	[tilespmem:$0xB200] =	vst v63  }
.Ltmp26:
0x581: {  	s6 =	simm.s32 $0x1;
	s11 =	simm.s32 $0x8100;
	(pc) =	sbr.rel @p0 .LBB2_32-.Ltmp26, $4  }
0x582: {  	[tilespmem:s11], [sflag:$0x2] =	stream.indirect.gather [hbm4b:s10+s7], $0x80, s31, s7, $0xb8;
	[tilespmem:$0xB200] =	vst v63  }
0x583: {  	_ =	swait.ge [sflag:s6], $0x3000  }
0x584: {  	[sflag:s6] =	ssyncset.done $0x0  }
0x585: {  	[sflag:s6] =	ssyncadd.s32 $0xFFFFD000  }
0x586: {  	s1 =	simm.s32 $0x5140  }
0x587: {  	v6 =	vld [tilespmem:s1+$0xFFFFFFD0]  }
0x588: {  	v9 =	vld [tilespmem:s1+$0x10]  }
0x589: {  	v12 =	vld [tilespmem:s1+$0x0]  }
0x58a: {  	s16 =	rddreg [dreg:$0xd];
	v11 =	vimm.f32 $0.0e+00;
	v14 =	vimm.f32 $0.0e+00;
	v16 =	vimm.f32 $0.0e+00  }
0x58b: {  	v13 =	vimm.f32 $0.0e+00;
	v17 =	vimm.f32 $0.0e+00;
	v19 =	vimm.f32 $0.0e+00;
	s0 =	smin.u32 s16, $0x60;
	v7 =	vld [tilespmem:s1+$0x20]  }
0x58c: {  	v15 =	vimm.f32 $0.0e+00;
	v22 =	vimm.f32 $0.0e+00;
	v23 =	vimm.f32 $0.0e+00;
	v18 =	vld [tilespmem:s1+$0xFFFFFFF0];
	p0 =	seq.s32 s0, $0x1  }
.Ltmp27:
0x58d: {  	v24 =	vimm.f32 $0.0e+00;
	v20 =	vld [tilespmem:s1+$0x30];
	v8 =	vshll.u32 v6, $0x10;
	v6 =	vand.u32 $0xFFFF0000, v6;
	(pc) =	sbr.rel @p0 .LBB2_53-.Ltmp27, $4  }
0x58e: {  	v26 =	vld [tilespmem:s1+$0xFFFFFFC0];
	v21 =	vshll.u32 v9, $0x10;
	v27 =	vshll.u32 v12, $0x10;
	v9 =	vand.u32 $0xFFFF0000, v9  }
0x58f: {  	s5 =	simm.s32 $0x3;
	s9 =	simm.s32 $0x80000000;
	v25 =	vld [tilespmem:s1+$0xFFFFFFE0];
	v28 =	vand.u32 $0xFFFF0000, v12;
	v8 =	vadd.f32 v8, v11;
	v10 =	vadd.f32 v6, v11  }
0x590: {  	s12 =	simm.s32 $0x80;
	s13 =	simm.s32 $0x400;
	s14 =	simm.s32 $0xB100;
	v6 =	vshll.u32 v7, $0x10;
	v7 =	vand.u32 $0xFFFF0000, v7;
	v9 =	vadd.f32 v9, v11  }
0x591: {  	s15 =	simm.s32 $0x2;
	s1 =	simm.s32 $0x51C0;
	s0 =	sadd.s32 $0xFFFFFFFF, s0;
	v12 =	vimm.f32 $0.0e+00;
	v6 =	vadd.f32 v6, v11;
	v7 =	vadd.f32 v7, v11  }
.LBB2_52:
0x592: {  	v29 =	vld [tilespmem:s1+$0xFFFFFFD0];
	p0 =	seq.s32 s0, $0x1;
	s0 =	sadd.s32 $0xFFFFFFFF, s0;
	v30 =	vshll.u32 v18, $0x10;
	v11 =	vadd.f32 v27, v11;
	v14 =	vadd.f32 v28, v14  }
0x593: {  	v18 =	vand.u32 $0xFFFF0000, v18;
	v31 =	vshll.u32 v20, $0x10;
	v28 =	vld [tilespmem:s1+$0x10];
	v27 =	vand.u32 $0xFFFF0000, v26  }
0x594: {  	v33 =	vand.u32 $0xFFFF0000, v25;
	v26 =	vshll.u32 v26, $0x10;
	v16 =	vadd.f32 v18, v16;
	v32 =	vld [tilespmem:s1+$0x20]  }
0x595: {  	v13 =	vadd.f32 v21, v13;
	v21 =	vand.u32 $0xFFFF0000, v20;
	v12 =	vadd.f32 v33, v12;
	v34 =	vld [tilespmem:s1+$0x0]  }
0x596: {  	v19 =	vadd.f32 v30, v19;
	v17 =	vadd.f32 v27, v17;
	v27 =	vshll.u32 v25, $0x10;
	v18 =	vld [tilespmem:s1+$0xFFFFFFF0]  }
0x597: {  	v22 =	vadd.f32 v31, v22;
	v15 =	vadd.f32 v26, v15;
	v25 =	vshll.u32 v29, $0x10;
	v20 =	vld [tilespmem:s1+$0x30]  }
.Ltmp28:
0x598: {  	v23 =	vadd.f32 v21, v23;
	v29 =	vand.u32 $0xFFFF0000, v29;
	v8 =	vadd.f32 v25, v8;
	v25 =	vld [tilespmem:s1+$0xFFFFFFE0];
	(pc) =	sbr.rel @!p0 .LBB2_52-.Ltmp28, $4  }
0x599: {  	v10 =	vadd.f32 v29, v10;
	v26 =	vld [tilespmem:s1+$0xFFFFFFC0];
	v29 =	vshll.u32 v32, $0x10;
	v30 =	vand.u32 $0xFFFF0000, v32  }
0x59a: {  	v24 =	vadd.f32 v27, v24;
	v21 =	vshll.u32 v28, $0x10;
	v6 =	vadd.f32 v29, v6  }
0x59b: {  	v27 =	vshll.u32 v34, $0x10;
	v29 =	vand.u32 $0xFFFF0000, v28;
	v7 =	vadd.f32 v30, v7  }
0x59c: {  	s1 =	sadd.s32 $0x80, s1;
	v28 =	vand.u32 $0xFFFF0000, v34;
	v9 =	vadd.f32 v29, v9  }
.LBB2_53:
0x59d: {  	v29 =	vshll.u32 v18, $0x10;
	v11 =	vadd.f32 v27, v11  }
0x59e: {  	v14 =	vadd.f32 v28, v14;
	v18 =	vand.u32 $0xFFFF0000, v18;
	v61 =	vshll.u32 v20, $0x10  }
.Ltmp29:
0x59f: {  	v63 =	vand.u32 $0xFFFF0000, v20;
	v16 =	vadd.f32 v18, v16;
	v62 =	vshll.u32 v26, $0x10;
	(pc) =	sbr.rel .LBB2_33-.Ltmp29, $4  }
0x5a0: {  	v30 =	vand.u32 $0xFFFF0000, v25;
	v20 =	vadd.f32 v62, v15;
	v15 =	vadd.f32 v63, v23  }
0x5a1: {  	v60 =	vand.u32 $0xFFFF0000, v26;
	v18 =	vadd.f32 v30, v12;
	v12 =	vadd.f32 v21, v13  }
0x5a2: {  	v21 =	vadd.f32 v60, v17;
	v17 =	vadd.f32 v29, v19;
	v19 =	vshll.u32 v25, $0x10  }
0x5a3: {  	v13 =	vadd.f32 v61, v22;
	v19 =	vadd.f32 v19, v24  }
.LBB2_32:
0x5a4: {  	v20 =	vimm.f32 $0.0e+00  }
0x5a5: {  	v8 =	vimm.f32 $0.0e+00;
	v19 =	vimm.f32 $0.0e+00;
	v17 =	vimm.f32 $0.0e+00  }
0x5a6: {  	v11 =	vimm.f32 $0.0e+00;
	v12 =	vimm.f32 $0.0e+00;
	v6 =	vimm.f32 $0.0e+00  }
0x5a7: {  	v13 =	vimm.f32 $0.0e+00;
	v21 =	vimm.f32 $0.0e+00;
	v10 =	vimm.f32 $0.0e+00;
	s5 =	simm.s32 $0x3  }
0x5a8: {  	v18 =	vimm.f32 $0.0e+00;
	v16 =	vimm.f32 $0.0e+00;
	v14 =	vimm.f32 $0.0e+00;
	s9 =	simm.s32 $0x80000000;
	s12 =	simm.s32 $0x80;
	s13 =	simm.s32 $0x400  }
0x5a9: {  	v9 =	vimm.f32 $0.0e+00;
	v7 =	vimm.f32 $0.0e+00;
	v15 =	vimm.f32 $0.0e+00;
	s14 =	simm.s32 $0xB100;
	s15 =	simm.s32 $0x2;
	s16 =	rddreg [dreg:$0xd]  }
.LBB2_33:
0x5aa: {  	s0 =	sadd.s32 $0x5F, s16  }
0x5ab: {  	s1 =	sshra.s32 s0, $0x1F;
	s0 =	smulhi.u32 $0x2AAAAAAB, s0  }
0x5ac: {  	s1 =	smul.u32 $0x2AAAAAAB, s1;
	_ =	sdelay $0x1  }
0x5ad: {  	s0 =	sadd.s32 s1, s0  }
0x5ae: {  	s1 =	sshrl.u32 s0, $0x1F;
	s0 =	sshra.s32 s0, $0x4  }
0x5af: {  	s0 =	sadd.s32 s1, s0  }
0x5b0: {  	s1 =	smul.u32 $0xFFFFFFA0, s0  }
0x5b1: {  	s2 =	ssub.s32 $0xFFFFFFA1, s16  }
0x5b2: {  	p0 =	slt.s32 s16, $0xFFFFFFA2;
	p2 =	sne.s32 s1, s2  }
0x5b3: {  	p0 =	por !p0, !p2  }
0x5b4: {  	s1 =	simm.s32 $0x1;
	p0 =	por !p0, !p0  }
0x5b5: {  	s1 =	simm.s32 @!p0 $0x0  }
0x5b6: {  	s0 =	ssub.s32 s0, s1  }
0x5b7: {  	p0 =	slt.s32 s0, $0x2  }
.Ltmp30:
0x5b8: {  	_ = 	snop;
	(pc) =	sbr.rel @p0 .LBB2_40-.Ltmp30, $1  }
0x5b9: {  	_ =	sdelay $0x3  }
.Ltmp31:
0x5ba: {  	(pc) =	sbr.rel .LBB2_35-.Ltmp31, $4  }
0x5bb: {  	s1 =	rddreg [dreg:$0xe]  }
0x5bc: {  	s2 =	rddreg [dreg:$0xf]  }
0x5bd: {  	s1 =	sadd.s32 s2, s1  }
0x5be: {  	s2 =	simm.s32 $0x1;
	s1 =	sadd.s32 $0xFFFFFFA0, s1  }
.LBB2_38:
0x5bf: {  	v29 =	vshll.u32 v24, $0x10;
	v60 =	vand.u32 $0xFFFF0000, v26  }
0x5c0: {  	v61 =	vand.u32 $0xFFFF0000, v24;
	v62 =	vshll.u32 v22, $0x10;
	v11 =	vadd.f32 v27, v11  }
0x5c1: {  	v30 =	vand.u32 $0xFFFF0000, v23;
	v14 =	vadd.f32 v28, v14;
	v16 =	vadd.f32 v61, v16  }
0x5c2: {  	v63 =	vshll.u32 v26, $0x10;
	v18 =	vadd.f32 v30, v18;
	v12 =	vadd.f32 v25, v12  }
0x5c3: {  	v22 =	vand.u32 $0xFFFF0000, v22;
	v21 =	vadd.f32 v60, v21;
	v17 =	vadd.f32 v29, v17  }
0x5c4: {  	v23 =	vshll.u32 v23, $0x10;
	v20 =	vadd.f32 v63, v20;
	v13 =	vadd.f32 v62, v13  }
0x5c5: {  	v15 =	vadd.f32 v22, v15;
	v19 =	vadd.f32 v23, v19  }
.LBB2_39:
0x5c6: {  	s2 =	sadd.s32 $0x1, s2  }
0x5c7: {  	p0 =	sne.s32 s2, s0  }
.Ltmp32:
0x5c8: {  	_ = 	snop;
	(pc) =	sbr.rel @!p0 .LBB2_40-.Ltmp32, $2  }
0x5c9: {  	_ =	sdelay $0x2  }
0x5ca: {  	s1 =	sadd.s32 $0xFFFFFFA0, s1  }
.LBB2_35:
0x5cb: {  	s3 =	smul.u32 $0x60, s2;
	_ =	sdelay $0x1  }
0x5cc: {  	s4 =	sadd.s32 $0x2880, s3;
	s3 =	ssub.s32 s16, s3  }
0x5cd: {  	p0 =	slt.s32 s3, $0x1  }
.Ltmp33:
0x5ce: {  	_ = 	snop;
	(pc) =	sbr.rel @p0 .LBB2_39-.Ltmp33, $4  }
0x5cf: {  	[tilespmem:s8], [sflag:$0x1] =	stream.indirect.gather [hbm4b:s10+s7], $0x80, s4, s7, $0xb8;
	[tilespmem:$0xB200] =	vst v63  }
0x5d0: {  	_ =	swait.ge [sflag:s6], $0x3000  }
0x5d1: {  	[sflag:s6] =	ssyncset.done $0x0  }
0x5d2: {  	[sflag:s6] =	ssyncadd.s32 $0xFFFFD000  }
0x5d3: {  	s4 =	simm.s32 $0x5140  }
0x5d4: {  	v22 =	vld [tilespmem:s4+$0xFFFFFFD0]  }
0x5d5: {  	p0 =	sgt.s32 s1, $0x1;
	s3 =	smov.u32 s1;
	v26 =	vld [tilespmem:s4+$0x10]  }
0x5d6: {  	s3 =	simm.s32 @!p0 $0x1  }
0x5d7: {  	v23 =	vld [tilespmem:s4+$0x20];
	s3 =	smin.u32 s3, $0x60  }
0x5d8: {  	v28 =	vld [tilespmem:s4+$0x0];
	s3 =	sshll.u32 s3, $0x9  }
0x5d9: {  	v24 =	vld [tilespmem:s4+$0xFFFFFFF0];
	p0 =	sne.s32 s3, $0x200;
	v25 =	vshll.u32 v22, $0x10;
	v22 =	vand.u32 $0xFFFF0000, v22  }
.Ltmp34:
0x5da: {  	v30 =	vand.u32 $0xFFFF0000, v26;
	v8 =	vadd.f32 v25, v8;
	v25 =	vshll.u32 v26, $0x10;
	v26 =	vld [tilespmem:s4+$0xFFFFFFC0];
	(pc) =	sbr.rel @!p0 .LBB2_38-.Ltmp34, $4  }
0x5db: {  	v10 =	vadd.f32 v22, v10;
	v22 =	vld [tilespmem:s4+$0x30]  }
0x5dc: {  	v27 =	vshll.u32 v23, $0x10;
	v29 =	vand.u32 $0xFFFF0000, v23;
	v23 =	vld [tilespmem:s4+$0xFFFFFFE0]  }
0x5dd: {  	v6 =	vadd.f32 v27, v6;
	v27 =	vshll.u32 v28, $0x10  }
0x5de: {  	s3 =	sadd.s32 $0xFFFFFE00, s3;
	v7 =	vadd.f32 v29, v7;
	v28 =	vand.u32 $0xFFFF0000, v28;
	v9 =	vadd.f32 v30, v9;
	s4 =	simm.s32 $0x51C0  }
.LBB2_37:
0x5df: {  	v29 =	vld [tilespmem:s4+$0xFFFFFFD0];
	p0 =	sne.s32 s3, $0x200;
	s3 =	sadd.s32 $0xFFFFFE00, s3;
	v30 =	vshll.u32 v24, $0x10;
	v11 =	vadd.f32 v27, v11;
	v14 =	vadd.f32 v28, v14  }
0x5e0: {  	v27 =	vand.u32 $0xFFFF0000, v26;
	v24 =	vand.u32 $0xFFFF0000, v24;
	v31 =	vshll.u32 v22, $0x10;
	v28 =	vld [tilespmem:s4+$0x10]  }
0x5e1: {  	v26 =	vshll.u32 v26, $0x10;
	v33 =	vand.u32 $0xFFFF0000, v23;
	v16 =	vadd.f32 v24, v16;
	v32 =	vld [tilespmem:s4+$0x20]  }
0x5e2: {  	v12 =	vadd.f32 v25, v12;
	v25 =	vand.u32 $0xFFFF0000, v22;
	v18 =	vadd.f32 v33, v18;
	v34 =	vld [tilespmem:s4+$0x0]  }
0x5e3: {  	v21 =	vadd.f32 v27, v21;
	v27 =	vshll.u32 v23, $0x10;
	v17 =	vadd.f32 v30, v17;
	v24 =	vld [tilespmem:s4+$0xFFFFFFF0]  }
0x5e4: {  	v20 =	vadd.f32 v26, v20;
	v13 =	vadd.f32 v31, v13;
	v23 =	vshll.u32 v29, $0x10;
	v22 =	vld [tilespmem:s4+$0x30]  }
.Ltmp35:
0x5e5: {  	v15 =	vadd.f32 v25, v15;
	v29 =	vand.u32 $0xFFFF0000, v29;
	v8 =	vadd.f32 v23, v8;
	v23 =	vld [tilespmem:s4+$0xFFFFFFE0];
	(pc) =	sbr.rel @p0 .LBB2_37-.Ltmp35, $4  }
0x5e6: {  	v10 =	vadd.f32 v29, v10;
	v26 =	vld [tilespmem:s4+$0xFFFFFFC0];
	v29 =	vshll.u32 v32, $0x10;
	v30 =	vand.u32 $0xFFFF0000, v32  }
0x5e7: {  	v19 =	vadd.f32 v27, v19;
	v25 =	vshll.u32 v28, $0x10;
	v6 =	vadd.f32 v29, v6  }
0x5e8: {  	v27 =	vshll.u32 v34, $0x10;
	v29 =	vand.u32 $0xFFFF0000, v28;
	v7 =	vadd.f32 v30, v7  }
0x5e9: {  	s4 =	sadd.s32 $0x80, s4;
	v28 =	vand.u32 $0xFFFF0000, v34;
	v9 =	vadd.f32 v29, v9  }
.Ltmp36:
0x5ea: {  	_ = 	snop;
	(pc) =	sbr.rel .LBB2_38-.Ltmp36, $1  }
0x5eb: {  	_ =	sdelay $0x3  }
.LBB2_40:
0x5ec: {  	p0 =	sgt.s32 s16, $0x1  }
0x5ed: {  	s16 =	simm.s32 @!p0 $0x1  }
0x5ee: {  	s0 =	scvt.s32.f32 s16;
	_ =	sdelay $0x1  }
0x5ef: {  	v22 =	vmov s0  }
0x5f0: {  	(erf) = vrcp.f32 v22;
	_ =	sdelay $0x8  }
0x5f1: {  	v22 =	vpop (erf)  }
0x5f2: {  	v20 =	vmul.f32 v20, v22  }
0x5f3: {  	v21 =	vmul.f32 v21, v22  }
0x5f4: {  	v8 =	vmul.f32 v8, v22;
	[tilespmem:$0xB100] =	vst v20  }
0x5f5: {  	v10 =	vmul.f32 v10, v22;
	[tilespmem:$0xB180] =	vst v21  }
0x5f6: {  	v57 =	vmul.f32 v19, v22;
	[tilespmem:$0xB110] =	vst v8  }
0x5f7: {  	v58 =	vmul.f32 v18, v22;
	[tilespmem:$0xB190] =	vst v10  }
0x5f8: {  	v59 =	vmul.f32 v17, v22;
	[tilespmem:$0xB120] =	vst v57  }
0x5f9: {  	v60 =	vmul.f32 v16, v22;
	[tilespmem:$0xB1A0] =	vst v58  }
0x5fa: {  	v61 =	vmul.f32 v11, v22;
	[tilespmem:$0xB130] =	vst v59  }
0x5fb: {  	v62 =	vmul.f32 v14, v22;
	[tilespmem:$0xB1B0] =	vst v60  }
0x5fc: {  	v63 =	vmul.f32 v12, v22;
	[tilespmem:$0xB140] =	vst v61  }
0x5fd: {  	v9 =	vmul.f32 v9, v22;
	[tilespmem:$0xB1C0] =	vst v62  }
0x5fe: {  	v6 =	vmul.f32 v6, v22;
	[tilespmem:$0xB150] =	vst v63  }
0x5ff: {  	v7 =	vmul.f32 v7, v22;
	[tilespmem:$0xB1D0] =	vst v9  }
0x600: {  	[tilespmem:$0xB160] =	vst v6;
	v6 =	vmul.f32 v13, v22  }
0x601: {  	[tilespmem:$0xB1E0] =	vst v7;
	v7 =	vmul.f32 v15, v22  }
0x602: {  	[tilespmem:$0xB170] =	vst v6  }
0x603: {  	s31 =	rddreg [dreg:$0x9];
	[tilespmem:$0xB1F0] =	vst v7  }
0x604: {  	[hbm4b:s31+s12] =	stream.strided.scatter [tilespmem:s14], [sflag:$0x3], $0x100, s13, s12, $0x38;
	[tilespmem:$0xB200] =	vst v63  }
0x605: {  	_ =	swait.ge [sflag:s5], $0x100  }
.Ltmp37:
0x606: {  	[sflag:s5] =	ssyncset.done $0x0;
	(pc) =	sbr.rel @p1 .LBB2_41-.Ltmp37, $4  }
0x607: {  	[sflag:s5] =	ssyncadd.s32 $0xFFFFFF00  }
0x608: {  	_ =	swait.ge [sflag:s15], $0x3000  }
0x609: {  	[sflag:s15] =	ssyncset.done $0x0  }
0x60a: {  	[sflag:s15] =	ssyncadd.s32 $0xFFFFD000  }
0x60b: {  	s1 =	simm.s32 $0x8140  }
0x60c: {  	v6 =	vld [tilespmem:s1+$0xFFFFFFD0]  }
0x60d: {  	v9 =	vld [tilespmem:s1+$0x10]  }
0x60e: {  	v12 =	vld [tilespmem:s1+$0x0]  }
0x60f: {  	v11 =	vimm.f32 $0.0e+00;
	v14 =	vimm.f32 $0.0e+00;
	v16 =	vimm.f32 $0.0e+00  }
0x610: {  	s0 =	smin.u32 s26, $0x60;
	v13 =	vimm.f32 $0.0e+00;
	v17 =	vimm.f32 $0.0e+00;
	v19 =	vimm.f32 $0.0e+00;
	v7 =	vld [tilespmem:s1+$0x20]  }
0x611: {  	v15 =	vimm.f32 $0.0e+00;
	v22 =	vimm.f32 $0.0e+00;
	v23 =	vimm.f32 $0.0e+00;
	v18 =	vld [tilespmem:s1+$0xFFFFFFF0];
	p0 =	seq.s32 s0, $0x1  }
.Ltmp38:
0x612: {  	v24 =	vimm.f32 $0.0e+00;
	v20 =	vld [tilespmem:s1+$0x30];
	v8 =	vshll.u32 v6, $0x10;
	v6 =	vand.u32 $0xFFFF0000, v6;
	(pc) =	sbr.rel @p0 .LBB2_56-.Ltmp38, $4  }
0x613: {  	v26 =	vld [tilespmem:s1+$0xFFFFFFC0];
	v21 =	vshll.u32 v9, $0x10;
	v27 =	vshll.u32 v12, $0x10;
	v9 =	vand.u32 $0xFFFF0000, v9  }
0x614: {  	v25 =	vld [tilespmem:s1+$0xFFFFFFE0];
	v28 =	vand.u32 $0xFFFF0000, v12;
	v8 =	vadd.f32 v8, v11;
	v10 =	vadd.f32 v6, v11  }
0x615: {  	v6 =	vshll.u32 v7, $0x10;
	v7 =	vand.u32 $0xFFFF0000, v7;
	v9 =	vadd.f32 v9, v11  }
0x616: {  	s6 =	rddreg [dreg:$0xc];
	s0 =	sadd.s32 $0xFFFFFFFF, s0;
	s1 =	simm.s32 $0x81C0;
	v12 =	vimm.f32 $0.0e+00;
	v6 =	vadd.f32 v6, v11;
	v7 =	vadd.f32 v7, v11  }
.LBB2_55:
0x617: {  	v29 =	vld [tilespmem:s1+$0xFFFFFFD0];
	p0 =	seq.s32 s0, $0x1;
	s0 =	sadd.s32 $0xFFFFFFFF, s0;
	v30 =	vshll.u32 v18, $0x10;
	v11 =	vadd.f32 v27, v11;
	v14 =	vadd.f32 v28, v14  }
0x618: {  	v18 =	vand.u32 $0xFFFF0000, v18;
	v31 =	vshll.u32 v20, $0x10;
	v28 =	vld [tilespmem:s1+$0x10];
	v27 =	vand.u32 $0xFFFF0000, v26  }
0x619: {  	v33 =	vand.u32 $0xFFFF0000, v25;
	v26 =	vshll.u32 v26, $0x10;
	v16 =	vadd.f32 v18, v16;
	v32 =	vld [tilespmem:s1+$0x20]  }
0x61a: {  	v13 =	vadd.f32 v21, v13;
	v21 =	vand.u32 $0xFFFF0000, v20;
	v12 =	vadd.f32 v33, v12;
	v34 =	vld [tilespmem:s1+$0x0]  }
0x61b: {  	v19 =	vadd.f32 v30, v19;
	v17 =	vadd.f32 v27, v17;
	v27 =	vshll.u32 v25, $0x10;
	v18 =	vld [tilespmem:s1+$0xFFFFFFF0]  }
0x61c: {  	v22 =	vadd.f32 v31, v22;
	v15 =	vadd.f32 v26, v15;
	v25 =	vshll.u32 v29, $0x10;
	v20 =	vld [tilespmem:s1+$0x30]  }
.Ltmp39:
0x61d: {  	v23 =	vadd.f32 v21, v23;
	v29 =	vand.u32 $0xFFFF0000, v29;
	v8 =	vadd.f32 v25, v8;
	v25 =	vld [tilespmem:s1+$0xFFFFFFE0];
	(pc) =	sbr.rel @!p0 .LBB2_55-.Ltmp39, $4  }
0x61e: {  	v10 =	vadd.f32 v29, v10;
	v26 =	vld [tilespmem:s1+$0xFFFFFFC0];
	v29 =	vshll.u32 v32, $0x10;
	v30 =	vand.u32 $0xFFFF0000, v32  }
0x61f: {  	v24 =	vadd.f32 v27, v24;
	v21 =	vshll.u32 v28, $0x10;
	v6 =	vadd.f32 v29, v6  }
0x620: {  	v27 =	vshll.u32 v34, $0x10;
	v29 =	vand.u32 $0xFFFF0000, v28;
	v7 =	vadd.f32 v30, v7  }
0x621: {  	s1 =	sadd.s32 $0x80, s1;
	v28 =	vand.u32 $0xFFFF0000, v34;
	v9 =	vadd.f32 v29, v9  }
.LBB2_56:
0x622: {  	v29 =	vshll.u32 v18, $0x10;
	v11 =	vadd.f32 v27, v11  }
0x623: {  	v14 =	vadd.f32 v28, v14;
	v18 =	vand.u32 $0xFFFF0000, v18;
	v61 =	vshll.u32 v20, $0x10  }
.Ltmp40:
0x624: {  	v63 =	vand.u32 $0xFFFF0000, v20;
	v16 =	vadd.f32 v18, v16;
	v62 =	vshll.u32 v26, $0x10;
	(pc) =	sbr.rel .LBB2_42-.Ltmp40, $4  }
0x625: {  	v30 =	vand.u32 $0xFFFF0000, v25;
	v20 =	vadd.f32 v62, v15;
	v15 =	vadd.f32 v63, v23  }
0x626: {  	v60 =	vand.u32 $0xFFFF0000, v26;
	v18 =	vadd.f32 v30, v12;
	v12 =	vadd.f32 v21, v13  }
0x627: {  	v21 =	vadd.f32 v60, v17;
	v17 =	vadd.f32 v29, v19;
	v19 =	vshll.u32 v25, $0x10  }
0x628: {  	v13 =	vadd.f32 v61, v22;
	v19 =	vadd.f32 v19, v24  }
.LBB2_41:
0x629: {  	v20 =	vimm.f32 $0.0e+00  }
0x62a: {  	v8 =	vimm.f32 $0.0e+00;
	v19 =	vimm.f32 $0.0e+00;
	v17 =	vimm.f32 $0.0e+00  }
0x62b: {  	v11 =	vimm.f32 $0.0e+00;
	v12 =	vimm.f32 $0.0e+00;
	v6 =	vimm.f32 $0.0e+00  }
0x62c: {  	v13 =	vimm.f32 $0.0e+00;
	v21 =	vimm.f32 $0.0e+00;
	v10 =	vimm.f32 $0.0e+00  }
0x62d: {  	v18 =	vimm.f32 $0.0e+00;
	v16 =	vimm.f32 $0.0e+00;
	v14 =	vimm.f32 $0.0e+00  }
0x62e: {  	v9 =	vimm.f32 $0.0e+00;
	v7 =	vimm.f32 $0.0e+00;
	v15 =	vimm.f32 $0.0e+00;
	s6 =	rddreg [dreg:$0xc]  }
.LBB2_42:
0x62f: {  	s0 =	sadd.s32 $0x5F, s26  }
0x630: {  	s1 =	smulhi.u32 $0x2AAAAAAB, s0;
	s0 =	sshra.s32 s0, $0x1F  }
0x631: {  	s0 =	smul.u32 $0x2AAAAAAB, s0;
	_ =	sdelay $0x1  }
0x632: {  	s0 =	sadd.s32 s0, s1  }
0x633: {  	s1 =	sshrl.u32 s0, $0x1F;
	s0 =	sshra.s32 s0, $0x4  }
0x634: {  	s0 =	sadd.s32 s1, s0  }
0x635: {  	s1 =	smul.u32 $0xFFFFFFA0, s0  }
0x636: {  	s2 =	ssub.s32 $0xFFFFFFA1, s26  }
0x637: {  	p0 =	slt.s32 s26, $0xFFFFFFA2;
	p1 =	sne.s32 s1, s2  }
0x638: {  	p0 =	por !p0, !p1  }
0x639: {  	s1 =	simm.s32 $0x1;
	p0 =	por !p0, !p0  }
0x63a: {  	s1 =	simm.s32 @!p0 $0x0  }
0x63b: {  	s0 =	ssub.s32 s0, s1  }
0x63c: {  	p0 =	slt.s32 s0, $0x2  }
.Ltmp41:
0x63d: {  	_ = 	snop;
	(pc) =	sbr.rel @p0 .LBB2_49-.Ltmp41, $1  }
0x63e: {  	_ =	sdelay $0x3  }
.Ltmp42:
0x63f: {  	(pc) =	sbr.rel .LBB2_44-.Ltmp42, $4  }
0x640: {  	s1 =	rddreg [dreg:$0x10]  }
0x641: {  	s2 =	rddreg [dreg:$0x11]  }
0x642: {  	s1 =	sadd.s32 s2, s1  }
0x643: {  	s2 =	simm.s32 $0x1;
	s1 =	sadd.s32 $0xFFFFFFA0, s1  }
.LBB2_47:
0x644: {  	v29 =	vshll.u32 v24, $0x10;
	v60 =	vand.u32 $0xFFFF0000, v26  }
0x645: {  	v61 =	vand.u32 $0xFFFF0000, v24;
	v62 =	vshll.u32 v22, $0x10;
	v11 =	vadd.f32 v27, v11  }
0x646: {  	v30 =	vand.u32 $0xFFFF0000, v23;
	v14 =	vadd.f32 v28, v14;
	v16 =	vadd.f32 v61, v16  }
0x647: {  	v63 =	vshll.u32 v26, $0x10;
	v18 =	vadd.f32 v30, v18;
	v12 =	vadd.f32 v25, v12  }
0x648: {  	v22 =	vand.u32 $0xFFFF0000, v22;
	v21 =	vadd.f32 v60, v21;
	v17 =	vadd.f32 v29, v17  }
0x649: {  	v23 =	vshll.u32 v23, $0x10;
	v20 =	vadd.f32 v63, v20;
	v13 =	vadd.f32 v62, v13  }
0x64a: {  	v15 =	vadd.f32 v22, v15;
	v19 =	vadd.f32 v23, v19  }
.LBB2_48:
0x64b: {  	s2 =	sadd.s32 $0x1, s2  }
0x64c: {  	p0 =	sne.s32 s2, s0  }
.Ltmp43:
0x64d: {  	_ = 	snop;
	(pc) =	sbr.rel @!p0 .LBB2_49-.Ltmp43, $2  }
0x64e: {  	_ =	sdelay $0x2  }
0x64f: {  	s1 =	sadd.s32 $0xFFFFFFA0, s1  }
.LBB2_44:
0x650: {  	s3 =	smul.u32 $0x60, s2;
	_ =	sdelay $0x1  }
0x651: {  	s4 =	sadd.s32 $0x3CB0, s3;
	s3 =	ssub.s32 s26, s3  }
0x652: {  	p0 =	slt.s32 s3, $0x1  }
.Ltmp44:
0x653: {  	_ = 	snop;
	(pc) =	sbr.rel @p0 .LBB2_48-.Ltmp44, $4  }
0x654: {  	[tilespmem:s11], [sflag:$0x2] =	stream.indirect.gather [hbm4b:s10+s7], $0x80, s4, s7, $0xb8;
	[tilespmem:$0xB200] =	vst v63  }
0x655: {  	_ =	swait.ge [sflag:s15], $0x3000  }
0x656: {  	[sflag:s15] =	ssyncset.done $0x0  }
0x657: {  	[sflag:s15] =	ssyncadd.s32 $0xFFFFD000  }
0x658: {  	s4 =	simm.s32 $0x8140  }
0x659: {  	v22 =	vld [tilespmem:s4+$0xFFFFFFD0]  }
0x65a: {  	p0 =	sgt.s32 s1, $0x1;
	s3 =	smov.u32 s1;
	v26 =	vld [tilespmem:s4+$0x10]  }
0x65b: {  	s3 =	simm.s32 @!p0 $0x1  }
0x65c: {  	v23 =	vld [tilespmem:s4+$0x20];
	s3 =	smin.u32 s3, $0x60  }
0x65d: {  	v28 =	vld [tilespmem:s4+$0x0];
	s3 =	sshll.u32 s3, $0x9  }
0x65e: {  	v24 =	vld [tilespmem:s4+$0xFFFFFFF0];
	p0 =	sne.s32 s3, $0x200;
	v25 =	vshll.u32 v22, $0x10;
	v22 =	vand.u32 $0xFFFF0000, v22  }
.Ltmp45:
0x65f: {  	v30 =	vand.u32 $0xFFFF0000, v26;
	v8 =	vadd.f32 v25, v8;
	v25 =	vshll.u32 v26, $0x10;
	v26 =	vld [tilespmem:s4+$0xFFFFFFC0];
	(pc) =	sbr.rel @!p0 .LBB2_47-.Ltmp45, $4  }
0x660: {  	v10 =	vadd.f32 v22, v10;
	v22 =	vld [tilespmem:s4+$0x30]  }
0x661: {  	v27 =	vshll.u32 v23, $0x10;
	v29 =	vand.u32 $0xFFFF0000, v23;
	v23 =	vld [tilespmem:s4+$0xFFFFFFE0]  }
0x662: {  	v6 =	vadd.f32 v27, v6;
	v27 =	vshll.u32 v28, $0x10  }
0x663: {  	s3 =	sadd.s32 $0xFFFFFE00, s3;
	v7 =	vadd.f32 v29, v7;
	v28 =	vand.u32 $0xFFFF0000, v28;
	v9 =	vadd.f32 v30, v9;
	s4 =	simm.s32 $0x81C0  }
.LBB2_46:
0x664: {  	v29 =	vld [tilespmem:s4+$0xFFFFFFD0];
	p0 =	sne.s32 s3, $0x200;
	s3 =	sadd.s32 $0xFFFFFE00, s3;
	v30 =	vshll.u32 v24, $0x10;
	v11 =	vadd.f32 v27, v11;
	v14 =	vadd.f32 v28, v14  }
0x665: {  	v27 =	vand.u32 $0xFFFF0000, v26;
	v24 =	vand.u32 $0xFFFF0000, v24;
	v31 =	vshll.u32 v22, $0x10;
	v28 =	vld [tilespmem:s4+$0x10]  }
0x666: {  	v26 =	vshll.u32 v26, $0x10;
	v33 =	vand.u32 $0xFFFF0000, v23;
	v16 =	vadd.f32 v24, v16;
	v32 =	vld [tilespmem:s4+$0x20]  }
0x667: {  	v12 =	vadd.f32 v25, v12;
	v25 =	vand.u32 $0xFFFF0000, v22;
	v18 =	vadd.f32 v33, v18;
	v34 =	vld [tilespmem:s4+$0x0]  }
0x668: {  	v21 =	vadd.f32 v27, v21;
	v27 =	vshll.u32 v23, $0x10;
	v17 =	vadd.f32 v30, v17;
	v24 =	vld [tilespmem:s4+$0xFFFFFFF0]  }
0x669: {  	v20 =	vadd.f32 v26, v20;
	v13 =	vadd.f32 v31, v13;
	v23 =	vshll.u32 v29, $0x10;
	v22 =	vld [tilespmem:s4+$0x30]  }
.Ltmp46:
0x66a: {  	v15 =	vadd.f32 v25, v15;
	v29 =	vand.u32 $0xFFFF0000, v29;
	v8 =	vadd.f32 v23, v8;
	v23 =	vld [tilespmem:s4+$0xFFFFFFE0];
	(pc) =	sbr.rel @p0 .LBB2_46-.Ltmp46, $4  }
0x66b: {  	v10 =	vadd.f32 v29, v10;
	v26 =	vld [tilespmem:s4+$0xFFFFFFC0];
	v29 =	vshll.u32 v32, $0x10;
	v30 =	vand.u32 $0xFFFF0000, v32  }
0x66c: {  	v19 =	vadd.f32 v27, v19;
	v25 =	vshll.u32 v28, $0x10;
	v6 =	vadd.f32 v29, v6  }
0x66d: {  	v27 =	vshll.u32 v34, $0x10;
	v29 =	vand.u32 $0xFFFF0000, v28;
	v7 =	vadd.f32 v30, v7  }
0x66e: {  	s4 =	sadd.s32 $0x80, s4;
	v28 =	vand.u32 $0xFFFF0000, v34;
	v9 =	vadd.f32 v29, v9  }
.Ltmp47:
0x66f: {  	_ = 	snop;
	(pc) =	sbr.rel .LBB2_47-.Ltmp47, $1  }
0x670: {  	_ =	sdelay $0x3  }
.LBB2_11:
.Ltmp48:
0x671: {  	(pc) =	sbr.rel .LBB2_15-.Ltmp48, $3  }
0x672: {  	_ =	sdelay $0x1  }
0x673: {  	s6 =	smov.u32 s1  }
0x674: {  	s5 =	simm.s32 $0x0;
	s3 =	smov.u32 s0;
	s4 =	simm.s32 $0x0  }
.LBB2_26:
.Ltmp49:
0x675: {  	(pc) =	sbr.rel .LBB2_30-.Ltmp49, $3  }
0x676: {  	_ =	sdelay $0x1  }
0x677: {  	s6 =	smov.u32 s1  }
0x678: {  	s5 =	simm.s32 $0x0;
	s3 =	smov.u32 s0;
	s4 =	simm.s32 $0x0  }
.LBB2_13:
.Ltmp50:
0x679: {  	(pc) =	sbr.rel .LBB2_15-.Ltmp50, $3  }
0x67a: {  	_ =	sdelay $0x1  }
0x67b: {  	s6 =	smov.u32 s1  }
0x67c: {  	s5 =	simm.s32 $0x0;
	s3 =	smov.u32 s0;
	s4 =	simm.s32 $0x0  }
.LBB2_28:
.Ltmp51:
0x67d: {  	(pc) =	sbr.rel .LBB2_30-.Ltmp51, $3  }
0x67e: {  	_ =	sdelay $0x1  }
0x67f: {  	s6 =	smov.u32 s1  }
0x680: {  	s5 =	simm.s32 $0x0;
	s3 =	smov.u32 s0;
	s4 =	simm.s32 $0x0  }
.LBB2_50:
0x681: {  	_ =	sfence.sel $0x180000  }
0x682: {  	[bflag:$0x0] =	sbarrier.arrive $0xFFFF  }
0x683: {  	_ =	strace $0x90000047  }
0x684: {  	s0 =	stileid.u32;
	[bflag:$0x2] =	sbarrier.arrive $0xFFFF  }
0x685: {  	p0 =	sne.s32 s0, $0x0;
	s0 =	rddreg [dreg:$0x2]  }
0x686: {  	s0 =	sadd.s32 @!p0 $0x100000, s0  }
0x687: {  	[sflag:s0] =	ssyncadd.tile.s32 @!p0 $0x1;
	_ =	shalt  }
.Lfunc_end2:
_tile_overlayer_lowered:
.L_overlay_start_2:
0x688: {  	(tag) =	ssettag $0x2  }
0x689: {  	s0 =	rddreg [dreg:$0x0];
	s2 =	stileid.u32  }
0x68a: {  	s1 =	rddreg [dreg:$0x1];
	p0 =	sne.s32 s2, $0x0  }
0x68b: {  	s3 =	rddreg [dreg:$0x2];
	[bflag:$0x3] =	sbarrier.arrive $0xFFFF;
	s2 =	simm.s32 @!p0 $0x1C03  }
0x68c: {  	[timem:s3], [sflag:s2] =	dma.local @!p0 [hbm:s0], s1  }
0x68d: {  	s0 =	simm.s32 @!p0 $0x3  }
0x68e: {  	_ =	swait.ge @!p0 [sflag:s0], s1  }
0x68f: {  	s1 =	ssub.s32 @!p0 $0x0, s1;
	[sflag:s0] =	ssyncset.done @!p0 $0x0  }
0x690: {  	[sflag:s0] =	ssyncadd.s32 @!p0 s1  }
0x691: {  	[bflag:$0x3] =	sbarrier.arrive $0xFFFF  }
0x692: {  	_ =	shalt  }

</sc_bundles>
